<compile_context>
chip_gen: v7x
topology: tpu7x:2x2x1
jax: 0.10.2.dev20260603
libtpu: 0.0.44.dev20260713+nightly
codegen_flags: <defaults>
</compile_context>

<pallas_src>
import functools

import jax
import jax.numpy as jnp
from jax import lax
from jax.experimental import pallas as pl
from jax.experimental.pallas import tpu as pltpu
from jax.experimental.pallas import tpu_sc as plsc

F = 128


def _stage1_body(q_ref, mu_ref, W1_ref, b1_ref, W2_ref, b2_ref,
                 Wc1_ref, bc1_ref, Wc2_ref, bc2_ref,
                 x_ref, w_ref, s_ref):
    q2 = q_ref[:, 0, :]
    a = jnp.dot(q2, W1_ref[...], preferred_element_type=jnp.float32) + b1_ref[...]
    a = a * jax.nn.sigmoid(a)
    x = jnp.dot(a, W2_ref[...], preferred_element_type=jnp.float32) + b2_ref[...]
    mu = mu_ref[...]
    inv = jnp.sqrt(mu[:, 0, :] ** 2 + mu[:, 1, :] ** 2 + mu[:, 2, :] ** 2)
    h = jnp.maximum(jnp.dot(inv, Wc1_ref[...], preferred_element_type=jnp.float32)
                    + bc1_ref[...], 0.0)
    logit = jnp.dot(h, Wc2_ref[...], preferred_element_type=jnp.float32) + bc2_ref[...]
    m = jnp.max(logit, axis=-1, keepdims=True)
    e = jnp.exp(logit - m)
    w = e / jnp.sum(e, axis=-1, keepdims=True)
    w_ref[...] = w
    x_ref[...] = jnp.concatenate(
        [x[:, 0:256], x[:, 256:384] * w], axis=-1)
    s_ref[...] = jnp.sum(mu, axis=2)


def _stage1(q, mu, W1, b1, W2, b2, Wc1, bc1, Wc2, bc2):
    N = q.shape[0]
    B = 400
    grid = N // B
    full = lambda *shape: pl.BlockSpec(shape, lambda i: (0,) * len(shape))
    return pl.pallas_call(
        _stage1_body,
        grid=(grid,),
        in_specs=[
            pl.BlockSpec((B, 1, F), lambda i: (i, 0, 0)),
            pl.BlockSpec((B, 3, F), lambda i: (i, 0, 0)),
            full(F, F), full(1, F), full(F, 3 * F), full(1, 3 * F),
            full(F, 32), full(1, 32), full(32, F), full(1, F),
        ],
        out_specs=[
            pl.BlockSpec((B, 3 * F), lambda i: (i, 0)),
            pl.BlockSpec((B, F), lambda i: (i, 0)),
            pl.BlockSpec((B, 3), lambda i: (i, 0)),
        ],
        out_shape=[
            jax.ShapeDtypeStruct((N, 3 * F), jnp.float32),
            jax.ShapeDtypeStruct((N, F), jnp.float32),
            jax.ShapeDtypeStruct((N, 3), jnp.float32),
        ],
    )(q, mu, W1, b1.reshape(1, -1), W2, b2.reshape(1, -1),
      Wc1, bc1.reshape(1, -1), Wc2, bc2.reshape(1, -1))


def _sc_edges(table, idxj4, idx_i, wij, dir_ij, zeros):
    E = idx_i.shape[0]
    N = table.shape[0] // 4
    K = 64
    NB = E // K
    assert NB * K == E and K % 8 == 0
    NW = 32
    total_k = (NB + NW - 1) // NW
    total_k += total_k % 2
    rpt = N // 16
    mesh = plsc.VectorSubcoreMesh(core_axis_name="c", subcore_axis_name="s")

    slot_t = [
        pltpu.VMEM((K, 112), jnp.float32),
        pltpu.VMEM((K, 96), jnp.float32),
        pltpu.VMEM((K, 16), jnp.float32),
        pltpu.VMEM((K,), jnp.int32),
        pltpu.VMEM((K,), jnp.int32),
        pltpu.VMEM((K, F), jnp.float32),
        pltpu.SemaphoreType.DMA,
        pltpu.SemaphoreType.DMA,
        pltpu.SemaphoreType.DMA,
        pltpu.SemaphoreType.DMA,
    ]

    @functools.partial(
        pl.kernel, mesh=mesh,
        compiler_params=pltpu.CompilerParams(use_tc_tiling_on_sc=False),
        out_type=jax.ShapeDtypeStruct((2, 4, N, F), jnp.float32),
        scratch_types=slot_t + slot_t + [
            pltpu.VMEM_SHARED((N, F), jnp.float32),
        ],
    )
    def sc_fn(table_hbm, idxj_hbm, idxi_hbm, wij_hbm, dir_hbm, zeros_hbm,
              out_hbm,
              rows_a, wij_a, dir_a, idxj_a, idxi_a, ctb_a,
              sem_a, ssem_a, jsem_a, gsem_a,
              rows_b, wij_b, dir_b, idxj_b, idxi_b, ctb_b,
              sem_b, ssem_b, jsem_b, gsem_b,
              acc):
        cid = lax.axis_index("c")
        sid = lax.axis_index("s")
        wid = sid * 2 + cid
        slots = (
            (rows_a, wij_a, dir_a, idxj_a, idxi_a, ctb_a,
             sem_a, ssem_a, jsem_a, gsem_a),
            (rows_b, wij_b, dir_b, idxj_b, idxi_b, ctb_b,
             sem_b, ssem_b, jsem_b, gsem_b))

        def issue_gathers(p, t, slot):
            (rows_v, wij_v, dir_v, idxj_v, idxi_v, ctb_v,
             sem, ssem, jsem, gsem) = slot
            base = t * K
            pltpu.async_copy(table_hbm.at[idxj_v], rows_v, gsem)
            pltpu.async_copy(wij_hbm.at[pl.ds(base, K), pl.ds(p * 32, 32)],
                             wij_v.at[:, pl.ds(0, 32)], sem)
            pltpu.async_copy(wij_hbm.at[pl.ds(base, K), pl.ds(128 + p * 32, 32)],
                             wij_v.at[:, pl.ds(32, 32)], sem)
            pltpu.async_copy(wij_hbm.at[pl.ds(base, K), pl.ds(256 + p * 32, 32)],
                             wij_v.at[:, pl.ds(64, 32)], sem)
            pltpu.async_copy(dir_hbm.at[pl.ds(base, K)], dir_v, sem)

        def issue(p, t, slot):
            idxj_v, jsem = slot[3], slot[8]
            pltpu.make_async_copy(idxj_hbm.at[pl.ds(0, K)], idxj_v, jsem).wait()
            issue_gathers(p, t, slot)

        def scat_wait(slot):
            idxi_v, ctb_v, ssem = slot[4], slot[5], slot[7]
            pltpu.make_async_copy(ctb_v, acc.at[idxi_v], ssem).wait()

        def process(p, t, slot, has_prev):
            (rows_v, wij_v, dir_v, idxj_v, idxi_v, ctb_v,
             sem, ssem, jsem, gsem) = slot

            @pl.when(has_prev)
            def _():
                scat_wait(slot)

            pltpu.async_copy(idxi_hbm.at[pl.ds(t * K, K)], idxi_v, ssem)
            pltpu.make_async_copy(table_hbm.at[idxj_v], rows_v, gsem).wait()
            pltpu.make_async_copy(wij_hbm.at[pl.ds(0, K), pl.ds(0, 96)],
                                  wij_v, sem).wait()
            pltpu.make_async_copy(dir_hbm.at[pl.ds(0, K)], dir_v, sem).wait()
            t2 = t + 2 * NW

            @pl.when(t2 < NB)
            def _():
                pltpu.async_copy(idxj_hbm.at[pl.ds(p * E + t2 * K, K)],
                                 idxj_v, jsem)

            def edge_body(e, _):
                sv = rows_v[e, pl.ds(96, 16)]
                s0 = sv[0]
                s1 = sv[1]
                s2 = sv[2]
                dv = dir_v[e, pl.ds(0, 16)]
                d0 = dv[0]
                d1 = dv[1]
                d2 = dv[2]
                for h in (0, 16):
                    x1 = rows_v[e, pl.ds(h, 16)]
                    x2 = rows_v[e, pl.ds(32 + h, 16)]
                    x3 = rows_v[e, pl.ds(64 + h, 16)]
                    wq = wij_v[e, pl.ds(h, 16)]
                    wr = wij_v[e, pl.ds(32 + h, 16)]
                    wm = wij_v[e, pl.ds(64 + h, 16)]
                    av = wr * x2
                    bv = wm * x3
                    ctb_v[e, pl.ds(h, 16)] = wq * x1
                    ctb_v[e, pl.ds(32 + h, 16)] = av * d0 + bv * s0
                    ctb_v[e, pl.ds(64 + h, 16)] = av * d1 + bv * s1
                    ctb_v[e, pl.ds(96 + h, 16)] = av * d2 + bv * s2
                return 0

            lax.fori_loop(0, K, edge_body, 0)
            pltpu.make_async_copy(idxi_hbm.at[pl.ds(0, K)], idxi_v, ssem).wait()
            pltpu.async_copy(ctb_v, acc.at[idxi_v], ssem, add=True)

        for p in range(4):
            pltpu.sync_copy(zeros_hbm, acc.at[pl.ds(sid * rpt, rpt)])
            plsc.subcore_barrier()
            pltpu.sync_copy(idxj_hbm.at[pl.ds(p * E + wid * K, K)],
                            slots[0][3])
            issue_gathers(p, wid, slots[0])
            pltpu.async_copy(idxj_hbm.at[pl.ds(p * E + (wid + NW) * K, K)],
                             slots[1][3], slots[1][8])

            def pair_body(i, _, p=p):
                t_a = wid + (2 * i) * NW
                t_b = wid + (2 * i + 1) * NW
                t_a2 = wid + (2 * i + 2) * NW

                @pl.when(t_b < NB)
                def _():
                    issue(p, t_b, slots[1])

                @pl.when(t_a < NB)
                def _():
                    process(p, t_a, slots[0], i > 0)

                @pl.when(t_a2 < NB)
                def _():
                    issue(p, t_a2, slots[0])

                @pl.when(t_b < NB)
                def _():
                    process(p, t_b, slots[1], i > 0)

                return 0

            lax.fori_loop(0, total_k // 2, pair_body, 0)
            scat_wait(slots[0])
            scat_wait(slots[1])
            plsc.subcore_barrier()
            pltpu.sync_copy(acc.at[pl.ds(sid * rpt, rpt)],
                            out_hbm.at[cid, p, pl.ds(sid * rpt, rpt)])
            plsc.subcore_barrier()

    return sc_fn(table, idxj4, idx_i, wij, dir_ij, zeros)


def _stage3_body(q_ref, dq_ref, dmu_ref, w_ref, s_ref,
                 Wr1_ref, br1_ref, Wr2T_ref, br2T_ref,
                 qn_ref, mun_ref, dtm_ref):
    B = q_ref.shape[0]
    w = w_ref[...]
    s = s_ref[...]
    mu_new = dmu_ref[...] + w[:, None, :] * s[:, :, None]
    mun_ref[...] = mu_new
    qn_ref[...] = q_ref[...] + dq_ref[...][:, None, :]
    inv2 = jnp.sqrt(mu_new[:, 0, :] ** 2 + mu_new[:, 1, :] ** 2
                    + mu_new[:, 2, :] ** 2)
    h2 = jnp.maximum(jnp.dot(inv2, Wr1_ref[...], preferred_element_type=jnp.float32)
                     + br1_ref[...], 0.0)
    sw2t = jnp.dot(h2, Wr2T_ref[...], preferred_element_type=jnp.float32) \
        + br2T_ref[...]
    zrows = jnp.zeros((7, F), jnp.float32)
    for b in range(B):
        mb0 = mu_new[b:b + 1, 0, :]
        mb1 = mu_new[b:b + 1, 1, :]
        mb2 = mu_new[b:b + 1, 2, :]
        rows = [mb0 * mb0, mb0 * mb1, mb0 * mb2,
                mb1 * mb0, mb1 * mb1, mb1 * mb2,
                mb2 * mb0, mb2 * mb1, mb2 * mb2]
        rt16 = jnp.concatenate(rows + [zrows], axis=0)
        swbt = sw2t[b:b + 1, :].reshape(F, F)
        dt16 = jnp.dot(rt16, swbt, preferred_element_type=jnp.float32)
        dtm_ref[b, :, :] = dt16[0:9, :]


def _stage3(q, dq, dmu, w, s, Wr1, br1, Wr2T, br2T):
    N = q.shape[0]
    B = 8
    grid = N // B
    full = lambda *shape: pl.BlockSpec(shape, lambda i: (0,) * len(shape))
    return pl.pallas_call(
        functools.partial(_stage3_body),
        grid=(grid,),
        in_specs=[
            pl.BlockSpec((B, 1, F), lambda i: (i, 0, 0)),
            pl.BlockSpec((B, F), lambda i: (i, 0)),
            pl.BlockSpec((B, 3, F), lambda i: (i, 0, 0)),
            pl.BlockSpec((B, F), lambda i: (i, 0)),
            pl.BlockSpec((B, 3), lambda i: (i, 0)),
            full(F, 32), full(1, 32), full(32, F * F), full(1, F * F),
        ],
        out_specs=[
            pl.BlockSpec((B, 1, F), lambda i: (i, 0, 0)),
            pl.BlockSpec((B, 3, F), lambda i: (i, 0, 0)),
            pl.BlockSpec((B, 9, F), lambda i: (i, 0, 0)),
        ],
        out_shape=[
            jax.ShapeDtypeStruct((N, 1, F), jnp.float32),
            jax.ShapeDtypeStruct((N, 3, F), jnp.float32),
            jax.ShapeDtypeStruct((N, 9, F), jnp.float32),
        ],
    )(q, dq, dmu, w, s, Wr1, br1.reshape(1, -1), Wr2T, br2T.reshape(1, -1))


def kernel(q, mu, Wij, dir_ij, idx_i, idx_j, n_atoms,
           W1, b1, W2, b2, Wc1, bc1, Wc2, bc2, Wr1, br1, Wr2, br2):
    N = q.shape[0]
    E = idx_i.shape[0]

    x, w, s = _stage1(q, mu, W1, b1, W2, b2, Wc1, bc1, Wc2, bc2)

    xr = x.reshape(N, 3, 4, 32).transpose(2, 0, 1, 3).reshape(4, N, 96)
    sr = jnp.broadcast_to(s[None], (4, N, 3))
    pad = jnp.zeros((4, N, 13), jnp.float32)
    table = jnp.concatenate([xr, sr, pad], axis=-1).reshape(4 * N, 112)
    idxj4 = (idx_j[None, :] + (jnp.arange(4, dtype=jnp.int32) * N)[:, None])
    idxj4 = idxj4.reshape(-1)
    zeros = jnp.zeros((N // 16, F), jnp.float32)
    dir16 = jnp.concatenate(
        [dir_ij, jnp.zeros((E, 13), jnp.float32)], axis=-1)

    partials = _sc_edges(table, idxj4, idx_i, Wij.reshape(E, 3 * F),
                         dir16, zeros)

    P = partials[0] + partials[1]
    Pr = P.reshape(4, N, 4, 32)
    dq = Pr[:, :, 0, :].transpose(1, 0, 2).reshape(N, F)
    dmu = Pr[:, :, 1:4, :].transpose(1, 2, 0, 3).reshape(N, 3, F)

    Wr2T = Wr2.reshape(32, F, F).transpose(0, 2, 1).reshape(32, F * F)
    br2T = br2.reshape(F, F).T.reshape(F * F)
    q_new, mu_new, dtm9 = _stage3(q, dq, dmu, w, s, Wr1, br1, Wr2T, br2T)
    dtm = dtm9.transpose(0, 2, 1).reshape(N, F, 3, 3)
    return (q_new, mu_new, dtm)

# --- scband reference (transcript-rebuilt; emitter-appended) ---
"""Pipeline reference for scband-pai-nn-72344429134053 (READ-ONLY COPY).

The authoritative reference and input builder live on the scoring server;
editing this copy changes nothing except your own understanding.
"""

import jax, jax.numpy as jnp
import numpy as np

N_ATOMS = 10000
N_EDGES = 160000
F = 128


def silu(x):
    return x * jax.nn.sigmoid(x)


def _compress(vecs, Wc1, bc1, Wc2, bc2):
    # vecs: [B, V, 3] channel-first equivariant vectors
    inv = jnp.linalg.norm(vecs, axis=-1)              # [B, V] scalar invariants
    h = jax.nn.relu(inv @ Wc1 + bc1)                  # [B, 32]
    w = jax.nn.softmax(h @ Wc2 + bc2, axis=-1)        # [B, L]
    return jnp.einsum('bvc,bl->blc', vecs, w)          # [B, L, 3]


def setup_inputs(seed: int = 0) -> dict:
    key = jax.random.key(seed)
    ks = jax.random.split(key, 24)
    q = jax.random.normal(ks[0], (N_ATOMS, 1, F), jnp.float32)
    mu = jax.random.normal(ks[1], (N_ATOMS, 3, F), jnp.float32)
    Wij = jax.random.normal(ks[2], (N_EDGES, 1, 3 * F), jnp.float32)
    dir_ij = jax.random.normal(ks[3], (N_EDGES, 3), jnp.float32)
    dir_ij = dir_ij / (jnp.linalg.norm(dir_ij, axis=-1, keepdims=True) + 1e-8)
    idx_i = jax.random.randint(ks[4], (N_EDGES,), 0, N_ATOMS)
    idx_j = jax.random.randint(ks[5], (N_EDGES,), 0, N_ATOMS)
    # interatomic context net: Dense(F,F,silu) -> Dense(F,3F)
    W1 = jax.random.normal(ks[6], (F, F), jnp.float32) / np.sqrt(F)
    b1 = jnp.zeros((F,), jnp.float32)
    W2 = jax.random.normal(ks[7], (F, 3 * F), jnp.float32) / np.sqrt(F)
    b2 = jnp.zeros((3 * F,), jnp.float32)
    # compression layer scalar-weight net: Linear(F,32) -> ReLU -> Linear(32,F) -> softmax
    Wc1 = jax.random.normal(ks[8], (F, 32), jnp.float32) / np.sqrt(F)
    bc1 = jnp.zeros((32,), jnp.float32)
    Wc2 = jax.random.normal(ks[9], (32, F), jnp.float32) / np.sqrt(32)
    bc2 = jnp.zeros((F,), jnp.float32)
    # reconstruction layer: Linear(F,32) -> ReLU -> Linear(32, F*F)
    Wr1 = jax.random.normal(ks[10], (F, 32), jnp.float32) / np.sqrt(F)
    br1 = jnp.zeros((32,), jnp.float32)
    Wr2 = jax.random.normal(ks[11], (32, F * F), jnp.float32) / np.sqrt(32)
    br2 = jnp.zeros((F * F,), jnp.float32)
    return {
        'q': q, 'mu': mu, 'Wij': Wij, 'dir_ij': dir_ij,
        'idx_i': idx_i, 'idx_j': idx_j, 'n_atoms': N_ATOMS,
        'W1': W1, 'b1': b1, 'W2': W2, 'b2': b2,
        'Wc1': Wc1, 'bc1': bc1, 'Wc2': Wc2, 'bc2': bc2,
        'Wr1': Wr1, 'br1': br1, 'Wr2': Wr2, 'br2': br2,
    }


def reference(q, mu, Wij, dir_ij, idx_i, idx_j, n_atoms,
              W1, b1, W2, b2, Wc1, bc1, Wc2, bc2, Wr1, br1, Wr2, br2):
    n = q.shape[0]
    zero_n = jnp.zeros((), q.dtype) * n_atoms
    # interatomic context
    x = silu(q @ W1 + b1) @ W2 + b2                   # [N,1,3F]
    xj = jnp.take(x, idx_j, axis=0)                   # [E,1,3F] gather
    muj = jnp.take(mu, idx_j, axis=0)                 # [E,3,F] gather
    xw = Wij * xj                                     # filter modulation
    dq, dmuR, dmumu = jnp.split(xw, 3, axis=-1)       # each [E,1,F]
    dq = jnp.zeros((n, 1, F), dq.dtype).at[idx_i].add(dq) + zero_n  # scatter-add
    # equivariant compression of neighbor vectors
    cvj = _compress(jnp.swapaxes(muj, 1, 2), Wc1, bc1, Wc2, bc2)  # [E,F,3]
    cvj = jnp.swapaxes(cvj, 1, 2)                     # [E,3,F]
    dmu = dmuR * dir_ij[..., None] + dmumu * cvj      # [E,3,F]
    dmu = jnp.zeros((n, 3, F), dmu.dtype).at[idx_i].add(dmu) + zero_n  # scatter-add
    # node-level compression path
    cvi = _compress(jnp.swapaxes(mu, 1, 2), Wc1, bc1, Wc2, bc2)     # [N,F,3]
    q_new = q + dq
    mu_new = dmu + jnp.swapaxes(cvi, 1, 2)            # [N,3,F]
    # equivariant reconstruction -> rank-2 tensor features
    cv = jnp.swapaxes(mu_new, 1, 2)                   # [N,F,3]
    inv = jnp.linalg.norm(cv, axis=-1)                # [N,F]
    sw = (jax.nn.relu(inv @ Wr1 + br1) @ Wr2 + br2).reshape(-1, F, F)
    rank2 = jnp.einsum('bci,bcj->bcij', cv, cv)       # [N,F,3,3]
    dtm = jnp.einsum('brc,bcij->brij', sw, rank2)     # [N,F,3,3]
    return (q_new, mu_new, dtm)

if __name__ == "__main__":
    import jax
    _d = setup_inputs()
    print(jax.jit(kernel)(*tuple(_d.values())))

</pallas_src>

<mosaic_0001>
#map = affine_map<(d0, d1) -> (0, 0)>
#map1 = affine_map<(d0, d1) -> (0)>
#map2 = affine_map<(d0, d1) -> (0, 0, 0, 0)>
module attributes {stable_mosaic.version = 14 : i64} {
  func.func @sc_fn(%arg0: i32, %arg1: i32, %arg2: memref<40000x112xf32, #tpu.memory_space<hbm>>, %arg3: memref<640000xi32, #tpu.memory_space<hbm>>, %arg4: memref<160000xi32, #tpu.memory_space<hbm>>, %arg5: memref<160000x384xf32, #tpu.memory_space<hbm>>, %arg6: memref<160000x16xf32, #tpu.memory_space<hbm>>, %arg7: memref<625x128xf32, #tpu.memory_space<hbm>>, %arg8: memref<2x4x10000x128xf32, #tpu.memory_space<hbm>>, %arg9: memref<64x112xf32, #tpu.memory_space<vmem>>, %arg10: memref<64x96xf32, #tpu.memory_space<vmem>>, %arg11: memref<64x16xf32, #tpu.memory_space<vmem>>, %arg12: memref<64xi32, #tpu.memory_space<vmem>>, %arg13: memref<64xi32, #tpu.memory_space<vmem>>, %arg14: memref<64x128xf32, #tpu.memory_space<vmem>>, %arg15: memref<!tpu.dma_semaphore, #tpu.memory_space<semaphore_mem>>, %arg16: memref<!tpu.dma_semaphore, #tpu.memory_space<semaphore_mem>>, %arg17: memref<!tpu.dma_semaphore, #tpu.memory_space<semaphore_mem>>, %arg18: memref<!tpu.dma_semaphore, #tpu.memory_space<semaphore_mem>>, %arg19: memref<64x112xf32, #tpu.memory_space<vmem>>, %arg20: memref<64x96xf32, #tpu.memory_space<vmem>>, %arg21: memref<64x16xf32, #tpu.memory_space<vmem>>, %arg22: memref<64xi32, #tpu.memory_space<vmem>>, %arg23: memref<64xi32, #tpu.memory_space<vmem>>, %arg24: memref<64x128xf32, #tpu.memory_space<vmem>>, %arg25: memref<!tpu.dma_semaphore, #tpu.memory_space<semaphore_mem>>, %arg26: memref<!tpu.dma_semaphore, #tpu.memory_space<semaphore_mem>>, %arg27: memref<!tpu.dma_semaphore, #tpu.memory_space<semaphore_mem>>, %arg28: memref<!tpu.dma_semaphore, #tpu.memory_space<semaphore_mem>>, %arg29: memref<10000x128xf32, #tpu.memory_space<vmem_shared>>) attributes {dimension_semantics = [#tpu.dimension_semantics<core_parallel>, #tpu.dimension_semantics<subcore_parallel>], iteration_bounds = array<i64: 2, 16>, scalar_prefetch = 0 : i64, scratch_operands = 21 : i64, tpu.core_type = #tpu.core_type<sc_vector_subcore>, window_params = [{transform_indices = #map}, {transform_indices = #map1}, {transform_indices = #map1}, {transform_indices = #map}, {transform_indices = #map}, {transform_indices = #map}, {transform_indices = #map2}]} {
    %mul3A = arith.constant 2 : i32
    %mul3A_0 = arith.muli %arg1, %mul3A : i32
    %add3A = arith.addi %mul3A_0, %arg0 : i32
    %mul3A_1 = arith.constant 625 : i32
    %mul3A_2 = arith.muli %arg1, %mul3A_1 : i32
    "tpu.region"() ({
      %run_scoped3A_292 = tpu.sem_alloc : memref<!tpu.dma_semaphore, #tpu.memory_space<semaphore_mem>>
      %dma_start3A_293 = arith.constant 0 : i32
      %dma_start3A_294 = tpu.memref_slice %arg29[%mul3A_2, %dma_start3A_293] : memref<10000x128xf32, #tpu.memory_space<vmem_shared>> -> memref<625x128xf32, #tpu.memory_space<vmem_shared>>
      tpu.enqueue_dma source(%arg7 : memref<625x128xf32, #tpu.memory_space<hbm>>) target(%dma_start3A_294 : memref<625x128xf32, #tpu.memory_space<vmem_shared>>) target_semaphore(%run_scoped3A_292 : memref<!tpu.dma_semaphore, #tpu.memory_space<semaphore_mem>>)
      %dma_wait3A_295 = arith.constant 0 : i32
      %dma_wait3A_296 = tpu.memref_slice %arg29[%mul3A_2, %dma_wait3A_295] : memref<10000x128xf32, #tpu.memory_space<vmem_shared>> -> memref<625x128xf32, #tpu.memory_space<vmem_shared>>
      tpu.wait_dma2 semaphore(%run_scoped3A_292 : memref<!tpu.dma_semaphore, #tpu.memory_space<semaphore_mem>>) src(%arg7 : memref<625x128xf32, #tpu.memory_space<hbm>>) dst(%dma_wait3A_296 : memref<625x128xf32, #tpu.memory_space<vmem_shared>>)
      tpu.yield
    }) : () -> ()
    %barrier3A = arith.constant 0 : index
    tpu.barrier barrier_id(%barrier3A)
    %mul3A_3 = arith.constant 64 : i32
    %mul3A_4 = arith.muli %add3A, %mul3A_3 : i32
    %add3A_5 = arith.constant 0 : i32
    %add3A_6 = arith.addi %add3A_5, %mul3A_4 : i32
    "tpu.region"() ({
      %run_scoped3A_292 = tpu.sem_alloc : memref<!tpu.dma_semaphore, #tpu.memory_space<semaphore_mem>>
      %dma_start3A_293 = tpu.memref_slice %arg3[%add3A_6] : memref<640000xi32, #tpu.memory_space<hbm>> -> memref<64xi32, #tpu.memory_space<hbm>>
      %dma_start3A_294 = tpu.memref_slice %arg3[%add3A_6] : memref<640000xi32, #tpu.memory_space<hbm>> -> memref<64xi32, #tpu.memory_space<hbm>>
      tpu.enqueue_dma source(%dma_start3A_294 : memref<64xi32, #tpu.memory_space<hbm>>) target(%arg12 : memref<64xi32, #tpu.memory_space<vmem>>) target_semaphore(%run_scoped3A_292 : memref<!tpu.dma_semaphore, #tpu.memory_space<semaphore_mem>>)
      %dma_wait3A_295 = tpu.memref_slice %arg3[%add3A_6] : memref<640000xi32, #tpu.memory_space<hbm>> -> memref<64xi32, #tpu.memory_space<hbm>>
      %dma_wait3A_296 = tpu.memref_slice %arg3[%add3A_6] : memref<640000xi32, #tpu.memory_space<hbm>> -> memref<64xi32, #tpu.memory_space<hbm>>
      tpu.wait_dma2 semaphore(%run_scoped3A_292 : memref<!tpu.dma_semaphore, #tpu.memory_space<semaphore_mem>>) src(%dma_wait3A_296 : memref<64xi32, #tpu.memory_space<hbm>>) dst(%arg12 : memref<64xi32, #tpu.memory_space<vmem>>)
      tpu.yield
    }) : () -> ()
    %mul3A_7 = arith.constant 64 : i32
    %mul3A_8 = arith.muli %add3A, %mul3A_7 : i32
    %dma_start3A = arith.constant 0 : i32
    %dma_start3A_9 = arith.constant 0 : i32
    %dma_start3A_10 = tpu.memref_slice %arg2[%dma_start3A, %dma_start3A_9] : memref<40000x112xf32, #tpu.memory_space<hbm>> -> memref<40000x112xf32, #tpu.memory_space<hbm>>
    tpu.enqueue_indirect_dma source(%dma_start3A_10 : memref<40000x112xf32, #tpu.memory_space<hbm>>) target(%arg9 : memref<64x112xf32, #tpu.memory_space<vmem>>) offsets(%arg12 : memref<64xi32, #tpu.memory_space<vmem>>) semaphore(%arg18 : memref<!tpu.dma_semaphore, #tpu.memory_space<semaphore_mem>>)
    %dma_start3A_11 = arith.constant 0 : i32
    %dma_start3A_12 = arith.constant 0 : i32
    %dma_start3A_13 = tpu.memref_slice %arg10[%dma_start3A_11, %dma_start3A_12] : memref<64x96xf32, #tpu.memory_space<vmem>> -> memref<64x32xf32, #tpu.memory_space<vmem>>
    %dma_start3A_14 = arith.constant 0 : i32
    %dma_start3A_15 = tpu.memref_slice %arg5[%mul3A_8, %dma_start3A_14] : memref<160000x384xf32, #tpu.memory_space<hbm>> -> memref<64x32xf32, #tpu.memory_space<hbm>>
    %dma_start3A_16 = arith.constant 0 : i32
    %dma_start3A_17 = arith.constant 0 : i32
    %dma_start3A_18 = tpu.memref_slice %arg10[%dma_start3A_16, %dma_start3A_17] : memref<64x96xf32, #tpu.memory_space<vmem>> -> memref<64x32xf32, #tpu.memory_space<vmem>>
    %dma_start3A_19 = arith.constant 0 : i32
    %dma_start3A_20 = tpu.memref_slice %arg5[%mul3A_8, %dma_start3A_19] : memref<160000x384xf32, #tpu.memory_space<hbm>> -> memref<64x32xf32, #tpu.memory_space<hbm>>
    tpu.enqueue_dma source(%dma_start3A_20 : memref<64x32xf32, #tpu.memory_space<hbm>>) target(%dma_start3A_18 : memref<64x32xf32, #tpu.memory_space<vmem>>) target_semaphore(%arg15 : memref<!tpu.dma_semaphore, #tpu.memory_space<semaphore_mem>>)
    %dma_start3A_21 = arith.constant 0 : i32
    %dma_start3A_22 = arith.constant 32 : i32
    %dma_start3A_23 = tpu.memref_slice %arg10[%dma_start3A_21, %dma_start3A_22] : memref<64x96xf32, #tpu.memory_space<vmem>> -> memref<64x32xf32, #tpu.memory_space<vmem>>
    %dma_start3A_24 = arith.constant 128 : i32
    %dma_start3A_25 = tpu.memref_slice %arg5[%mul3A_8, %dma_start3A_24] : memref<160000x384xf32, #tpu.memory_space<hbm>> -> memref<64x32xf32, #tpu.memory_space<hbm>>
    %dma_start3A_26 = arith.constant 0 : i32
    %dma_start3A_27 = arith.constant 32 : i32
    %dma_start3A_28 = tpu.memref_slice %arg10[%dma_start3A_26, %dma_start3A_27] : memref<64x96xf32, #tpu.memory_space<vmem>> -> memref<64x32xf32, #tpu.memory_space<vmem>>
    %dma_start3A_29 = arith.constant 128 : i32
    %dma_start3A_30 = tpu.memref_slice %arg5[%mul3A_8, %dma_start3A_29] : memref<160000x384xf32, #tpu.memory_space<hbm>> -> memref<64x32xf32, #tpu.memory_space<hbm>>
    tpu.enqueue_dma source(%dma_start3A_30 : memref<64x32xf32, #tpu.memory_space<hbm>>) target(%dma_start3A_28 : memref<64x32xf32, #tpu.memory_space<vmem>>) target_semaphore(%arg15 : memref<!tpu.dma_semaphore, #tpu.memory_space<semaphore_mem>>)
    %dma_start3A_31 = arith.constant 0 : i32
    %dma_start3A_32 = arith.constant 64 : i32
    %dma_start3A_33 = tpu.memref_slice %arg10[%dma_start3A_31, %dma_start3A_32] : memref<64x96xf32, #tpu.memory_space<vmem>> -> memref<64x32xf32, #tpu.memory_space<vmem>>
    %dma_start3A_34 = arith.constant 256 : i32
    %dma_start3A_35 = tpu.memref_slice %arg5[%mul3A_8, %dma_start3A_34] : memref<160000x384xf32, #tpu.memory_space<hbm>> -> memref<64x32xf32, #tpu.memory_space<hbm>>
    %dma_start3A_36 = arith.constant 0 : i32
    %dma_start3A_37 = arith.constant 64 : i32
    %dma_start3A_38 = tpu.memref_slice %arg10[%dma_start3A_36, %dma_start3A_37] : memref<64x96xf32, #tpu.memory_space<vmem>> -> memref<64x32xf32, #tpu.memory_space<vmem>>
    %dma_start3A_39 = arith.constant 256 : i32
    %dma_start3A_40 = tpu.memref_slice %arg5[%mul3A_8, %dma_start3A_39] : memref<160000x384xf32, #tpu.memory_space<hbm>> -> memref<64x32xf32, #tpu.memory_space<hbm>>
    tpu.enqueue_dma source(%dma_start3A_40 : memref<64x32xf32, #tpu.memory_space<hbm>>) target(%dma_start3A_38 : memref<64x32xf32, #tpu.memory_space<vmem>>) target_semaphore(%arg15 : memref<!tpu.dma_semaphore, #tpu.memory_space<semaphore_mem>>)
    %dma_start3A_41 = arith.constant 0 : i32
    %dma_start3A_42 = tpu.memref_slice %arg6[%mul3A_8, %dma_start3A_41] : memref<160000x16xf32, #tpu.memory_space<hbm>> -> memref<64x16xf32, #tpu.memory_space<hbm>>
    %dma_start3A_43 = arith.constant 0 : i32
    %dma_start3A_44 = tpu.memref_slice %arg6[%mul3A_8, %dma_start3A_43] : memref<160000x16xf32, #tpu.memory_space<hbm>> -> memref<64x16xf32, #tpu.memory_space<hbm>>
    tpu.enqueue_dma source(%dma_start3A_44 : memref<64x16xf32, #tpu.memory_space<hbm>>) target(%arg11 : memref<64x16xf32, #tpu.memory_space<vmem>>) target_semaphore(%arg15 : memref<!tpu.dma_semaphore, #tpu.memory_space<semaphore_mem>>)
    %add3A_45 = arith.constant 32 : i32
    %add3A_46 = arith.addi %add3A, %add3A_45 : i32
    %mul3A_47 = arith.constant 64 : i32
    %mul3A_48 = arith.muli %add3A_46, %mul3A_47 : i32
    %add3A_49 = arith.constant 0 : i32
    %add3A_50 = arith.addi %add3A_49, %mul3A_48 : i32
    %dma_start3A_51 = tpu.memref_slice %arg3[%add3A_50] : memref<640000xi32, #tpu.memory_space<hbm>> -> memref<64xi32, #tpu.memory_space<hbm>>
    %dma_start3A_52 = tpu.memref_slice %arg3[%add3A_50] : memref<640000xi32, #tpu.memory_space<hbm>> -> memref<64xi32, #tpu.memory_space<hbm>>
    tpu.enqueue_dma source(%dma_start3A_52 : memref<64xi32, #tpu.memory_space<hbm>>) target(%arg22 : memref<64xi32, #tpu.memory_space<vmem>>) target_semaphore(%arg27 : memref<!tpu.dma_semaphore, #tpu.memory_space<semaphore_mem>>)
    %scan3A = arith.constant 0 : i32
    %scan3A_53 = arith.constant 0 : i32
    %scan3A_54 = arith.constant 40 : i32
    %scan3A_55 = arith.addi %scan3A_53, %scan3A_54 : i32
    %scan3A_56 = arith.constant 1 : i32
    %scan3A_57 = scf.for %scan3A_292 = %scan3A_53 to %scan3A_55 step %scan3A_56 iter_args(%scan3A_293 = %scan3A) -> (i32)  : i32 {
      %mul3A_294 = arith.constant 2 : i32
      %mul3A_295 = arith.muli %mul3A_294, %scan3A_292 : i32
      %mul3A_296 = arith.constant 32 : i32
      %mul3A_297 = arith.muli %mul3A_295, %mul3A_296 : i32
      %add3A_298 = arith.addi %add3A, %mul3A_297 : i32
      %mul3A_299 = arith.constant 2 : i32
      %mul3A_300 = arith.muli %mul3A_299, %scan3A_292 : i32
      %add3A_301 = arith.constant 1 : i32
      %add3A_302 = arith.addi %mul3A_300, %add3A_301 : i32
      %mul3A_303 = arith.constant 32 : i32
      %mul3A_304 = arith.muli %add3A_302, %mul3A_303 : i32
      %add3A_305 = arith.addi %add3A, %mul3A_304 : i32
      %mul3A_306 = arith.constant 2 : i32
      %mul3A_307 = arith.muli %mul3A_306, %scan3A_292 : i32
      %add3A_308 = arith.constant 2 : i32
      %add3A_309 = arith.addi %mul3A_307, %add3A_308 : i32
      %mul3A_310 = arith.constant 32 : i32
      %mul3A_311 = arith.muli %add3A_309, %mul3A_310 : i32
      %add3A_312 = arith.addi %add3A, %mul3A_311 : i32
      %lt3A = arith.constant 2500 : i32
      %lt3A_313 = arith.cmpi slt, %add3A_305, %lt3A : i32
      %convert_element_type3A = arith.extui %lt3A_313 : i1 to i32
      %cond3A = arith.constant 0 : i32
      %cond3A_314 = arith.cmpi ne, %convert_element_type3A, %cond3A : i32
      scf.if %cond3A_314 {
        %dma_wait3A_331 = arith.constant 0 : i32
        %dma_wait3A_332 = tpu.memref_slice %arg3[%dma_wait3A_331] : memref<640000xi32, #tpu.memory_space<hbm>> -> memref<64xi32, #tpu.memory_space<hbm>>
        %dma_wait3A_333 = arith.constant 0 : i32
        %dma_wait3A_334 = tpu.memref_slice %arg3[%dma_wait3A_333] : memref<640000xi32, #tpu.memory_space<hbm>> -> memref<64xi32, #tpu.memory_space<hbm>>
        tpu.wait_dma2 semaphore(%arg27 : memref<!tpu.dma_semaphore, #tpu.memory_space<semaphore_mem>>) src(%dma_wait3A_334 : memref<64xi32, #tpu.memory_space<hbm>>) dst(%arg22 : memref<64xi32, #tpu.memory_space<vmem>>)
        %mul3A_335 = arith.constant 64 : i32
        %mul3A_336 = arith.muli %add3A_305, %mul3A_335 : i32
        %dma_start3A_337 = arith.constant 0 : i32
        %dma_start3A_338 = arith.constant 0 : i32
        %dma_start3A_339 = tpu.memref_slice %arg2[%dma_start3A_337, %dma_start3A_338] : memref<40000x112xf32, #tpu.memory_space<hbm>> -> memref<40000x112xf32, #tpu.memory_space<hbm>>
        tpu.enqueue_indirect_dma source(%dma_start3A_339 : memref<40000x112xf32, #tpu.memory_space<hbm>>) target(%arg19 : memref<64x112xf32, #tpu.memory_space<vmem>>) offsets(%arg22 : memref<64xi32, #tpu.memory_space<vmem>>) semaphore(%arg28 : memref<!tpu.dma_semaphore, #tpu.memory_space<semaphore_mem>>)
        %dma_start3A_340 = arith.constant 0 : i32
        %dma_start3A_341 = arith.constant 0 : i32
        %dma_start3A_342 = tpu.memref_slice %arg20[%dma_start3A_340, %dma_start3A_341] : memref<64x96xf32, #tpu.memory_space<vmem>> -> memref<64x32xf32, #tpu.memory_space<vmem>>
        %dma_start3A_343 = arith.constant 0 : i32
        %dma_start3A_344 = tpu.memref_slice %arg5[%mul3A_336, %dma_start3A_343] : memref<160000x384xf32, #tpu.memory_space<hbm>> -> memref<64x32xf32, #tpu.memory_space<hbm>>
        %dma_start3A_345 = arith.constant 0 : i32
        %dma_start3A_346 = arith.constant 0 : i32
        %dma_start3A_347 = tpu.memref_slice %arg20[%dma_start3A_345, %dma_start3A_346] : memref<64x96xf32, #tpu.memory_space<vmem>> -> memref<64x32xf32, #tpu.memory_space<vmem>>
        %dma_start3A_348 = arith.constant 0 : i32
        %dma_start3A_349 = tpu.memref_slice %arg5[%mul3A_336, %dma_start3A_348] : memref<160000x384xf32, #tpu.memory_space<hbm>> -> memref<64x32xf32, #tpu.memory_space<hbm>>
        tpu.enqueue_dma source(%dma_start3A_349 : memref<64x32xf32, #tpu.memory_space<hbm>>) target(%dma_start3A_347 : memref<64x32xf32, #tpu.memory_space<vmem>>) target_semaphore(%arg25 : memref<!tpu.dma_semaphore, #tpu.memory_space<semaphore_mem>>)
        %dma_start3A_350 = arith.constant 0 : i32
        %dma_start3A_351 = arith.constant 32 : i32
        %dma_start3A_352 = tpu.memref_slice %arg20[%dma_start3A_350, %dma_start3A_351] : memref<64x96xf32, #tpu.memory_space<vmem>> -> memref<64x32xf32, #tpu.memory_space<vmem>>
        %dma_start3A_353 = arith.constant 128 : i32
        %dma_start3A_354 = tpu.memref_slice %arg5[%mul3A_336, %dma_start3A_353] : memref<160000x384xf32, #tpu.memory_space<hbm>> -> memref<64x32xf32, #tpu.memory_space<hbm>>
        %dma_start3A_355 = arith.constant 0 : i32
        %dma_start3A_356 = arith.constant 32 : i32
        %dma_start3A_357 = tpu.memref_slice %arg20[%dma_start3A_355, %dma_start3A_356] : memref<64x96xf32, #tpu.memory_space<vmem>> -> memref<64x32xf32, #tpu.memory_space<vmem>>
        %dma_start3A_358 = arith.constant 128 : i32
        %dma_start3A_359 = tpu.memref_slice %arg5[%mul3A_336, %dma_start3A_358] : memref<160000x384xf32, #tpu.memory_space<hbm>> -> memref<64x32xf32, #tpu.memory_space<hbm>>
        tpu.enqueue_dma source(%dma_start3A_359 : memref<64x32xf32, #tpu.memory_space<hbm>>) target(%dma_start3A_357 : memref<64x32xf32, #tpu.memory_space<vmem>>) target_semaphore(%arg25 : memref<!tpu.dma_semaphore, #tpu.memory_space<semaphore_mem>>)
        %dma_start3A_360 = arith.constant 0 : i32
        %dma_start3A_361 = arith.constant 64 : i32
        %dma_start3A_362 = tpu.memref_slice %arg20[%dma_start3A_360, %dma_start3A_361] : memref<64x96xf32, #tpu.memory_space<vmem>> -> memref<64x32xf32, #tpu.memory_space<vmem>>
        %dma_start3A_363 = arith.constant 256 : i32
        %dma_start3A_364 = tpu.memref_slice %arg5[%mul3A_336, %dma_start3A_363] : memref<160000x384xf32, #tpu.memory_space<hbm>> -> memref<64x32xf32, #tpu.memory_space<hbm>>
        %dma_start3A_365 = arith.constant 0 : i32
        %dma_start3A_366 = arith.constant 64 : i32
        %dma_start3A_367 = tpu.memref_slice %arg20[%dma_start3A_365, %dma_start3A_366] : memref<64x96xf32, #tpu.memory_space<vmem>> -> memref<64x32xf32, #tpu.memory_space<vmem>>
        %dma_start3A_368 = arith.constant 256 : i32
        %dma_start3A_369 = tpu.memref_slice %arg5[%mul3A_336, %dma_start3A_368] : memref<160000x384xf32, #tpu.memory_space<hbm>> -> memref<64x32xf32, #tpu.memory_space<hbm>>
        tpu.enqueue_dma source(%dma_start3A_369 : memref<64x32xf32, #tpu.memory_space<hbm>>) target(%dma_start3A_367 : memref<64x32xf32, #tpu.memory_space<vmem>>) target_semaphore(%arg25 : memref<!tpu.dma_semaphore, #tpu.memory_space<semaphore_mem>>)
        %dma_start3A_370 = arith.constant 0 : i32
        %dma_start3A_371 = tpu.memref_slice %arg6[%mul3A_336, %dma_start3A_370] : memref<160000x16xf32, #tpu.memory_space<hbm>> -> memref<64x16xf32, #tpu.memory_space<hbm>>
        %dma_start3A_372 = arith.constant 0 : i32
        %dma_start3A_373 = tpu.memref_slice %arg6[%mul3A_336, %dma_start3A_372] : memref<160000x16xf32, #tpu.memory_space<hbm>> -> memref<64x16xf32, #tpu.memory_space<hbm>>
        tpu.enqueue_dma source(%dma_start3A_373 : memref<64x16xf32, #tpu.memory_space<hbm>>) target(%arg21 : memref<64x16xf32, #tpu.memory_space<vmem>>) target_semaphore(%arg25 : memref<!tpu.dma_semaphore, #tpu.memory_space<semaphore_mem>>)
      } else {
      }
      %lt3A_315 = arith.constant 2500 : i32
      %lt3A_316 = arith.cmpi slt, %add3A_298, %lt3A_315 : i32
      %convert_element_type3A_317 = arith.extui %lt3A_316 : i1 to i32
      %cond3A_318 = arith.constant 0 : i32
      %cond3A_319 = arith.cmpi ne, %convert_element_type3A_317, %cond3A_318 : i32
      scf.if %cond3A_319 {
        %gt3A = arith.constant 0 : i32
        %gt3A_331 = arith.cmpi sgt, %scan3A_292, %gt3A : i32
        %convert_element_type3A_332 = arith.extui %gt3A_331 : i1 to i32
        %cond3A_333 = arith.constant 0 : i32
        %cond3A_334 = arith.cmpi ne, %convert_element_type3A_332, %cond3A_333 : i32
        scf.if %cond3A_334 {
          %dma_wait3A_375 = arith.constant 0 : i32
          %dma_wait3A_376 = arith.constant 0 : i32
          %dma_wait3A_377 = tpu.memref_slice %arg29[%dma_wait3A_375, %dma_wait3A_376] : memref<10000x128xf32, #tpu.memory_space<vmem_shared>> -> memref<10000x128xf32, #tpu.memory_space<vmem_shared>>
          tpu.wait_indirect_dma semaphore(%arg16 : memref<!tpu.dma_semaphore, #tpu.memory_space<semaphore_mem>>) src(%arg14 : memref<64x128xf32, #tpu.memory_space<vmem>>) dst(%dma_wait3A_377 : memref<10000x128xf32, #tpu.memory_space<vmem_shared>>)
        } else {
        }
        %mul3A_335 = arith.constant 64 : i32
        %mul3A_336 = arith.muli %add3A_298, %mul3A_335 : i32
        %dma_start3A_337 = tpu.memref_slice %arg4[%mul3A_336] : memref<160000xi32, #tpu.memory_space<hbm>> -> memref<64xi32, #tpu.memory_space<hbm>>
        %dma_start3A_338 = tpu.memref_slice %arg4[%mul3A_336] : memref<160000xi32, #tpu.memory_space<hbm>> -> memref<64xi32, #tpu.memory_space<hbm>>
        tpu.enqueue_dma source(%dma_start3A_338 : memref<64xi32, #tpu.memory_space<hbm>>) target(%arg13 : memref<64xi32, #tpu.memory_space<vmem>>) target_semaphore(%arg16 : memref<!tpu.dma_semaphore, #tpu.memory_space<semaphore_mem>>)
        %dma_wait3A_339 = arith.constant 0 : i32
        %dma_wait3A_340 = arith.constant 0 : i32
        %dma_wait3A_341 = tpu.memref_slice %arg2[%dma_wait3A_339, %dma_wait3A_340] : memref<40000x112xf32, #tpu.memory_space<hbm>> -> memref<40000x112xf32, #tpu.memory_space<hbm>>
        tpu.wait_indirect_dma semaphore(%arg18 : memref<!tpu.dma_semaphore, #tpu.memory_space<semaphore_mem>>) src(%dma_wait3A_341 : memref<40000x112xf32, #tpu.memory_space<hbm>>) dst(%arg9 : memref<64x112xf32, #tpu.memory_space<vmem>>)
        %dma_wait3A_342 = arith.constant 0 : i32
        %dma_wait3A_343 = arith.constant 0 : i32
        %dma_wait3A_344 = tpu.memref_slice %arg5[%dma_wait3A_342, %dma_wait3A_343] : memref<160000x384xf32, #tpu.memory_space<hbm>> -> memref<64x96xf32, #tpu.memory_space<hbm>>
        %dma_wait3A_345 = arith.constant 0 : i32
        %dma_wait3A_346 = arith.constant 0 : i32
        %dma_wait3A_347 = tpu.memref_slice %arg5[%dma_wait3A_345, %dma_wait3A_346] : memref<160000x384xf32, #tpu.memory_space<hbm>> -> memref<64x96xf32, #tpu.memory_space<hbm>>
        tpu.wait_dma2 semaphore(%arg15 : memref<!tpu.dma_semaphore, #tpu.memory_space<semaphore_mem>>) src(%dma_wait3A_347 : memref<64x96xf32, #tpu.memory_space<hbm>>) dst(%arg10 : memref<64x96xf32, #tpu.memory_space<vmem>>)
        %dma_wait3A_348 = arith.constant 0 : i32
        %dma_wait3A_349 = arith.constant 0 : i32
        %dma_wait3A_350 = tpu.memref_slice %arg6[%dma_wait3A_348, %dma_wait3A_349] : memref<160000x16xf32, #tpu.memory_space<hbm>> -> memref<64x16xf32, #tpu.memory_space<hbm>>
        %dma_wait3A_351 = arith.constant 0 : i32
        %dma_wait3A_352 = arith.constant 0 : i32
        %dma_wait3A_353 = tpu.memref_slice %arg6[%dma_wait3A_351, %dma_wait3A_352] : memref<160000x16xf32, #tpu.memory_space<hbm>> -> memref<64x16xf32, #tpu.memory_space<hbm>>
        tpu.wait_dma2 semaphore(%arg15 : memref<!tpu.dma_semaphore, #tpu.memory_space<semaphore_mem>>) src(%dma_wait3A_353 : memref<64x16xf32, #tpu.memory_space<hbm>>) dst(%arg11 : memref<64x16xf32, #tpu.memory_space<vmem>>)
        %add3A_354 = arith.constant 64 : i32
        %add3A_355 = arith.addi %add3A_298, %add3A_354 : i32
        %lt3A_356 = arith.constant 2500 : i32
        %lt3A_357 = arith.cmpi slt, %add3A_355, %lt3A_356 : i32
        %convert_element_type3A_358 = arith.extui %lt3A_357 : i1 to i32
        %cond3A_359 = arith.constant 0 : i32
        %cond3A_360 = arith.cmpi ne, %convert_element_type3A_358, %cond3A_359 : i32
        scf.if %cond3A_360 {
          %mul3A_375 = arith.constant 64 : i32
          %mul3A_376 = arith.muli %add3A_355, %mul3A_375 : i32
          %add3A_377 = arith.constant 0 : i32
          %add3A_378 = arith.addi %add3A_377, %mul3A_376 : i32
          %dma_start3A_379 = tpu.memref_slice %arg3[%add3A_378] : memref<640000xi32, #tpu.memory_space<hbm>> -> memref<64xi32, #tpu.memory_space<hbm>>
          %dma_start3A_380 = tpu.memref_slice %arg3[%add3A_378] : memref<640000xi32, #tpu.memory_space<hbm>> -> memref<64xi32, #tpu.memory_space<hbm>>
          tpu.enqueue_dma source(%dma_start3A_380 : memref<64xi32, #tpu.memory_space<hbm>>) target(%arg12 : memref<64xi32, #tpu.memory_space<vmem>>) target_semaphore(%arg17 : memref<!tpu.dma_semaphore, #tpu.memory_space<semaphore_mem>>)
        } else {
        }
        %scan3A_361 = arith.constant 0 : i32
        %scan3A_362 = arith.constant 0 : i32
        %scan3A_363 = arith.constant 64 : i32
        %scan3A_364 = arith.addi %scan3A_362, %scan3A_363 : i32
        %scan3A_365 = arith.constant 1 : i32
        %scan3A_366 = scf.for %scan3A_375 = %scan3A_362 to %scan3A_364 step %scan3A_365 iter_args(%scan3A_376 = %scan3A_361) -> (i32)  : i32 {
          %get3A = arith.index_cast %scan3A_375 : i32 to index
          %get3A_377 = arith.constant 96 : index
          %get3A_378 = tpu.vector_load %arg9[%get3A, %get3A_377] {strides = array<i32>} : memref<64x112xf32, #tpu.memory_space<vmem>>, vector<1x16xf32>,
          %get3A_379 = vector.shape_cast %get3A_378 : vector<1x16xf32> to vector<16xf32>
          %slice3A = vector.extract_strided_slice %get3A_379 {offsets = [0], sizes = [1], strides = [1]} : vector<16xf32> to vector<1xf32>
          %squeeze3A = vector.extract %slice3A[0] : f32 from vector<1xf32>
          %slice3A_380 = vector.extract_strided_slice %get3A_379 {offsets = [1], sizes = [1], strides = [1]} : vector<16xf32> to vector<1xf32>
          %squeeze3A_381 = vector.extract %slice3A_380[0] : f32 from vector<1xf32>
          %slice3A_382 = vector.extract_strided_slice %get3A_379 {offsets = [2], sizes = [1], strides = [1]} : vector<16xf32> to vector<1xf32>
          %squeeze3A_383 = vector.extract %slice3A_382[0] : f32 from vector<1xf32>
          %get3A_384 = arith.index_cast %scan3A_375 : i32 to index
          %get3A_385 = arith.constant 0 : index
          %get3A_386 = tpu.vector_load %arg11[%get3A_384, %get3A_385] {strides = array<i32>} : memref<64x16xf32, #tpu.memory_space<vmem>>, vector<1x16xf32>,
          %get3A_387 = vector.shape_cast %get3A_386 : vector<1x16xf32> to vector<16xf32>
          %slice3A_388 = vector.extract_strided_slice %get3A_387 {offsets = [0], sizes = [1], strides = [1]} : vector<16xf32> to vector<1xf32>
          %squeeze3A_389 = vector.extract %slice3A_388[0] : f32 from vector<1xf32>
          %slice3A_390 = vector.extract_strided_slice %get3A_387 {offsets = [1], sizes = [1], strides = [1]} : vector<16xf32> to vector<1xf32>
          %squeeze3A_391 = vector.extract %slice3A_390[0] : f32 from vector<1xf32>
          %slice3A_392 = vector.extract_strided_slice %get3A_387 {offsets = [2], sizes = [1], strides = [1]} : vector<16xf32> to vector<1xf32>
          %squeeze3A_393 = vector.extract %slice3A_392[0] : f32 from vector<1xf32>
          %get3A_394 = arith.index_cast %scan3A_375 : i32 to index
          %get3A_395 = arith.constant 0 : index
          %get3A_396 = tpu.vector_load %arg9[%get3A_394, %get3A_395] {strides = array<i32>} : memref<64x112xf32, #tpu.memory_space<vmem>>, vector<1x16xf32>,
          %get3A_397 = vector.shape_cast %get3A_396 : vector<1x16xf32> to vector<16xf32>
          %get3A_398 = arith.index_cast %scan3A_375 : i32 to index
          %get3A_399 = arith.constant 32 : index
          %get3A_400 = tpu.vector_load %arg9[%get3A_398, %get3A_399] {strides = array<i32>} : memref<64x112xf32, #tpu.memory_space<vmem>>, vector<1x16xf32>,
          %get3A_401 = vector.shape_cast %get3A_400 : vector<1x16xf32> to vector<16xf32>
          %get3A_402 = arith.index_cast %scan3A_375 : i32 to index
          %get3A_403 = arith.constant 64 : index
          %get3A_404 = tpu.vector_load %arg9[%get3A_402, %get3A_403] {strides = array<i32>} : memref<64x112xf32, #tpu.memory_space<vmem>>, vector<1x16xf32>,
          %get3A_405 = vector.shape_cast %get3A_404 : vector<1x16xf32> to vector<16xf32>
          %get3A_406 = arith.index_cast %scan3A_375 : i32 to index
          %get3A_407 = arith.constant 0 : index
          %get3A_408 = tpu.vector_load %arg10[%get3A_406, %get3A_407] {strides = array<i32>} : memref<64x96xf32, #tpu.memory_space<vmem>>, vector<1x16xf32>,
          %get3A_409 = vector.shape_cast %get3A_408 : vector<1x16xf32> to vector<16xf32>
          %get3A_410 = arith.index_cast %scan3A_375 : i32 to index
          %get3A_411 = arith.constant 32 : index
          %get3A_412 = tpu.vector_load %arg10[%get3A_410, %get3A_411] {strides = array<i32>} : memref<64x96xf32, #tpu.memory_space<vmem>>, vector<1x16xf32>,
          %get3A_413 = vector.shape_cast %get3A_412 : vector<1x16xf32> to vector<16xf32>
          %get3A_414 = arith.index_cast %scan3A_375 : i32 to index
          %get3A_415 = arith.constant 64 : index
          %get3A_416 = tpu.vector_load %arg10[%get3A_414, %get3A_415] {strides = array<i32>} : memref<64x96xf32, #tpu.memory_space<vmem>>, vector<1x16xf32>,
          %get3A_417 = vector.shape_cast %get3A_416 : vector<1x16xf32> to vector<16xf32>
          %mul3A_418 = arith.mulf %get3A_413, %get3A_401 : vector<16xf32>
          %mul3A_419 = arith.mulf %get3A_417, %get3A_405 : vector<16xf32>
          %mul3A_420 = arith.mulf %get3A_409, %get3A_397 : vector<16xf32>
          %swap3A = arith.index_cast %scan3A_375 : i32 to index
          %swap3A_421 = arith.constant 0 : index
          %swap3A_422 = tpu.vector_load %arg14[%swap3A, %swap3A_421] {strides = array<i32>} : memref<64x128xf32, #tpu.memory_space<vmem>>, vector<1x16xf32>,
          %swap3A_423 = vector.shape_cast %swap3A_422 : vector<1x16xf32> to vector<16xf32>
          %swap3A_424 = vector.shape_cast %mul3A_420 : vector<16xf32> to vector<1x16xf32>
          tpu.vector_store %arg14[%swap3A, %swap3A_421], %swap3A_424 {strides = array<i32>} : memref<64x128xf32, #tpu.memory_space<vmem>>, vector<1x16xf32>,
          %mul3A_425 = vector.broadcast %squeeze3A_389 : f32 to vector<16xf32>
          %mul3A_426 = arith.mulf %mul3A_418, %mul3A_425 : vector<16xf32>
          %mul3A_427 = vector.broadcast %squeeze3A : f32 to vector<16xf32>
          %mul3A_428 = arith.mulf %mul3A_419, %mul3A_427 : vector<16xf32>
          %add3A_429 = arith.addf %mul3A_426, %mul3A_428 : vector<16xf32>
          %swap3A_430 = arith.index_cast %scan3A_375 : i32 to index
          %swap3A_431 = arith.constant 32 : index
          %swap3A_432 = tpu.vector_load %arg14[%swap3A_430, %swap3A_431] {strides = array<i32>} : memref<64x128xf32, #tpu.memory_space<vmem>>, vector<1x16xf32>,
          %swap3A_433 = vector.shape_cast %swap3A_432 : vector<1x16xf32> to vector<16xf32>
          %swap3A_434 = vector.shape_cast %add3A_429 : vector<16xf32> to vector<1x16xf32>
          tpu.vector_store %arg14[%swap3A_430, %swap3A_431], %swap3A_434 {strides = array<i32>} : memref<64x128xf32, #tpu.memory_space<vmem>>, vector<1x16xf32>,
          %mul3A_435 = vector.broadcast %squeeze3A_391 : f32 to vector<16xf32>
          %mul3A_436 = arith.mulf %mul3A_418, %mul3A_435 : vector<16xf32>
          %mul3A_437 = vector.broadcast %squeeze3A_381 : f32 to vector<16xf32>
          %mul3A_438 = arith.mulf %mul3A_419, %mul3A_437 : vector<16xf32>
          %add3A_439 = arith.addf %mul3A_436, %mul3A_438 : vector<16xf32>
          %swap3A_440 = arith.index_cast %scan3A_375 : i32 to index
          %swap3A_441 = arith.constant 64 : index
          %swap3A_442 = tpu.vector_load %arg14[%swap3A_440, %swap3A_441] {strides = array<i32>} : memref<64x128xf32, #tpu.memory_space<vmem>>, vector<1x16xf32>,
          %swap3A_443 = vector.shape_cast %swap3A_442 : vector<1x16xf32> to vector<16xf32>
          %swap3A_444 = vector.shape_cast %add3A_439 : vector<16xf32> to vector<1x16xf32>
          tpu.vector_store %arg14[%swap3A_440, %swap3A_441], %swap3A_444 {strides = array<i32>} : memref<64x128xf32, #tpu.memory_space<vmem>>, vector<1x16xf32>,
          %mul3A_445 = vector.broadcast %squeeze3A_393 : f32 to vector<16xf32>
          %mul3A_446 = arith.mulf %mul3A_418, %mul3A_445 : vector<16xf32>
          %mul3A_447 = vector.broadcast %squeeze3A_383 : f32 to vector<16xf32>
          %mul3A_448 = arith.mulf %mul3A_419, %mul3A_447 : vector<16xf32>
          %add3A_449 = arith.addf %mul3A_446, %mul3A_448 : vector<16xf32>
          %swap3A_450 = arith.index_cast %scan3A_375 : i32 to index
          %swap3A_451 = arith.constant 96 : index
          %swap3A_452 = tpu.vector_load %arg14[%swap3A_450, %swap3A_451] {strides = array<i32>} : memref<64x128xf32, #tpu.memory_space<vmem>>, vector<1x16xf32>,
          %swap3A_453 = vector.shape_cast %swap3A_452 : vector<1x16xf32> to vector<16xf32>
          %swap3A_454 = vector.shape_cast %add3A_449 : vector<16xf32> to vector<1x16xf32>
          tpu.vector_store %arg14[%swap3A_450, %swap3A_451], %swap3A_454 {strides = array<i32>} : memref<64x128xf32, #tpu.memory_space<vmem>>, vector<1x16xf32>,
          %get3A_455 = arith.index_cast %scan3A_375 : i32 to index
          %get3A_456 = arith.constant 16 : index
          %get3A_457 = tpu.vector_load %arg9[%get3A_455, %get3A_456] {strides = array<i32>} : memref<64x112xf32, #tpu.memory_space<vmem>>, vector<1x16xf32>,
          %get3A_458 = vector.shape_cast %get3A_457 : vector<1x16xf32> to vector<16xf32>
          %get3A_459 = arith.index_cast %scan3A_375 : i32 to index
          %get3A_460 = arith.constant 48 : index
          %get3A_461 = tpu.vector_load %arg9[%get3A_459, %get3A_460] {strides = array<i32>} : memref<64x112xf32, #tpu.memory_space<vmem>>, vector<1x16xf32>,
          %get3A_462 = vector.shape_cast %get3A_461 : vector<1x16xf32> to vector<16xf32>
          %get3A_463 = arith.index_cast %scan3A_375 : i32 to index
          %get3A_464 = arith.constant 80 : index
          %get3A_465 = tpu.vector_load %arg9[%get3A_463, %get3A_464] {strides = array<i32>} : memref<64x112xf32, #tpu.memory_space<vmem>>, vector<1x16xf32>,
          %get3A_466 = vector.shape_cast %get3A_465 : vector<1x16xf32> to vector<16xf32>
          %get3A_467 = arith.index_cast %scan3A_375 : i32 to index
          %get3A_468 = arith.constant 16 : index
          %get3A_469 = tpu.vector_load %arg10[%get3A_467, %get3A_468] {strides = array<i32>} : memref<64x96xf32, #tpu.memory_space<vmem>>, vector<1x16xf32>,
          %get3A_470 = vector.shape_cast %get3A_469 : vector<1x16xf32> to vector<16xf32>
          %get3A_471 = arith.index_cast %scan3A_375 : i32 to index
          %get3A_472 = arith.constant 48 : index
          %get3A_473 = tpu.vector_load %arg10[%get3A_471, %get3A_472] {strides = array<i32>} : memref<64x96xf32, #tpu.memory_space<vmem>>, vector<1x16xf32>,
          %get3A_474 = vector.shape_cast %get3A_473 : vector<1x16xf32> to vector<16xf32>
          %get3A_475 = arith.index_cast %scan3A_375 : i32 to index
          %get3A_476 = arith.constant 80 : index
          %get3A_477 = tpu.vector_load %arg10[%get3A_475, %get3A_476] {strides = array<i32>} : memref<64x96xf32, #tpu.memory_space<vmem>>, vector<1x16xf32>,
          %get3A_478 = vector.shape_cast %get3A_477 : vector<1x16xf32> to vector<16xf32>
          %mul3A_479 = arith.mulf %get3A_474, %get3A_462 : vector<16xf32>
          %mul3A_480 = arith.mulf %get3A_478, %get3A_466 : vector<16xf32>
          %mul3A_481 = arith.mulf %get3A_470, %get3A_458 : vector<16xf32>
          %swap3A_482 = arith.index_cast %scan3A_375 : i32 to index
          %swap3A_483 = arith.constant 16 : index
          %swap3A_484 = tpu.vector_load %arg14[%swap3A_482, %swap3A_483] {strides = array<i32>} : memref<64x128xf32, #tpu.memory_space<vmem>>, vector<1x16xf32>,
          %swap3A_485 = vector.shape_cast %swap3A_484 : vector<1x16xf32> to vector<16xf32>
          %swap3A_486 = vector.shape_cast %mul3A_481 : vector<16xf32> to vector<1x16xf32>
          tpu.vector_store %arg14[%swap3A_482, %swap3A_483], %swap3A_486 {strides = array<i32>} : memref<64x128xf32, #tpu.memory_space<vmem>>, vector<1x16xf32>,
          %mul3A_487 = vector.broadcast %squeeze3A_389 : f32 to vector<16xf32>
          %mul3A_488 = arith.mulf %mul3A_479, %mul3A_487 : vector<16xf32>
          %mul3A_489 = vector.broadcast %squeeze3A : f32 to vector<16xf32>
          %mul3A_490 = arith.mulf %mul3A_480, %mul3A_489 : vector<16xf32>
          %add3A_491 = arith.addf %mul3A_488, %mul3A_490 : vector<16xf32>
          %swap3A_492 = arith.index_cast %scan3A_375 : i32 to index
          %swap3A_493 = arith.constant 48 : index
          %swap3A_494 = tpu.vector_load %arg14[%swap3A_492, %swap3A_493] {strides = array<i32>} : memref<64x128xf32, #tpu.memory_space<vmem>>, vector<1x16xf32>,
          %swap3A_495 = vector.shape_cast %swap3A_494 : vector<1x16xf32> to vector<16xf32>
          %swap3A_496 = vector.shape_cast %add3A_491 : vector<16xf32> to vector<1x16xf32>
          tpu.vector_store %arg14[%swap3A_492, %swap3A_493], %swap3A_496 {strides = array<i32>} : memref<64x128xf32, #tpu.memory_space<vmem>>, vector<1x16xf32>,
          %mul3A_497 = vector.broadcast %squeeze3A_391 : f32 to vector<16xf32>
          %mul3A_498 = arith.mulf %mul3A_479, %mul3A_497 : vector<16xf32>
          %mul3A_499 = vector.broadcast %squeeze3A_381 : f32 to vector<16xf32>
          %mul3A_500 = arith.mulf %mul3A_480, %mul3A_499 : vector<16xf32>
          %add3A_501 = arith.addf %mul3A_498, %mul3A_500 : vector<16xf32>
          %swap3A_502 = arith.index_cast %scan3A_375 : i32 to index
          %swap3A_503 = arith.constant 80 : index
          %swap3A_504 = tpu.vector_load %arg14[%swap3A_502, %swap3A_503] {strides = array<i32>} : memref<64x128xf32, #tpu.memory_space<vmem>>, vector<1x16xf32>,
          %swap3A_505 = vector.shape_cast %swap3A_504 : vector<1x16xf32> to vector<16xf32>
          %swap3A_506 = vector.shape_cast %add3A_501 : vector<16xf32> to vector<1x16xf32>
          tpu.vector_store %arg14[%swap3A_502, %swap3A_503], %swap3A_506 {strides = array<i32>} : memref<64x128xf32, #tpu.memory_space<vmem>>, vector<1x16xf32>,
          %mul3A_507 = vector.broadcast %squeeze3A_393 : f32 to vector<16xf32>
          %mul3A_508 = arith.mulf %mul3A_479, %mul3A_507 : vector<16xf32>
          %mul3A_509 = vector.broadcast %squeeze3A_383 : f32 to vector<16xf32>
          %mul3A_510 = arith.mulf %mul3A_480, %mul3A_509 : vector<16xf32>
          %add3A_511 = arith.addf %mul3A_508, %mul3A_510 : vector<16xf32>
          %swap3A_512 = arith.index_cast %scan3A_375 : i32 to index
          %swap3A_513 = arith.constant 112 : index
          %swap3A_514 = tpu.vector_load %arg14[%swap3A_512, %swap3A_513] {strides = array<i32>} : memref<64x128xf32, #tpu.memory_space<vmem>>, vector<1x16xf32>,
          %swap3A_515 = vector.shape_cast %swap3A_514 : vector<1x16xf32> to vector<16xf32>
          %swap3A_516 = vector.shape_cast %add3A_511 : vector<16xf32> to vector<1x16xf32>
          tpu.vector_store %arg14[%swap3A_512, %swap3A_513], %swap3A_516 {strides = array<i32>} : memref<64x128xf32, #tpu.memory_space<vmem>>, vector<1x16xf32>,
          %scan3A_517 = arith.constant 0 : i32
          scf.yield %scan3A_517 : i32
        }
        %scan3A_367 = arith.constant 64 : i32
        %dma_wait3A_368 = arith.constant 0 : i32
        %dma_wait3A_369 = tpu.memref_slice %arg4[%dma_wait3A_368] : memref<160000xi32, #tpu.memory_space<hbm>> -> memref<64xi32, #tpu.memory_space<hbm>>
        %dma_wait3A_370 = arith.constant 0 : i32
        %dma_wait3A_371 = tpu.memref_slice %arg4[%dma_wait3A_370] : memref<160000xi32, #tpu.memory_space<hbm>> -> memref<64xi32, #tpu.memory_space<hbm>>
        tpu.wait_dma2 semaphore(%arg16 : memref<!tpu.dma_semaphore, #tpu.memory_space<semaphore_mem>>) src(%dma_wait3A_371 : memref<64xi32, #tpu.memory_space<hbm>>) dst(%arg13 : memref<64xi32, #tpu.memory_space<vmem>>)
        %dma_start3A_372 = arith.constant 0 : i32
        %dma_start3A_373 = arith.constant 0 : i32
        %dma_start3A_374 = tpu.memref_slice %arg29[%dma_start3A_372, %dma_start3A_373] : memref<10000x128xf32, #tpu.memory_space<vmem_shared>> -> memref<10000x128xf32, #tpu.memory_space<vmem_shared>>
        tpu.enqueue_indirect_dma source(%arg14 : memref<64x128xf32, #tpu.memory_space<vmem>>) target(%dma_start3A_374 : memref<10000x128xf32, #tpu.memory_space<vmem_shared>>) offsets(%arg13 : memref<64xi32, #tpu.memory_space<vmem>>) semaphore(%arg16 : memref<!tpu.dma_semaphore, #tpu.memory_space<semaphore_mem>>) {add = true}
      } else {
      }
      %lt3A_320 = arith.constant 2500 : i32
      %lt3A_321 = arith.cmpi slt, %add3A_312, %lt3A_320 : i32
      %convert_element_type3A_322 = arith.extui %lt3A_321 : i1 to i32
      %cond3A_323 = arith.constant 0 : i32
      %cond3A_324 = arith.cmpi ne, %convert_element_type3A_322, %cond3A_323 : i32
      scf.if %cond3A_324 {
        %dma_wait3A_331 = arith.constant 0 : i32
        %dma_wait3A_332 = tpu.memref_slice %arg3[%dma_wait3A_331] : memref<640000xi32, #tpu.memory_space<hbm>> -> memref<64xi32, #tpu.memory_space<hbm>>
        %dma_wait3A_333 = arith.constant 0 : i32
        %dma_wait3A_334 = tpu.memref_slice %arg3[%dma_wait3A_333] : memref<640000xi32, #tpu.memory_space<hbm>> -> memref<64xi32, #tpu.memory_space<hbm>>
        tpu.wait_dma2 semaphore(%arg17 : memref<!tpu.dma_semaphore, #tpu.memory_space<semaphore_mem>>) src(%dma_wait3A_334 : memref<64xi32, #tpu.memory_space<hbm>>) dst(%arg12 : memref<64xi32, #tpu.memory_space<vmem>>)
        %mul3A_335 = arith.constant 64 : i32
        %mul3A_336 = arith.muli %add3A_312, %mul3A_335 : i32
        %dma_start3A_337 = arith.constant 0 : i32
        %dma_start3A_338 = arith.constant 0 : i32
        %dma_start3A_339 = tpu.memref_slice %arg2[%dma_start3A_337, %dma_start3A_338] : memref<40000x112xf32, #tpu.memory_space<hbm>> -> memref<40000x112xf32, #tpu.memory_space<hbm>>
        tpu.enqueue_indirect_dma source(%dma_start3A_339 : memref<40000x112xf32, #tpu.memory_space<hbm>>) target(%arg9 : memref<64x112xf32, #tpu.memory_space<vmem>>) offsets(%arg12 : memref<64xi32, #tpu.memory_space<vmem>>) semaphore(%arg18 : memref<!tpu.dma_semaphore, #tpu.memory_space<semaphore_mem>>)
        %dma_start3A_340 = arith.constant 0 : i32
        %dma_start3A_341 = arith.constant 0 : i32
        %dma_start3A_342 = tpu.memref_slice %arg10[%dma_start3A_340, %dma_start3A_341] : memref<64x96xf32, #tpu.memory_space<vmem>> -> memref<64x32xf32, #tpu.memory_space<vmem>>
        %dma_start3A_343 = arith.constant 0 : i32
        %dma_start3A_344 = tpu.memref_slice %arg5[%mul3A_336, %dma_start3A_343] : memref<160000x384xf32, #tpu.memory_space<hbm>> -> memref<64x32xf32, #tpu.memory_space<hbm>>
        %dma_start3A_345 = arith.constant 0 : i32
        %dma_start3A_346 = arith.constant 0 : i32
        %dma_start3A_347 = tpu.memref_slice %arg10[%dma_start3A_345, %dma_start3A_346] : memref<64x96xf32, #tpu.memory_space<vmem>> -> memref<64x32xf32, #tpu.memory_space<vmem>>
        %dma_start3A_348 = arith.constant 0 : i32
        %dma_start3A_349 = tpu.memref_slice %arg5[%mul3A_336, %dma_start3A_348] : memref<160000x384xf32, #tpu.memory_space<hbm>> -> memref<64x32xf32, #tpu.memory_space<hbm>>
        tpu.enqueue_dma source(%dma_start3A_349 : memref<64x32xf32, #tpu.memory_space<hbm>>) target(%dma_start3A_347 : memref<64x32xf32, #tpu.memory_space<vmem>>) target_semaphore(%arg15 : memref<!tpu.dma_semaphore, #tpu.memory_space<semaphore_mem>>)
        %dma_start3A_350 = arith.constant 0 : i32
        %dma_start3A_351 = arith.constant 32 : i32
        %dma_start3A_352 = tpu.memref_slice %arg10[%dma_start3A_350, %dma_start3A_351] : memref<64x96xf32, #tpu.memory_space<vmem>> -> memref<64x32xf32, #tpu.memory_space<vmem>>
        %dma_start3A_353 = arith.constant 128 : i32
        %dma_start3A_354 = tpu.memref_slice %arg5[%mul3A_336, %dma_start3A_353] : memref<160000x384xf32, #tpu.memory_space<hbm>> -> memref<64x32xf32, #tpu.memory_space<hbm>>
        %dma_start3A_355 = arith.constant 0 : i32
        %dma_start3A_356 = arith.constant 32 : i32
        %dma_start3A_357 = tpu.memref_slice %arg10[%dma_start3A_355, %dma_start3A_356] : memref<64x96xf32, #tpu.memory_space<vmem>> -> memref<64x32xf32, #tpu.memory_space<vmem>>
        %dma_start3A_358 = arith.constant 128 : i32
        %dma_start3A_359 = tpu.memref_slice %arg5[%mul3A_336, %dma_start3A_358] : memref<160000x384xf32, #tpu.memory_space<hbm>> -> memref<64x32xf32, #tpu.memory_space<hbm>>
        tpu.enqueue_dma source(%dma_start3A_359 : memref<64x32xf32, #tpu.memory_space<hbm>>) target(%dma_start3A_357 : memref<64x32xf32, #tpu.memory_space<vmem>>) target_semaphore(%arg15 : memref<!tpu.dma_semaphore, #tpu.memory_space<semaphore_mem>>)
        %dma_start3A_360 = arith.constant 0 : i32
        %dma_start3A_361 = arith.constant 64 : i32
        %dma_start3A_362 = tpu.memref_slice %arg10[%dma_start3A_360, %dma_start3A_361] : memref<64x96xf32, #tpu.memory_space<vmem>> -> memref<64x32xf32, #tpu.memory_space<vmem>>
        %dma_start3A_363 = arith.constant 256 : i32
        %dma_start3A_364 = tpu.memref_slice %arg5[%mul3A_336, %dma_start3A_363] : memref<160000x384xf32, #tpu.memory_space<hbm>> -> memref<64x32xf32, #tpu.memory_space<hbm>>
        %dma_start3A_365 = arith.constant 0 : i32
        %dma_start3A_366 = arith.constant 64 : i32
        %dma_start3A_367 = tpu.memref_slice %arg10[%dma_start3A_365, %dma_start3A_366] : memref<64x96xf32, #tpu.memory_space<vmem>> -> memref<64x32xf32, #tpu.memory_space<vmem>>
        %dma_start3A_368 = arith.constant 256 : i32
        %dma_start3A_369 = tpu.memref_slice %arg5[%mul3A_336, %dma_start3A_368] : memref<160000x384xf32, #tpu.memory_space<hbm>> -> memref<64x32xf32, #tpu.memory_space<hbm>>
        tpu.enqueue_dma source(%dma_start3A_369 : memref<64x32xf32, #tpu.memory_space<hbm>>) target(%dma_start3A_367 : memref<64x32xf32, #tpu.memory_space<vmem>>) target_semaphore(%arg15 : memref<!tpu.dma_semaphore, #tpu.memory_space<semaphore_mem>>)
        %dma_start3A_370 = arith.constant 0 : i32
        %dma_start3A_371 = tpu.memref_slice %arg6[%mul3A_336, %dma_start3A_370] : memref<160000x16xf32, #tpu.memory_space<hbm>> -> memref<64x16xf32, #tpu.memory_space<hbm>>
        %dma_start3A_372 = arith.constant 0 : i32
        %dma_start3A_373 = tpu.memref_slice %arg6[%mul3A_336, %dma_start3A_372] : memref<160000x16xf32, #tpu.memory_space<hbm>> -> memref<64x16xf32, #tpu.memory_space<hbm>>
        tpu.enqueue_dma source(%dma_start3A_373 : memref<64x16xf32, #tpu.memory_space<hbm>>) target(%arg11 : memref<64x16xf32, #tpu.memory_space<vmem>>) target_semaphore(%arg15 : memref<!tpu.dma_semaphore, #tpu.memory_space<semaphore_mem>>)
      } else {
      }
      %lt3A_325 = arith.constant 2500 : i32
      %lt3A_326 = arith.cmpi slt, %add3A_305, %lt3A_325 : i32
      %convert_element_type3A_327 = arith.extui %lt3A_326 : i1 to i32
      %cond3A_328 = arith.constant 0 : i32
      %cond3A_329 = arith.cmpi ne, %convert_element_type3A_327, %cond3A_328 : i32
      scf.if %cond3A_329 {
        %gt3A = arith.constant 0 : i32
        %gt3A_331 = arith.cmpi sgt, %scan3A_292, %gt3A : i32
        %convert_element_type3A_332 = arith.extui %gt3A_331 : i1 to i32
        %cond3A_333 = arith.constant 0 : i32
        %cond3A_334 = arith.cmpi ne, %convert_element_type3A_332, %cond3A_333 : i32
        scf.if %cond3A_334 {
          %dma_wait3A_375 = arith.constant 0 : i32
          %dma_wait3A_376 = arith.constant 0 : i32
          %dma_wait3A_377 = tpu.memref_slice %arg29[%dma_wait3A_375, %dma_wait3A_376] : memref<10000x128xf32, #tpu.memory_space<vmem_shared>> -> memref<10000x128xf32, #tpu.memory_space<vmem_shared>>
          tpu.wait_indirect_dma semaphore(%arg26 : memref<!tpu.dma_semaphore, #tpu.memory_space<semaphore_mem>>) src(%arg24 : memref<64x128xf32, #tpu.memory_space<vmem>>) dst(%dma_wait3A_377 : memref<10000x128xf32, #tpu.memory_space<vmem_shared>>)
        } else {
        }
        %mul3A_335 = arith.constant 64 : i32
        %mul3A_336 = arith.muli %add3A_305, %mul3A_335 : i32
        %dma_start3A_337 = tpu.memref_slice %arg4[%mul3A_336] : memref<160000xi32, #tpu.memory_space<hbm>> -> memref<64xi32, #tpu.memory_space<hbm>>
        %dma_start3A_338 = tpu.memref_slice %arg4[%mul3A_336] : memref<160000xi32, #tpu.memory_space<hbm>> -> memref<64xi32, #tpu.memory_space<hbm>>
        tpu.enqueue_dma source(%dma_start3A_338 : memref<64xi32, #tpu.memory_space<hbm>>) target(%arg23 : memref<64xi32, #tpu.memory_space<vmem>>) target_semaphore(%arg26 : memref<!tpu.dma_semaphore, #tpu.memory_space<semaphore_mem>>)
        %dma_wait3A_339 = arith.constant 0 : i32
        %dma_wait3A_340 = arith.constant 0 : i32
        %dma_wait3A_341 = tpu.memref_slice %arg2[%dma_wait3A_339, %dma_wait3A_340] : memref<40000x112xf32, #tpu.memory_space<hbm>> -> memref<40000x112xf32, #tpu.memory_space<hbm>>
        tpu.wait_indirect_dma semaphore(%arg28 : memref<!tpu.dma_semaphore, #tpu.memory_space<semaphore_mem>>) src(%dma_wait3A_341 : memref<40000x112xf32, #tpu.memory_space<hbm>>) dst(%arg19 : memref<64x112xf32, #tpu.memory_space<vmem>>)
        %dma_wait3A_342 = arith.constant 0 : i32
        %dma_wait3A_343 = arith.constant 0 : i32
        %dma_wait3A_344 = tpu.memref_slice %arg5[%dma_wait3A_342, %dma_wait3A_343] : memref<160000x384xf32, #tpu.memory_space<hbm>> -> memref<64x96xf32, #tpu.memory_space<hbm>>
        %dma_wait3A_345 = arith.constant 0 : i32
        %dma_wait3A_346 = arith.constant 0 : i32
        %dma_wait3A_347 = tpu.memref_slice %arg5[%dma_wait3A_345, %dma_wait3A_346] : memref<160000x384xf32, #tpu.memory_space<hbm>> -> memref<64x96xf32, #tpu.memory_space<hbm>>
        tpu.wait_dma2 semaphore(%arg25 : memref<!tpu.dma_semaphore, #tpu.memory_space<semaphore_mem>>) src(%dma_wait3A_347 : memref<64x96xf32, #tpu.memory_space<hbm>>) dst(%arg20 : memref<64x96xf32, #tpu.memory_space<vmem>>)
        %dma_wait3A_348 = arith.constant 0 : i32
        %dma_wait3A_349 = arith.constant 0 : i32
        %dma_wait3A_350 = tpu.memref_slice %arg6[%dma_wait3A_348, %dma_wait3A_349] : memref<160000x16xf32, #tpu.memory_space<hbm>> -> memref<64x16xf32, #tpu.memory_space<hbm>>
        %dma_wait3A_351 = arith.constant 0 : i32
        %dma_wait3A_352 = arith.constant 0 : i32
        %dma_wait3A_353 = tpu.memref_slice %arg6[%dma_wait3A_351, %dma_wait3A_352] : memref<160000x16xf32, #tpu.memory_space<hbm>> -> memref<64x16xf32, #tpu.memory_space<hbm>>
        tpu.wait_dma2 semaphore(%arg25 : memref<!tpu.dma_semaphore, #tpu.memory_space<semaphore_mem>>) src(%dma_wait3A_353 : memref<64x16xf32, #tpu.memory_space<hbm>>) dst(%arg21 : memref<64x16xf32, #tpu.memory_space<vmem>>)
        %add3A_354 = arith.constant 64 : i32
        %add3A_355 = arith.addi %add3A_305, %add3A_354 : i32
        %lt3A_356 = arith.constant 2500 : i32
        %lt3A_357 = arith.cmpi slt, %add3A_355, %lt3A_356 : i32
        %convert_element_type3A_358 = arith.extui %lt3A_357 : i1 to i32
        %cond3A_359 = arith.constant 0 : i32
        %cond3A_360 = arith.cmpi ne, %convert_element_type3A_358, %cond3A_359 : i32
        scf.if %cond3A_360 {
          %mul3A_375 = arith.constant 64 : i32
          %mul3A_376 = arith.muli %add3A_355, %mul3A_375 : i32
          %add3A_377 = arith.constant 0 : i32
          %add3A_378 = arith.addi %add3A_377, %mul3A_376 : i32
          %dma_start3A_379 = tpu.memref_slice %arg3[%add3A_378] : memref<640000xi32, #tpu.memory_space<hbm>> -> memref<64xi32, #tpu.memory_space<hbm>>
          %dma_start3A_380 = tpu.memref_slice %arg3[%add3A_378] : memref<640000xi32, #tpu.memory_space<hbm>> -> memref<64xi32, #tpu.memory_space<hbm>>
          tpu.enqueue_dma source(%dma_start3A_380 : memref<64xi32, #tpu.memory_space<hbm>>) target(%arg22 : memref<64xi32, #tpu.memory_space<vmem>>) target_semaphore(%arg27 : memref<!tpu.dma_semaphore, #tpu.memory_space<semaphore_mem>>)
        } else {
        }
        %scan3A_361 = arith.constant 0 : i32
        %scan3A_362 = arith.constant 0 : i32
        %scan3A_363 = arith.constant 64 : i32
        %scan3A_364 = arith.addi %scan3A_362, %scan3A_363 : i32
        %scan3A_365 = arith.constant 1 : i32
        %scan3A_366 = scf.for %scan3A_375 = %scan3A_362 to %scan3A_364 step %scan3A_365 iter_args(%scan3A_376 = %scan3A_361) -> (i32)  : i32 {
          %get3A = arith.index_cast %scan3A_375 : i32 to index
          %get3A_377 = arith.constant 96 : index
          %get3A_378 = tpu.vector_load %arg19[%get3A, %get3A_377] {strides = array<i32>} : memref<64x112xf32, #tpu.memory_space<vmem>>, vector<1x16xf32>,
          %get3A_379 = vector.shape_cast %get3A_378 : vector<1x16xf32> to vector<16xf32>
          %slice3A = vector.extract_strided_slice %get3A_379 {offsets = [0], sizes = [1], strides = [1]} : vector<16xf32> to vector<1xf32>
          %squeeze3A = vector.extract %slice3A[0] : f32 from vector<1xf32>
          %slice3A_380 = vector.extract_strided_slice %get3A_379 {offsets = [1], sizes = [1], strides = [1]} : vector<16xf32> to vector<1xf32>
          %squeeze3A_381 = vector.extract %slice3A_380[0] : f32 from vector<1xf32>
          %slice3A_382 = vector.extract_strided_slice %get3A_379 {offsets = [2], sizes = [1], strides = [1]} : vector<16xf32> to vector<1xf32>
          %squeeze3A_383 = vector.extract %slice3A_382[0] : f32 from vector<1xf32>
          %get3A_384 = arith.index_cast %scan3A_375 : i32 to index
          %get3A_385 = arith.constant 0 : index
          %get3A_386 = tpu.vector_load %arg21[%get3A_384, %get3A_385] {strides = array<i32>} : memref<64x16xf32, #tpu.memory_space<vmem>>, vector<1x16xf32>,
          %get3A_387 = vector.shape_cast %get3A_386 : vector<1x16xf32> to vector<16xf32>
          %slice3A_388 = vector.extract_strided_slice %get3A_387 {offsets = [0], sizes = [1], strides = [1]} : vector<16xf32> to vector<1xf32>
          %squeeze3A_389 = vector.extract %slice3A_388[0] : f32 from vector<1xf32>
          %slice3A_390 = vector.extract_strided_slice %get3A_387 {offsets = [1], sizes = [1], strides = [1]} : vector<16xf32> to vector<1xf32>
          %squeeze3A_391 = vector.extract %slice3A_390[0] : f32 from vector<1xf32>
          %slice3A_392 = vector.extract_strided_slice %get3A_387 {offsets = [2], sizes = [1], strides = [1]} : vector<16xf32> to vector<1xf32>
          %squeeze3A_393 = vector.extract %slice3A_392[0] : f32 from vector<1xf32>
          %get3A_394 = arith.index_cast %scan3A_375 : i32 to index
          %get3A_395 = arith.constant 0 : index
          %get3A_396 = tpu.vector_load %arg19[%get3A_394, %get3A_395] {strides = array<i32>} : memref<64x112xf32, #tpu.memory_space<vmem>>, vector<1x16xf32>,
          %get3A_397 = vector.shape_cast %get3A_396 : vector<1x16xf32> to vector<16xf32>
          %get3A_398 = arith.index_cast %scan3A_375 : i32 to index
          %get3A_399 = arith.constant 32 : index
          %get3A_400 = tpu.vector_load %arg19[%get3A_398, %get3A_399] {strides = array<i32>} : memref<64x112xf32, #tpu.memory_space<vmem>>, vector<1x16xf32>,
          %get3A_401 = vector.shape_cast %get3A_400 : vector<1x16xf32> to vector<16xf32>
          %get3A_402 = arith.index_cast %scan3A_375 : i32 to index
          %get3A_403 = arith.constant 64 : index
          %get3A_404 = tpu.vector_load %arg19[%get3A_402, %get3A_403] {strides = array<i32>} : memref<64x112xf32, #tpu.memory_space<vmem>>, vector<1x16xf32>,
          %get3A_405 = vector.shape_cast %get3A_404 : vector<1x16xf32> to vector<16xf32>
          %get3A_406 = arith.index_cast %scan3A_375 : i32 to index
          %get3A_407 = arith.constant 0 : index
          %get3A_408 = tpu.vector_load %arg20[%get3A_406, %get3A_407] {strides = array<i32>} : memref<64x96xf32, #tpu.memory_space<vmem>>, vector<1x16xf32>,
          %get3A_409 = vector.shape_cast %get3A_408 : vector<1x16xf32> to vector<16xf32>
          %get3A_410 = arith.index_cast %scan3A_375 : i32 to index
          %get3A_411 = arith.constant 32 : index
          %get3A_412 = tpu.vector_load %arg20[%get3A_410, %get3A_411] {strides = array<i32>} : memref<64x96xf32, #tpu.memory_space<vmem>>, vector<1x16xf32>,
          %get3A_413 = vector.shape_cast %get3A_412 : vector<1x16xf32> to vector<16xf32>
          %get3A_414 = arith.index_cast %scan3A_375 : i32 to index
          %get3A_415 = arith.constant 64 : index
          %get3A_416 = tpu.vector_load %arg20[%get3A_414, %get3A_415] {strides = array<i32>} : memref<64x96xf32, #tpu.memory_space<vmem>>, vector<1x16xf32>,
          %get3A_417 = vector.shape_cast %get3A_416 : vector<1x16xf32> to vector<16xf32>
          %mul3A_418 = arith.mulf %get3A_413, %get3A_401 : vector<16xf32>
          %mul3A_419 = arith.mulf %get3A_417, %get3A_405 : vector<16xf32>
          %mul3A_420 = arith.mulf %get3A_409, %get3A_397 : vector<16xf32>
          %swap3A = arith.index_cast %scan3A_375 : i32 to index
          %swap3A_421 = arith.constant 0 : index
          %swap3A_422 = tpu.vector_load %arg24[%swap3A, %swap3A_421] {strides = array<i32>} : memref<64x128xf32, #tpu.memory_space<vmem>>, vector<1x16xf32>,
          %swap3A_423 = vector.shape_cast %swap3A_422 : vector<1x16xf32> to vector<16xf32>
          %swap3A_424 = vector.shape_cast %mul3A_420 : vector<16xf32> to vector<1x16xf32>
          tpu.vector_store %arg24[%swap3A, %swap3A_421], %swap3A_424 {strides = array<i32>} : memref<64x128xf32, #tpu.memory_space<vmem>>, vector<1x16xf32>,
          %mul3A_425 = vector.broadcast %squeeze3A_389 : f32 to vector<16xf32>
          %mul3A_426 = arith.mulf %mul3A_418, %mul3A_425 : vector<16xf32>
          %mul3A_427 = vector.broadcast %squeeze3A : f32 to vector<16xf32>
          %mul3A_428 = arith.mulf %mul3A_419, %mul3A_427 : vector<16xf32>
          %add3A_429 = arith.addf %mul3A_426, %mul3A_428 : vector<16xf32>
          %swap3A_430 = arith.index_cast %scan3A_375 : i32 to index
          %swap3A_431 = arith.constant 32 : index
          %swap3A_432 = tpu.vector_load %arg24[%swap3A_430, %swap3A_431] {strides = array<i32>} : memref<64x128xf32, #tpu.memory_space<vmem>>, vector<1x16xf32>,
          %swap3A_433 = vector.shape_cast %swap3A_432 : vector<1x16xf32> to vector<16xf32>
          %swap3A_434 = vector.shape_cast %add3A_429 : vector<16xf32> to vector<1x16xf32>
          tpu.vector_store %arg24[%swap3A_430, %swap3A_431], %swap3A_434 {strides = array<i32>} : memref<64x128xf32, #tpu.memory_space<vmem>>, vector<1x16xf32>,
          %mul3A_435 = vector.broadcast %squeeze3A_391 : f32 to vector<16xf32>
          %mul3A_436 = arith.mulf %mul3A_418, %mul3A_435 : vector<16xf32>
          %mul3A_437 = vector.broadcast %squeeze3A_381 : f32 to vector<16xf32>
          %mul3A_438 = arith.mulf %mul3A_419, %mul3A_437 : vector<16xf32>
          %add3A_439 = arith.addf %mul3A_436, %mul3A_438 : vector<16xf32>
          %swap3A_440 = arith.index_cast %scan3A_375 : i32 to index
          %swap3A_441 = arith.constant 64 : index
          %swap3A_442 = tpu.vector_load %arg24[%swap3A_440, %swap3A_441] {strides = array<i32>} : memref<64x128xf32, #tpu.memory_space<vmem>>, vector<1x16xf32>,
          %swap3A_443 = vector.shape_cast %swap3A_442 : vector<1x16xf32> to vector<16xf32>
          %swap3A_444 = vector.shape_cast %add3A_439 : vector<16xf32> to vector<1x16xf32>
          tpu.vector_store %arg24[%swap3A_440, %swap3A_441], %swap3A_444 {strides = array<i32>} : memref<64x128xf32, #tpu.memory_space<vmem>>, vector<1x16xf32>,
          %mul3A_445 = vector.broadcast %squeeze3A_393 : f32 to vector<16xf32>
          %mul3A_446 = arith.mulf %mul3A_418, %mul3A_445 : vector<16xf32>
          %mul3A_447 = vector.broadcast %squeeze3A_383 : f32 to vector<16xf32>
          %mul3A_448 = arith.mulf %mul3A_419, %mul3A_447 : vector<16xf32>
          %add3A_449 = arith.addf %mul3A_446, %mul3A_448 : vector<16xf32>
          %swap3A_450 = arith.index_cast %scan3A_375 : i32 to index
          %swap3A_451 = arith.constant 96 : index
          %swap3A_452 = tpu.vector_load %arg24[%swap3A_450, %swap3A_451] {strides = array<i32>} : memref<64x128xf32, #tpu.memory_space<vmem>>, vector<1x16xf32>,
          %swap3A_453 = vector.shape_cast %swap3A_452 : vector<1x16xf32> to vector<16xf32>
          %swap3A_454 = vector.shape_cast %add3A_449 : vector<16xf32> to vector<1x16xf32>
          tpu.vector_store %arg24[%swap3A_450, %swap3A_451], %swap3A_454 {strides = array<i32>} : memref<64x128xf32, #tpu.memory_space<vmem>>, vector<1x16xf32>,
          %get3A_455 = arith.index_cast %scan3A_375 : i32 to index
          %get3A_456 = arith.constant 16 : index
          %get3A_457 = tpu.vector_load %arg19[%get3A_455, %get3A_456] {strides = array<i32>} : memref<64x112xf32, #tpu.memory_space<vmem>>, vector<1x16xf32>,
          %get3A_458 = vector.shape_cast %get3A_457 : vector<1x16xf32> to vector<16xf32>
          %get3A_459 = arith.index_cast %scan3A_375 : i32 to index
          %get3A_460 = arith.constant 48 : index
          %get3A_461 = tpu.vector_load %arg19[%get3A_459, %get3A_460] {strides = array<i32>} : memref<64x112xf32, #tpu.memory_space<vmem>>, vector<1x16xf32>,
          %get3A_462 = vector.shape_cast %get3A_461 : vector<1x16xf32> to vector<16xf32>
          %get3A_463 = arith.index_cast %scan3A_375 : i32 to index
          %get3A_464 = arith.constant 80 : index
          %get3A_465 = tpu.vector_load %arg19[%get3A_463, %get3A_464] {strides = array<i32>} : memref<64x112xf32, #tpu.memory_space<vmem>>, vector<1x16xf32>,
          %get3A_466 = vector.shape_cast %get3A_465 : vector<1x16xf32> to vector<16xf32>
          %get3A_467 = arith.index_cast %scan3A_375 : i32 to index
          %get3A_468 = arith.constant 16 : index
          %get3A_469 = tpu.vector_load %arg20[%get3A_467, %get3A_468] {strides = array<i32>} : memref<64x96xf32, #tpu.memory_space<vmem>>, vector<1x16xf32>,
          %get3A_470 = vector.shape_cast %get3A_469 : vector<1x16xf32> to vector<16xf32>
          %get3A_471 = arith.index_cast %scan3A_375 : i32 to index
          %get3A_472 = arith.constant 48 : index
          %get3A_473 = tpu.vector_load %arg20[%get3A_471, %get3A_472] {strides = array<i32>} : memref<64x96xf32, #tpu.memory_space<vmem>>, vector<1x16xf32>,
          %get3A_474 = vector.shape_cast %get3A_473 : vector<1x16xf32> to vector<16xf32>
          %get3A_475 = arith.index_cast %scan3A_375 : i32 to index
          %get3A_476 = arith.constant 80 : index
          %get3A_477 = tpu.vector_load %arg20[%get3A_475, %get3A_476] {strides = array<i32>} : memref<64x96xf32, #tpu.memory_space<vmem>>, vector<1x16xf32>,
          %get3A_478 = vector.shape_cast %get3A_477 : vector<1x16xf32> to vector<16xf32>
          %mul3A_479 = arith.mulf %get3A_474, %get3A_462 : vector<16xf32>
          %mul3A_480 = arith.mulf %get3A_478, %get3A_466 : vector<16xf32>
          %mul3A_481 = arith.mulf %get3A_470, %get3A_458 : vector<16xf32>
          %swap3A_482 = arith.index_cast %scan3A_375 : i32 to index
          %swap3A_483 = arith.constant 16 : index
          %swap3A_484 = tpu.vector_load %arg24[%swap3A_482, %swap3A_483] {strides = array<i32>} : memref<64x128xf32, #tpu.memory_space<vmem>>, vector<1x16xf32>,
          %swap3A_485 = vector.shape_cast %swap3A_484 : vector<1x16xf32> to vector<16xf32>
          %swap3A_486 = vector.shape_cast %mul3A_481 : vector<16xf32> to vector<1x16xf32>
          tpu.vector_store %arg24[%swap3A_482, %swap3A_483], %swap3A_486 {strides = array<i32>} : memref<64x128xf32, #tpu.memory_space<vmem>>, vector<1x16xf32>,
          %mul3A_487 = vector.broadcast %squeeze3A_389 : f32 to vector<16xf32>
          %mul3A_488 = arith.mulf %mul3A_479, %mul3A_487 : vector<16xf32>
          %mul3A_489 = vector.broadcast %squeeze3A : f32 to vector<16xf32>
          %mul3A_490 = arith.mulf %mul3A_480, %mul3A_489 : vector<16xf32>
          %add3A_491 = arith.addf %mul3A_488, %mul3A_490 : vector<16xf32>
          %swap3A_492 = arith.index_cast %scan3A_375 : i32 to index
          %swap3A_493 = arith.constant 48 : index
          %swap3A_494 = tpu.vector_load %arg24[%swap3A_492, %swap3A_493] {strides = array<i32>} : memref<64x128xf32, #tpu.memory_space<vmem>>, vector<1x16xf32>,
          %swap3A_495 = vector.shape_cast %swap3A_494 : vector<1x16xf32> to vector<16xf32>
          %swap3A_496 = vector.shape_cast %add3A_491 : vector<16xf32> to vector<1x16xf32>
          tpu.vector_store %arg24[%swap3A_492, %swap3A_493], %swap3A_496 {strides = array<i32>} : memref<64x128xf32, #tpu.memory_space<vmem>>, vector<1x16xf32>,
          %mul3A_497 = vector.broadcast %squeeze3A_391 : f32 to vector<16xf32>
          %mul3A_498 = arith.mulf %mul3A_479, %mul3A_497 : vector<16xf32>
          %mul3A_499 = vector.broadcast %squeeze3A_381 : f32 to vector<16xf32>
          %mul3A_500 = arith.mulf %mul3A_480, %mul3A_499 : vector<16xf32>
          %add3A_501 = arith.addf %mul3A_498, %mul3A_500 : vector<16xf32>
          %swap3A_502 = arith.index_cast %scan3A_375 : i32 to index
          %swap3A_503 = arith.constant 80 : index
          %swap3A_504 = tpu.vector_load %arg24[%swap3A_502, %swap3A_503] {strides = array<i32>} : memref<64x128xf32, #tpu.memory_space<vmem>>, vector<1x16xf32>,
          %swap3A_505 = vector.shape_cast %swap3A_504 : vector<1x16xf32> to vector<16xf32>
          %swap3A_506 = vector.shape_cast %add3A_501 : vector<16xf32> to vector<1x16xf32>
          tpu.vector_store %arg24[%swap3A_502, %swap3A_503], %swap3A_506 {strides = array<i32>} : memref<64x128xf32, #tpu.memory_space<vmem>>, vector<1x16xf32>,
          %mul3A_507 = vector.broadcast %squeeze3A_393 : f32 to vector<16xf32>
          %mul3A_508 = arith.mulf %mul3A_479, %mul3A_507 : vector<16xf32>
          %mul3A_509 = vector.broadcast %squeeze3A_383 : f32 to vector<16xf32>
          %mul3A_510 = arith.mulf %mul3A_480, %mul3A_509 : vector<16xf32>
          %add3A_511 = arith.addf %mul3A_508, %mul3A_510 : vector<16xf32>
          %swap3A_512 = arith.index_cast %scan3A_375 : i32 to index
          %swap3A_513 = arith.constant 112 : index
          %swap3A_514 = tpu.vector_load %arg24[%swap3A_512, %swap3A_513] {strides = array<i32>} : memref<64x128xf32, #tpu.memory_space<vmem>>, vector<1x16xf32>,
          %swap3A_515 = vector.shape_cast %swap3A_514 : vector<1x16xf32> to vector<16xf32>
          %swap3A_516 = vector.shape_cast %add3A_511 : vector<16xf32> to vector<1x16xf32>
          tpu.vector_store %arg24[%swap3A_512, %swap3A_513], %swap3A_516 {strides = array<i32>} : memref<64x128xf32, #tpu.memory_space<vmem>>, vector<1x16xf32>,
          %scan3A_517 = arith.constant 0 : i32
          scf.yield %scan3A_517 : i32
        }
        %scan3A_367 = arith.constant 64 : i32
        %dma_wait3A_368 = arith.constant 0 : i32
        %dma_wait3A_369 = tpu.memref_slice %arg4[%dma_wait3A_368] : memref<160000xi32, #tpu.memory_space<hbm>> -> memref<64xi32, #tpu.memory_space<hbm>>
        %dma_wait3A_370 = arith.constant 0 : i32
        %dma_wait3A_371 = tpu.memref_slice %arg4[%dma_wait3A_370] : memref<160000xi32, #tpu.memory_space<hbm>> -> memref<64xi32, #tpu.memory_space<hbm>>
        tpu.wait_dma2 semaphore(%arg26 : memref<!tpu.dma_semaphore, #tpu.memory_space<semaphore_mem>>) src(%dma_wait3A_371 : memref<64xi32, #tpu.memory_space<hbm>>) dst(%arg23 : memref<64xi32, #tpu.memory_space<vmem>>)
        %dma_start3A_372 = arith.constant 0 : i32
        %dma_start3A_373 = arith.constant 0 : i32
        %dma_start3A_374 = tpu.memref_slice %arg29[%dma_start3A_372, %dma_start3A_373] : memref<10000x128xf32, #tpu.memory_space<vmem_shared>> -> memref<10000x128xf32, #tpu.memory_space<vmem_shared>>
        tpu.enqueue_indirect_dma source(%arg24 : memref<64x128xf32, #tpu.memory_space<vmem>>) target(%dma_start3A_374 : memref<10000x128xf32, #tpu.memory_space<vmem_shared>>) offsets(%arg23 : memref<64xi32, #tpu.memory_space<vmem>>) semaphore(%arg26 : memref<!tpu.dma_semaphore, #tpu.memory_space<semaphore_mem>>) {add = true}
      } else {
      }
      %scan3A_330 = arith.constant 0 : i32
      scf.yield %scan3A_330 : i32
    }
    %scan3A_58 = arith.constant 40 : i32
    %dma_wait3A = arith.constant 0 : i32
    %dma_wait3A_59 = arith.constant 0 : i32
    %dma_wait3A_60 = tpu.memref_slice %arg29[%dma_wait3A, %dma_wait3A_59] : memref<10000x128xf32, #tpu.memory_space<vmem_shared>> -> memref<10000x128xf32, #tpu.memory_space<vmem_shared>>
    tpu.wait_indirect_dma semaphore(%arg16 : memref<!tpu.dma_semaphore, #tpu.memory_space<semaphore_mem>>) src(%arg14 : memref<64x128xf32, #tpu.memory_space<vmem>>) dst(%dma_wait3A_60 : memref<10000x128xf32, #tpu.memory_space<vmem_shared>>)
    %dma_wait3A_61 = arith.constant 0 : i32
    %dma_wait3A_62 = arith.constant 0 : i32
    %dma_wait3A_63 = tpu.memref_slice %arg29[%dma_wait3A_61, %dma_wait3A_62] : memref<10000x128xf32, #tpu.memory_space<vmem_shared>> -> memref<10000x128xf32, #tpu.memory_space<vmem_shared>>
    tpu.wait_indirect_dma semaphore(%arg26 : memref<!tpu.dma_semaphore, #tpu.memory_space<semaphore_mem>>) src(%arg24 : memref<64x128xf32, #tpu.memory_space<vmem>>) dst(%dma_wait3A_63 : memref<10000x128xf32, #tpu.memory_space<vmem_shared>>)
    %barrier3A_64 = arith.constant 0 : index
    tpu.barrier barrier_id(%barrier3A_64)
    %mul3A_65 = arith.constant 625 : i32
    %mul3A_66 = arith.muli %arg1, %mul3A_65 : i32
    %mul3A_67 = arith.constant 625 : i32
    %mul3A_68 = arith.muli %arg1, %mul3A_67 : i32
    %run_scoped3A = arith.constant 0 : i32
    "tpu.region"() ({
      %run_scoped3A_292 = tpu.sem_alloc : memref<!tpu.dma_semaphore, #tpu.memory_space<semaphore_mem>>
      %dma_start3A_293 = arith.constant 0 : i32
      %dma_start3A_294 = tpu.memref_slice %arg8[%arg0, %run_scoped3A, %mul3A_68, %dma_start3A_293] : memref<2x4x10000x128xf32, #tpu.memory_space<hbm>> -> memref<1x1x625x128xf32, #tpu.memory_space<hbm>>
      %dma_start3A_295 = tpu.memref_squeeze %dma_start3A_294 : memref<1x1x625x128xf32, #tpu.memory_space<hbm>> -> memref<625x128xf32, #tpu.memory_space<hbm>>
      %dma_start3A_296 = arith.constant 0 : i32
      %dma_start3A_297 = tpu.memref_slice %arg29[%mul3A_66, %dma_start3A_296] : memref<10000x128xf32, #tpu.memory_space<vmem_shared>> -> memref<625x128xf32, #tpu.memory_space<vmem_shared>>
      tpu.enqueue_dma source(%dma_start3A_297 : memref<625x128xf32, #tpu.memory_space<vmem_shared>>) target(%dma_start3A_295 : memref<625x128xf32, #tpu.memory_space<hbm>>) target_semaphore(%run_scoped3A_292 : memref<!tpu.dma_semaphore, #tpu.memory_space<semaphore_mem>>)
      %dma_wait3A_298 = arith.constant 0 : i32
      %dma_wait3A_299 = tpu.memref_slice %arg8[%arg0, %run_scoped3A, %mul3A_68, %dma_wait3A_298] : memref<2x4x10000x128xf32, #tpu.memory_space<hbm>> -> memref<1x1x625x128xf32, #tpu.memory_space<hbm>>
      %dma_wait3A_300 = tpu.memref_squeeze %dma_wait3A_299 : memref<1x1x625x128xf32, #tpu.memory_space<hbm>> -> memref<625x128xf32, #tpu.memory_space<hbm>>
      %dma_wait3A_301 = arith.constant 0 : i32
      %dma_wait3A_302 = tpu.memref_slice %arg29[%mul3A_66, %dma_wait3A_301] : memref<10000x128xf32, #tpu.memory_space<vmem_shared>> -> memref<625x128xf32, #tpu.memory_space<vmem_shared>>
      tpu.wait_dma2 semaphore(%run_scoped3A_292 : memref<!tpu.dma_semaphore, #tpu.memory_space<semaphore_mem>>) src(%dma_wait3A_302 : memref<625x128xf32, #tpu.memory_space<vmem_shared>>) dst(%dma_wait3A_300 : memref<625x128xf32, #tpu.memory_space<hbm>>)
      tpu.yield
    }) : () -> ()
    %barrier3A_69 = arith.constant 0 : index
    tpu.barrier barrier_id(%barrier3A_69)
    %mul3A_70 = arith.constant 625 : i32
    %mul3A_71 = arith.muli %arg1, %mul3A_70 : i32
    "tpu.region"() ({
      %run_scoped3A_292 = tpu.sem_alloc : memref<!tpu.dma_semaphore, #tpu.memory_space<semaphore_mem>>
      %dma_start3A_293 = arith.constant 0 : i32
      %dma_start3A_294 = tpu.memref_slice %arg29[%mul3A_71, %dma_start3A_293] : memref<10000x128xf32, #tpu.memory_space<vmem_shared>> -> memref<625x128xf32, #tpu.memory_space<vmem_shared>>
      tpu.enqueue_dma source(%arg7 : memref<625x128xf32, #tpu.memory_space<hbm>>) target(%dma_start3A_294 : memref<625x128xf32, #tpu.memory_space<vmem_shared>>) target_semaphore(%run_scoped3A_292 : memref<!tpu.dma_semaphore, #tpu.memory_space<semaphore_mem>>)
      %dma_wait3A_295 = arith.constant 0 : i32
      %dma_wait3A_296 = tpu.memref_slice %arg29[%mul3A_71, %dma_wait3A_295] : memref<10000x128xf32, #tpu.memory_space<vmem_shared>> -> memref<625x128xf32, #tpu.memory_space<vmem_shared>>
      tpu.wait_dma2 semaphore(%run_scoped3A_292 : memref<!tpu.dma_semaphore, #tpu.memory_space<semaphore_mem>>) src(%arg7 : memref<625x128xf32, #tpu.memory_space<hbm>>) dst(%dma_wait3A_296 : memref<625x128xf32, #tpu.memory_space<vmem_shared>>)
      tpu.yield
    }) : () -> ()
    %barrier3A_72 = arith.constant 0 : index
    tpu.barrier barrier_id(%barrier3A_72)
    %mul3A_73 = arith.constant 64 : i32
    %mul3A_74 = arith.muli %add3A, %mul3A_73 : i32
    %add3A_75 = arith.constant 160000 : i32
    %add3A_76 = arith.addi %add3A_75, %mul3A_74 : i32
    "tpu.region"() ({
      %run_scoped3A_292 = tpu.sem_alloc : memref<!tpu.dma_semaphore, #tpu.memory_space<semaphore_mem>>
      %dma_start3A_293 = tpu.memref_slice %arg3[%add3A_76] : memref<640000xi32, #tpu.memory_space<hbm>> -> memref<64xi32, #tpu.memory_space<hbm>>
      %dma_start3A_294 = tpu.memref_slice %arg3[%add3A_76] : memref<640000xi32, #tpu.memory_space<hbm>> -> memref<64xi32, #tpu.memory_space<hbm>>
      tpu.enqueue_dma source(%dma_start3A_294 : memref<64xi32, #tpu.memory_space<hbm>>) target(%arg12 : memref<64xi32, #tpu.memory_space<vmem>>) target_semaphore(%run_scoped3A_292 : memref<!tpu.dma_semaphore, #tpu.memory_space<semaphore_mem>>)
      %dma_wait3A_295 = tpu.memref_slice %arg3[%add3A_76] : memref<640000xi32, #tpu.memory_space<hbm>> -> memref<64xi32, #tpu.memory_space<hbm>>
      %dma_wait3A_296 = tpu.memref_slice %arg3[%add3A_76] : memref<640000xi32, #tpu.memory_space<hbm>> -> memref<64xi32, #tpu.memory_space<hbm>>
      tpu.wait_dma2 semaphore(%run_scoped3A_292 : memref<!tpu.dma_semaphore, #tpu.memory_space<semaphore_mem>>) src(%dma_wait3A_296 : memref<64xi32, #tpu.memory_space<hbm>>) dst(%arg12 : memref<64xi32, #tpu.memory_space<vmem>>)
      tpu.yield
    }) : () -> ()
    %mul3A_77 = arith.constant 64 : i32
    %mul3A_78 = arith.muli %add3A, %mul3A_77 : i32
    %dma_start3A_79 = arith.constant 0 : i32
    %dma_start3A_80 = arith.constant 0 : i32
    %dma_start3A_81 = tpu.memref_slice %arg2[%dma_start3A_79, %dma_start3A_80] : memref<40000x112xf32, #tpu.memory_space<hbm>> -> memref<40000x112xf32, #tpu.memory_space<hbm>>
    tpu.enqueue_indirect_dma source(%dma_start3A_81 : memref<40000x112xf32, #tpu.memory_space<hbm>>) target(%arg9 : memref<64x112xf32, #tpu.memory_space<vmem>>) offsets(%arg12 : memref<64xi32, #tpu.memory_space<vmem>>) semaphore(%arg18 : memref<!tpu.dma_semaphore, #tpu.memory_space<semaphore_mem>>)
    %dma_start3A_82 = arith.constant 0 : i32
    %dma_start3A_83 = arith.constant 0 : i32
    %dma_start3A_84 = tpu.memref_slice %arg10[%dma_start3A_82, %dma_start3A_83] : memref<64x96xf32, #tpu.memory_space<vmem>> -> memref<64x32xf32, #tpu.memory_space<vmem>>
    %dma_start3A_85 = arith.constant 32 : i32
    %dma_start3A_86 = tpu.memref_slice %arg5[%mul3A_78, %dma_start3A_85] : memref<160000x384xf32, #tpu.memory_space<hbm>> -> memref<64x32xf32, #tpu.memory_space<hbm>>
    %dma_start3A_87 = arith.constant 0 : i32
    %dma_start3A_88 = arith.constant 0 : i32
    %dma_start3A_89 = tpu.memref_slice %arg10[%dma_start3A_87, %dma_start3A_88] : memref<64x96xf32, #tpu.memory_space<vmem>> -> memref<64x32xf32, #tpu.memory_space<vmem>>
    %dma_start3A_90 = arith.constant 32 : i32
    %dma_start3A_91 = tpu.memref_slice %arg5[%mul3A_78, %dma_start3A_90] : memref<160000x384xf32, #tpu.memory_space<hbm>> -> memref<64x32xf32, #tpu.memory_space<hbm>>
    tpu.enqueue_dma source(%dma_start3A_91 : memref<64x32xf32, #tpu.memory_space<hbm>>) target(%dma_start3A_89 : memref<64x32xf32, #tpu.memory_space<vmem>>) target_semaphore(%arg15 : memref<!tpu.dma_semaphore, #tpu.memory_space<semaphore_mem>>)
    %dma_start3A_92 = arith.constant 0 : i32
    %dma_start3A_93 = arith.constant 32 : i32
    %dma_start3A_94 = tpu.memref_slice %arg10[%dma_start3A_92, %dma_start3A_93] : memref<64x96xf32, #tpu.memory_space<vmem>> -> memref<64x32xf32, #tpu.memory_space<vmem>>
    %dma_start3A_95 = arith.constant 160 : i32
    %dma_start3A_96 = tpu.memref_slice %arg5[%mul3A_78, %dma_start3A_95] : memref<160000x384xf32, #tpu.memory_space<hbm>> -> memref<64x32xf32, #tpu.memory_space<hbm>>
    %dma_start3A_97 = arith.constant 0 : i32
    %dma_start3A_98 = arith.constant 32 : i32
    %dma_start3A_99 = tpu.memref_slice %arg10[%dma_start3A_97, %dma_start3A_98] : memref<64x96xf32, #tpu.memory_space<vmem>> -> memref<64x32xf32, #tpu.memory_space<vmem>>
    %dma_start3A_100 = arith.constant 160 : i32
    %dma_start3A_101 = tpu.memref_slice %arg5[%mul3A_78, %dma_start3A_100] : memref<160000x384xf32, #tpu.memory_space<hbm>> -> memref<64x32xf32, #tpu.memory_space<hbm>>
    tpu.enqueue_dma source(%dma_start3A_101 : memref<64x32xf32, #tpu.memory_space<hbm>>) target(%dma_start3A_99 : memref<64x32xf32, #tpu.memory_space<vmem>>) target_semaphore(%arg15 : memref<!tpu.dma_semaphore, #tpu.memory_space<semaphore_mem>>)
    %dma_start3A_102 = arith.constant 0 : i32
    %dma_start3A_103 = arith.constant 64 : i32
    %dma_start3A_104 = tpu.memref_slice %arg10[%dma_start3A_102, %dma_start3A_103] : memref<64x96xf32, #tpu.memory_space<vmem>> -> memref<64x32xf32, #tpu.memory_space<vmem>>
    %dma_start3A_105 = arith.constant 288 : i32
    %dma_start3A_106 = tpu.memref_slice %arg5[%mul3A_78, %dma_start3A_105] : memref<160000x384xf32, #tpu.memory_space<hbm>> -> memref<64x32xf32, #tpu.memory_space<hbm>>
    %dma_start3A_107 = arith.constant 0 : i32
    %dma_start3A_108 = arith.constant 64 : i32
    %dma_start3A_109 = tpu.memref_slice %arg10[%dma_start3A_107, %dma_start3A_108] : memref<64x96xf32, #tpu.memory_space<vmem>> -> memref<64x32xf32, #tpu.memory_space<vmem>>
    %dma_start3A_110 = arith.constant 288 : i32
    %dma_start3A_111 = tpu.memref_slice %arg5[%mul3A_78, %dma_start3A_110] : memref<160000x384xf32, #tpu.memory_space<hbm>> -> memref<64x32xf32, #tpu.memory_space<hbm>>
    tpu.enqueue_dma source(%dma_start3A_111 : memref<64x32xf32, #tpu.memory_space<hbm>>) target(%dma_start3A_109 : memref<64x32xf32, #tpu.memory_space<vmem>>) target_semaphore(%arg15 : memref<!tpu.dma_semaphore, #tpu.memory_space<semaphore_mem>>)
    %dma_start3A_112 = arith.constant 0 : i32
    %dma_start3A_113 = tpu.memref_slice %arg6[%mul3A_78, %dma_start3A_112] : memref<160000x16xf32, #tpu.memory_space<hbm>> -> memref<64x16xf32, #tpu.memory_space<hbm>>
    %dma_start3A_114 = arith.constant 0 : i32
    %dma_start3A_115 = tpu.memref_slice %arg6[%mul3A_78, %dma_start3A_114] : memref<160000x16xf32, #tpu.memory_space<hbm>> -> memref<64x16xf32, #tpu.memory_space<hbm>>
    tpu.enqueue_dma source(%dma_start3A_115 : memref<64x16xf32, #tpu.memory_space<hbm>>) target(%arg11 : memref<64x16xf32, #tpu.memory_space<vmem>>) target_semaphore(%arg15 : memref<!tpu.dma_semaphore, #tpu.memory_space<semaphore_mem>>)
    %add3A_116 = arith.constant 32 : i32
    %add3A_117 = arith.addi %add3A, %add3A_116 : i32
    %mul3A_118 = arith.constant 64 : i32
    %mul3A_119 = arith.muli %add3A_117, %mul3A_118 : i32
    %add3A_120 = arith.constant 160000 : i32
    %add3A_121 = arith.addi %add3A_120, %mul3A_119 : i32
    %dma_start3A_122 = tpu.memref_slice %arg3[%add3A_121] : memref<640000xi32, #tpu.memory_space<hbm>> -> memref<64xi32, #tpu.memory_space<hbm>>
    %dma_start3A_123 = tpu.memref_slice %arg3[%add3A_121] : memref<640000xi32, #tpu.memory_space<hbm>> -> memref<64xi32, #tpu.memory_space<hbm>>
    tpu.enqueue_dma source(%dma_start3A_123 : memref<64xi32, #tpu.memory_space<hbm>>) target(%arg22 : memref<64xi32, #tpu.memory_space<vmem>>) target_semaphore(%arg27 : memref<!tpu.dma_semaphore, #tpu.memory_space<semaphore_mem>>)
    %scan3A_124 = arith.constant 0 : i32
    %scan3A_125 = arith.constant 0 : i32
    %scan3A_126 = arith.constant 40 : i32
    %scan3A_127 = arith.addi %scan3A_125, %scan3A_126 : i32
    %scan3A_128 = arith.constant 1 : i32
    %scan3A_129 = scf.for %scan3A_292 = %scan3A_125 to %scan3A_127 step %scan3A_128 iter_args(%scan3A_293 = %scan3A_124) -> (i32)  : i32 {
      %mul3A_294 = arith.constant 2 : i32
      %mul3A_295 = arith.muli %mul3A_294, %scan3A_292 : i32
      %mul3A_296 = arith.constant 32 : i32
      %mul3A_297 = arith.muli %mul3A_295, %mul3A_296 : i32
      %add3A_298 = arith.addi %add3A, %mul3A_297 : i32
      %mul3A_299 = arith.constant 2 : i32
      %mul3A_300 = arith.muli %mul3A_299, %scan3A_292 : i32
      %add3A_301 = arith.constant 1 : i32
      %add3A_302 = arith.addi %mul3A_300, %add3A_301 : i32
      %mul3A_303 = arith.constant 32 : i32
      %mul3A_304 = arith.muli %add3A_302, %mul3A_303 : i32
      %add3A_305 = arith.addi %add3A, %mul3A_304 : i32
      %mul3A_306 = arith.constant 2 : i32
      %mul3A_307 = arith.muli %mul3A_306, %scan3A_292 : i32
      %add3A_308 = arith.constant 2 : i32
      %add3A_309 = arith.addi %mul3A_307, %add3A_308 : i32
      %mul3A_310 = arith.constant 32 : i32
      %mul3A_311 = arith.muli %add3A_309, %mul3A_310 : i32
      %add3A_312 = arith.addi %add3A, %mul3A_311 : i32
      %lt3A = arith.constant 2500 : i32
      %lt3A_313 = arith.cmpi slt, %add3A_305, %lt3A : i32
      %convert_element_type3A = arith.extui %lt3A_313 : i1 to i32
      %cond3A = arith.constant 0 : i32
      %cond3A_314 = arith.cmpi ne, %convert_element_type3A, %cond3A : i32
      scf.if %cond3A_314 {
        %dma_wait3A_331 = arith.constant 0 : i32
        %dma_wait3A_332 = tpu.memref_slice %arg3[%dma_wait3A_331] : memref<640000xi32, #tpu.memory_space<hbm>> -> memref<64xi32, #tpu.memory_space<hbm>>
        %dma_wait3A_333 = arith.constant 0 : i32
        %dma_wait3A_334 = tpu.memref_slice %arg3[%dma_wait3A_333] : memref<640000xi32, #tpu.memory_space<hbm>> -> memref<64xi32, #tpu.memory_space<hbm>>
        tpu.wait_dma2 semaphore(%arg27 : memref<!tpu.dma_semaphore, #tpu.memory_space<semaphore_mem>>) src(%dma_wait3A_334 : memref<64xi32, #tpu.memory_space<hbm>>) dst(%arg22 : memref<64xi32, #tpu.memory_space<vmem>>)
        %mul3A_335 = arith.constant 64 : i32
        %mul3A_336 = arith.muli %add3A_305, %mul3A_335 : i32
        %dma_start3A_337 = arith.constant 0 : i32
        %dma_start3A_338 = arith.constant 0 : i32
        %dma_start3A_339 = tpu.memref_slice %arg2[%dma_start3A_337, %dma_start3A_338] : memref<40000x112xf32, #tpu.memory_space<hbm>> -> memref<40000x112xf32, #tpu.memory_space<hbm>>
        tpu.enqueue_indirect_dma source(%dma_start3A_339 : memref<40000x112xf32, #tpu.memory_space<hbm>>) target(%arg19 : memref<64x112xf32, #tpu.memory_space<vmem>>) offsets(%arg22 : memref<64xi32, #tpu.memory_space<vmem>>) semaphore(%arg28 : memref<!tpu.dma_semaphore, #tpu.memory_space<semaphore_mem>>)
        %dma_start3A_340 = arith.constant 0 : i32
        %dma_start3A_341 = arith.constant 0 : i32
        %dma_start3A_342 = tpu.memref_slice %arg20[%dma_start3A_340, %dma_start3A_341] : memref<64x96xf32, #tpu.memory_space<vmem>> -> memref<64x32xf32, #tpu.memory_space<vmem>>
        %dma_start3A_343 = arith.constant 32 : i32
        %dma_start3A_344 = tpu.memref_slice %arg5[%mul3A_336, %dma_start3A_343] : memref<160000x384xf32, #tpu.memory_space<hbm>> -> memref<64x32xf32, #tpu.memory_space<hbm>>
        %dma_start3A_345 = arith.constant 0 : i32
        %dma_start3A_346 = arith.constant 0 : i32
        %dma_start3A_347 = tpu.memref_slice %arg20[%dma_start3A_345, %dma_start3A_346] : memref<64x96xf32, #tpu.memory_space<vmem>> -> memref<64x32xf32, #tpu.memory_space<vmem>>
        %dma_start3A_348 = arith.constant 32 : i32
        %dma_start3A_349 = tpu.memref_slice %arg5[%mul3A_336, %dma_start3A_348] : memref<160000x384xf32, #tpu.memory_space<hbm>> -> memref<64x32xf32, #tpu.memory_space<hbm>>
        tpu.enqueue_dma source(%dma_start3A_349 : memref<64x32xf32, #tpu.memory_space<hbm>>) target(%dma_start3A_347 : memref<64x32xf32, #tpu.memory_space<vmem>>) target_semaphore(%arg25 : memref<!tpu.dma_semaphore, #tpu.memory_space<semaphore_mem>>)
        %dma_start3A_350 = arith.constant 0 : i32
        %dma_start3A_351 = arith.constant 32 : i32
        %dma_start3A_352 = tpu.memref_slice %arg20[%dma_start3A_350, %dma_start3A_351] : memref<64x96xf32, #tpu.memory_space<vmem>> -> memref<64x32xf32, #tpu.memory_space<vmem>>
        %dma_start3A_353 = arith.constant 160 : i32
        %dma_start3A_354 = tpu.memref_slice %arg5[%mul3A_336, %dma_start3A_353] : memref<160000x384xf32, #tpu.memory_space<hbm>> -> memref<64x32xf32, #tpu.memory_space<hbm>>
        %dma_start3A_355 = arith.constant 0 : i32
        %dma_start3A_356 = arith.constant 32 : i32
        %dma_start3A_357 = tpu.memref_slice %arg20[%dma_start3A_355, %dma_start3A_356] : memref<64x96xf32, #tpu.memory_space<vmem>> -> memref<64x32xf32, #tpu.memory_space<vmem>>
        %dma_start3A_358 = arith.constant 160 : i32
        %dma_start3A_359 = tpu.memref_slice %arg5[%mul3A_336, %dma_start3A_358] : memref<160000x384xf32, #tpu.memory_space<hbm>> -> memref<64x32xf32, #tpu.memory_space<hbm>>
        tpu.enqueue_dma source(%dma_start3A_359 : memref<64x32xf32, #tpu.memory_space<hbm>>) target(%dma_start3A_357 : memref<64x32xf32, #tpu.memory_space<vmem>>) target_semaphore(%arg25 : memref<!tpu.dma_semaphore, #tpu.memory_space<semaphore_mem>>)
        %dma_start3A_360 = arith.constant 0 : i32
        %dma_start3A_361 = arith.constant 64 : i32
        %dma_start3A_362 = tpu.memref_slice %arg20[%dma_start3A_360, %dma_start3A_361] : memref<64x96xf32, #tpu.memory_space<vmem>> -> memref<64x32xf32, #tpu.memory_space<vmem>>
        %dma_start3A_363 = arith.constant 288 : i32
        %dma_start3A_364 = tpu.memref_slice %arg5[%mul3A_336, %dma_start3A_363] : memref<160000x384xf32, #tpu.memory_space<hbm>> -> memref<64x32xf32, #tpu.memory_space<hbm>>
        %dma_start3A_365 = arith.constant 0 : i32
        %dma_start3A_366 = arith.constant 64 : i32
        %dma_start3A_367 = tpu.memref_slice %arg20[%dma_start3A_365, %dma_start3A_366] : memref<64x96xf32, #tpu.memory_space<vmem>> -> memref<64x32xf32, #tpu.memory_space<vmem>>
        %dma_start3A_368 = arith.constant 288 : i32
        %dma_start3A_369 = tpu.memref_slice %arg5[%mul3A_336, %dma_start3A_368] : memref<160000x384xf32, #tpu.memory_space<hbm>> -> memref<64x32xf32, #tpu.memory_space<hbm>>
        tpu.enqueue_dma source(%dma_start3A_369 : memref<64x32xf32, #tpu.memory_space<hbm>>) target(%dma_start3A_367 : memref<64x32xf32, #tpu.memory_space<vmem>>) target_semaphore(%arg25 : memref<!tpu.dma_semaphore, #tpu.memory_space<semaphore_mem>>)
        %dma_start3A_370 = arith.constant 0 : i32
        %dma_start3A_371 = tpu.memref_slice %arg6[%mul3A_336, %dma_start3A_370] : memref<160000x16xf32, #tpu.memory_space<hbm>> -> memref<64x16xf32, #tpu.memory_space<hbm>>
        %dma_start3A_372 = arith.constant 0 : i32
        %dma_start3A_373 = tpu.memref_slice %arg6[%mul3A_336, %dma_start3A_372] : memref<160000x16xf32, #tpu.memory_space<hbm>> -> memref<64x16xf32, #tpu.memory_space<hbm>>
        tpu.enqueue_dma source(%dma_start3A_373 : memref<64x16xf32, #tpu.memory_space<hbm>>) target(%arg21 : memref<64x16xf32, #tpu.memory_space<vmem>>) target_semaphore(%arg25 : memref<!tpu.dma_semaphore, #tpu.memory_space<semaphore_mem>>)
      } else {
      }
      %lt3A_315 = arith.constant 2500 : i32
      %lt3A_316 = arith.cmpi slt, %add3A_298, %lt3A_315 : i32
      %convert_element_type3A_317 = arith.extui %lt3A_316 : i1 to i32
      %cond3A_318 = arith.constant 0 : i32
      %cond3A_319 = arith.cmpi ne, %convert_element_type3A_317, %cond3A_318 : i32
      scf.if %cond3A_319 {
        %gt3A = arith.constant 0 : i32
        %gt3A_331 = arith.cmpi sgt, %scan3A_292, %gt3A : i32
        %convert_element_type3A_332 = arith.extui %gt3A_331 : i1 to i32
        %cond3A_333 = arith.constant 0 : i32
        %cond3A_334 = arith.cmpi ne, %convert_element_type3A_332, %cond3A_333 : i32
        scf.if %cond3A_334 {
          %dma_wait3A_375 = arith.constant 0 : i32
          %dma_wait3A_376 = arith.constant 0 : i32
          %dma_wait3A_377 = tpu.memref_slice %arg29[%dma_wait3A_375, %dma_wait3A_376] : memref<10000x128xf32, #tpu.memory_space<vmem_shared>> -> memref<10000x128xf32, #tpu.memory_space<vmem_shared>>
          tpu.wait_indirect_dma semaphore(%arg16 : memref<!tpu.dma_semaphore, #tpu.memory_space<semaphore_mem>>) src(%arg14 : memref<64x128xf32, #tpu.memory_space<vmem>>) dst(%dma_wait3A_377 : memref<10000x128xf32, #tpu.memory_space<vmem_shared>>)
        } else {
        }
        %mul3A_335 = arith.constant 64 : i32
        %mul3A_336 = arith.muli %add3A_298, %mul3A_335 : i32
        %dma_start3A_337 = tpu.memref_slice %arg4[%mul3A_336] : memref<160000xi32, #tpu.memory_space<hbm>> -> memref<64xi32, #tpu.memory_space<hbm>>
        %dma_start3A_338 = tpu.memref_slice %arg4[%mul3A_336] : memref<160000xi32, #tpu.memory_space<hbm>> -> memref<64xi32, #tpu.memory_space<hbm>>
        tpu.enqueue_dma source(%dma_start3A_338 : memref<64xi32, #tpu.memory_space<hbm>>) target(%arg13 : memref<64xi32, #tpu.memory_space<vmem>>) target_semaphore(%arg16 : memref<!tpu.dma_semaphore, #tpu.memory_space<semaphore_mem>>)
        %dma_wait3A_339 = arith.constant 0 : i32
        %dma_wait3A_340 = arith.constant 0 : i32
        %dma_wait3A_341 = tpu.memref_slice %arg2[%dma_wait3A_339, %dma_wait3A_340] : memref<40000x112xf32, #tpu.memory_space<hbm>> -> memref<40000x112xf32, #tpu.memory_space<hbm>>
        tpu.wait_indirect_dma semaphore(%arg18 : memref<!tpu.dma_semaphore, #tpu.memory_space<semaphore_mem>>) src(%dma_wait3A_341 : memref<40000x112xf32, #tpu.memory_space<hbm>>) dst(%arg9 : memref<64x112xf32, #tpu.memory_space<vmem>>)
        %dma_wait3A_342 = arith.constant 0 : i32
        %dma_wait3A_343 = arith.constant 0 : i32
        %dma_wait3A_344 = tpu.memref_slice %arg5[%dma_wait3A_342, %dma_wait3A_343] : memref<160000x384xf32, #tpu.memory_space<hbm>> -> memref<64x96xf32, #tpu.memory_space<hbm>>
        %dma_wait3A_345 = arith.constant 0 : i32
        %dma_wait3A_346 = arith.constant 0 : i32
        %dma_wait3A_347 = tpu.memref_slice %arg5[%dma_wait3A_345, %dma_wait3A_346] : memref<160000x384xf32, #tpu.memory_space<hbm>> -> memref<64x96xf32, #tpu.memory_space<hbm>>
        tpu.wait_dma2 semaphore(%arg15 : memref<!tpu.dma_semaphore, #tpu.memory_space<semaphore_mem>>) src(%dma_wait3A_347 : memref<64x96xf32, #tpu.memory_space<hbm>>) dst(%arg10 : memref<64x96xf32, #tpu.memory_space<vmem>>)
        %dma_wait3A_348 = arith.constant 0 : i32
        %dma_wait3A_349 = arith.constant 0 : i32
        %dma_wait3A_350 = tpu.memref_slice %arg6[%dma_wait3A_348, %dma_wait3A_349] : memref<160000x16xf32, #tpu.memory_space<hbm>> -> memref<64x16xf32, #tpu.memory_space<hbm>>
        %dma_wait3A_351 = arith.constant 0 : i32
        %dma_wait3A_352 = arith.constant 0 : i32
        %dma_wait3A_353 = tpu.memref_slice %arg6[%dma_wait3A_351, %dma_wait3A_352] : memref<160000x16xf32, #tpu.memory_space<hbm>> -> memref<64x16xf32, #tpu.memory_space<hbm>>
        tpu.wait_dma2 semaphore(%arg15 : memref<!tpu.dma_semaphore, #tpu.memory_space<semaphore_mem>>) src(%dma_wait3A_353 : memref<64x16xf32, #tpu.memory_space<hbm>>) dst(%arg11 : memref<64x16xf32, #tpu.memory_space<vmem>>)
        %add3A_354 = arith.constant 64 : i32
        %add3A_355 = arith.addi %add3A_298, %add3A_354 : i32
        %lt3A_356 = arith.constant 2500 : i32
        %lt3A_357 = arith.cmpi slt, %add3A_355, %lt3A_356 : i32
        %convert_element_type3A_358 = arith.extui %lt3A_357 : i1 to i32
        %cond3A_359 = arith.constant 0 : i32
        %cond3A_360 = arith.cmpi ne, %convert_element_type3A_358, %cond3A_359 : i32
        scf.if %cond3A_360 {
          %mul3A_375 = arith.constant 64 : i32
          %mul3A_376 = arith.muli %add3A_355, %mul3A_375 : i32
          %add3A_377 = arith.constant 160000 : i32
          %add3A_378 = arith.addi %add3A_377, %mul3A_376 : i32
          %dma_start3A_379 = tpu.memref_slice %arg3[%add3A_378] : memref<640000xi32, #tpu.memory_space<hbm>> -> memref<64xi32, #tpu.memory_space<hbm>>
          %dma_start3A_380 = tpu.memref_slice %arg3[%add3A_378] : memref<640000xi32, #tpu.memory_space<hbm>> -> memref<64xi32, #tpu.memory_space<hbm>>
          tpu.enqueue_dma source(%dma_start3A_380 : memref<64xi32, #tpu.memory_space<hbm>>) target(%arg12 : memref<64xi32, #tpu.memory_space<vmem>>) target_semaphore(%arg17 : memref<!tpu.dma_semaphore, #tpu.memory_space<semaphore_mem>>)
        } else {
        }
        %scan3A_361 = arith.constant 0 : i32
        %scan3A_362 = arith.constant 0 : i32
        %scan3A_363 = arith.constant 64 : i32
        %scan3A_364 = arith.addi %scan3A_362, %scan3A_363 : i32
        %scan3A_365 = arith.constant 1 : i32
        %scan3A_366 = scf.for %scan3A_375 = %scan3A_362 to %scan3A_364 step %scan3A_365 iter_args(%scan3A_376 = %scan3A_361) -> (i32)  : i32 {
          %get3A = arith.index_cast %scan3A_375 : i32 to index
          %get3A_377 = arith.constant 96 : index
          %get3A_378 = tpu.vector_load %arg9[%get3A, %get3A_377] {strides = array<i32>} : memref<64x112xf32, #tpu.memory_space<vmem>>, vector<1x16xf32>,
          %get3A_379 = vector.shape_cast %get3A_378 : vector<1x16xf32> to vector<16xf32>
          %slice3A = vector.extract_strided_slice %get3A_379 {offsets = [0], sizes = [1], strides = [1]} : vector<16xf32> to vector<1xf32>
          %squeeze3A = vector.extract %slice3A[0] : f32 from vector<1xf32>
          %slice3A_380 = vector.extract_strided_slice %get3A_379 {offsets = [1], sizes = [1], strides = [1]} : vector<16xf32> to vector<1xf32>
          %squeeze3A_381 = vector.extract %slice3A_380[0] : f32 from vector<1xf32>
          %slice3A_382 = vector.extract_strided_slice %get3A_379 {offsets = [2], sizes = [1], strides = [1]} : vector<16xf32> to vector<1xf32>
          %squeeze3A_383 = vector.extract %slice3A_382[0] : f32 from vector<1xf32>
          %get3A_384 = arith.index_cast %scan3A_375 : i32 to index
          %get3A_385 = arith.constant 0 : index
          %get3A_386 = tpu.vector_load %arg11[%get3A_384, %get3A_385] {strides = array<i32>} : memref<64x16xf32, #tpu.memory_space<vmem>>, vector<1x16xf32>,
          %get3A_387 = vector.shape_cast %get3A_386 : vector<1x16xf32> to vector<16xf32>
          %slice3A_388 = vector.extract_strided_slice %get3A_387 {offsets = [0], sizes = [1], strides = [1]} : vector<16xf32> to vector<1xf32>
          %squeeze3A_389 = vector.extract %slice3A_388[0] : f32 from vector<1xf32>
          %slice3A_390 = vector.extract_strided_slice %get3A_387 {offsets = [1], sizes = [1], strides = [1]} : vector<16xf32> to vector<1xf32>
          %squeeze3A_391 = vector.extract %slice3A_390[0] : f32 from vector<1xf32>
          %slice3A_392 = vector.extract_strided_slice %get3A_387 {offsets = [2], sizes = [1], strides = [1]} : vector<16xf32> to vector<1xf32>
          %squeeze3A_393 = vector.extract %slice3A_392[0] : f32 from vector<1xf32>
          %get3A_394 = arith.index_cast %scan3A_375 : i32 to index
          %get3A_395 = arith.constant 0 : index
          %get3A_396 = tpu.vector_load %arg9[%get3A_394, %get3A_395] {strides = array<i32>} : memref<64x112xf32, #tpu.memory_space<vmem>>, vector<1x16xf32>,
          %get3A_397 = vector.shape_cast %get3A_396 : vector<1x16xf32> to vector<16xf32>
          %get3A_398 = arith.index_cast %scan3A_375 : i32 to index
          %get3A_399 = arith.constant 32 : index
          %get3A_400 = tpu.vector_load %arg9[%get3A_398, %get3A_399] {strides = array<i32>} : memref<64x112xf32, #tpu.memory_space<vmem>>, vector<1x16xf32>,
          %get3A_401 = vector.shape_cast %get3A_400 : vector<1x16xf32> to vector<16xf32>
          %get3A_402 = arith.index_cast %scan3A_375 : i32 to index
          %get3A_403 = arith.constant 64 : index
          %get3A_404 = tpu.vector_load %arg9[%get3A_402, %get3A_403] {strides = array<i32>} : memref<64x112xf32, #tpu.memory_space<vmem>>, vector<1x16xf32>,
          %get3A_405 = vector.shape_cast %get3A_404 : vector<1x16xf32> to vector<16xf32>
          %get3A_406 = arith.index_cast %scan3A_375 : i32 to index
          %get3A_407 = arith.constant 0 : index
          %get3A_408 = tpu.vector_load %arg10[%get3A_406, %get3A_407] {strides = array<i32>} : memref<64x96xf32, #tpu.memory_space<vmem>>, vector<1x16xf32>,
          %get3A_409 = vector.shape_cast %get3A_408 : vector<1x16xf32> to vector<16xf32>
          %get3A_410 = arith.index_cast %scan3A_375 : i32 to index
          %get3A_411 = arith.constant 32 : index
          %get3A_412 = tpu.vector_load %arg10[%get3A_410, %get3A_411] {strides = array<i32>} : memref<64x96xf32, #tpu.memory_space<vmem>>, vector<1x16xf32>,
          %get3A_413 = vector.shape_cast %get3A_412 : vector<1x16xf32> to vector<16xf32>
          %get3A_414 = arith.index_cast %scan3A_375 : i32 to index
          %get3A_415 = arith.constant 64 : index
          %get3A_416 = tpu.vector_load %arg10[%get3A_414, %get3A_415] {strides = array<i32>} : memref<64x96xf32, #tpu.memory_space<vmem>>, vector<1x16xf32>,
          %get3A_417 = vector.shape_cast %get3A_416 : vector<1x16xf32> to vector<16xf32>
          %mul3A_418 = arith.mulf %get3A_413, %get3A_401 : vector<16xf32>
          %mul3A_419 = arith.mulf %get3A_417, %get3A_405 : vector<16xf32>
          %mul3A_420 = arith.mulf %get3A_409, %get3A_397 : vector<16xf32>
          %swap3A = arith.index_cast %scan3A_375 : i32 to index
          %swap3A_421 = arith.constant 0 : index
          %swap3A_422 = tpu.vector_load %arg14[%swap3A, %swap3A_421] {strides = array<i32>} : memref<64x128xf32, #tpu.memory_space<vmem>>, vector<1x16xf32>,
          %swap3A_423 = vector.shape_cast %swap3A_422 : vector<1x16xf32> to vector<16xf32>
          %swap3A_424 = vector.shape_cast %mul3A_420 : vector<16xf32> to vector<1x16xf32>
          tpu.vector_store %arg14[%swap3A, %swap3A_421], %swap3A_424 {strides = array<i32>} : memref<64x128xf32, #tpu.memory_space<vmem>>, vector<1x16xf32>,
          %mul3A_425 = vector.broadcast %squeeze3A_389 : f32 to vector<16xf32>
          %mul3A_426 = arith.mulf %mul3A_418, %mul3A_425 : vector<16xf32>
          %mul3A_427 = vector.broadcast %squeeze3A : f32 to vector<16xf32>
          %mul3A_428 = arith.mulf %mul3A_419, %mul3A_427 : vector<16xf32>
          %add3A_429 = arith.addf %mul3A_426, %mul3A_428 : vector<16xf32>
          %swap3A_430 = arith.index_cast %scan3A_375 : i32 to index
          %swap3A_431 = arith.constant 32 : index
          %swap3A_432 = tpu.vector_load %arg14[%swap3A_430, %swap3A_431] {strides = array<i32>} : memref<64x128xf32, #tpu.memory_space<vmem>>, vector<1x16xf32>,
          %swap3A_433 = vector.shape_cast %swap3A_432 : vector<1x16xf32> to vector<16xf32>
          %swap3A_434 = vector.shape_cast %add3A_429 : vector<16xf32> to vector<1x16xf32>
          tpu.vector_store %arg14[%swap3A_430, %swap3A_431], %swap3A_434 {strides = array<i32>} : memref<64x128xf32, #tpu.memory_space<vmem>>, vector<1x16xf32>,
          %mul3A_435 = vector.broadcast %squeeze3A_391 : f32 to vector<16xf32>
          %mul3A_436 = arith.mulf %mul3A_418, %mul3A_435 : vector<16xf32>
          %mul3A_437 = vector.broadcast %squeeze3A_381 : f32 to vector<16xf32>
          %mul3A_438 = arith.mulf %mul3A_419, %mul3A_437 : vector<16xf32>
          %add3A_439 = arith.addf %mul3A_436, %mul3A_438 : vector<16xf32>
          %swap3A_440 = arith.index_cast %scan3A_375 : i32 to index
          %swap3A_441 = arith.constant 64 : index
          %swap3A_442 = tpu.vector_load %arg14[%swap3A_440, %swap3A_441] {strides = array<i32>} : memref<64x128xf32, #tpu.memory_space<vmem>>, vector<1x16xf32>,
          %swap3A_443 = vector.shape_cast %swap3A_442 : vector<1x16xf32> to vector<16xf32>
          %swap3A_444 = vector.shape_cast %add3A_439 : vector<16xf32> to vector<1x16xf32>
          tpu.vector_store %arg14[%swap3A_440, %swap3A_441], %swap3A_444 {strides = array<i32>} : memref<64x128xf32, #tpu.memory_space<vmem>>, vector<1x16xf32>,
          %mul3A_445 = vector.broadcast %squeeze3A_393 : f32 to vector<16xf32>
          %mul3A_446 = arith.mulf %mul3A_418, %mul3A_445 : vector<16xf32>
          %mul3A_447 = vector.broadcast %squeeze3A_383 : f32 to vector<16xf32>
          %mul3A_448 = arith.mulf %mul3A_419, %mul3A_447 : vector<16xf32>
          %add3A_449 = arith.addf %mul3A_446, %mul3A_448 : vector<16xf32>
          %swap3A_450 = arith.index_cast %scan3A_375 : i32 to index
          %swap3A_451 = arith.constant 96 : index
          %swap3A_452 = tpu.vector_load %arg14[%swap3A_450, %swap3A_451] {strides = array<i32>} : memref<64x128xf32, #tpu.memory_space<vmem>>, vector<1x16xf32>,
          %swap3A_453 = vector.shape_cast %swap3A_452 : vector<1x16xf32> to vector<16xf32>
          %swap3A_454 = vector.shape_cast %add3A_449 : vector<16xf32> to vector<1x16xf32>
          tpu.vector_store %arg14[%swap3A_450, %swap3A_451], %swap3A_454 {strides = array<i32>} : memref<64x128xf32, #tpu.memory_space<vmem>>, vector<1x16xf32>,
          %get3A_455 = arith.index_cast %scan3A_375 : i32 to index
          %get3A_456 = arith.constant 16 : index
          %get3A_457 = tpu.vector_load %arg9[%get3A_455, %get3A_456] {strides = array<i32>} : memref<64x112xf32, #tpu.memory_space<vmem>>, vector<1x16xf32>,
          %get3A_458 = vector.shape_cast %get3A_457 : vector<1x16xf32> to vector<16xf32>
          %get3A_459 = arith.index_cast %scan3A_375 : i32 to index
          %get3A_460 = arith.constant 48 : index
          %get3A_461 = tpu.vector_load %arg9[%get3A_459, %get3A_460] {strides = array<i32>} : memref<64x112xf32, #tpu.memory_space<vmem>>, vector<1x16xf32>,
          %get3A_462 = vector.shape_cast %get3A_461 : vector<1x16xf32> to vector<16xf32>
          %get3A_463 = arith.index_cast %scan3A_375 : i32 to index
          %get3A_464 = arith.constant 80 : index
          %get3A_465 = tpu.vector_load %arg9[%get3A_463, %get3A_464] {strides = array<i32>} : memref<64x112xf32, #tpu.memory_space<vmem>>, vector<1x16xf32>,
          %get3A_466 = vector.shape_cast %get3A_465 : vector<1x16xf32> to vector<16xf32>
          %get3A_467 = arith.index_cast %scan3A_375 : i32 to index
          %get3A_468 = arith.constant 16 : index
          %get3A_469 = tpu.vector_load %arg10[%get3A_467, %get3A_468] {strides = array<i32>} : memref<64x96xf32, #tpu.memory_space<vmem>>, vector<1x16xf32>,
          %get3A_470 = vector.shape_cast %get3A_469 : vector<1x16xf32> to vector<16xf32>
          %get3A_471 = arith.index_cast %scan3A_375 : i32 to index
          %get3A_472 = arith.constant 48 : index
          %get3A_473 = tpu.vector_load %arg10[%get3A_471, %get3A_472] {strides = array<i32>} : memref<64x96xf32, #tpu.memory_space<vmem>>, vector<1x16xf32>,
          %get3A_474 = vector.shape_cast %get3A_473 : vector<1x16xf32> to vector<16xf32>
          %get3A_475 = arith.index_cast %scan3A_375 : i32 to index
          %get3A_476 = arith.constant 80 : index
          %get3A_477 = tpu.vector_load %arg10[%get3A_475, %get3A_476] {strides = array<i32>} : memref<64x96xf32, #tpu.memory_space<vmem>>, vector<1x16xf32>,
          %get3A_478 = vector.shape_cast %get3A_477 : vector<1x16xf32> to vector<16xf32>
          %mul3A_479 = arith.mulf %get3A_474, %get3A_462 : vector<16xf32>
          %mul3A_480 = arith.mulf %get3A_478, %get3A_466 : vector<16xf32>
          %mul3A_481 = arith.mulf %get3A_470, %get3A_458 : vector<16xf32>
          %swap3A_482 = arith.index_cast %scan3A_375 : i32 to index
          %swap3A_483 = arith.constant 16 : index
          %swap3A_484 = tpu.vector_load %arg14[%swap3A_482, %swap3A_483] {strides = array<i32>} : memref<64x128xf32, #tpu.memory_space<vmem>>, vector<1x16xf32>,
          %swap3A_485 = vector.shape_cast %swap3A_484 : vector<1x16xf32> to vector<16xf32>
          %swap3A_486 = vector.shape_cast %mul3A_481 : vector<16xf32> to vector<1x16xf32>
          tpu.vector_store %arg14[%swap3A_482, %swap3A_483], %swap3A_486 {strides = array<i32>} : memref<64x128xf32, #tpu.memory_space<vmem>>, vector<1x16xf32>,
          %mul3A_487 = vector.broadcast %squeeze3A_389 : f32 to vector<16xf32>
          %mul3A_488 = arith.mulf %mul3A_479, %mul3A_487 : vector<16xf32>
          %mul3A_489 = vector.broadcast %squeeze3A : f32 to vector<16xf32>
          %mul3A_490 = arith.mulf %mul3A_480, %mul3A_489 : vector<16xf32>
          %add3A_491 = arith.addf %mul3A_488, %mul3A_490 : vector<16xf32>
          %swap3A_492 = arith.index_cast %scan3A_375 : i32 to index
          %swap3A_493 = arith.constant 48 : index
          %swap3A_494 = tpu.vector_load %arg14[%swap3A_492, %swap3A_493] {strides = array<i32>} : memref<64x128xf32, #tpu.memory_space<vmem>>, vector<1x16xf32>,
          %swap3A_495 = vector.shape_cast %swap3A_494 : vector<1x16xf32> to vector<16xf32>
          %swap3A_496 = vector.shape_cast %add3A_491 : vector<16xf32> to vector<1x16xf32>
          tpu.vector_store %arg14[%swap3A_492, %swap3A_493], %swap3A_496 {strides = array<i32>} : memref<64x128xf32, #tpu.memory_space<vmem>>, vector<1x16xf32>,
          %mul3A_497 = vector.broadcast %squeeze3A_391 : f32 to vector<16xf32>
          %mul3A_498 = arith.mulf %mul3A_479, %mul3A_497 : vector<16xf32>
          %mul3A_499 = vector.broadcast %squeeze3A_381 : f32 to vector<16xf32>
          %mul3A_500 = arith.mulf %mul3A_480, %mul3A_499 : vector<16xf32>
          %add3A_501 = arith.addf %mul3A_498, %mul3A_500 : vector<16xf32>
          %swap3A_502 = arith.index_cast %scan3A_375 : i32 to index
          %swap3A_503 = arith.constant 80 : index
          %swap3A_504 = tpu.vector_load %arg14[%swap3A_502, %swap3A_503] {strides = array<i32>} : memref<64x128xf32, #tpu.memory_space<vmem>>, vector<1x16xf32>,
          %swap3A_505 = vector.shape_cast %swap3A_504 : vector<1x16xf32> to vector<16xf32>
          %swap3A_506 = vector.shape_cast %add3A_501 : vector<16xf32> to vector<1x16xf32>
          tpu.vector_store %arg14[%swap3A_502, %swap3A_503], %swap3A_506 {strides = array<i32>} : memref<64x128xf32, #tpu.memory_space<vmem>>, vector<1x16xf32>,
          %mul3A_507 = vector.broadcast %squeeze3A_393 : f32 to vector<16xf32>
          %mul3A_508 = arith.mulf %mul3A_479, %mul3A_507 : vector<16xf32>
          %mul3A_509 = vector.broadcast %squeeze3A_383 : f32 to vector<16xf32>
          %mul3A_510 = arith.mulf %mul3A_480, %mul3A_509 : vector<16xf32>
          %add3A_511 = arith.addf %mul3A_508, %mul3A_510 : vector<16xf32>
          %swap3A_512 = arith.index_cast %scan3A_375 : i32 to index
          %swap3A_513 = arith.constant 112 : index
          %swap3A_514 = tpu.vector_load %arg14[%swap3A_512, %swap3A_513] {strides = array<i32>} : memref<64x128xf32, #tpu.memory_space<vmem>>, vector<1x16xf32>,
          %swap3A_515 = vector.shape_cast %swap3A_514 : vector<1x16xf32> to vector<16xf32>
          %swap3A_516 = vector.shape_cast %add3A_511 : vector<16xf32> to vector<1x16xf32>
          tpu.vector_store %arg14[%swap3A_512, %swap3A_513], %swap3A_516 {strides = array<i32>} : memref<64x128xf32, #tpu.memory_space<vmem>>, vector<1x16xf32>,
          %scan3A_517 = arith.constant 0 : i32
          scf.yield %scan3A_517 : i32
        }
        %scan3A_367 = arith.constant 64 : i32
        %dma_wait3A_368 = arith.constant 0 : i32
        %dma_wait3A_369 = tpu.memref_slice %arg4[%dma_wait3A_368] : memref<160000xi32, #tpu.memory_space<hbm>> -> memref<64xi32, #tpu.memory_space<hbm>>
        %dma_wait3A_370 = arith.constant 0 : i32
        %dma_wait3A_371 = tpu.memref_slice %arg4[%dma_wait3A_370] : memref<160000xi32, #tpu.memory_space<hbm>> -> memref<64xi32, #tpu.memory_space<hbm>>
        tpu.wait_dma2 semaphore(%arg16 : memref<!tpu.dma_semaphore, #tpu.memory_space<semaphore_mem>>) src(%dma_wait3A_371 : memref<64xi32, #tpu.memory_space<hbm>>) dst(%arg13 : memref<64xi32, #tpu.memory_space<vmem>>)
        %dma_start3A_372 = arith.constant 0 : i32
        %dma_start3A_373 = arith.constant 0 : i32
        %dma_start3A_374 = tpu.memref_slice %arg29[%dma_start3A_372, %dma_start3A_373] : memref<10000x128xf32, #tpu.memory_space<vmem_shared>> -> memref<10000x128xf32, #tpu.memory_space<vmem_shared>>
        tpu.enqueue_indirect_dma source(%arg14 : memref<64x128xf32, #tpu.memory_space<vmem>>) target(%dma_start3A_374 : memref<10000x128xf32, #tpu.memory_space<vmem_shared>>) offsets(%arg13 : memref<64xi32, #tpu.memory_space<vmem>>) semaphore(%arg16 : memref<!tpu.dma_semaphore, #tpu.memory_space<semaphore_mem>>) {add = true}
      } else {
      }
      %lt3A_320 = arith.constant 2500 : i32
      %lt3A_321 = arith.cmpi slt, %add3A_312, %lt3A_320 : i32
      %convert_element_type3A_322 = arith.extui %lt3A_321 : i1 to i32
      %cond3A_323 = arith.constant 0 : i32
      %cond3A_324 = arith.cmpi ne, %convert_element_type3A_322, %cond3A_323 : i32
      scf.if %cond3A_324 {
        %dma_wait3A_331 = arith.constant 0 : i32
        %dma_wait3A_332 = tpu.memref_slice %arg3[%dma_wait3A_331] : memref<640000xi32, #tpu.memory_space<hbm>> -> memref<64xi32, #tpu.memory_space<hbm>>
        %dma_wait3A_333 = arith.constant 0 : i32
        %dma_wait3A_334 = tpu.memref_slice %arg3[%dma_wait3A_333] : memref<640000xi32, #tpu.memory_space<hbm>> -> memref<64xi32, #tpu.memory_space<hbm>>
        tpu.wait_dma2 semaphore(%arg17 : memref<!tpu.dma_semaphore, #tpu.memory_space<semaphore_mem>>) src(%dma_wait3A_334 : memref<64xi32, #tpu.memory_space<hbm>>) dst(%arg12 : memref<64xi32, #tpu.memory_space<vmem>>)
        %mul3A_335 = arith.constant 64 : i32
        %mul3A_336 = arith.muli %add3A_312, %mul3A_335 : i32
        %dma_start3A_337 = arith.constant 0 : i32
        %dma_start3A_338 = arith.constant 0 : i32
        %dma_start3A_339 = tpu.memref_slice %arg2[%dma_start3A_337, %dma_start3A_338] : memref<40000x112xf32, #tpu.memory_space<hbm>> -> memref<40000x112xf32, #tpu.memory_space<hbm>>
        tpu.enqueue_indirect_dma source(%dma_start3A_339 : memref<40000x112xf32, #tpu.memory_space<hbm>>) target(%arg9 : memref<64x112xf32, #tpu.memory_space<vmem>>) offsets(%arg12 : memref<64xi32, #tpu.memory_space<vmem>>) semaphore(%arg18 : memref<!tpu.dma_semaphore, #tpu.memory_space<semaphore_mem>>)
        %dma_start3A_340 = arith.constant 0 : i32
        %dma_start3A_341 = arith.constant 0 : i32
        %dma_start3A_342 = tpu.memref_slice %arg10[%dma_start3A_340, %dma_start3A_341] : memref<64x96xf32, #tpu.memory_space<vmem>> -> memref<64x32xf32, #tpu.memory_space<vmem>>
        %dma_start3A_343 = arith.constant 32 : i32
        %dma_start3A_344 = tpu.memref_slice %arg5[%mul3A_336, %dma_start3A_343] : memref<160000x384xf32, #tpu.memory_space<hbm>> -> memref<64x32xf32, #tpu.memory_space<hbm>>
        %dma_start3A_345 = arith.constant 0 : i32
        %dma_start3A_346 = arith.constant 0 : i32
        %dma_start3A_347 = tpu.memref_slice %arg10[%dma_start3A_345, %dma_start3A_346] : memref<64x96xf32, #tpu.memory_space<vmem>> -> memref<64x32xf32, #tpu.memory_space<vmem>>
        %dma_start3A_348 = arith.constant 32 : i32
        %dma_start3A_349 = tpu.memref_slice %arg5[%mul3A_336, %dma_start3A_348] : memref<160000x384xf32, #tpu.memory_space<hbm>> -> memref<64x32xf32, #tpu.memory_space<hbm>>
        tpu.enqueue_dma source(%dma_start3A_349 : memref<64x32xf32, #tpu.memory_space<hbm>>) target(%dma_start3A_347 : memref<64x32xf32, #tpu.memory_space<vmem>>) target_semaphore(%arg15 : memref<!tpu.dma_semaphore, #tpu.memory_space<semaphore_mem>>)
        %dma_start3A_350 = arith.constant 0 : i32
        %dma_start3A_351 = arith.constant 32 : i32
        %dma_start3A_352 = tpu.memref_slice %arg10[%dma_start3A_350, %dma_start3A_351] : memref<64x96xf32, #tpu.memory_space<vmem>> -> memref<64x32xf32, #tpu.memory_space<vmem>>
        %dma_start3A_353 = arith.constant 160 : i32
        %dma_start3A_354 = tpu.memref_slice %arg5[%mul3A_336, %dma_start3A_353] : memref<160000x384xf32, #tpu.memory_space<hbm>> -> memref<64x32xf32, #tpu.memory_space<hbm>>
        %dma_start3A_355 = arith.constant 0 : i32
        %dma_start3A_356 = arith.constant 32 : i32
        %dma_start3A_357 = tpu.memref_slice %arg10[%dma_start3A_355, %dma_start3A_356] : memref<64x96xf32, #tpu.memory_space<vmem>> -> memref<64x32xf32, #tpu.memory_space<vmem>>
        %dma_start3A_358 = arith.constant 160 : i32
        %dma_start3A_359 = tpu.memref_slice %arg5[%mul3A_336, %dma_start3A_358] : memref<160000x384xf32, #tpu.memory_space<hbm>> -> memref<64x32xf32, #tpu.memory_space<hbm>>
        tpu.enqueue_dma source(%dma_start3A_359 : memref<64x32xf32, #tpu.memory_space<hbm>>) target(%dma_start3A_357 : memref<64x32xf32, #tpu.memory_space<vmem>>) target_semaphore(%arg15 : memref<!tpu.dma_semaphore, #tpu.memory_space<semaphore_mem>>)
        %dma_start3A_360 = arith.constant 0 : i32
        %dma_start3A_361 = arith.constant 64 : i32
        %dma_start3A_362 = tpu.memref_slice %arg10[%dma_start3A_360, %dma_start3A_361] : memref<64x96xf32, #tpu.memory_space<vmem>> -> memref<64x32xf32, #tpu.memory_space<vmem>>
        %dma_start3A_363 = arith.constant 288 : i32
        %dma_start3A_364 = tpu.memref_slice %arg5[%mul3A_336, %dma_start3A_363] : memref<160000x384xf32, #tpu.memory_space<hbm>> -> memref<64x32xf32, #tpu.memory_space<hbm>>
        %dma_start3A_365 = arith.constant 0 : i32
        %dma_start3A_366 = arith.constant 64 : i32
        %dma_start3A_367 = tpu.memref_slice %arg10[%dma_start3A_365, %dma_start3A_366] : memref<64x96xf32, #tpu.memory_space<vmem>> -> memref<64x32xf32, #tpu.memory_space<vmem>>
        %dma_start3A_368 = arith.constant 288 : i32
        %dma_start3A_369 = tpu.memref_slice %arg5[%mul3A_336, %dma_start3A_368] : memref<160000x384xf32, #tpu.memory_space<hbm>> -> memref<64x32xf32, #tpu.memory_space<hbm>>
        tpu.enqueue_dma source(%dma_start3A_369 : memref<64x32xf32, #tpu.memory_space<hbm>>) target(%dma_start3A_367 : memref<64x32xf32, #tpu.memory_space<vmem>>) target_semaphore(%arg15 : memref<!tpu.dma_semaphore, #tpu.memory_space<semaphore_mem>>)
        %dma_start3A_370 = arith.constant 0 : i32
        %dma_start3A_371 = tpu.memref_slice %arg6[%mul3A_336, %dma_start3A_370] : memref<160000x16xf32, #tpu.memory_space<hbm>> -> memref<64x16xf32, #tpu.memory_space<hbm>>
        %dma_start3A_372 = arith.constant 0 : i32
        %dma_start3A_373 = tpu.memref_slice %arg6[%mul3A_336, %dma_start3A_372] : memref<160000x16xf32, #tpu.memory_space<hbm>> -> memref<64x16xf32, #tpu.memory_space<hbm>>
        tpu.enqueue_dma source(%dma_start3A_373 : memref<64x16xf32, #tpu.memory_space<hbm>>) target(%arg11 : memref<64x16xf32, #tpu.memory_space<vmem>>) target_semaphore(%arg15 : memref<!tpu.dma_semaphore, #tpu.memory_space<semaphore_mem>>)
      } else {
      }
      %lt3A_325 = arith.constant 2500 : i32
      %lt3A_326 = arith.cmpi slt, %add3A_305, %lt3A_325 : i32
      %convert_element_type3A_327 = arith.extui %lt3A_326 : i1 to i32
      %cond3A_328 = arith.constant 0 : i32
      %cond3A_329 = arith.cmpi ne, %convert_element_type3A_327, %cond3A_328 : i32
      scf.if %cond3A_329 {
        %gt3A = arith.constant 0 : i32
        %gt3A_331 = arith.cmpi sgt, %scan3A_292, %gt3A : i32
        %convert_element_type3A_332 = arith.extui %gt3A_331 : i1 to i32
        %cond3A_333 = arith.constant 0 : i32
        %cond3A_334 = arith.cmpi ne, %convert_element_type3A_332, %cond3A_333 : i32
        scf.if %cond3A_334 {
          %dma_wait3A_375 = arith.constant 0 : i32
          %dma_wait3A_376 = arith.constant 0 : i32
          %dma_wait3A_377 = tpu.memref_slice %arg29[%dma_wait3A_375, %dma_wait3A_376] : memref<10000x128xf32, #tpu.memory_space<vmem_shared>> -> memref<10000x128xf32, #tpu.memory_space<vmem_shared>>
          tpu.wait_indirect_dma semaphore(%arg26 : memref<!tpu.dma_semaphore, #tpu.memory_space<semaphore_mem>>) src(%arg24 : memref<64x128xf32, #tpu.memory_space<vmem>>) dst(%dma_wait3A_377 : memref<10000x128xf32, #tpu.memory_space<vmem_shared>>)
        } else {
        }
        %mul3A_335 = arith.constant 64 : i32
        %mul3A_336 = arith.muli %add3A_305, %mul3A_335 : i32
        %dma_start3A_337 = tpu.memref_slice %arg4[%mul3A_336] : memref<160000xi32, #tpu.memory_space<hbm>> -> memref<64xi32, #tpu.memory_space<hbm>>
        %dma_start3A_338 = tpu.memref_slice %arg4[%mul3A_336] : memref<160000xi32, #tpu.memory_space<hbm>> -> memref<64xi32, #tpu.memory_space<hbm>>
        tpu.enqueue_dma source(%dma_start3A_338 : memref<64xi32, #tpu.memory_space<hbm>>) target(%arg23 : memref<64xi32, #tpu.memory_space<vmem>>) target_semaphore(%arg26 : memref<!tpu.dma_semaphore, #tpu.memory_space<semaphore_mem>>)
        %dma_wait3A_339 = arith.constant 0 : i32
        %dma_wait3A_340 = arith.constant 0 : i32
        %dma_wait3A_341 = tpu.memref_slice %arg2[%dma_wait3A_339, %dma_wait3A_340] : memref<40000x112xf32, #tpu.memory_space<hbm>> -> memref<40000x112xf32, #tpu.memory_space<hbm>>
        tpu.wait_indirect_dma semaphore(%arg28 : memref<!tpu.dma_semaphore, #tpu.memory_space<semaphore_mem>>) src(%dma_wait3A_341 : memref<40000x112xf32, #tpu.memory_space<hbm>>) dst(%arg19 : memref<64x112xf32, #tpu.memory_space<vmem>>)
        %dma_wait3A_342 = arith.constant 0 : i32
        %dma_wait3A_343 = arith.constant 0 : i32
        %dma_wait3A_344 = tpu.memref_slice %arg5[%dma_wait3A_342, %dma_wait3A_343] : memref<160000x384xf32, #tpu.memory_space<hbm>> -> memref<64x96xf32, #tpu.memory_space<hbm>>
        %dma_wait3A_345 = arith.constant 0 : i32
        %dma_wait3A_346 = arith.constant 0 : i32
        %dma_wait3A_347 = tpu.memref_slice %arg5[%dma_wait3A_345, %dma_wait3A_346] : memref<160000x384xf32, #tpu.memory_space<hbm>> -> memref<64x96xf32, #tpu.memory_space<hbm>>
        tpu.wait_dma2 semaphore(%arg25 : memref<!tpu.dma_semaphore, #tpu.memory_space<semaphore_mem>>) src(%dma_wait3A_347 : memref<64x96xf32, #tpu.memory_space<hbm>>) dst(%arg20 : memref<64x96xf32, #tpu.memory_space<vmem>>)
        %dma_wait3A_348 = arith.constant 0 : i32
        %dma_wait3A_349 = arith.constant 0 : i32
        %dma_wait3A_350 = tpu.memref_slice %arg6[%dma_wait3A_348, %dma_wait3A_349] : memref<160000x16xf32, #tpu.memory_space<hbm>> -> memref<64x16xf32, #tpu.memory_space<hbm>>
        %dma_wait3A_351 = arith.constant 0 : i32
        %dma_wait3A_352 = arith.constant 0 : i32
        %dma_wait3A_353 = tpu.memref_slice %arg6[%dma_wait3A_351, %dma_wait3A_352] : memref<160000x16xf32, #tpu.memory_space<hbm>> -> memref<64x16xf32, #tpu.memory_space<hbm>>
        tpu.wait_dma2 semaphore(%arg25 : memref<!tpu.dma_semaphore, #tpu.memory_space<semaphore_mem>>) src(%dma_wait3A_353 : memref<64x16xf32, #tpu.memory_space<hbm>>) dst(%arg21 : memref<64x16xf32, #tpu.memory_space<vmem>>)
        %add3A_354 = arith.constant 64 : i32
        %add3A_355 = arith.addi %add3A_305, %add3A_354 : i32
        %lt3A_356 = arith.constant 2500 : i32
        %lt3A_357 = arith.cmpi slt, %add3A_355, %lt3A_356 : i32
        %convert_element_type3A_358 = arith.extui %lt3A_357 : i1 to i32
        %cond3A_359 = arith.constant 0 : i32
        %cond3A_360 = arith.cmpi ne, %convert_element_type3A_358, %cond3A_359 : i32
        scf.if %cond3A_360 {
          %mul3A_375 = arith.constant 64 : i32
          %mul3A_376 = arith.muli %add3A_355, %mul3A_375 : i32
          %add3A_377 = arith.constant 160000 : i32
          %add3A_378 = arith.addi %add3A_377, %mul3A_376 : i32
          %dma_start3A_379 = tpu.memref_slice %arg3[%add3A_378] : memref<640000xi32, #tpu.memory_space<hbm>> -> memref<64xi32, #tpu.memory_space<hbm>>
          %dma_start3A_380 = tpu.memref_slice %arg3[%add3A_378] : memref<640000xi32, #tpu.memory_space<hbm>> -> memref<64xi32, #tpu.memory_space<hbm>>
          tpu.enqueue_dma source(%dma_start3A_380 : memref<64xi32, #tpu.memory_space<hbm>>) target(%arg22 : memref<64xi32, #tpu.memory_space<vmem>>) target_semaphore(%arg27 : memref<!tpu.dma_semaphore, #tpu.memory_space<semaphore_mem>>)
        } else {
        }
        %scan3A_361 = arith.constant 0 : i32
        %scan3A_362 = arith.constant 0 : i32
        %scan3A_363 = arith.constant 64 : i32
        %scan3A_364 = arith.addi %scan3A_362, %scan3A_363 : i32
        %scan3A_365 = arith.constant 1 : i32
        %scan3A_366 = scf.for %scan3A_375 = %scan3A_362 to %scan3A_364 step %scan3A_365 iter_args(%scan3A_376 = %scan3A_361) -> (i32)  : i32 {
          %get3A = arith.index_cast %scan3A_375 : i32 to index
          %get3A_377 = arith.constant 96 : index
          %get3A_378 = tpu.vector_load %arg19[%get3A, %get3A_377] {strides = array<i32>} : memref<64x112xf32, #tpu.memory_space<vmem>>, vector<1x16xf32>,
          %get3A_379 = vector.shape_cast %get3A_378 : vector<1x16xf32> to vector<16xf32>
          %slice3A = vector.extract_strided_slice %get3A_379 {offsets = [0], sizes = [1], strides = [1]} : vector<16xf32> to vector<1xf32>
          %squeeze3A = vector.extract %slice3A[0] : f32 from vector<1xf32>
          %slice3A_380 = vector.extract_strided_slice %get3A_379 {offsets = [1], sizes = [1], strides = [1]} : vector<16xf32> to vector<1xf32>
          %squeeze3A_381 = vector.extract %slice3A_380[0] : f32 from vector<1xf32>
          %slice3A_382 = vector.extract_strided_slice %get3A_379 {offsets = [2], sizes = [1], strides = [1]} : vector<16xf32> to vector<1xf32>
          %squeeze3A_383 = vector.extract %slice3A_382[0] : f32 from vector<1xf32>
          %get3A_384 = arith.index_cast %scan3A_375 : i32 to index
          %get3A_385 = arith.constant 0 : index
          %get3A_386 = tpu.vector_load %arg21[%get3A_384, %get3A_385] {strides = array<i32>} : memref<64x16xf32, #tpu.memory_space<vmem>>, vector<1x16xf32>,
          %get3A_387 = vector.shape_cast %get3A_386 : vector<1x16xf32> to vector<16xf32>
          %slice3A_388 = vector.extract_strided_slice %get3A_387 {offsets = [0], sizes = [1], strides = [1]} : vector<16xf32> to vector<1xf32>
          %squeeze3A_389 = vector.extract %slice3A_388[0] : f32 from vector<1xf32>
          %slice3A_390 = vector.extract_strided_slice %get3A_387 {offsets = [1], sizes = [1], strides = [1]} : vector<16xf32> to vector<1xf32>
          %squeeze3A_391 = vector.extract %slice3A_390[0] : f32 from vector<1xf32>
          %slice3A_392 = vector.extract_strided_slice %get3A_387 {offsets = [2], sizes = [1], strides = [1]} : vector<16xf32> to vector<1xf32>
          %squeeze3A_393 = vector.extract %slice3A_392[0] : f32 from vector<1xf32>
          %get3A_394 = arith.index_cast %scan3A_375 : i32 to index
          %get3A_395 = arith.constant 0 : index
          %get3A_396 = tpu.vector_load %arg19[%get3A_394, %get3A_395] {strides = array<i32>} : memref<64x112xf32, #tpu.memory_space<vmem>>, vector<1x16xf32>,
          %get3A_397 = vector.shape_cast %get3A_396 : vector<1x16xf32> to vector<16xf32>
          %get3A_398 = arith.index_cast %scan3A_375 : i32 to index
          %get3A_399 = arith.constant 32 : index
          %get3A_400 = tpu.vector_load %arg19[%get3A_398, %get3A_399] {strides = array<i32>} : memref<64x112xf32, #tpu.memory_space<vmem>>, vector<1x16xf32>,
          %get3A_401 = vector.shape_cast %get3A_400 : vector<1x16xf32> to vector<16xf32>
          %get3A_402 = arith.index_cast %scan3A_375 : i32 to index
          %get3A_403 = arith.constant 64 : index
          %get3A_404 = tpu.vector_load %arg19[%get3A_402, %get3A_403] {strides = array<i32>} : memref<64x112xf32, #tpu.memory_space<vmem>>, vector<1x16xf32>,
          %get3A_405 = vector.shape_cast %get3A_404 : vector<1x16xf32> to vector<16xf32>
          %get3A_406 = arith.index_cast %scan3A_375 : i32 to index
          %get3A_407 = arith.constant 0 : index
          %get3A_408 = tpu.vector_load %arg20[%get3A_406, %get3A_407] {strides = array<i32>} : memref<64x96xf32, #tpu.memory_space<vmem>>, vector<1x16xf32>,
          %get3A_409 = vector.shape_cast %get3A_408 : vector<1x16xf32> to vector<16xf32>
          %get3A_410 = arith.index_cast %scan3A_375 : i32 to index
          %get3A_411 = arith.constant 32 : index
          %get3A_412 = tpu.vector_load %arg20[%get3A_410, %get3A_411] {strides = array<i32>} : memref<64x96xf32, #tpu.memory_space<vmem>>, vector<1x16xf32>,
          %get3A_413 = vector.shape_cast %get3A_412 : vector<1x16xf32> to vector<16xf32>
          %get3A_414 = arith.index_cast %scan3A_375 : i32 to index
          %get3A_415 = arith.constant 64 : index
          %get3A_416 = tpu.vector_load %arg20[%get3A_414, %get3A_415] {strides = array<i32>} : memref<64x96xf32, #tpu.memory_space<vmem>>, vector<1x16xf32>,
          %get3A_417 = vector.shape_cast %get3A_416 : vector<1x16xf32> to vector<16xf32>
          %mul3A_418 = arith.mulf %get3A_413, %get3A_401 : vector<16xf32>
          %mul3A_419 = arith.mulf %get3A_417, %get3A_405 : vector<16xf32>
          %mul3A_420 = arith.mulf %get3A_409, %get3A_397 : vector<16xf32>
          %swap3A = arith.index_cast %scan3A_375 : i32 to index
          %swap3A_421 = arith.constant 0 : index
          %swap3A_422 = tpu.vector_load %arg24[%swap3A, %swap3A_421] {strides = array<i32>} : memref<64x128xf32, #tpu.memory_space<vmem>>, vector<1x16xf32>,
          %swap3A_423 = vector.shape_cast %swap3A_422 : vector<1x16xf32> to vector<16xf32>
          %swap3A_424 = vector.shape_cast %mul3A_420 : vector<16xf32> to vector<1x16xf32>
          tpu.vector_store %arg24[%swap3A, %swap3A_421], %swap3A_424 {strides = array<i32>} : memref<64x128xf32, #tpu.memory_space<vmem>>, vector<1x16xf32>,
          %mul3A_425 = vector.broadcast %squeeze3A_389 : f32 to vector<16xf32>
          %mul3A_426 = arith.mulf %mul3A_418, %mul3A_425 : vector<16xf32>
          %mul3A_427 = vector.broadcast %squeeze3A : f32 to vector<16xf32>
          %mul3A_428 = arith.mulf %mul3A_419, %mul3A_427 : vector<16xf32>
          %add3A_429 = arith.addf %mul3A_426, %mul3A_428 : vector<16xf32>
          %swap3A_430 = arith.index_cast %scan3A_375 : i32 to index
          %swap3A_431 = arith.constant 32 : index
          %swap3A_432 = tpu.vector_load %arg24[%swap3A_430, %swap3A_431] {strides = array<i32>} : memref<64x128xf32, #tpu.memory_space<vmem>>, vector<1x16xf32>,
          %swap3A_433 = vector.shape_cast %swap3A_432 : vector<1x16xf32> to vector<16xf32>
          %swap3A_434 = vector.shape_cast %add3A_429 : vector<16xf32> to vector<1x16xf32>
          tpu.vector_store %arg24[%swap3A_430, %swap3A_431], %swap3A_434 {strides = array<i32>} : memref<64x128xf32, #tpu.memory_space<vmem>>, vector<1x16xf32>,
          %mul3A_435 = vector.broadcast %squeeze3A_391 : f32 to vector<16xf32>
          %mul3A_436 = arith.mulf %mul3A_418, %mul3A_435 : vector<16xf32>
          %mul3A_437 = vector.broadcast %squeeze3A_381 : f32 to vector<16xf32>
          %mul3A_438 = arith.mulf %mul3A_419, %mul3A_437 : vector<16xf32>
          %add3A_439 = arith.addf %mul3A_436, %mul3A_438 : vector<16xf32>
          %swap3A_440 = arith.index_cast %scan3A_375 : i32 to index
          %swap3A_441 = arith.constant 64 : index
          %swap3A_442 = tpu.vector_load %arg24[%swap3A_440, %swap3A_441] {strides = array<i32>} : memref<64x128xf32, #tpu.memory_space<vmem>>, vector<1x16xf32>,
          %swap3A_443 = vector.shape_cast %swap3A_442 : vector<1x16xf32> to vector<16xf32>
          %swap3A_444 = vector.shape_cast %add3A_439 : vector<16xf32> to vector<1x16xf32>
          tpu.vector_store %arg24[%swap3A_440, %swap3A_441], %swap3A_444 {strides = array<i32>} : memref<64x128xf32, #tpu.memory_space<vmem>>, vector<1x16xf32>,
          %mul3A_445 = vector.broadcast %squeeze3A_393 : f32 to vector<16xf32>
          %mul3A_446 = arith.mulf %mul3A_418, %mul3A_445 : vector<16xf32>
          %mul3A_447 = vector.broadcast %squeeze3A_383 : f32 to vector<16xf32>
          %mul3A_448 = arith.mulf %mul3A_419, %mul3A_447 : vector<16xf32>
          %add3A_449 = arith.addf %mul3A_446, %mul3A_448 : vector<16xf32>
          %swap3A_450 = arith.index_cast %scan3A_375 : i32 to index
          %swap3A_451 = arith.constant 96 : index
          %swap3A_452 = tpu.vector_load %arg24[%swap3A_450, %swap3A_451] {strides = array<i32>} : memref<64x128xf32, #tpu.memory_space<vmem>>, vector<1x16xf32>,
          %swap3A_453 = vector.shape_cast %swap3A_452 : vector<1x16xf32> to vector<16xf32>
          %swap3A_454 = vector.shape_cast %add3A_449 : vector<16xf32> to vector<1x16xf32>
          tpu.vector_store %arg24[%swap3A_450, %swap3A_451], %swap3A_454 {strides = array<i32>} : memref<64x128xf32, #tpu.memory_space<vmem>>, vector<1x16xf32>,
          %get3A_455 = arith.index_cast %scan3A_375 : i32 to index
          %get3A_456 = arith.constant 16 : index
          %get3A_457 = tpu.vector_load %arg19[%get3A_455, %get3A_456] {strides = array<i32>} : memref<64x112xf32, #tpu.memory_space<vmem>>, vector<1x16xf32>,
          %get3A_458 = vector.shape_cast %get3A_457 : vector<1x16xf32> to vector<16xf32>
          %get3A_459 = arith.index_cast %scan3A_375 : i32 to index
          %get3A_460 = arith.constant 48 : index
          %get3A_461 = tpu.vector_load %arg19[%get3A_459, %get3A_460] {strides = array<i32>} : memref<64x112xf32, #tpu.memory_space<vmem>>, vector<1x16xf32>,
          %get3A_462 = vector.shape_cast %get3A_461 : vector<1x16xf32> to vector<16xf32>
          %get3A_463 = arith.index_cast %scan3A_375 : i32 to index
          %get3A_464 = arith.constant 80 : index
          %get3A_465 = tpu.vector_load %arg19[%get3A_463, %get3A_464] {strides = array<i32>} : memref<64x112xf32, #tpu.memory_space<vmem>>, vector<1x16xf32>,
          %get3A_466 = vector.shape_cast %get3A_465 : vector<1x16xf32> to vector<16xf32>
          %get3A_467 = arith.index_cast %scan3A_375 : i32 to index
          %get3A_468 = arith.constant 16 : index
          %get3A_469 = tpu.vector_load %arg20[%get3A_467, %get3A_468] {strides = array<i32>} : memref<64x96xf32, #tpu.memory_space<vmem>>, vector<1x16xf32>,
          %get3A_470 = vector.shape_cast %get3A_469 : vector<1x16xf32> to vector<16xf32>
          %get3A_471 = arith.index_cast %scan3A_375 : i32 to index
          %get3A_472 = arith.constant 48 : index
          %get3A_473 = tpu.vector_load %arg20[%get3A_471, %get3A_472] {strides = array<i32>} : memref<64x96xf32, #tpu.memory_space<vmem>>, vector<1x16xf32>,
          %get3A_474 = vector.shape_cast %get3A_473 : vector<1x16xf32> to vector<16xf32>
          %get3A_475 = arith.index_cast %scan3A_375 : i32 to index
          %get3A_476 = arith.constant 80 : index
          %get3A_477 = tpu.vector_load %arg20[%get3A_475, %get3A_476] {strides = array<i32>} : memref<64x96xf32, #tpu.memory_space<vmem>>, vector<1x16xf32>,
          %get3A_478 = vector.shape_cast %get3A_477 : vector<1x16xf32> to vector<16xf32>
          %mul3A_479 = arith.mulf %get3A_474, %get3A_462 : vector<16xf32>
          %mul3A_480 = arith.mulf %get3A_478, %get3A_466 : vector<16xf32>
          %mul3A_481 = arith.mulf %get3A_470, %get3A_458 : vector<16xf32>
          %swap3A_482 = arith.index_cast %scan3A_375 : i32 to index
          %swap3A_483 = arith.constant 16 : index
          %swap3A_484 = tpu.vector_load %arg24[%swap3A_482, %swap3A_483] {strides = array<i32>} : memref<64x128xf32, #tpu.memory_space<vmem>>, vector<1x16xf32>,
          %swap3A_485 = vector.shape_cast %swap3A_484 : vector<1x16xf32> to vector<16xf32>
          %swap3A_486 = vector.shape_cast %mul3A_481 : vector<16xf32> to vector<1x16xf32>
          tpu.vector_store %arg24[%swap3A_482, %swap3A_483], %swap3A_486 {strides = array<i32>} : memref<64x128xf32, #tpu.memory_space<vmem>>, vector<1x16xf32>,
          %mul3A_487 = vector.broadcast %squeeze3A_389 : f32 to vector<16xf32>
          %mul3A_488 = arith.mulf %mul3A_479, %mul3A_487 : vector<16xf32>
          %mul3A_489 = vector.broadcast %squeeze3A : f32 to vector<16xf32>
          %mul3A_490 = arith.mulf %mul3A_480, %mul3A_489 : vector<16xf32>
          %add3A_491 = arith.addf %mul3A_488, %mul3A_490 : vector<16xf32>
          %swap3A_492 = arith.index_cast %scan3A_375 : i32 to index
          %swap3A_493 = arith.constant 48 : index
          %swap3A_494 = tpu.vector_load %arg24[%swap3A_492, %swap3A_493] {strides = array<i32>} : memref<64x128xf32, #tpu.memory_space<vmem>>, vector<1x16xf32>,
          %swap3A_495 = vector.shape_cast %swap3A_494 : vector<1x16xf32> to vector<16xf32>
          %swap3A_496 = vector.shape_cast %add3A_491 : vector<16xf32> to vector<1x16xf32>
          tpu.vector_store %arg24[%swap3A_492, %swap3A_493], %swap3A_496 {strides = array<i32>} : memref<64x128xf32, #tpu.memory_space<vmem>>, vector<1x16xf32>,
          %mul3A_497 = vector.broadcast %squeeze3A_391 : f32 to vector<16xf32>
          %mul3A_498 = arith.mulf %mul3A_479, %mul3A_497 : vector<16xf32>
          %mul3A_499 = vector.broadcast %squeeze3A_381 : f32 to vector<16xf32>
          %mul3A_500 = arith.mulf %mul3A_480, %mul3A_499 : vector<16xf32>
          %add3A_501 = arith.addf %mul3A_498, %mul3A_500 : vector<16xf32>
          %swap3A_502 = arith.index_cast %scan3A_375 : i32 to index
          %swap3A_503 = arith.constant 80 : index
          %swap3A_504 = tpu.vector_load %arg24[%swap3A_502, %swap3A_503] {strides = array<i32>} : memref<64x128xf32, #tpu.memory_space<vmem>>, vector<1x16xf32>,
          %swap3A_505 = vector.shape_cast %swap3A_504 : vector<1x16xf32> to vector<16xf32>
          %swap3A_506 = vector.shape_cast %add3A_501 : vector<16xf32> to vector<1x16xf32>
          tpu.vector_store %arg24[%swap3A_502, %swap3A_503], %swap3A_506 {strides = array<i32>} : memref<64x128xf32, #tpu.memory_space<vmem>>, vector<1x16xf32>,
          %mul3A_507 = vector.broadcast %squeeze3A_393 : f32 to vector<16xf32>
          %mul3A_508 = arith.mulf %mul3A_479, %mul3A_507 : vector<16xf32>
          %mul3A_509 = vector.broadcast %squeeze3A_383 : f32 to vector<16xf32>
          %mul3A_510 = arith.mulf %mul3A_480, %mul3A_509 : vector<16xf32>
          %add3A_511 = arith.addf %mul3A_508, %mul3A_510 : vector<16xf32>
          %swap3A_512 = arith.index_cast %scan3A_375 : i32 to index
          %swap3A_513 = arith.constant 112 : index
          %swap3A_514 = tpu.vector_load %arg24[%swap3A_512, %swap3A_513] {strides = array<i32>} : memref<64x128xf32, #tpu.memory_space<vmem>>, vector<1x16xf32>,
          %swap3A_515 = vector.shape_cast %swap3A_514 : vector<1x16xf32> to vector<16xf32>
          %swap3A_516 = vector.shape_cast %add3A_511 : vector<16xf32> to vector<1x16xf32>
          tpu.vector_store %arg24[%swap3A_512, %swap3A_513], %swap3A_516 {strides = array<i32>} : memref<64x128xf32, #tpu.memory_space<vmem>>, vector<1x16xf32>,
          %scan3A_517 = arith.constant 0 : i32
          scf.yield %scan3A_517 : i32
        }
        %scan3A_367 = arith.constant 64 : i32
        %dma_wait3A_368 = arith.constant 0 : i32
        %dma_wait3A_369 = tpu.memref_slice %arg4[%dma_wait3A_368] : memref<160000xi32, #tpu.memory_space<hbm>> -> memref<64xi32, #tpu.memory_space<hbm>>
        %dma_wait3A_370 = arith.constant 0 : i32
        %dma_wait3A_371 = tpu.memref_slice %arg4[%dma_wait3A_370] : memref<160000xi32, #tpu.memory_space<hbm>> -> memref<64xi32, #tpu.memory_space<hbm>>
        tpu.wait_dma2 semaphore(%arg26 : memref<!tpu.dma_semaphore, #tpu.memory_space<semaphore_mem>>) src(%dma_wait3A_371 : memref<64xi32, #tpu.memory_space<hbm>>) dst(%arg23 : memref<64xi32, #tpu.memory_space<vmem>>)
        %dma_start3A_372 = arith.constant 0 : i32
        %dma_start3A_373 = arith.constant 0 : i32
        %dma_start3A_374 = tpu.memref_slice %arg29[%dma_start3A_372, %dma_start3A_373] : memref<10000x128xf32, #tpu.memory_space<vmem_shared>> -> memref<10000x128xf32, #tpu.memory_space<vmem_shared>>
        tpu.enqueue_indirect_dma source(%arg24 : memref<64x128xf32, #tpu.memory_space<vmem>>) target(%dma_start3A_374 : memref<10000x128xf32, #tpu.memory_space<vmem_shared>>) offsets(%arg23 : memref<64xi32, #tpu.memory_space<vmem>>) semaphore(%arg26 : memref<!tpu.dma_semaphore, #tpu.memory_space<semaphore_mem>>) {add = true}
      } else {
      }
      %scan3A_330 = arith.constant 0 : i32
      scf.yield %scan3A_330 : i32
    }
    %scan3A_130 = arith.constant 40 : i32
    %dma_wait3A_131 = arith.constant 0 : i32
    %dma_wait3A_132 = arith.constant 0 : i32
    %dma_wait3A_133 = tpu.memref_slice %arg29[%dma_wait3A_131, %dma_wait3A_132] : memref<10000x128xf32, #tpu.memory_space<vmem_shared>> -> memref<10000x128xf32, #tpu.memory_space<vmem_shared>>
    tpu.wait_indirect_dma semaphore(%arg16 : memref<!tpu.dma_semaphore, #tpu.memory_space<semaphore_mem>>) src(%arg14 : memref<64x128xf32, #tpu.memory_space<vmem>>) dst(%dma_wait3A_133 : memref<10000x128xf32, #tpu.memory_space<vmem_shared>>)
    %dma_wait3A_134 = arith.constant 0 : i32
    %dma_wait3A_135 = arith.constant 0 : i32
    %dma_wait3A_136 = tpu.memref_slice %arg29[%dma_wait3A_134, %dma_wait3A_135] : memref<10000x128xf32, #tpu.memory_space<vmem_shared>> -> memref<10000x128xf32, #tpu.memory_space<vmem_shared>>
    tpu.wait_indirect_dma semaphore(%arg26 : memref<!tpu.dma_semaphore, #tpu.memory_space<semaphore_mem>>) src(%arg24 : memref<64x128xf32, #tpu.memory_space<vmem>>) dst(%dma_wait3A_136 : memref<10000x128xf32, #tpu.memory_space<vmem_shared>>)
    %barrier3A_137 = arith.constant 0 : index
    tpu.barrier barrier_id(%barrier3A_137)
    %mul3A_138 = arith.constant 625 : i32
    %mul3A_139 = arith.muli %arg1, %mul3A_138 : i32
    %mul3A_140 = arith.constant 625 : i32
    %mul3A_141 = arith.muli %arg1, %mul3A_140 : i32
    %run_scoped3A_142 = arith.constant 1 : i32
    "tpu.region"() ({
      %run_scoped3A_292 = tpu.sem_alloc : memref<!tpu.dma_semaphore, #tpu.memory_space<semaphore_mem>>
      %dma_start3A_293 = arith.constant 0 : i32
      %dma_start3A_294 = tpu.memref_slice %arg8[%arg0, %run_scoped3A_142, %mul3A_141, %dma_start3A_293] : memref<2x4x10000x128xf32, #tpu.memory_space<hbm>> -> memref<1x1x625x128xf32, #tpu.memory_space<hbm>>
      %dma_start3A_295 = tpu.memref_squeeze %dma_start3A_294 : memref<1x1x625x128xf32, #tpu.memory_space<hbm>> -> memref<625x128xf32, #tpu.memory_space<hbm>>
      %dma_start3A_296 = arith.constant 0 : i32
      %dma_start3A_297 = tpu.memref_slice %arg29[%mul3A_139, %dma_start3A_296] : memref<10000x128xf32, #tpu.memory_space<vmem_shared>> -> memref<625x128xf32, #tpu.memory_space<vmem_shared>>
      tpu.enqueue_dma source(%dma_start3A_297 : memref<625x128xf32, #tpu.memory_space<vmem_shared>>) target(%dma_start3A_295 : memref<625x128xf32, #tpu.memory_space<hbm>>) target_semaphore(%run_scoped3A_292 : memref<!tpu.dma_semaphore, #tpu.memory_space<semaphore_mem>>)
      %dma_wait3A_298 = arith.constant 0 : i32
      %dma_wait3A_299 = tpu.memref_slice %arg8[%arg0, %run_scoped3A_142, %mul3A_141, %dma_wait3A_298] : memref<2x4x10000x128xf32, #tpu.memory_space<hbm>> -> memref<1x1x625x128xf32, #tpu.memory_space<hbm>>
      %dma_wait3A_300 = tpu.memref_squeeze %dma_wait3A_299 : memref<1x1x625x128xf32, #tpu.memory_space<hbm>> -> memref<625x128xf32, #tpu.memory_space<hbm>>
      %dma_wait3A_301 = arith.constant 0 : i32
      %dma_wait3A_302 = tpu.memref_slice %arg29[%mul3A_139, %dma_wait3A_301] : memref<10000x128xf32, #tpu.memory_space<vmem_shared>> -> memref<625x128xf32, #tpu.memory_space<vmem_shared>>
      tpu.wait_dma2 semaphore(%run_scoped3A_292 : memref<!tpu.dma_semaphore, #tpu.memory_space<semaphore_mem>>) src(%dma_wait3A_302 : memref<625x128xf32, #tpu.memory_space<vmem_shared>>) dst(%dma_wait3A_300 : memref<625x128xf32, #tpu.memory_space<hbm>>)
      tpu.yield
    }) : () -> ()
    %barrier3A_143 = arith.constant 0 : index
    tpu.barrier barrier_id(%barrier3A_143)
    %mul3A_144 = arith.constant 625 : i32
    %mul3A_145 = arith.muli %arg1, %mul3A_144 : i32
    "tpu.region"() ({
      %run_scoped3A_292 = tpu.sem_alloc : memref<!tpu.dma_semaphore, #tpu.memory_space<semaphore_mem>>
      %dma_start3A_293 = arith.constant 0 : i32
      %dma_start3A_294 = tpu.memref_slice %arg29[%mul3A_145, %dma_start3A_293] : memref<10000x128xf32, #tpu.memory_space<vmem_shared>> -> memref<625x128xf32, #tpu.memory_space<vmem_shared>>
      tpu.enqueue_dma source(%arg7 : memref<625x128xf32, #tpu.memory_space<hbm>>) target(%dma_start3A_294 : memref<625x128xf32, #tpu.memory_space<vmem_shared>>) target_semaphore(%run_scoped3A_292 : memref<!tpu.dma_semaphore, #tpu.memory_space<semaphore_mem>>)
      %dma_wait3A_295 = arith.constant 0 : i32
      %dma_wait3A_296 = tpu.memref_slice %arg29[%mul3A_145, %dma_wait3A_295] : memref<10000x128xf32, #tpu.memory_space<vmem_shared>> -> memref<625x128xf32, #tpu.memory_space<vmem_shared>>
      tpu.wait_dma2 semaphore(%run_scoped3A_292 : memref<!tpu.dma_semaphore, #tpu.memory_space<semaphore_mem>>) src(%arg7 : memref<625x128xf32, #tpu.memory_space<hbm>>) dst(%dma_wait3A_296 : memref<625x128xf32, #tpu.memory_space<vmem_shared>>)
      tpu.yield
    }) : () -> ()
    %barrier3A_146 = arith.constant 0 : index
    tpu.barrier barrier_id(%barrier3A_146)
    %mul3A_147 = arith.constant 64 : i32
    %mul3A_148 = arith.muli %add3A, %mul3A_147 : i32
    %add3A_149 = arith.constant 320000 : i32
    %add3A_150 = arith.addi %add3A_149, %mul3A_148 : i32
    "tpu.region"() ({
      %run_scoped3A_292 = tpu.sem_alloc : memref<!tpu.dma_semaphore, #tpu.memory_space<semaphore_mem>>
      %dma_start3A_293 = tpu.memref_slice %arg3[%add3A_150] : memref<640000xi32, #tpu.memory_space<hbm>> -> memref<64xi32, #tpu.memory_space<hbm>>
      %dma_start3A_294 = tpu.memref_slice %arg3[%add3A_150] : memref<640000xi32, #tpu.memory_space<hbm>> -> memref<64xi32, #tpu.memory_space<hbm>>
      tpu.enqueue_dma source(%dma_start3A_294 : memref<64xi32, #tpu.memory_space<hbm>>) target(%arg12 : memref<64xi32, #tpu.memory_space<vmem>>) target_semaphore(%run_scoped3A_292 : memref<!tpu.dma_semaphore, #tpu.memory_space<semaphore_mem>>)
      %dma_wait3A_295 = tpu.memref_slice %arg3[%add3A_150] : memref<640000xi32, #tpu.memory_space<hbm>> -> memref<64xi32, #tpu.memory_space<hbm>>
      %dma_wait3A_296 = tpu.memref_slice %arg3[%add3A_150] : memref<640000xi32, #tpu.memory_space<hbm>> -> memref<64xi32, #tpu.memory_space<hbm>>
      tpu.wait_dma2 semaphore(%run_scoped3A_292 : memref<!tpu.dma_semaphore, #tpu.memory_space<semaphore_mem>>) src(%dma_wait3A_296 : memref<64xi32, #tpu.memory_space<hbm>>) dst(%arg12 : memref<64xi32, #tpu.memory_space<vmem>>)
      tpu.yield
    }) : () -> ()
    %mul3A_151 = arith.constant 64 : i32
    %mul3A_152 = arith.muli %add3A, %mul3A_151 : i32
    %dma_start3A_153 = arith.constant 0 : i32
    %dma_start3A_154 = arith.constant 0 : i32
    %dma_start3A_155 = tpu.memref_slice %arg2[%dma_start3A_153, %dma_start3A_154] : memref<40000x112xf32, #tpu.memory_space<hbm>> -> memref<40000x112xf32, #tpu.memory_space<hbm>>
    tpu.enqueue_indirect_dma source(%dma_start3A_155 : memref<40000x112xf32, #tpu.memory_space<hbm>>) target(%arg9 : memref<64x112xf32, #tpu.memory_space<vmem>>) offsets(%arg12 : memref<64xi32, #tpu.memory_space<vmem>>) semaphore(%arg18 : memref<!tpu.dma_semaphore, #tpu.memory_space<semaphore_mem>>)
    %dma_start3A_156 = arith.constant 0 : i32
    %dma_start3A_157 = arith.constant 0 : i32
    %dma_start3A_158 = tpu.memref_slice %arg10[%dma_start3A_156, %dma_start3A_157] : memref<64x96xf32, #tpu.memory_space<vmem>> -> memref<64x32xf32, #tpu.memory_space<vmem>>
    %dma_start3A_159 = arith.constant 64 : i32
    %dma_start3A_160 = tpu.memref_slice %arg5[%mul3A_152, %dma_start3A_159] : memref<160000x384xf32, #tpu.memory_space<hbm>> -> memref<64x32xf32, #tpu.memory_space<hbm>>
    %dma_start3A_161 = arith.constant 0 : i32
    %dma_start3A_162 = arith.constant 0 : i32
    %dma_start3A_163 = tpu.memref_slice %arg10[%dma_start3A_161, %dma_start3A_162] : memref<64x96xf32, #tpu.memory_space<vmem>> -> memref<64x32xf32, #tpu.memory_space<vmem>>
    %dma_start3A_164 = arith.constant 64 : i32
    %dma_start3A_165 = tpu.memref_slice %arg5[%mul3A_152, %dma_start3A_164] : memref<160000x384xf32, #tpu.memory_space<hbm>> -> memref<64x32xf32, #tpu.memory_space<hbm>>
    tpu.enqueue_dma source(%dma_start3A_165 : memref<64x32xf32, #tpu.memory_space<hbm>>) target(%dma_start3A_163 : memref<64x32xf32, #tpu.memory_space<vmem>>) target_semaphore(%arg15 : memref<!tpu.dma_semaphore, #tpu.memory_space<semaphore_mem>>)
    %dma_start3A_166 = arith.constant 0 : i32
    %dma_start3A_167 = arith.constant 32 : i32
    %dma_start3A_168 = tpu.memref_slice %arg10[%dma_start3A_166, %dma_start3A_167] : memref<64x96xf32, #tpu.memory_space<vmem>> -> memref<64x32xf32, #tpu.memory_space<vmem>>
    %dma_start3A_169 = arith.constant 192 : i32
    %dma_start3A_170 = tpu.memref_slice %arg5[%mul3A_152, %dma_start3A_169] : memref<160000x384xf32, #tpu.memory_space<hbm>> -> memref<64x32xf32, #tpu.memory_space<hbm>>
    %dma_start3A_171 = arith.constant 0 : i32
    %dma_start3A_172 = arith.constant 32 : i32
    %dma_start3A_173 = tpu.memref_slice %arg10[%dma_start3A_171, %dma_start3A_172] : memref<64x96xf32, #tpu.memory_space<vmem>> -> memref<64x32xf32, #tpu.memory_space<vmem>>
    %dma_start3A_174 = arith.constant 192 : i32
    %dma_start3A_175 = tpu.memref_slice %arg5[%mul3A_152, %dma_start3A_174] : memref<160000x384xf32, #tpu.memory_space<hbm>> -> memref<64x32xf32, #tpu.memory_space<hbm>>
    tpu.enqueue_dma source(%dma_start3A_175 : memref<64x32xf32, #tpu.memory_space<hbm>>) target(%dma_start3A_173 : memref<64x32xf32, #tpu.memory_space<vmem>>) target_semaphore(%arg15 : memref<!tpu.dma_semaphore, #tpu.memory_space<semaphore_mem>>)
    %dma_start3A_176 = arith.constant 0 : i32
    %dma_start3A_177 = arith.constant 64 : i32
    %dma_start3A_178 = tpu.memref_slice %arg10[%dma_start3A_176, %dma_start3A_177] : memref<64x96xf32, #tpu.memory_space<vmem>> -> memref<64x32xf32, #tpu.memory_space<vmem>>
    %dma_start3A_179 = arith.constant 320 : i32
    %dma_start3A_180 = tpu.memref_slice %arg5[%mul3A_152, %dma_start3A_179] : memref<160000x384xf32, #tpu.memory_space<hbm>> -> memref<64x32xf32, #tpu.memory_space<hbm>>
    %dma_start3A_181 = arith.constant 0 : i32
    %dma_start3A_182 = arith.constant 64 : i32
    %dma_start3A_183 = tpu.memref_slice %arg10[%dma_start3A_181, %dma_start3A_182] : memref<64x96xf32, #tpu.memory_space<vmem>> -> memref<64x32xf32, #tpu.memory_space<vmem>>
    %dma_start3A_184 = arith.constant 320 : i32
    %dma_start3A_185 = tpu.memref_slice %arg5[%mul3A_152, %dma_start3A_184] : memref<160000x384xf32, #tpu.memory_space<hbm>> -> memref<64x32xf32, #tpu.memory_space<hbm>>
    tpu.enqueue_dma source(%dma_start3A_185 : memref<64x32xf32, #tpu.memory_space<hbm>>) target(%dma_start3A_183 : memref<64x32xf32, #tpu.memory_space<vmem>>) target_semaphore(%arg15 : memref<!tpu.dma_semaphore, #tpu.memory_space<semaphore_mem>>)
    %dma_start3A_186 = arith.constant 0 : i32
    %dma_start3A_187 = tpu.memref_slice %arg6[%mul3A_152, %dma_start3A_186] : memref<160000x16xf32, #tpu.memory_space<hbm>> -> memref<64x16xf32, #tpu.memory_space<hbm>>
    %dma_start3A_188 = arith.constant 0 : i32
    %dma_start3A_189 = tpu.memref_slice %arg6[%mul3A_152, %dma_start3A_188] : memref<160000x16xf32, #tpu.memory_space<hbm>> -> memref<64x16xf32, #tpu.memory_space<hbm>>
    tpu.enqueue_dma source(%dma_start3A_189 : memref<64x16xf32, #tpu.memory_space<hbm>>) target(%arg11 : memref<64x16xf32, #tpu.memory_space<vmem>>) target_semaphore(%arg15 : memref<!tpu.dma_semaphore, #tpu.memory_space<semaphore_mem>>)
    %add3A_190 = arith.constant 32 : i32
    %add3A_191 = arith.addi %add3A, %add3A_190 : i32
    %mul3A_192 = arith.constant 64 : i32
    %mul3A_193 = arith.muli %add3A_191, %mul3A_192 : i32
    %add3A_194 = arith.constant 320000 : i32
    %add3A_195 = arith.addi %add3A_194, %mul3A_193 : i32
    %dma_start3A_196 = tpu.memref_slice %arg3[%add3A_195] : memref<640000xi32, #tpu.memory_space<hbm>> -> memref<64xi32, #tpu.memory_space<hbm>>
    %dma_start3A_197 = tpu.memref_slice %arg3[%add3A_195] : memref<640000xi32, #tpu.memory_space<hbm>> -> memref<64xi32, #tpu.memory_space<hbm>>
    tpu.enqueue_dma source(%dma_start3A_197 : memref<64xi32, #tpu.memory_space<hbm>>) target(%arg22 : memref<64xi32, #tpu.memory_space<vmem>>) target_semaphore(%arg27 : memref<!tpu.dma_semaphore, #tpu.memory_space<semaphore_mem>>)
    %scan3A_198 = arith.constant 0 : i32
    %scan3A_199 = arith.constant 0 : i32
    %scan3A_200 = arith.constant 40 : i32
    %scan3A_201 = arith.addi %scan3A_199, %scan3A_200 : i32
    %scan3A_202 = arith.constant 1 : i32
    %scan3A_203 = scf.for %scan3A_292 = %scan3A_199 to %scan3A_201 step %scan3A_202 iter_args(%scan3A_293 = %scan3A_198) -> (i32)  : i32 {
      %mul3A_294 = arith.constant 2 : i32
      %mul3A_295 = arith.muli %mul3A_294, %scan3A_292 : i32
      %mul3A_296 = arith.constant 32 : i32
      %mul3A_297 = arith.muli %mul3A_295, %mul3A_296 : i32
      %add3A_298 = arith.addi %add3A, %mul3A_297 : i32
      %mul3A_299 = arith.constant 2 : i32
      %mul3A_300 = arith.muli %mul3A_299, %scan3A_292 : i32
      %add3A_301 = arith.constant 1 : i32
      %add3A_302 = arith.addi %mul3A_300, %add3A_301 : i32
      %mul3A_303 = arith.constant 32 : i32
      %mul3A_304 = arith.muli %add3A_302, %mul3A_303 : i32
      %add3A_305 = arith.addi %add3A, %mul3A_304 : i32
      %mul3A_306 = arith.constant 2 : i32
      %mul3A_307 = arith.muli %mul3A_306, %scan3A_292 : i32
      %add3A_308 = arith.constant 2 : i32
      %add3A_309 = arith.addi %mul3A_307, %add3A_308 : i32
      %mul3A_310 = arith.constant 32 : i32
      %mul3A_311 = arith.muli %add3A_309, %mul3A_310 : i32
      %add3A_312 = arith.addi %add3A, %mul3A_311 : i32
      %lt3A = arith.constant 2500 : i32
      %lt3A_313 = arith.cmpi slt, %add3A_305, %lt3A : i32
      %convert_element_type3A = arith.extui %lt3A_313 : i1 to i32
      %cond3A = arith.constant 0 : i32
      %cond3A_314 = arith.cmpi ne, %convert_element_type3A, %cond3A : i32
      scf.if %cond3A_314 {
        %dma_wait3A_331 = arith.constant 0 : i32
        %dma_wait3A_332 = tpu.memref_slice %arg3[%dma_wait3A_331] : memref<640000xi32, #tpu.memory_space<hbm>> -> memref<64xi32, #tpu.memory_space<hbm>>
        %dma_wait3A_333 = arith.constant 0 : i32
        %dma_wait3A_334 = tpu.memref_slice %arg3[%dma_wait3A_333] : memref<640000xi32, #tpu.memory_space<hbm>> -> memref<64xi32, #tpu.memory_space<hbm>>
        tpu.wait_dma2 semaphore(%arg27 : memref<!tpu.dma_semaphore, #tpu.memory_space<semaphore_mem>>) src(%dma_wait3A_334 : memref<64xi32, #tpu.memory_space<hbm>>) dst(%arg22 : memref<64xi32, #tpu.memory_space<vmem>>)
        %mul3A_335 = arith.constant 64 : i32
        %mul3A_336 = arith.muli %add3A_305, %mul3A_335 : i32
        %dma_start3A_337 = arith.constant 0 : i32
        %dma_start3A_338 = arith.constant 0 : i32
        %dma_start3A_339 = tpu.memref_slice %arg2[%dma_start3A_337, %dma_start3A_338] : memref<40000x112xf32, #tpu.memory_space<hbm>> -> memref<40000x112xf32, #tpu.memory_space<hbm>>
        tpu.enqueue_indirect_dma source(%dma_start3A_339 : memref<40000x112xf32, #tpu.memory_space<hbm>>) target(%arg19 : memref<64x112xf32, #tpu.memory_space<vmem>>) offsets(%arg22 : memref<64xi32, #tpu.memory_space<vmem>>) semaphore(%arg28 : memref<!tpu.dma_semaphore, #tpu.memory_space<semaphore_mem>>)
        %dma_start3A_340 = arith.constant 0 : i32
        %dma_start3A_341 = arith.constant 0 : i32
        %dma_start3A_342 = tpu.memref_slice %arg20[%dma_start3A_340, %dma_start3A_341] : memref<64x96xf32, #tpu.memory_space<vmem>> -> memref<64x32xf32, #tpu.memory_space<vmem>>
        %dma_start3A_343 = arith.constant 64 : i32
        %dma_start3A_344 = tpu.memref_slice %arg5[%mul3A_336, %dma_start3A_343] : memref<160000x384xf32, #tpu.memory_space<hbm>> -> memref<64x32xf32, #tpu.memory_space<hbm>>
        %dma_start3A_345 = arith.constant 0 : i32
        %dma_start3A_346 = arith.constant 0 : i32
        %dma_start3A_347 = tpu.memref_slice %arg20[%dma_start3A_345, %dma_start3A_346] : memref<64x96xf32, #tpu.memory_space<vmem>> -> memref<64x32xf32, #tpu.memory_space<vmem>>
        %dma_start3A_348 = arith.constant 64 : i32
        %dma_start3A_349 = tpu.memref_slice %arg5[%mul3A_336, %dma_start3A_348] : memref<160000x384xf32, #tpu.memory_space<hbm>> -> memref<64x32xf32, #tpu.memory_space<hbm>>
        tpu.enqueue_dma source(%dma_start3A_349 : memref<64x32xf32, #tpu.memory_space<hbm>>) target(%dma_start3A_347 : memref<64x32xf32, #tpu.memory_space<vmem>>) target_semaphore(%arg25 : memref<!tpu.dma_semaphore, #tpu.memory_space<semaphore_mem>>)
        %dma_start3A_350 = arith.constant 0 : i32
        %dma_start3A_351 = arith.constant 32 : i32
        %dma_start3A_352 = tpu.memref_slice %arg20[%dma_start3A_350, %dma_start3A_351] : memref<64x96xf32, #tpu.memory_space<vmem>> -> memref<64x32xf32, #tpu.memory_space<vmem>>
        %dma_start3A_353 = arith.constant 192 : i32
        %dma_start3A_354 = tpu.memref_slice %arg5[%mul3A_336, %dma_start3A_353] : memref<160000x384xf32, #tpu.memory_space<hbm>> -> memref<64x32xf32, #tpu.memory_space<hbm>>
        %dma_start3A_355 = arith.constant 0 : i32
        %dma_start3A_356 = arith.constant 32 : i32
        %dma_start3A_357 = tpu.memref_slice %arg20[%dma_start3A_355, %dma_start3A_356] : memref<64x96xf32, #tpu.memory_space<vmem>> -> memref<64x32xf32, #tpu.memory_space<vmem>>
        %dma_start3A_358 = arith.constant 192 : i32
        %dma_start3A_359 = tpu.memref_slice %arg5[%mul3A_336, %dma_start3A_358] : memref<160000x384xf32, #tpu.memory_space<hbm>> -> memref<64x32xf32, #tpu.memory_space<hbm>>
        tpu.enqueue_dma source(%dma_start3A_359 : memref<64x32xf32, #tpu.memory_space<hbm>>) target(%dma_start3A_357 : memref<64x32xf32, #tpu.memory_space<vmem>>) target_semaphore(%arg25 : memref<!tpu.dma_semaphore, #tpu.memory_space<semaphore_mem>>)
        %dma_start3A_360 = arith.constant 0 : i32
        %dma_start3A_361 = arith.constant 64 : i32
        %dma_start3A_362 = tpu.memref_slice %arg20[%dma_start3A_360, %dma_start3A_361] : memref<64x96xf32, #tpu.memory_space<vmem>> -> memref<64x32xf32, #tpu.memory_space<vmem>>
        %dma_start3A_363 = arith.constant 320 : i32
        %dma_start3A_364 = tpu.memref_slice %arg5[%mul3A_336, %dma_start3A_363] : memref<160000x384xf32, #tpu.memory_space<hbm>> -> memref<64x32xf32, #tpu.memory_space<hbm>>
        %dma_start3A_365 = arith.constant 0 : i32
        %dma_start3A_366 = arith.constant 64 : i32
        %dma_start3A_367 = tpu.memref_slice %arg20[%dma_start3A_365, %dma_start3A_366] : memref<64x96xf32, #tpu.memory_space<vmem>> -> memref<64x32xf32, #tpu.memory_space<vmem>>
        %dma_start3A_368 = arith.constant 320 : i32
        %dma_start3A_369 = tpu.memref_slice %arg5[%mul3A_336, %dma_start3A_368] : memref<160000x384xf32, #tpu.memory_space<hbm>> -> memref<64x32xf32, #tpu.memory_space<hbm>>
        tpu.enqueue_dma source(%dma_start3A_369 : memref<64x32xf32, #tpu.memory_space<hbm>>) target(%dma_start3A_367 : memref<64x32xf32, #tpu.memory_space<vmem>>) target_semaphore(%arg25 : memref<!tpu.dma_semaphore, #tpu.memory_space<semaphore_mem>>)
        %dma_start3A_370 = arith.constant 0 : i32
        %dma_start3A_371 = tpu.memref_slice %arg6[%mul3A_336, %dma_start3A_370] : memref<160000x16xf32, #tpu.memory_space<hbm>> -> memref<64x16xf32, #tpu.memory_space<hbm>>
        %dma_start3A_372 = arith.constant 0 : i32
        %dma_start3A_373 = tpu.memref_slice %arg6[%mul3A_336, %dma_start3A_372] : memref<160000x16xf32, #tpu.memory_space<hbm>> -> memref<64x16xf32, #tpu.memory_space<hbm>>
        tpu.enqueue_dma source(%dma_start3A_373 : memref<64x16xf32, #tpu.memory_space<hbm>>) target(%arg21 : memref<64x16xf32, #tpu.memory_space<vmem>>) target_semaphore(%arg25 : memref<!tpu.dma_semaphore, #tpu.memory_space<semaphore_mem>>)
      } else {
      }
      %lt3A_315 = arith.constant 2500 : i32
      %lt3A_316 = arith.cmpi slt, %add3A_298, %lt3A_315 : i32
      %convert_element_type3A_317 = arith.extui %lt3A_316 : i1 to i32
      %cond3A_318 = arith.constant 0 : i32
      %cond3A_319 = arith.cmpi ne, %convert_element_type3A_317, %cond3A_318 : i32
      scf.if %cond3A_319 {
        %gt3A = arith.constant 0 : i32
        %gt3A_331 = arith.cmpi sgt, %scan3A_292, %gt3A : i32
        %convert_element_type3A_332 = arith.extui %gt3A_331 : i1 to i32
        %cond3A_333 = arith.constant 0 : i32
        %cond3A_334 = arith.cmpi ne, %convert_element_type3A_332, %cond3A_333 : i32
        scf.if %cond3A_334 {
          %dma_wait3A_375 = arith.constant 0 : i32
          %dma_wait3A_376 = arith.constant 0 : i32
          %dma_wait3A_377 = tpu.memref_slice %arg29[%dma_wait3A_375, %dma_wait3A_376] : memref<10000x128xf32, #tpu.memory_space<vmem_shared>> -> memref<10000x128xf32, #tpu.memory_space<vmem_shared>>
          tpu.wait_indirect_dma semaphore(%arg16 : memref<!tpu.dma_semaphore, #tpu.memory_space<semaphore_mem>>) src(%arg14 : memref<64x128xf32, #tpu.memory_space<vmem>>) dst(%dma_wait3A_377 : memref<10000x128xf32, #tpu.memory_space<vmem_shared>>)
        } else {
        }
        %mul3A_335 = arith.constant 64 : i32
        %mul3A_336 = arith.muli %add3A_298, %mul3A_335 : i32
        %dma_start3A_337 = tpu.memref_slice %arg4[%mul3A_336] : memref<160000xi32, #tpu.memory_space<hbm>> -> memref<64xi32, #tpu.memory_space<hbm>>
        %dma_start3A_338 = tpu.memref_slice %arg4[%mul3A_336] : memref<160000xi32, #tpu.memory_space<hbm>> -> memref<64xi32, #tpu.memory_space<hbm>>
        tpu.enqueue_dma source(%dma_start3A_338 : memref<64xi32, #tpu.memory_space<hbm>>) target(%arg13 : memref<64xi32, #tpu.memory_space<vmem>>) target_semaphore(%arg16 : memref<!tpu.dma_semaphore, #tpu.memory_space<semaphore_mem>>)
        %dma_wait3A_339 = arith.constant 0 : i32
        %dma_wait3A_340 = arith.constant 0 : i32
        %dma_wait3A_341 = tpu.memref_slice %arg2[%dma_wait3A_339, %dma_wait3A_340] : memref<40000x112xf32, #tpu.memory_space<hbm>> -> memref<40000x112xf32, #tpu.memory_space<hbm>>
        tpu.wait_indirect_dma semaphore(%arg18 : memref<!tpu.dma_semaphore, #tpu.memory_space<semaphore_mem>>) src(%dma_wait3A_341 : memref<40000x112xf32, #tpu.memory_space<hbm>>) dst(%arg9 : memref<64x112xf32, #tpu.memory_space<vmem>>)
        %dma_wait3A_342 = arith.constant 0 : i32
        %dma_wait3A_343 = arith.constant 0 : i32
        %dma_wait3A_344 = tpu.memref_slice %arg5[%dma_wait3A_342, %dma_wait3A_343] : memref<160000x384xf32, #tpu.memory_space<hbm>> -> memref<64x96xf32, #tpu.memory_space<hbm>>
        %dma_wait3A_345 = arith.constant 0 : i32
        %dma_wait3A_346 = arith.constant 0 : i32
        %dma_wait3A_347 = tpu.memref_slice %arg5[%dma_wait3A_345, %dma_wait3A_346] : memref<160000x384xf32, #tpu.memory_space<hbm>> -> memref<64x96xf32, #tpu.memory_space<hbm>>
        tpu.wait_dma2 semaphore(%arg15 : memref<!tpu.dma_semaphore, #tpu.memory_space<semaphore_mem>>) src(%dma_wait3A_347 : memref<64x96xf32, #tpu.memory_space<hbm>>) dst(%arg10 : memref<64x96xf32, #tpu.memory_space<vmem>>)
        %dma_wait3A_348 = arith.constant 0 : i32
        %dma_wait3A_349 = arith.constant 0 : i32
        %dma_wait3A_350 = tpu.memref_slice %arg6[%dma_wait3A_348, %dma_wait3A_349] : memref<160000x16xf32, #tpu.memory_space<hbm>> -> memref<64x16xf32, #tpu.memory_space<hbm>>
        %dma_wait3A_351 = arith.constant 0 : i32
        %dma_wait3A_352 = arith.constant 0 : i32
        %dma_wait3A_353 = tpu.memref_slice %arg6[%dma_wait3A_351, %dma_wait3A_352] : memref<160000x16xf32, #tpu.memory_space<hbm>> -> memref<64x16xf32, #tpu.memory_space<hbm>>
        tpu.wait_dma2 semaphore(%arg15 : memref<!tpu.dma_semaphore, #tpu.memory_space<semaphore_mem>>) src(%dma_wait3A_353 : memref<64x16xf32, #tpu.memory_space<hbm>>) dst(%arg11 : memref<64x16xf32, #tpu.memory_space<vmem>>)
        %add3A_354 = arith.constant 64 : i32
        %add3A_355 = arith.addi %add3A_298, %add3A_354 : i32
        %lt3A_356 = arith.constant 2500 : i32
        %lt3A_357 = arith.cmpi slt, %add3A_355, %lt3A_356 : i32
        %convert_element_type3A_358 = arith.extui %lt3A_357 : i1 to i32
        %cond3A_359 = arith.constant 0 : i32
        %cond3A_360 = arith.cmpi ne, %convert_element_type3A_358, %cond3A_359 : i32
        scf.if %cond3A_360 {
          %mul3A_375 = arith.constant 64 : i32
          %mul3A_376 = arith.muli %add3A_355, %mul3A_375 : i32
          %add3A_377 = arith.constant 320000 : i32
          %add3A_378 = arith.addi %add3A_377, %mul3A_376 : i32
          %dma_start3A_379 = tpu.memref_slice %arg3[%add3A_378] : memref<640000xi32, #tpu.memory_space<hbm>> -> memref<64xi32, #tpu.memory_space<hbm>>
          %dma_start3A_380 = tpu.memref_slice %arg3[%add3A_378] : memref<640000xi32, #tpu.memory_space<hbm>> -> memref<64xi32, #tpu.memory_space<hbm>>
          tpu.enqueue_dma source(%dma_start3A_380 : memref<64xi32, #tpu.memory_space<hbm>>) target(%arg12 : memref<64xi32, #tpu.memory_space<vmem>>) target_semaphore(%arg17 : memref<!tpu.dma_semaphore, #tpu.memory_space<semaphore_mem>>)
        } else {
        }
        %scan3A_361 = arith.constant 0 : i32
        %scan3A_362 = arith.constant 0 : i32
        %scan3A_363 = arith.constant 64 : i32
        %scan3A_364 = arith.addi %scan3A_362, %scan3A_363 : i32
        %scan3A_365 = arith.constant 1 : i32
        %scan3A_366 = scf.for %scan3A_375 = %scan3A_362 to %scan3A_364 step %scan3A_365 iter_args(%scan3A_376 = %scan3A_361) -> (i32)  : i32 {
          %get3A = arith.index_cast %scan3A_375 : i32 to index
          %get3A_377 = arith.constant 96 : index
          %get3A_378 = tpu.vector_load %arg9[%get3A, %get3A_377] {strides = array<i32>} : memref<64x112xf32, #tpu.memory_space<vmem>>, vector<1x16xf32>,
          %get3A_379 = vector.shape_cast %get3A_378 : vector<1x16xf32> to vector<16xf32>
          %slice3A = vector.extract_strided_slice %get3A_379 {offsets = [0], sizes = [1], strides = [1]} : vector<16xf32> to vector<1xf32>
          %squeeze3A = vector.extract %slice3A[0] : f32 from vector<1xf32>
          %slice3A_380 = vector.extract_strided_slice %get3A_379 {offsets = [1], sizes = [1], strides = [1]} : vector<16xf32> to vector<1xf32>
          %squeeze3A_381 = vector.extract %slice3A_380[0] : f32 from vector<1xf32>
          %slice3A_382 = vector.extract_strided_slice %get3A_379 {offsets = [2], sizes = [1], strides = [1]} : vector<16xf32> to vector<1xf32>
          %squeeze3A_383 = vector.extract %slice3A_382[0] : f32 from vector<1xf32>
          %get3A_384 = arith.index_cast %scan3A_375 : i32 to index
          %get3A_385 = arith.constant 0 : index
          %get3A_386 = tpu.vector_load %arg11[%get3A_384, %get3A_385] {strides = array<i32>} : memref<64x16xf32, #tpu.memory_space<vmem>>, vector<1x16xf32>,
          %get3A_387 = vector.shape_cast %get3A_386 : vector<1x16xf32> to vector<16xf32>
          %slice3A_388 = vector.extract_strided_slice %get3A_387 {offsets = [0], sizes = [1], strides = [1]} : vector<16xf32> to vector<1xf32>
          %squeeze3A_389 = vector.extract %slice3A_388[0] : f32 from vector<1xf32>
          %slice3A_390 = vector.extract_strided_slice %get3A_387 {offsets = [1], sizes = [1], strides = [1]} : vector<16xf32> to vector<1xf32>
          %squeeze3A_391 = vector.extract %slice3A_390[0] : f32 from vector<1xf32>
          %slice3A_392 = vector.extract_strided_slice %get3A_387 {offsets = [2], sizes = [1], strides = [1]} : vector<16xf32> to vector<1xf32>
          %squeeze3A_393 = vector.extract %slice3A_392[0] : f32 from vector<1xf32>
          %get3A_394 = arith.index_cast %scan3A_375 : i32 to index
          %get3A_395 = arith.constant 0 : index
          %get3A_396 = tpu.vector_load %arg9[%get3A_394, %get3A_395] {strides = array<i32>} : memref<64x112xf32, #tpu.memory_space<vmem>>, vector<1x16xf32>,
          %get3A_397 = vector.shape_cast %get3A_396 : vector<1x16xf32> to vector<16xf32>
          %get3A_398 = arith.index_cast %scan3A_375 : i32 to index
          %get3A_399 = arith.constant 32 : index
          %get3A_400 = tpu.vector_load %arg9[%get3A_398, %get3A_399] {strides = array<i32>} : memref<64x112xf32, #tpu.memory_space<vmem>>, vector<1x16xf32>,
          %get3A_401 = vector.shape_cast %get3A_400 : vector<1x16xf32> to vector<16xf32>
          %get3A_402 = arith.index_cast %scan3A_375 : i32 to index
          %get3A_403 = arith.constant 64 : index
          %get3A_404 = tpu.vector_load %arg9[%get3A_402, %get3A_403] {strides = array<i32>} : memref<64x112xf32, #tpu.memory_space<vmem>>, vector<1x16xf32>,
          %get3A_405 = vector.shape_cast %get3A_404 : vector<1x16xf32> to vector<16xf32>
          %get3A_406 = arith.index_cast %scan3A_375 : i32 to index
          %get3A_407 = arith.constant 0 : index
          %get3A_408 = tpu.vector_load %arg10[%get3A_406, %get3A_407] {strides = array<i32>} : memref<64x96xf32, #tpu.memory_space<vmem>>, vector<1x16xf32>,
          %get3A_409 = vector.shape_cast %get3A_408 : vector<1x16xf32> to vector<16xf32>
          %get3A_410 = arith.index_cast %scan3A_375 : i32 to index
          %get3A_411 = arith.constant 32 : index
          %get3A_412 = tpu.vector_load %arg10[%get3A_410, %get3A_411] {strides = array<i32>} : memref<64x96xf32, #tpu.memory_space<vmem>>, vector<1x16xf32>,
          %get3A_413 = vector.shape_cast %get3A_412 : vector<1x16xf32> to vector<16xf32>
          %get3A_414 = arith.index_cast %scan3A_375 : i32 to index
          %get3A_415 = arith.constant 64 : index
          %get3A_416 = tpu.vector_load %arg10[%get3A_414, %get3A_415] {strides = array<i32>} : memref<64x96xf32, #tpu.memory_space<vmem>>, vector<1x16xf32>,
          %get3A_417 = vector.shape_cast %get3A_416 : vector<1x16xf32> to vector<16xf32>
          %mul3A_418 = arith.mulf %get3A_413, %get3A_401 : vector<16xf32>
          %mul3A_419 = arith.mulf %get3A_417, %get3A_405 : vector<16xf32>
          %mul3A_420 = arith.mulf %get3A_409, %get3A_397 : vector<16xf32>
          %swap3A = arith.index_cast %scan3A_375 : i32 to index
          %swap3A_421 = arith.constant 0 : index
          %swap3A_422 = tpu.vector_load %arg14[%swap3A, %swap3A_421] {strides = array<i32>} : memref<64x128xf32, #tpu.memory_space<vmem>>, vector<1x16xf32>,
          %swap3A_423 = vector.shape_cast %swap3A_422 : vector<1x16xf32> to vector<16xf32>
          %swap3A_424 = vector.shape_cast %mul3A_420 : vector<16xf32> to vector<1x16xf32>
          tpu.vector_store %arg14[%swap3A, %swap3A_421], %swap3A_424 {strides = array<i32>} : memref<64x128xf32, #tpu.memory_space<vmem>>, vector<1x16xf32>,
          %mul3A_425 = vector.broadcast %squeeze3A_389 : f32 to vector<16xf32>
          %mul3A_426 = arith.mulf %mul3A_418, %mul3A_425 : vector<16xf32>
          %mul3A_427 = vector.broadcast %squeeze3A : f32 to vector<16xf32>
          %mul3A_428 = arith.mulf %mul3A_419, %mul3A_427 : vector<16xf32>
          %add3A_429 = arith.addf %mul3A_426, %mul3A_428 : vector<16xf32>
          %swap3A_430 = arith.index_cast %scan3A_375 : i32 to index
          %swap3A_431 = arith.constant 32 : index
          %swap3A_432 = tpu.vector_load %arg14[%swap3A_430, %swap3A_431] {strides = array<i32>} : memref<64x128xf32, #tpu.memory_space<vmem>>, vector<1x16xf32>,
          %swap3A_433 = vector.shape_cast %swap3A_432 : vector<1x16xf32> to vector<16xf32>
          %swap3A_434 = vector.shape_cast %add3A_429 : vector<16xf32> to vector<1x16xf32>
          tpu.vector_store %arg14[%swap3A_430, %swap3A_431], %swap3A_434 {strides = array<i32>} : memref<64x128xf32, #tpu.memory_space<vmem>>, vector<1x16xf32>,
          %mul3A_435 = vector.broadcast %squeeze3A_391 : f32 to vector<16xf32>
          %mul3A_436 = arith.mulf %mul3A_418, %mul3A_435 : vector<16xf32>
          %mul3A_437 = vector.broadcast %squeeze3A_381 : f32 to vector<16xf32>
          %mul3A_438 = arith.mulf %mul3A_419, %mul3A_437 : vector<16xf32>
          %add3A_439 = arith.addf %mul3A_436, %mul3A_438 : vector<16xf32>
          %swap3A_440 = arith.index_cast %scan3A_375 : i32 to index
          %swap3A_441 = arith.constant 64 : index
          %swap3A_442 = tpu.vector_load %arg14[%swap3A_440, %swap3A_441] {strides = array<i32>} : memref<64x128xf32, #tpu.memory_space<vmem>>, vector<1x16xf32>,
          %swap3A_443 = vector.shape_cast %swap3A_442 : vector<1x16xf32> to vector<16xf32>
          %swap3A_444 = vector.shape_cast %add3A_439 : vector<16xf32> to vector<1x16xf32>
          tpu.vector_store %arg14[%swap3A_440, %swap3A_441], %swap3A_444 {strides = array<i32>} : memref<64x128xf32, #tpu.memory_space<vmem>>, vector<1x16xf32>,
          %mul3A_445 = vector.broadcast %squeeze3A_393 : f32 to vector<16xf32>
          %mul3A_446 = arith.mulf %mul3A_418, %mul3A_445 : vector<16xf32>
          %mul3A_447 = vector.broadcast %squeeze3A_383 : f32 to vector<16xf32>
          %mul3A_448 = arith.mulf %mul3A_419, %mul3A_447 : vector<16xf32>
          %add3A_449 = arith.addf %mul3A_446, %mul3A_448 : vector<16xf32>
          %swap3A_450 = arith.index_cast %scan3A_375 : i32 to index
          %swap3A_451 = arith.constant 96 : index
          %swap3A_452 = tpu.vector_load %arg14[%swap3A_450, %swap3A_451] {strides = array<i32>} : memref<64x128xf32, #tpu.memory_space<vmem>>, vector<1x16xf32>,
          %swap3A_453 = vector.shape_cast %swap3A_452 : vector<1x16xf32> to vector<16xf32>
          %swap3A_454 = vector.shape_cast %add3A_449 : vector<16xf32> to vector<1x16xf32>
          tpu.vector_store %arg14[%swap3A_450, %swap3A_451], %swap3A_454 {strides = array<i32>} : memref<64x128xf32, #tpu.memory_space<vmem>>, vector<1x16xf32>,
          %get3A_455 = arith.index_cast %scan3A_375 : i32 to index
          %get3A_456 = arith.constant 16 : index
          %get3A_457 = tpu.vector_load %arg9[%get3A_455, %get3A_456] {strides = array<i32>} : memref<64x112xf32, #tpu.memory_space<vmem>>, vector<1x16xf32>,
          %get3A_458 = vector.shape_cast %get3A_457 : vector<1x16xf32> to vector<16xf32>
          %get3A_459 = arith.index_cast %scan3A_375 : i32 to index
          %get3A_460 = arith.constant 48 : index
          %get3A_461 = tpu.vector_load %arg9[%get3A_459, %get3A_460] {strides = array<i32>} : memref<64x112xf32, #tpu.memory_space<vmem>>, vector<1x16xf32>,
          %get3A_462 = vector.shape_cast %get3A_461 : vector<1x16xf32> to vector<16xf32>
          %get3A_463 = arith.index_cast %scan3A_375 : i32 to index
          %get3A_464 = arith.constant 80 : index
          %get3A_465 = tpu.vector_load %arg9[%get3A_463, %get3A_464] {strides = array<i32>} : memref<64x112xf32, #tpu.memory_space<vmem>>, vector<1x16xf32>,
          %get3A_466 = vector.shape_cast %get3A_465 : vector<1x16xf32> to vector<16xf32>
          %get3A_467 = arith.index_cast %scan3A_375 : i32 to index
          %get3A_468 = arith.constant 16 : index
          %get3A_469 = tpu.vector_load %arg10[%get3A_467, %get3A_468] {strides = array<i32>} : memref<64x96xf32, #tpu.memory_space<vmem>>, vector<1x16xf32>,
          %get3A_470 = vector.shape_cast %get3A_469 : vector<1x16xf32> to vector<16xf32>
          %get3A_471 = arith.index_cast %scan3A_375 : i32 to index
          %get3A_472 = arith.constant 48 : index
          %get3A_473 = tpu.vector_load %arg10[%get3A_471, %get3A_472] {strides = array<i32>} : memref<64x96xf32, #tpu.memory_space<vmem>>, vector<1x16xf32>,
          %get3A_474 = vector.shape_cast %get3A_473 : vector<1x16xf32> to vector<16xf32>
          %get3A_475 = arith.index_cast %scan3A_375 : i32 to index
          %get3A_476 = arith.constant 80 : index
          %get3A_477 = tpu.vector_load %arg10[%get3A_475, %get3A_476] {strides = array<i32>} : memref<64x96xf32, #tpu.memory_space<vmem>>, vector<1x16xf32>,
          %get3A_478 = vector.shape_cast %get3A_477 : vector<1x16xf32> to vector<16xf32>
          %mul3A_479 = arith.mulf %get3A_474, %get3A_462 : vector<16xf32>
          %mul3A_480 = arith.mulf %get3A_478, %get3A_466 : vector<16xf32>
          %mul3A_481 = arith.mulf %get3A_470, %get3A_458 : vector<16xf32>
          %swap3A_482 = arith.index_cast %scan3A_375 : i32 to index
          %swap3A_483 = arith.constant 16 : index
          %swap3A_484 = tpu.vector_load %arg14[%swap3A_482, %swap3A_483] {strides = array<i32>} : memref<64x128xf32, #tpu.memory_space<vmem>>, vector<1x16xf32>,
          %swap3A_485 = vector.shape_cast %swap3A_484 : vector<1x16xf32> to vector<16xf32>
          %swap3A_486 = vector.shape_cast %mul3A_481 : vector<16xf32> to vector<1x16xf32>
          tpu.vector_store %arg14[%swap3A_482, %swap3A_483], %swap3A_486 {strides = array<i32>} : memref<64x128xf32, #tpu.memory_space<vmem>>, vector<1x16xf32>,
          %mul3A_487 = vector.broadcast %squeeze3A_389 : f32 to vector<16xf32>
          %mul3A_488 = arith.mulf %mul3A_479, %mul3A_487 : vector<16xf32>
          %mul3A_489 = vector.broadcast %squeeze3A : f32 to vector<16xf32>
          %mul3A_490 = arith.mulf %mul3A_480, %mul3A_489 : vector<16xf32>
          %add3A_491 = arith.addf %mul3A_488, %mul3A_490 : vector<16xf32>
          %swap3A_492 = arith.index_cast %scan3A_375 : i32 to index
          %swap3A_493 = arith.constant 48 : index
          %swap3A_494 = tpu.vector_load %arg14[%swap3A_492, %swap3A_493] {strides = array<i32>} : memref<64x128xf32, #tpu.memory_space<vmem>>, vector<1x16xf32>,
          %swap3A_495 = vector.shape_cast %swap3A_494 : vector<1x16xf32> to vector<16xf32>
          %swap3A_496 = vector.shape_cast %add3A_491 : vector<16xf32> to vector<1x16xf32>
          tpu.vector_store %arg14[%swap3A_492, %swap3A_493], %swap3A_496 {strides = array<i32>} : memref<64x128xf32, #tpu.memory_space<vmem>>, vector<1x16xf32>,
          %mul3A_497 = vector.broadcast %squeeze3A_391 : f32 to vector<16xf32>
          %mul3A_498 = arith.mulf %mul3A_479, %mul3A_497 : vector<16xf32>
          %mul3A_499 = vector.broadcast %squeeze3A_381 : f32 to vector<16xf32>
          %mul3A_500 = arith.mulf %mul3A_480, %mul3A_499 : vector<16xf32>
          %add3A_501 = arith.addf %mul3A_498, %mul3A_500 : vector<16xf32>
          %swap3A_502 = arith.index_cast %scan3A_375 : i32 to index
          %swap3A_503 = arith.constant 80 : index
          %swap3A_504 = tpu.vector_load %arg14[%swap3A_502, %swap3A_503] {strides = array<i32>} : memref<64x128xf32, #tpu.memory_space<vmem>>, vector<1x16xf32>,
          %swap3A_505 = vector.shape_cast %swap3A_504 : vector<1x16xf32> to vector<16xf32>
          %swap3A_506 = vector.shape_cast %add3A_501 : vector<16xf32> to vector<1x16xf32>
          tpu.vector_store %arg14[%swap3A_502, %swap3A_503], %swap3A_506 {strides = array<i32>} : memref<64x128xf32, #tpu.memory_space<vmem>>, vector<1x16xf32>,
          %mul3A_507 = vector.broadcast %squeeze3A_393 : f32 to vector<16xf32>
          %mul3A_508 = arith.mulf %mul3A_479, %mul3A_507 : vector<16xf32>
          %mul3A_509 = vector.broadcast %squeeze3A_383 : f32 to vector<16xf32>
          %mul3A_510 = arith.mulf %mul3A_480, %mul3A_509 : vector<16xf32>
          %add3A_511 = arith.addf %mul3A_508, %mul3A_510 : vector<16xf32>
          %swap3A_512 = arith.index_cast %scan3A_375 : i32 to index
          %swap3A_513 = arith.constant 112 : index
          %swap3A_514 = tpu.vector_load %arg14[%swap3A_512, %swap3A_513] {strides = array<i32>} : memref<64x128xf32, #tpu.memory_space<vmem>>, vector<1x16xf32>,
          %swap3A_515 = vector.shape_cast %swap3A_514 : vector<1x16xf32> to vector<16xf32>
          %swap3A_516 = vector.shape_cast %add3A_511 : vector<16xf32> to vector<1x16xf32>
          tpu.vector_store %arg14[%swap3A_512, %swap3A_513], %swap3A_516 {strides = array<i32>} : memref<64x128xf32, #tpu.memory_space<vmem>>, vector<1x16xf32>,
          %scan3A_517 = arith.constant 0 : i32
          scf.yield %scan3A_517 : i32
        }
        %scan3A_367 = arith.constant 64 : i32
        %dma_wait3A_368 = arith.constant 0 : i32
        %dma_wait3A_369 = tpu.memref_slice %arg4[%dma_wait3A_368] : memref<160000xi32, #tpu.memory_space<hbm>> -> memref<64xi32, #tpu.memory_space<hbm>>
        %dma_wait3A_370 = arith.constant 0 : i32
        %dma_wait3A_371 = tpu.memref_slice %arg4[%dma_wait3A_370] : memref<160000xi32, #tpu.memory_space<hbm>> -> memref<64xi32, #tpu.memory_space<hbm>>
        tpu.wait_dma2 semaphore(%arg16 : memref<!tpu.dma_semaphore, #tpu.memory_space<semaphore_mem>>) src(%dma_wait3A_371 : memref<64xi32, #tpu.memory_space<hbm>>) dst(%arg13 : memref<64xi32, #tpu.memory_space<vmem>>)
        %dma_start3A_372 = arith.constant 0 : i32
        %dma_start3A_373 = arith.constant 0 : i32
        %dma_start3A_374 = tpu.memref_slice %arg29[%dma_start3A_372, %dma_start3A_373] : memref<10000x128xf32, #tpu.memory_space<vmem_shared>> -> memref<10000x128xf32, #tpu.memory_space<vmem_shared>>
        tpu.enqueue_indirect_dma source(%arg14 : memref<64x128xf32, #tpu.memory_space<vmem>>) target(%dma_start3A_374 : memref<10000x128xf32, #tpu.memory_space<vmem_shared>>) offsets(%arg13 : memref<64xi32, #tpu.memory_space<vmem>>) semaphore(%arg16 : memref<!tpu.dma_semaphore, #tpu.memory_space<semaphore_mem>>) {add = true}
      } else {
      }
      %lt3A_320 = arith.constant 2500 : i32
      %lt3A_321 = arith.cmpi slt, %add3A_312, %lt3A_320 : i32
      %convert_element_type3A_322 = arith.extui %lt3A_321 : i1 to i32
      %cond3A_323 = arith.constant 0 : i32
      %cond3A_324 = arith.cmpi ne, %convert_element_type3A_322, %cond3A_323 : i32
      scf.if %cond3A_324 {
        %dma_wait3A_331 = arith.constant 0 : i32
        %dma_wait3A_332 = tpu.memref_slice %arg3[%dma_wait3A_331] : memref<640000xi32, #tpu.memory_space<hbm>> -> memref<64xi32, #tpu.memory_space<hbm>>
        %dma_wait3A_333 = arith.constant 0 : i32
        %dma_wait3A_334 = tpu.memref_slice %arg3[%dma_wait3A_333] : memref<640000xi32, #tpu.memory_space<hbm>> -> memref<64xi32, #tpu.memory_space<hbm>>
        tpu.wait_dma2 semaphore(%arg17 : memref<!tpu.dma_semaphore, #tpu.memory_space<semaphore_mem>>) src(%dma_wait3A_334 : memref<64xi32, #tpu.memory_space<hbm>>) dst(%arg12 : memref<64xi32, #tpu.memory_space<vmem>>)
        %mul3A_335 = arith.constant 64 : i32
        %mul3A_336 = arith.muli %add3A_312, %mul3A_335 : i32
        %dma_start3A_337 = arith.constant 0 : i32
        %dma_start3A_338 = arith.constant 0 : i32
        %dma_start3A_339 = tpu.memref_slice %arg2[%dma_start3A_337, %dma_start3A_338] : memref<40000x112xf32, #tpu.memory_space<hbm>> -> memref<40000x112xf32, #tpu.memory_space<hbm>>
        tpu.enqueue_indirect_dma source(%dma_start3A_339 : memref<40000x112xf32, #tpu.memory_space<hbm>>) target(%arg9 : memref<64x112xf32, #tpu.memory_space<vmem>>) offsets(%arg12 : memref<64xi32, #tpu.memory_space<vmem>>) semaphore(%arg18 : memref<!tpu.dma_semaphore, #tpu.memory_space<semaphore_mem>>)
        %dma_start3A_340 = arith.constant 0 : i32
        %dma_start3A_341 = arith.constant 0 : i32
        %dma_start3A_342 = tpu.memref_slice %arg10[%dma_start3A_340, %dma_start3A_341] : memref<64x96xf32, #tpu.memory_space<vmem>> -> memref<64x32xf32, #tpu.memory_space<vmem>>
        %dma_start3A_343 = arith.constant 64 : i32
        %dma_start3A_344 = tpu.memref_slice %arg5[%mul3A_336, %dma_start3A_343] : memref<160000x384xf32, #tpu.memory_space<hbm>> -> memref<64x32xf32, #tpu.memory_space<hbm>>
        %dma_start3A_345 = arith.constant 0 : i32
        %dma_start3A_346 = arith.constant 0 : i32
        %dma_start3A_347 = tpu.memref_slice %arg10[%dma_start3A_345, %dma_start3A_346] : memref<64x96xf32, #tpu.memory_space<vmem>> -> memref<64x32xf32, #tpu.memory_space<vmem>>
        %dma_start3A_348 = arith.constant 64 : i32
        %dma_start3A_349 = tpu.memref_slice %arg5[%mul3A_336, %dma_start3A_348] : memref<160000x384xf32, #tpu.memory_space<hbm>> -> memref<64x32xf32, #tpu.memory_space<hbm>>
        tpu.enqueue_dma source(%dma_start3A_349 : memref<64x32xf32, #tpu.memory_space<hbm>>) target(%dma_start3A_347 : memref<64x32xf32, #tpu.memory_space<vmem>>) target_semaphore(%arg15 : memref<!tpu.dma_semaphore, #tpu.memory_space<semaphore_mem>>)
        %dma_start3A_350 = arith.constant 0 : i32
        %dma_start3A_351 = arith.constant 32 : i32
        %dma_start3A_352 = tpu.memref_slice %arg10[%dma_start3A_350, %dma_start3A_351] : memref<64x96xf32, #tpu.memory_space<vmem>> -> memref<64x32xf32, #tpu.memory_space<vmem>>
        %dma_start3A_353 = arith.constant 192 : i32
        %dma_start3A_354 = tpu.memref_slice %arg5[%mul3A_336, %dma_start3A_353] : memref<160000x384xf32, #tpu.memory_space<hbm>> -> memref<64x32xf32, #tpu.memory_space<hbm>>
        %dma_start3A_355 = arith.constant 0 : i32
        %dma_start3A_356 = arith.constant 32 : i32
        %dma_start3A_357 = tpu.memref_slice %arg10[%dma_start3A_355, %dma_start3A_356] : memref<64x96xf32, #tpu.memory_space<vmem>> -> memref<64x32xf32, #tpu.memory_space<vmem>>
        %dma_start3A_358 = arith.constant 192 : i32
        %dma_start3A_359 = tpu.memref_slice %arg5[%mul3A_336, %dma_start3A_358] : memref<160000x384xf32, #tpu.memory_space<hbm>> -> memref<64x32xf32, #tpu.memory_space<hbm>>
        tpu.enqueue_dma source(%dma_start3A_359 : memref<64x32xf32, #tpu.memory_space<hbm>>) target(%dma_start3A_357 : memref<64x32xf32, #tpu.memory_space<vmem>>) target_semaphore(%arg15 : memref<!tpu.dma_semaphore, #tpu.memory_space<semaphore_mem>>)
        %dma_start3A_360 = arith.constant 0 : i32
        %dma_start3A_361 = arith.constant 64 : i32
        %dma_start3A_362 = tpu.memref_slice %arg10[%dma_start3A_360, %dma_start3A_361] : memref<64x96xf32, #tpu.memory_space<vmem>> -> memref<64x32xf32, #tpu.memory_space<vmem>>
        %dma_start3A_363 = arith.constant 320 : i32
        %dma_start3A_364 = tpu.memref_slice %arg5[%mul3A_336, %dma_start3A_363] : memref<160000x384xf32, #tpu.memory_space<hbm>> -> memref<64x32xf32, #tpu.memory_space<hbm>>
        %dma_start3A_365 = arith.constant 0 : i32
        %dma_start3A_366 = arith.constant 64 : i32
        %dma_start3A_367 = tpu.memref_slice %arg10[%dma_start3A_365, %dma_start3A_366] : memref<64x96xf32, #tpu.memory_space<vmem>> -> memref<64x32xf32, #tpu.memory_space<vmem>>
        %dma_start3A_368 = arith.constant 320 : i32
        %dma_start3A_369 = tpu.memref_slice %arg5[%mul3A_336, %dma_start3A_368] : memref<160000x384xf32, #tpu.memory_space<hbm>> -> memref<64x32xf32, #tpu.memory_space<hbm>>
        tpu.enqueue_dma source(%dma_start3A_369 : memref<64x32xf32, #tpu.memory_space<hbm>>) target(%dma_start3A_367 : memref<64x32xf32, #tpu.memory_space<vmem>>) target_semaphore(%arg15 : memref<!tpu.dma_semaphore, #tpu.memory_space<semaphore_mem>>)
        %dma_start3A_370 = arith.constant 0 : i32
        %dma_start3A_371 = tpu.memref_slice %arg6[%mul3A_336, %dma_start3A_370] : memref<160000x16xf32, #tpu.memory_space<hbm>> -> memref<64x16xf32, #tpu.memory_space<hbm>>
        %dma_start3A_372 = arith.constant 0 : i32
        %dma_start3A_373 = tpu.memref_slice %arg6[%mul3A_336, %dma_start3A_372] : memref<160000x16xf32, #tpu.memory_space<hbm>> -> memref<64x16xf32, #tpu.memory_space<hbm>>
        tpu.enqueue_dma source(%dma_start3A_373 : memref<64x16xf32, #tpu.memory_space<hbm>>) target(%arg11 : memref<64x16xf32, #tpu.memory_space<vmem>>) target_semaphore(%arg15 : memref<!tpu.dma_semaphore, #tpu.memory_space<semaphore_mem>>)
      } else {
      }
      %lt3A_325 = arith.constant 2500 : i32
      %lt3A_326 = arith.cmpi slt, %add3A_305, %lt3A_325 : i32
      %convert_element_type3A_327 = arith.extui %lt3A_326 : i1 to i32
      %cond3A_328 = arith.constant 0 : i32
      %cond3A_329 = arith.cmpi ne, %convert_element_type3A_327, %cond3A_328 : i32
      scf.if %cond3A_329 {
        %gt3A = arith.constant 0 : i32
        %gt3A_331 = arith.cmpi sgt, %scan3A_292, %gt3A : i32
        %convert_element_type3A_332 = arith.extui %gt3A_331 : i1 to i32
        %cond3A_333 = arith.constant 0 : i32
        %cond3A_334 = arith.cmpi ne, %convert_element_type3A_332, %cond3A_333 : i32
        scf.if %cond3A_334 {
          %dma_wait3A_375 = arith.constant 0 : i32
          %dma_wait3A_376 = arith.constant 0 : i32
          %dma_wait3A_377 = tpu.memref_slice %arg29[%dma_wait3A_375, %dma_wait3A_376] : memref<10000x128xf32, #tpu.memory_space<vmem_shared>> -> memref<10000x128xf32, #tpu.memory_space<vmem_shared>>
          tpu.wait_indirect_dma semaphore(%arg26 : memref<!tpu.dma_semaphore, #tpu.memory_space<semaphore_mem>>) src(%arg24 : memref<64x128xf32, #tpu.memory_space<vmem>>) dst(%dma_wait3A_377 : memref<10000x128xf32, #tpu.memory_space<vmem_shared>>)
        } else {
        }
        %mul3A_335 = arith.constant 64 : i32
        %mul3A_336 = arith.muli %add3A_305, %mul3A_335 : i32
        %dma_start3A_337 = tpu.memref_slice %arg4[%mul3A_336] : memref<160000xi32, #tpu.memory_space<hbm>> -> memref<64xi32, #tpu.memory_space<hbm>>
        %dma_start3A_338 = tpu.memref_slice %arg4[%mul3A_336] : memref<160000xi32, #tpu.memory_space<hbm>> -> memref<64xi32, #tpu.memory_space<hbm>>
        tpu.enqueue_dma source(%dma_start3A_338 : memref<64xi32, #tpu.memory_space<hbm>>) target(%arg23 : memref<64xi32, #tpu.memory_space<vmem>>) target_semaphore(%arg26 : memref<!tpu.dma_semaphore, #tpu.memory_space<semaphore_mem>>)
        %dma_wait3A_339 = arith.constant 0 : i32
        %dma_wait3A_340 = arith.constant 0 : i32
        %dma_wait3A_341 = tpu.memref_slice %arg2[%dma_wait3A_339, %dma_wait3A_340] : memref<40000x112xf32, #tpu.memory_space<hbm>> -> memref<40000x112xf32, #tpu.memory_space<hbm>>
        tpu.wait_indirect_dma semaphore(%arg28 : memref<!tpu.dma_semaphore, #tpu.memory_space<semaphore_mem>>) src(%dma_wait3A_341 : memref<40000x112xf32, #tpu.memory_space<hbm>>) dst(%arg19 : memref<64x112xf32, #tpu.memory_space<vmem>>)
        %dma_wait3A_342 = arith.constant 0 : i32
        %dma_wait3A_343 = arith.constant 0 : i32
        %dma_wait3A_344 = tpu.memref_slice %arg5[%dma_wait3A_342, %dma_wait3A_343] : memref<160000x384xf32, #tpu.memory_space<hbm>> -> memref<64x96xf32, #tpu.memory_space<hbm>>
        %dma_wait3A_345 = arith.constant 0 : i32
        %dma_wait3A_346 = arith.constant 0 : i32
        %dma_wait3A_347 = tpu.memref_slice %arg5[%dma_wait3A_345, %dma_wait3A_346] : memref<160000x384xf32, #tpu.memory_space<hbm>> -> memref<64x96xf32, #tpu.memory_space<hbm>>
        tpu.wait_dma2 semaphore(%arg25 : memref<!tpu.dma_semaphore, #tpu.memory_space<semaphore_mem>>) src(%dma_wait3A_347 : memref<64x96xf32, #tpu.memory_space<hbm>>) dst(%arg20 : memref<64x96xf32, #tpu.memory_space<vmem>>)
        %dma_wait3A_348 = arith.constant 0 : i32
        %dma_wait3A_349 = arith.constant 0 : i32
        %dma_wait3A_350 = tpu.memref_slice %arg6[%dma_wait3A_348, %dma_wait3A_349] : memref<160000x16xf32, #tpu.memory_space<hbm>> -> memref<64x16xf32, #tpu.memory_space<hbm>>
        %dma_wait3A_351 = arith.constant 0 : i32
        %dma_wait3A_352 = arith.constant 0 : i32
        %dma_wait3A_353 = tpu.memref_slice %arg6[%dma_wait3A_351, %dma_wait3A_352] : memref<160000x16xf32, #tpu.memory_space<hbm>> -> memref<64x16xf32, #tpu.memory_space<hbm>>
        tpu.wait_dma2 semaphore(%arg25 : memref<!tpu.dma_semaphore, #tpu.memory_space<semaphore_mem>>) src(%dma_wait3A_353 : memref<64x16xf32, #tpu.memory_space<hbm>>) dst(%arg21 : memref<64x16xf32, #tpu.memory_space<vmem>>)
        %add3A_354 = arith.constant 64 : i32
        %add3A_355 = arith.addi %add3A_305, %add3A_354 : i32
        %lt3A_356 = arith.constant 2500 : i32
        %lt3A_357 = arith.cmpi slt, %add3A_355, %lt3A_356 : i32
        %convert_element_type3A_358 = arith.extui %lt3A_357 : i1 to i32
        %cond3A_359 = arith.constant 0 : i32
        %cond3A_360 = arith.cmpi ne, %convert_element_type3A_358, %cond3A_359 : i32
        scf.if %cond3A_360 {
          %mul3A_375 = arith.constant 64 : i32
          %mul3A_376 = arith.muli %add3A_355, %mul3A_375 : i32
          %add3A_377 = arith.constant 320000 : i32
          %add3A_378 = arith.addi %add3A_377, %mul3A_376 : i32
          %dma_start3A_379 = tpu.memref_slice %arg3[%add3A_378] : memref<640000xi32, #tpu.memory_space<hbm>> -> memref<64xi32, #tpu.memory_space<hbm>>
          %dma_start3A_380 = tpu.memref_slice %arg3[%add3A_378] : memref<640000xi32, #tpu.memory_space<hbm>> -> memref<64xi32, #tpu.memory_space<hbm>>
          tpu.enqueue_dma source(%dma_start3A_380 : memref<64xi32, #tpu.memory_space<hbm>>) target(%arg22 : memref<64xi32, #tpu.memory_space<vmem>>) target_semaphore(%arg27 : memref<!tpu.dma_semaphore, #tpu.memory_space<semaphore_mem>>)
        } else {
        }
        %scan3A_361 = arith.constant 0 : i32
        %scan3A_362 = arith.constant 0 : i32
        %scan3A_363 = arith.constant 64 : i32
        %scan3A_364 = arith.addi %scan3A_362, %scan3A_363 : i32
        %scan3A_365 = arith.constant 1 : i32
        %scan3A_366 = scf.for %scan3A_375 = %scan3A_362 to %scan3A_364 step %scan3A_365 iter_args(%scan3A_376 = %scan3A_361) -> (i32)  : i32 {
          %get3A = arith.index_cast %scan3A_375 : i32 to index
          %get3A_377 = arith.constant 96 : index
          %get3A_378 = tpu.vector_load %arg19[%get3A, %get3A_377] {strides = array<i32>} : memref<64x112xf32, #tpu.memory_space<vmem>>, vector<1x16xf32>,
          %get3A_379 = vector.shape_cast %get3A_378 : vector<1x16xf32> to vector<16xf32>
          %slice3A = vector.extract_strided_slice %get3A_379 {offsets = [0], sizes = [1], strides = [1]} : vector<16xf32> to vector<1xf32>
          %squeeze3A = vector.extract %slice3A[0] : f32 from vector<1xf32>
          %slice3A_380 = vector.extract_strided_slice %get3A_379 {offsets = [1], sizes = [1], strides = [1]} : vector<16xf32> to vector<1xf32>
          %squeeze3A_381 = vector.extract %slice3A_380[0] : f32 from vector<1xf32>
          %slice3A_382 = vector.extract_strided_slice %get3A_379 {offsets = [2], sizes = [1], strides = [1]} : vector<16xf32> to vector<1xf32>
          %squeeze3A_383 = vector.extract %slice3A_382[0] : f32 from vector<1xf32>
          %get3A_384 = arith.index_cast %scan3A_375 : i32 to index
          %get3A_385 = arith.constant 0 : index
          %get3A_386 = tpu.vector_load %arg21[%get3A_384, %get3A_385] {strides = array<i32>} : memref<64x16xf32, #tpu.memory_space<vmem>>, vector<1x16xf32>,
          %get3A_387 = vector.shape_cast %get3A_386 : vector<1x16xf32> to vector<16xf32>
          %slice3A_388 = vector.extract_strided_slice %get3A_387 {offsets = [0], sizes = [1], strides = [1]} : vector<16xf32> to vector<1xf32>
          %squeeze3A_389 = vector.extract %slice3A_388[0] : f32 from vector<1xf32>
          %slice3A_390 = vector.extract_strided_slice %get3A_387 {offsets = [1], sizes = [1], strides = [1]} : vector<16xf32> to vector<1xf32>
          %squeeze3A_391 = vector.extract %slice3A_390[0] : f32 from vector<1xf32>
          %slice3A_392 = vector.extract_strided_slice %get3A_387 {offsets = [2], sizes = [1], strides = [1]} : vector<16xf32> to vector<1xf32>
          %squeeze3A_393 = vector.extract %slice3A_392[0] : f32 from vector<1xf32>
          %get3A_394 = arith.index_cast %scan3A_375 : i32 to index
          %get3A_395 = arith.constant 0 : index
          %get3A_396 = tpu.vector_load %arg19[%get3A_394, %get3A_395] {strides = array<i32>} : memref<64x112xf32, #tpu.memory_space<vmem>>, vector<1x16xf32>,
          %get3A_397 = vector.shape_cast %get3A_396 : vector<1x16xf32> to vector<16xf32>
          %get3A_398 = arith.index_cast %scan3A_375 : i32 to index
          %get3A_399 = arith.constant 32 : index
          %get3A_400 = tpu.vector_load %arg19[%get3A_398, %get3A_399] {strides = array<i32>} : memref<64x112xf32, #tpu.memory_space<vmem>>, vector<1x16xf32>,
          %get3A_401 = vector.shape_cast %get3A_400 : vector<1x16xf32> to vector<16xf32>
          %get3A_402 = arith.index_cast %scan3A_375 : i32 to index
          %get3A_403 = arith.constant 64 : index
          %get3A_404 = tpu.vector_load %arg19[%get3A_402, %get3A_403] {strides = array<i32>} : memref<64x112xf32, #tpu.memory_space<vmem>>, vector<1x16xf32>,
          %get3A_405 = vector.shape_cast %get3A_404 : vector<1x16xf32> to vector<16xf32>
          %get3A_406 = arith.index_cast %scan3A_375 : i32 to index
          %get3A_407 = arith.constant 0 : index
          %get3A_408 = tpu.vector_load %arg20[%get3A_406, %get3A_407] {strides = array<i32>} : memref<64x96xf32, #tpu.memory_space<vmem>>, vector<1x16xf32>,
          %get3A_409 = vector.shape_cast %get3A_408 : vector<1x16xf32> to vector<16xf32>
          %get3A_410 = arith.index_cast %scan3A_375 : i32 to index
          %get3A_411 = arith.constant 32 : index
          %get3A_412 = tpu.vector_load %arg20[%get3A_410, %get3A_411] {strides = array<i32>} : memref<64x96xf32, #tpu.memory_space<vmem>>, vector<1x16xf32>,
          %get3A_413 = vector.shape_cast %get3A_412 : vector<1x16xf32> to vector<16xf32>
          %get3A_414 = arith.index_cast %scan3A_375 : i32 to index
          %get3A_415 = arith.constant 64 : index
          %get3A_416 = tpu.vector_load %arg20[%get3A_414, %get3A_415] {strides = array<i32>} : memref<64x96xf32, #tpu.memory_space<vmem>>, vector<1x16xf32>,
          %get3A_417 = vector.shape_cast %get3A_416 : vector<1x16xf32> to vector<16xf32>
          %mul3A_418 = arith.mulf %get3A_413, %get3A_401 : vector<16xf32>
          %mul3A_419 = arith.mulf %get3A_417, %get3A_405 : vector<16xf32>
          %mul3A_420 = arith.mulf %get3A_409, %get3A_397 : vector<16xf32>
          %swap3A = arith.index_cast %scan3A_375 : i32 to index
          %swap3A_421 = arith.constant 0 : index
          %swap3A_422 = tpu.vector_load %arg24[%swap3A, %swap3A_421] {strides = array<i32>} : memref<64x128xf32, #tpu.memory_space<vmem>>, vector<1x16xf32>,
          %swap3A_423 = vector.shape_cast %swap3A_422 : vector<1x16xf32> to vector<16xf32>
          %swap3A_424 = vector.shape_cast %mul3A_420 : vector<16xf32> to vector<1x16xf32>
          tpu.vector_store %arg24[%swap3A, %swap3A_421], %swap3A_424 {strides = array<i32>} : memref<64x128xf32, #tpu.memory_space<vmem>>, vector<1x16xf32>,
          %mul3A_425 = vector.broadcast %squeeze3A_389 : f32 to vector<16xf32>
          %mul3A_426 = arith.mulf %mul3A_418, %mul3A_425 : vector<16xf32>
          %mul3A_427 = vector.broadcast %squeeze3A : f32 to vector<16xf32>
          %mul3A_428 = arith.mulf %mul3A_419, %mul3A_427 : vector<16xf32>
          %add3A_429 = arith.addf %mul3A_426, %mul3A_428 : vector<16xf32>
          %swap3A_430 = arith.index_cast %scan3A_375 : i32 to index
          %swap3A_431 = arith.constant 32 : index
          %swap3A_432 = tpu.vector_load %arg24[%swap3A_430, %swap3A_431] {strides = array<i32>} : memref<64x128xf32, #tpu.memory_space<vmem>>, vector<1x16xf32>,
          %swap3A_433 = vector.shape_cast %swap3A_432 : vector<1x16xf32> to vector<16xf32>
          %swap3A_434 = vector.shape_cast %add3A_429 : vector<16xf32> to vector<1x16xf32>
          tpu.vector_store %arg24[%swap3A_430, %swap3A_431], %swap3A_434 {strides = array<i32>} : memref<64x128xf32, #tpu.memory_space<vmem>>, vector<1x16xf32>,
          %mul3A_435 = vector.broadcast %squeeze3A_391 : f32 to vector<16xf32>
          %mul3A_436 = arith.mulf %mul3A_418, %mul3A_435 : vector<16xf32>
          %mul3A_437 = vector.broadcast %squeeze3A_381 : f32 to vector<16xf32>
          %mul3A_438 = arith.mulf %mul3A_419, %mul3A_437 : vector<16xf32>
          %add3A_439 = arith.addf %mul3A_436, %mul3A_438 : vector<16xf32>
          %swap3A_440 = arith.index_cast %scan3A_375 : i32 to index
          %swap3A_441 = arith.constant 64 : index
          %swap3A_442 = tpu.vector_load %arg24[%swap3A_440, %swap3A_441] {strides = array<i32>} : memref<64x128xf32, #tpu.memory_space<vmem>>, vector<1x16xf32>,
          %swap3A_443 = vector.shape_cast %swap3A_442 : vector<1x16xf32> to vector<16xf32>
          %swap3A_444 = vector.shape_cast %add3A_439 : vector<16xf32> to vector<1x16xf32>
          tpu.vector_store %arg24[%swap3A_440, %swap3A_441], %swap3A_444 {strides = array<i32>} : memref<64x128xf32, #tpu.memory_space<vmem>>, vector<1x16xf32>,
          %mul3A_445 = vector.broadcast %squeeze3A_393 : f32 to vector<16xf32>
          %mul3A_446 = arith.mulf %mul3A_418, %mul3A_445 : vector<16xf32>
          %mul3A_447 = vector.broadcast %squeeze3A_383 : f32 to vector<16xf32>
          %mul3A_448 = arith.mulf %mul3A_419, %mul3A_447 : vector<16xf32>
          %add3A_449 = arith.addf %mul3A_446, %mul3A_448 : vector<16xf32>
          %swap3A_450 = arith.index_cast %scan3A_375 : i32 to index
          %swap3A_451 = arith.constant 96 : index
          %swap3A_452 = tpu.vector_load %arg24[%swap3A_450, %swap3A_451] {strides = array<i32>} : memref<64x128xf32, #tpu.memory_space<vmem>>, vector<1x16xf32>,
          %swap3A_453 = vector.shape_cast %swap3A_452 : vector<1x16xf32> to vector<16xf32>
          %swap3A_454 = vector.shape_cast %add3A_449 : vector<16xf32> to vector<1x16xf32>
          tpu.vector_store %arg24[%swap3A_450, %swap3A_451], %swap3A_454 {strides = array<i32>} : memref<64x128xf32, #tpu.memory_space<vmem>>, vector<1x16xf32>,
          %get3A_455 = arith.index_cast %scan3A_375 : i32 to index
          %get3A_456 = arith.constant 16 : index
          %get3A_457 = tpu.vector_load %arg19[%get3A_455, %get3A_456] {strides = array<i32>} : memref<64x112xf32, #tpu.memory_space<vmem>>, vector<1x16xf32>,
          %get3A_458 = vector.shape_cast %get3A_457 : vector<1x16xf32> to vector<16xf32>
          %get3A_459 = arith.index_cast %scan3A_375 : i32 to index
          %get3A_460 = arith.constant 48 : index
          %get3A_461 = tpu.vector_load %arg19[%get3A_459, %get3A_460] {strides = array<i32>} : memref<64x112xf32, #tpu.memory_space<vmem>>, vector<1x16xf32>,
          %get3A_462 = vector.shape_cast %get3A_461 : vector<1x16xf32> to vector<16xf32>
          %get3A_463 = arith.index_cast %scan3A_375 : i32 to index
          %get3A_464 = arith.constant 80 : index
          %get3A_465 = tpu.vector_load %arg19[%get3A_463, %get3A_464] {strides = array<i32>} : memref<64x112xf32, #tpu.memory_space<vmem>>, vector<1x16xf32>,
          %get3A_466 = vector.shape_cast %get3A_465 : vector<1x16xf32> to vector<16xf32>
          %get3A_467 = arith.index_cast %scan3A_375 : i32 to index
          %get3A_468 = arith.constant 16 : index
          %get3A_469 = tpu.vector_load %arg20[%get3A_467, %get3A_468] {strides = array<i32>} : memref<64x96xf32, #tpu.memory_space<vmem>>, vector<1x16xf32>,
          %get3A_470 = vector.shape_cast %get3A_469 : vector<1x16xf32> to vector<16xf32>
          %get3A_471 = arith.index_cast %scan3A_375 : i32 to index
          %get3A_472 = arith.constant 48 : index
          %get3A_473 = tpu.vector_load %arg20[%get3A_471, %get3A_472] {strides = array<i32>} : memref<64x96xf32, #tpu.memory_space<vmem>>, vector<1x16xf32>,
          %get3A_474 = vector.shape_cast %get3A_473 : vector<1x16xf32> to vector<16xf32>
          %get3A_475 = arith.index_cast %scan3A_375 : i32 to index
          %get3A_476 = arith.constant 80 : index
          %get3A_477 = tpu.vector_load %arg20[%get3A_475, %get3A_476] {strides = array<i32>} : memref<64x96xf32, #tpu.memory_space<vmem>>, vector<1x16xf32>,
          %get3A_478 = vector.shape_cast %get3A_477 : vector<1x16xf32> to vector<16xf32>
          %mul3A_479 = arith.mulf %get3A_474, %get3A_462 : vector<16xf32>
          %mul3A_480 = arith.mulf %get3A_478, %get3A_466 : vector<16xf32>
          %mul3A_481 = arith.mulf %get3A_470, %get3A_458 : vector<16xf32>
          %swap3A_482 = arith.index_cast %scan3A_375 : i32 to index
          %swap3A_483 = arith.constant 16 : index
          %swap3A_484 = tpu.vector_load %arg24[%swap3A_482, %swap3A_483] {strides = array<i32>} : memref<64x128xf32, #tpu.memory_space<vmem>>, vector<1x16xf32>,
          %swap3A_485 = vector.shape_cast %swap3A_484 : vector<1x16xf32> to vector<16xf32>
          %swap3A_486 = vector.shape_cast %mul3A_481 : vector<16xf32> to vector<1x16xf32>
          tpu.vector_store %arg24[%swap3A_482, %swap3A_483], %swap3A_486 {strides = array<i32>} : memref<64x128xf32, #tpu.memory_space<vmem>>, vector<1x16xf32>,
          %mul3A_487 = vector.broadcast %squeeze3A_389 : f32 to vector<16xf32>
          %mul3A_488 = arith.mulf %mul3A_479, %mul3A_487 : vector<16xf32>
          %mul3A_489 = vector.broadcast %squeeze3A : f32 to vector<16xf32>
          %mul3A_490 = arith.mulf %mul3A_480, %mul3A_489 : vector<16xf32>
          %add3A_491 = arith.addf %mul3A_488, %mul3A_490 : vector<16xf32>
          %swap3A_492 = arith.index_cast %scan3A_375 : i32 to index
          %swap3A_493 = arith.constant 48 : index
          %swap3A_494 = tpu.vector_load %arg24[%swap3A_492, %swap3A_493] {strides = array<i32>} : memref<64x128xf32, #tpu.memory_space<vmem>>, vector<1x16xf32>,
          %swap3A_495 = vector.shape_cast %swap3A_494 : vector<1x16xf32> to vector<16xf32>
          %swap3A_496 = vector.shape_cast %add3A_491 : vector<16xf32> to vector<1x16xf32>
          tpu.vector_store %arg24[%swap3A_492, %swap3A_493], %swap3A_496 {strides = array<i32>} : memref<64x128xf32, #tpu.memory_space<vmem>>, vector<1x16xf32>,
          %mul3A_497 = vector.broadcast %squeeze3A_391 : f32 to vector<16xf32>
          %mul3A_498 = arith.mulf %mul3A_479, %mul3A_497 : vector<16xf32>
          %mul3A_499 = vector.broadcast %squeeze3A_381 : f32 to vector<16xf32>
          %mul3A_500 = arith.mulf %mul3A_480, %mul3A_499 : vector<16xf32>
          %add3A_501 = arith.addf %mul3A_498, %mul3A_500 : vector<16xf32>
          %swap3A_502 = arith.index_cast %scan3A_375 : i32 to index
          %swap3A_503 = arith.constant 80 : index
          %swap3A_504 = tpu.vector_load %arg24[%swap3A_502, %swap3A_503] {strides = array<i32>} : memref<64x128xf32, #tpu.memory_space<vmem>>, vector<1x16xf32>,
          %swap3A_505 = vector.shape_cast %swap3A_504 : vector<1x16xf32> to vector<16xf32>
          %swap3A_506 = vector.shape_cast %add3A_501 : vector<16xf32> to vector<1x16xf32>
          tpu.vector_store %arg24[%swap3A_502, %swap3A_503], %swap3A_506 {strides = array<i32>} : memref<64x128xf32, #tpu.memory_space<vmem>>, vector<1x16xf32>,
          %mul3A_507 = vector.broadcast %squeeze3A_393 : f32 to vector<16xf32>
          %mul3A_508 = arith.mulf %mul3A_479, %mul3A_507 : vector<16xf32>
          %mul3A_509 = vector.broadcast %squeeze3A_383 : f32 to vector<16xf32>
          %mul3A_510 = arith.mulf %mul3A_480, %mul3A_509 : vector<16xf32>
          %add3A_511 = arith.addf %mul3A_508, %mul3A_510 : vector<16xf32>
          %swap3A_512 = arith.index_cast %scan3A_375 : i32 to index
          %swap3A_513 = arith.constant 112 : index
          %swap3A_514 = tpu.vector_load %arg24[%swap3A_512, %swap3A_513] {strides = array<i32>} : memref<64x128xf32, #tpu.memory_space<vmem>>, vector<1x16xf32>,
          %swap3A_515 = vector.shape_cast %swap3A_514 : vector<1x16xf32> to vector<16xf32>
          %swap3A_516 = vector.shape_cast %add3A_511 : vector<16xf32> to vector<1x16xf32>
          tpu.vector_store %arg24[%swap3A_512, %swap3A_513], %swap3A_516 {strides = array<i32>} : memref<64x128xf32, #tpu.memory_space<vmem>>, vector<1x16xf32>,
          %scan3A_517 = arith.constant 0 : i32
          scf.yield %scan3A_517 : i32
        }
        %scan3A_367 = arith.constant 64 : i32
        %dma_wait3A_368 = arith.constant 0 : i32
        %dma_wait3A_369 = tpu.memref_slice %arg4[%dma_wait3A_368] : memref<160000xi32, #tpu.memory_space<hbm>> -> memref<64xi32, #tpu.memory_space<hbm>>
        %dma_wait3A_370 = arith.constant 0 : i32
        %dma_wait3A_371 = tpu.memref_slice %arg4[%dma_wait3A_370] : memref<160000xi32, #tpu.memory_space<hbm>> -> memref<64xi32, #tpu.memory_space<hbm>>
        tpu.wait_dma2 semaphore(%arg26 : memref<!tpu.dma_semaphore, #tpu.memory_space<semaphore_mem>>) src(%dma_wait3A_371 : memref<64xi32, #tpu.memory_space<hbm>>) dst(%arg23 : memref<64xi32, #tpu.memory_space<vmem>>)
        %dma_start3A_372 = arith.constant 0 : i32
        %dma_start3A_373 = arith.constant 0 : i32
        %dma_start3A_374 = tpu.memref_slice %arg29[%dma_start3A_372, %dma_start3A_373] : memref<10000x128xf32, #tpu.memory_space<vmem_shared>> -> memref<10000x128xf32, #tpu.memory_space<vmem_shared>>
        tpu.enqueue_indirect_dma source(%arg24 : memref<64x128xf32, #tpu.memory_space<vmem>>) target(%dma_start3A_374 : memref<10000x128xf32, #tpu.memory_space<vmem_shared>>) offsets(%arg23 : memref<64xi32, #tpu.memory_space<vmem>>) semaphore(%arg26 : memref<!tpu.dma_semaphore, #tpu.memory_space<semaphore_mem>>) {add = true}
      } else {
      }
      %scan3A_330 = arith.constant 0 : i32
      scf.yield %scan3A_330 : i32
    }
    %scan3A_204 = arith.constant 40 : i32
    %dma_wait3A_205 = arith.constant 0 : i32
    %dma_wait3A_206 = arith.constant 0 : i32
    %dma_wait3A_207 = tpu.memref_slice %arg29[%dma_wait3A_205, %dma_wait3A_206] : memref<10000x128xf32, #tpu.memory_space<vmem_shared>> -> memref<10000x128xf32, #tpu.memory_space<vmem_shared>>
    tpu.wait_indirect_dma semaphore(%arg16 : memref<!tpu.dma_semaphore, #tpu.memory_space<semaphore_mem>>) src(%arg14 : memref<64x128xf32, #tpu.memory_space<vmem>>) dst(%dma_wait3A_207 : memref<10000x128xf32, #tpu.memory_space<vmem_shared>>)
    %dma_wait3A_208 = arith.constant 0 : i32
    %dma_wait3A_209 = arith.constant 0 : i32
    %dma_wait3A_210 = tpu.memref_slice %arg29[%dma_wait3A_208, %dma_wait3A_209] : memref<10000x128xf32, #tpu.memory_space<vmem_shared>> -> memref<10000x128xf32, #tpu.memory_space<vmem_shared>>
    tpu.wait_indirect_dma semaphore(%arg26 : memref<!tpu.dma_semaphore, #tpu.memory_space<semaphore_mem>>) src(%arg24 : memref<64x128xf32, #tpu.memory_space<vmem>>) dst(%dma_wait3A_210 : memref<10000x128xf32, #tpu.memory_space<vmem_shared>>)
    %barrier3A_211 = arith.constant 0 : index
    tpu.barrier barrier_id(%barrier3A_211)
    %mul3A_212 = arith.constant 625 : i32
    %mul3A_213 = arith.muli %arg1, %mul3A_212 : i32
    %mul3A_214 = arith.constant 625 : i32
    %mul3A_215 = arith.muli %arg1, %mul3A_214 : i32
    %run_scoped3A_216 = arith.constant 2 : i32
    "tpu.region"() ({
      %run_scoped3A_292 = tpu.sem_alloc : memref<!tpu.dma_semaphore, #tpu.memory_space<semaphore_mem>>
      %dma_start3A_293 = arith.constant 0 : i32
      %dma_start3A_294 = tpu.memref_slice %arg8[%arg0, %run_scoped3A_216, %mul3A_215, %dma_start3A_293] : memref<2x4x10000x128xf32, #tpu.memory_space<hbm>> -> memref<1x1x625x128xf32, #tpu.memory_space<hbm>>
      %dma_start3A_295 = tpu.memref_squeeze %dma_start3A_294 : memref<1x1x625x128xf32, #tpu.memory_space<hbm>> -> memref<625x128xf32, #tpu.memory_space<hbm>>
      %dma_start3A_296 = arith.constant 0 : i32
      %dma_start3A_297 = tpu.memref_slice %arg29[%mul3A_213, %dma_start3A_296] : memref<10000x128xf32, #tpu.memory_space<vmem_shared>> -> memref<625x128xf32, #tpu.memory_space<vmem_shared>>
      tpu.enqueue_dma source(%dma_start3A_297 : memref<625x128xf32, #tpu.memory_space<vmem_shared>>) target(%dma_start3A_295 : memref<625x128xf32, #tpu.memory_space<hbm>>) target_semaphore(%run_scoped3A_292 : memref<!tpu.dma_semaphore, #tpu.memory_space<semaphore_mem>>)
      %dma_wait3A_298 = arith.constant 0 : i32
      %dma_wait3A_299 = tpu.memref_slice %arg8[%arg0, %run_scoped3A_216, %mul3A_215, %dma_wait3A_298] : memref<2x4x10000x128xf32, #tpu.memory_space<hbm>> -> memref<1x1x625x128xf32, #tpu.memory_space<hbm>>
      %dma_wait3A_300 = tpu.memref_squeeze %dma_wait3A_299 : memref<1x1x625x128xf32, #tpu.memory_space<hbm>> -> memref<625x128xf32, #tpu.memory_space<hbm>>
      %dma_wait3A_301 = arith.constant 0 : i32
      %dma_wait3A_302 = tpu.memref_slice %arg29[%mul3A_213, %dma_wait3A_301] : memref<10000x128xf32, #tpu.memory_space<vmem_shared>> -> memref<625x128xf32, #tpu.memory_space<vmem_shared>>
      tpu.wait_dma2 semaphore(%run_scoped3A_292 : memref<!tpu.dma_semaphore, #tpu.memory_space<semaphore_mem>>) src(%dma_wait3A_302 : memref<625x128xf32, #tpu.memory_space<vmem_shared>>) dst(%dma_wait3A_300 : memref<625x128xf32, #tpu.memory_space<hbm>>)
      tpu.yield
    }) : () -> ()
    %barrier3A_217 = arith.constant 0 : index
    tpu.barrier barrier_id(%barrier3A_217)
    %mul3A_218 = arith.constant 625 : i32
    %mul3A_219 = arith.muli %arg1, %mul3A_218 : i32
    "tpu.region"() ({
      %run_scoped3A_292 = tpu.sem_alloc : memref<!tpu.dma_semaphore, #tpu.memory_space<semaphore_mem>>
      %dma_start3A_293 = arith.constant 0 : i32
      %dma_start3A_294 = tpu.memref_slice %arg29[%mul3A_219, %dma_start3A_293] : memref<10000x128xf32, #tpu.memory_space<vmem_shared>> -> memref<625x128xf32, #tpu.memory_space<vmem_shared>>
      tpu.enqueue_dma source(%arg7 : memref<625x128xf32, #tpu.memory_space<hbm>>) target(%dma_start3A_294 : memref<625x128xf32, #tpu.memory_space<vmem_shared>>) target_semaphore(%run_scoped3A_292 : memref<!tpu.dma_semaphore, #tpu.memory_space<semaphore_mem>>)
      %dma_wait3A_295 = arith.constant 0 : i32
      %dma_wait3A_296 = tpu.memref_slice %arg29[%mul3A_219, %dma_wait3A_295] : memref<10000x128xf32, #tpu.memory_space<vmem_shared>> -> memref<625x128xf32, #tpu.memory_space<vmem_shared>>
      tpu.wait_dma2 semaphore(%run_scoped3A_292 : memref<!tpu.dma_semaphore, #tpu.memory_space<semaphore_mem>>) src(%arg7 : memref<625x128xf32, #tpu.memory_space<hbm>>) dst(%dma_wait3A_296 : memref<625x128xf32, #tpu.memory_space<vmem_shared>>)
      tpu.yield
    }) : () -> ()
    %barrier3A_220 = arith.constant 0 : index
    tpu.barrier barrier_id(%barrier3A_220)
    %mul3A_221 = arith.constant 64 : i32
    %mul3A_222 = arith.muli %add3A, %mul3A_221 : i32
    %add3A_223 = arith.constant 480000 : i32
    %add3A_224 = arith.addi %add3A_223, %mul3A_222 : i32
    "tpu.region"() ({
      %run_scoped3A_292 = tpu.sem_alloc : memref<!tpu.dma_semaphore, #tpu.memory_space<semaphore_mem>>
      %dma_start3A_293 = tpu.memref_slice %arg3[%add3A_224] : memref<640000xi32, #tpu.memory_space<hbm>> -> memref<64xi32, #tpu.memory_space<hbm>>
      %dma_start3A_294 = tpu.memref_slice %arg3[%add3A_224] : memref<640000xi32, #tpu.memory_space<hbm>> -> memref<64xi32, #tpu.memory_space<hbm>>
      tpu.enqueue_dma source(%dma_start3A_294 : memref<64xi32, #tpu.memory_space<hbm>>) target(%arg12 : memref<64xi32, #tpu.memory_space<vmem>>) target_semaphore(%run_scoped3A_292 : memref<!tpu.dma_semaphore, #tpu.memory_space<semaphore_mem>>)
      %dma_wait3A_295 = tpu.memref_slice %arg3[%add3A_224] : memref<640000xi32, #tpu.memory_space<hbm>> -> memref<64xi32, #tpu.memory_space<hbm>>
      %dma_wait3A_296 = tpu.memref_slice %arg3[%add3A_224] : memref<640000xi32, #tpu.memory_space<hbm>> -> memref<64xi32, #tpu.memory_space<hbm>>
      tpu.wait_dma2 semaphore(%run_scoped3A_292 : memref<!tpu.dma_semaphore, #tpu.memory_space<semaphore_mem>>) src(%dma_wait3A_296 : memref<64xi32, #tpu.memory_space<hbm>>) dst(%arg12 : memref<64xi32, #tpu.memory_space<vmem>>)
      tpu.yield
    }) : () -> ()
    %mul3A_225 = arith.constant 64 : i32
    %mul3A_226 = arith.muli %add3A, %mul3A_225 : i32
    %dma_start3A_227 = arith.constant 0 : i32
    %dma_start3A_228 = arith.constant 0 : i32
    %dma_start3A_229 = tpu.memref_slice %arg2[%dma_start3A_227, %dma_start3A_228] : memref<40000x112xf32, #tpu.memory_space<hbm>> -> memref<40000x112xf32, #tpu.memory_space<hbm>>
    tpu.enqueue_indirect_dma source(%dma_start3A_229 : memref<40000x112xf32, #tpu.memory_space<hbm>>) target(%arg9 : memref<64x112xf32, #tpu.memory_space<vmem>>) offsets(%arg12 : memref<64xi32, #tpu.memory_space<vmem>>) semaphore(%arg18 : memref<!tpu.dma_semaphore, #tpu.memory_space<semaphore_mem>>)
    %dma_start3A_230 = arith.constant 0 : i32
    %dma_start3A_231 = arith.constant 0 : i32
    %dma_start3A_232 = tpu.memref_slice %arg10[%dma_start3A_230, %dma_start3A_231] : memref<64x96xf32, #tpu.memory_space<vmem>> -> memref<64x32xf32, #tpu.memory_space<vmem>>
    %dma_start3A_233 = arith.constant 96 : i32
    %dma_start3A_234 = tpu.memref_slice %arg5[%mul3A_226, %dma_start3A_233] : memref<160000x384xf32, #tpu.memory_space<hbm>> -> memref<64x32xf32, #tpu.memory_space<hbm>>
    %dma_start3A_235 = arith.constant 0 : i32
    %dma_start3A_236 = arith.constant 0 : i32
    %dma_start3A_237 = tpu.memref_slice %arg10[%dma_start3A_235, %dma_start3A_236] : memref<64x96xf32, #tpu.memory_space<vmem>> -> memref<64x32xf32, #tpu.memory_space<vmem>>
    %dma_start3A_238 = arith.constant 96 : i32
    %dma_start3A_239 = tpu.memref_slice %arg5[%mul3A_226, %dma_start3A_238] : memref<160000x384xf32, #tpu.memory_space<hbm>> -> memref<64x32xf32, #tpu.memory_space<hbm>>
    tpu.enqueue_dma source(%dma_start3A_239 : memref<64x32xf32, #tpu.memory_space<hbm>>) target(%dma_start3A_237 : memref<64x32xf32, #tpu.memory_space<vmem>>) target_semaphore(%arg15 : memref<!tpu.dma_semaphore, #tpu.memory_space<semaphore_mem>>)
    %dma_start3A_240 = arith.constant 0 : i32
    %dma_start3A_241 = arith.constant 32 : i32
    %dma_start3A_242 = tpu.memref_slice %arg10[%dma_start3A_240, %dma_start3A_241] : memref<64x96xf32, #tpu.memory_space<vmem>> -> memref<64x32xf32, #tpu.memory_space<vmem>>
    %dma_start3A_243 = arith.constant 224 : i32
    %dma_start3A_244 = tpu.memref_slice %arg5[%mul3A_226, %dma_start3A_243] : memref<160000x384xf32, #tpu.memory_space<hbm>> -> memref<64x32xf32, #tpu.memory_space<hbm>>
    %dma_start3A_245 = arith.constant 0 : i32
    %dma_start3A_246 = arith.constant 32 : i32
    %dma_start3A_247 = tpu.memref_slice %arg10[%dma_start3A_245, %dma_start3A_246] : memref<64x96xf32, #tpu.memory_space<vmem>> -> memref<64x32xf32, #tpu.memory_space<vmem>>
    %dma_start3A_248 = arith.constant 224 : i32
    %dma_start3A_249 = tpu.memref_slice %arg5[%mul3A_226, %dma_start3A_248] : memref<160000x384xf32, #tpu.memory_space<hbm>> -> memref<64x32xf32, #tpu.memory_space<hbm>>
    tpu.enqueue_dma source(%dma_start3A_249 : memref<64x32xf32, #tpu.memory_space<hbm>>) target(%dma_start3A_247 : memref<64x32xf32, #tpu.memory_space<vmem>>) target_semaphore(%arg15 : memref<!tpu.dma_semaphore, #tpu.memory_space<semaphore_mem>>)
    %dma_start3A_250 = arith.constant 0 : i32
    %dma_start3A_251 = arith.constant 64 : i32
    %dma_start3A_252 = tpu.memref_slice %arg10[%dma_start3A_250, %dma_start3A_251] : memref<64x96xf32, #tpu.memory_space<vmem>> -> memref<64x32xf32, #tpu.memory_space<vmem>>
    %dma_start3A_253 = arith.constant 352 : i32
    %dma_start3A_254 = tpu.memref_slice %arg5[%mul3A_226, %dma_start3A_253] : memref<160000x384xf32, #tpu.memory_space<hbm>> -> memref<64x32xf32, #tpu.memory_space<hbm>>
    %dma_start3A_255 = arith.constant 0 : i32
    %dma_start3A_256 = arith.constant 64 : i32
    %dma_start3A_257 = tpu.memref_slice %arg10[%dma_start3A_255, %dma_start3A_256] : memref<64x96xf32, #tpu.memory_space<vmem>> -> memref<64x32xf32, #tpu.memory_space<vmem>>
    %dma_start3A_258 = arith.constant 352 : i32
    %dma_start3A_259 = tpu.memref_slice %arg5[%mul3A_226, %dma_start3A_258] : memref<160000x384xf32, #tpu.memory_space<hbm>> -> memref<64x32xf32, #tpu.memory_space<hbm>>
    tpu.enqueue_dma source(%dma_start3A_259 : memref<64x32xf32, #tpu.memory_space<hbm>>) target(%dma_start3A_257 : memref<64x32xf32, #tpu.memory_space<vmem>>) target_semaphore(%arg15 : memref<!tpu.dma_semaphore, #tpu.memory_space<semaphore_mem>>)
    %dma_start3A_260 = arith.constant 0 : i32
    %dma_start3A_261 = tpu.memref_slice %arg6[%mul3A_226, %dma_start3A_260] : memref<160000x16xf32, #tpu.memory_space<hbm>> -> memref<64x16xf32, #tpu.memory_space<hbm>>
    %dma_start3A_262 = arith.constant 0 : i32
    %dma_start3A_263 = tpu.memref_slice %arg6[%mul3A_226, %dma_start3A_262] : memref<160000x16xf32, #tpu.memory_space<hbm>> -> memref<64x16xf32, #tpu.memory_space<hbm>>
    tpu.enqueue_dma source(%dma_start3A_263 : memref<64x16xf32, #tpu.memory_space<hbm>>) target(%arg11 : memref<64x16xf32, #tpu.memory_space<vmem>>) target_semaphore(%arg15 : memref<!tpu.dma_semaphore, #tpu.memory_space<semaphore_mem>>)
    %add3A_264 = arith.constant 32 : i32
    %add3A_265 = arith.addi %add3A, %add3A_264 : i32
    %mul3A_266 = arith.constant 64 : i32
    %mul3A_267 = arith.muli %add3A_265, %mul3A_266 : i32
    %add3A_268 = arith.constant 480000 : i32
    %add3A_269 = arith.addi %add3A_268, %mul3A_267 : i32
    %dma_start3A_270 = tpu.memref_slice %arg3[%add3A_269] : memref<640000xi32, #tpu.memory_space<hbm>> -> memref<64xi32, #tpu.memory_space<hbm>>
    %dma_start3A_271 = tpu.memref_slice %arg3[%add3A_269] : memref<640000xi32, #tpu.memory_space<hbm>> -> memref<64xi32, #tpu.memory_space<hbm>>
    tpu.enqueue_dma source(%dma_start3A_271 : memref<64xi32, #tpu.memory_space<hbm>>) target(%arg22 : memref<64xi32, #tpu.memory_space<vmem>>) target_semaphore(%arg27 : memref<!tpu.dma_semaphore, #tpu.memory_space<semaphore_mem>>)
    %scan3A_272 = arith.constant 0 : i32
    %scan3A_273 = arith.constant 0 : i32
    %scan3A_274 = arith.constant 40 : i32
    %scan3A_275 = arith.addi %scan3A_273, %scan3A_274 : i32
    %scan3A_276 = arith.constant 1 : i32
    %scan3A_277 = scf.for %scan3A_292 = %scan3A_273 to %scan3A_275 step %scan3A_276 iter_args(%scan3A_293 = %scan3A_272) -> (i32)  : i32 {
      %mul3A_294 = arith.constant 2 : i32
      %mul3A_295 = arith.muli %mul3A_294, %scan3A_292 : i32
      %mul3A_296 = arith.constant 32 : i32
      %mul3A_297 = arith.muli %mul3A_295, %mul3A_296 : i32
      %add3A_298 = arith.addi %add3A, %mul3A_297 : i32
      %mul3A_299 = arith.constant 2 : i32
      %mul3A_300 = arith.muli %mul3A_299, %scan3A_292 : i32
      %add3A_301 = arith.constant 1 : i32
      %add3A_302 = arith.addi %mul3A_300, %add3A_301 : i32
      %mul3A_303 = arith.constant 32 : i32
      %mul3A_304 = arith.muli %add3A_302, %mul3A_303 : i32
      %add3A_305 = arith.addi %add3A, %mul3A_304 : i32
      %mul3A_306 = arith.constant 2 : i32
      %mul3A_307 = arith.muli %mul3A_306, %scan3A_292 : i32
      %add3A_308 = arith.constant 2 : i32
      %add3A_309 = arith.addi %mul3A_307, %add3A_308 : i32
      %mul3A_310 = arith.constant 32 : i32
      %mul3A_311 = arith.muli %add3A_309, %mul3A_310 : i32
      %add3A_312 = arith.addi %add3A, %mul3A_311 : i32
      %lt3A = arith.constant 2500 : i32
      %lt3A_313 = arith.cmpi slt, %add3A_305, %lt3A : i32
      %convert_element_type3A = arith.extui %lt3A_313 : i1 to i32
      %cond3A = arith.constant 0 : i32
      %cond3A_314 = arith.cmpi ne, %convert_element_type3A, %cond3A : i32
      scf.if %cond3A_314 {
        %dma_wait3A_331 = arith.constant 0 : i32
        %dma_wait3A_332 = tpu.memref_slice %arg3[%dma_wait3A_331] : memref<640000xi32, #tpu.memory_space<hbm>> -> memref<64xi32, #tpu.memory_space<hbm>>
        %dma_wait3A_333 = arith.constant 0 : i32
        %dma_wait3A_334 = tpu.memref_slice %arg3[%dma_wait3A_333] : memref<640000xi32, #tpu.memory_space<hbm>> -> memref<64xi32, #tpu.memory_space<hbm>>
        tpu.wait_dma2 semaphore(%arg27 : memref<!tpu.dma_semaphore, #tpu.memory_space<semaphore_mem>>) src(%dma_wait3A_334 : memref<64xi32, #tpu.memory_space<hbm>>) dst(%arg22 : memref<64xi32, #tpu.memory_space<vmem>>)
        %mul3A_335 = arith.constant 64 : i32
        %mul3A_336 = arith.muli %add3A_305, %mul3A_335 : i32
        %dma_start3A_337 = arith.constant 0 : i32
        %dma_start3A_338 = arith.constant 0 : i32
        %dma_start3A_339 = tpu.memref_slice %arg2[%dma_start3A_337, %dma_start3A_338] : memref<40000x112xf32, #tpu.memory_space<hbm>> -> memref<40000x112xf32, #tpu.memory_space<hbm>>
        tpu.enqueue_indirect_dma source(%dma_start3A_339 : memref<40000x112xf32, #tpu.memory_space<hbm>>) target(%arg19 : memref<64x112xf32, #tpu.memory_space<vmem>>) offsets(%arg22 : memref<64xi32, #tpu.memory_space<vmem>>) semaphore(%arg28 : memref<!tpu.dma_semaphore, #tpu.memory_space<semaphore_mem>>)
        %dma_start3A_340 = arith.constant 0 : i32
        %dma_start3A_341 = arith.constant 0 : i32
        %dma_start3A_342 = tpu.memref_slice %arg20[%dma_start3A_340, %dma_start3A_341] : memref<64x96xf32, #tpu.memory_space<vmem>> -> memref<64x32xf32, #tpu.memory_space<vmem>>
        %dma_start3A_343 = arith.constant 96 : i32
        %dma_start3A_344 = tpu.memref_slice %arg5[%mul3A_336, %dma_start3A_343] : memref<160000x384xf32, #tpu.memory_space<hbm>> -> memref<64x32xf32, #tpu.memory_space<hbm>>
        %dma_start3A_345 = arith.constant 0 : i32
        %dma_start3A_346 = arith.constant 0 : i32
        %dma_start3A_347 = tpu.memref_slice %arg20[%dma_start3A_345, %dma_start3A_346] : memref<64x96xf32, #tpu.memory_space<vmem>> -> memref<64x32xf32, #tpu.memory_space<vmem>>
        %dma_start3A_348 = arith.constant 96 : i32
        %dma_start3A_349 = tpu.memref_slice %arg5[%mul3A_336, %dma_start3A_348] : memref<160000x384xf32, #tpu.memory_space<hbm>> -> memref<64x32xf32, #tpu.memory_space<hbm>>
        tpu.enqueue_dma source(%dma_start3A_349 : memref<64x32xf32, #tpu.memory_space<hbm>>) target(%dma_start3A_347 : memref<64x32xf32, #tpu.memory_space<vmem>>) target_semaphore(%arg25 : memref<!tpu.dma_semaphore, #tpu.memory_space<semaphore_mem>>)
        %dma_start3A_350 = arith.constant 0 : i32
        %dma_start3A_351 = arith.constant 32 : i32
        %dma_start3A_352 = tpu.memref_slice %arg20[%dma_start3A_350, %dma_start3A_351] : memref<64x96xf32, #tpu.memory_space<vmem>> -> memref<64x32xf32, #tpu.memory_space<vmem>>
        %dma_start3A_353 = arith.constant 224 : i32
        %dma_start3A_354 = tpu.memref_slice %arg5[%mul3A_336, %dma_start3A_353] : memref<160000x384xf32, #tpu.memory_space<hbm>> -> memref<64x32xf32, #tpu.memory_space<hbm>>
        %dma_start3A_355 = arith.constant 0 : i32
        %dma_start3A_356 = arith.constant 32 : i32
        %dma_start3A_357 = tpu.memref_slice %arg20[%dma_start3A_355, %dma_start3A_356] : memref<64x96xf32, #tpu.memory_space<vmem>> -> memref<64x32xf32, #tpu.memory_space<vmem>>
        %dma_start3A_358 = arith.constant 224 : i32
        %dma_start3A_359 = tpu.memref_slice %arg5[%mul3A_336, %dma_start3A_358] : memref<160000x384xf32, #tpu.memory_space<hbm>> -> memref<64x32xf32, #tpu.memory_space<hbm>>
        tpu.enqueue_dma source(%dma_start3A_359 : memref<64x32xf32, #tpu.memory_space<hbm>>) target(%dma_start3A_357 : memref<64x32xf32, #tpu.memory_space<vmem>>) target_semaphore(%arg25 : memref<!tpu.dma_semaphore, #tpu.memory_space<semaphore_mem>>)
        %dma_start3A_360 = arith.constant 0 : i32
        %dma_start3A_361 = arith.constant 64 : i32
        %dma_start3A_362 = tpu.memref_slice %arg20[%dma_start3A_360, %dma_start3A_361] : memref<64x96xf32, #tpu.memory_space<vmem>> -> memref<64x32xf32, #tpu.memory_space<vmem>>
        %dma_start3A_363 = arith.constant 352 : i32
        %dma_start3A_364 = tpu.memref_slice %arg5[%mul3A_336, %dma_start3A_363] : memref<160000x384xf32, #tpu.memory_space<hbm>> -> memref<64x32xf32, #tpu.memory_space<hbm>>
        %dma_start3A_365 = arith.constant 0 : i32
        %dma_start3A_366 = arith.constant 64 : i32
        %dma_start3A_367 = tpu.memref_slice %arg20[%dma_start3A_365, %dma_start3A_366] : memref<64x96xf32, #tpu.memory_space<vmem>> -> memref<64x32xf32, #tpu.memory_space<vmem>>
        %dma_start3A_368 = arith.constant 352 : i32
        %dma_start3A_369 = tpu.memref_slice %arg5[%mul3A_336, %dma_start3A_368] : memref<160000x384xf32, #tpu.memory_space<hbm>> -> memref<64x32xf32, #tpu.memory_space<hbm>>
        tpu.enqueue_dma source(%dma_start3A_369 : memref<64x32xf32, #tpu.memory_space<hbm>>) target(%dma_start3A_367 : memref<64x32xf32, #tpu.memory_space<vmem>>) target_semaphore(%arg25 : memref<!tpu.dma_semaphore, #tpu.memory_space<semaphore_mem>>)
        %dma_start3A_370 = arith.constant 0 : i32
        %dma_start3A_371 = tpu.memref_slice %arg6[%mul3A_336, %dma_start3A_370] : memref<160000x16xf32, #tpu.memory_space<hbm>> -> memref<64x16xf32, #tpu.memory_space<hbm>>
        %dma_start3A_372 = arith.constant 0 : i32
        %dma_start3A_373 = tpu.memref_slice %arg6[%mul3A_336, %dma_start3A_372] : memref<160000x16xf32, #tpu.memory_space<hbm>> -> memref<64x16xf32, #tpu.memory_space<hbm>>
        tpu.enqueue_dma source(%dma_start3A_373 : memref<64x16xf32, #tpu.memory_space<hbm>>) target(%arg21 : memref<64x16xf32, #tpu.memory_space<vmem>>) target_semaphore(%arg25 : memref<!tpu.dma_semaphore, #tpu.memory_space<semaphore_mem>>)
      } else {
      }
      %lt3A_315 = arith.constant 2500 : i32
      %lt3A_316 = arith.cmpi slt, %add3A_298, %lt3A_315 : i32
      %convert_element_type3A_317 = arith.extui %lt3A_316 : i1 to i32
      %cond3A_318 = arith.constant 0 : i32
      %cond3A_319 = arith.cmpi ne, %convert_element_type3A_317, %cond3A_318 : i32
      scf.if %cond3A_319 {
        %gt3A = arith.constant 0 : i32
        %gt3A_331 = arith.cmpi sgt, %scan3A_292, %gt3A : i32
        %convert_element_type3A_332 = arith.extui %gt3A_331 : i1 to i32
        %cond3A_333 = arith.constant 0 : i32
        %cond3A_334 = arith.cmpi ne, %convert_element_type3A_332, %cond3A_333 : i32
        scf.if %cond3A_334 {
          %dma_wait3A_375 = arith.constant 0 : i32
          %dma_wait3A_376 = arith.constant 0 : i32
          %dma_wait3A_377 = tpu.memref_slice %arg29[%dma_wait3A_375, %dma_wait3A_376] : memref<10000x128xf32, #tpu.memory_space<vmem_shared>> -> memref<10000x128xf32, #tpu.memory_space<vmem_shared>>
          tpu.wait_indirect_dma semaphore(%arg16 : memref<!tpu.dma_semaphore, #tpu.memory_space<semaphore_mem>>) src(%arg14 : memref<64x128xf32, #tpu.memory_space<vmem>>) dst(%dma_wait3A_377 : memref<10000x128xf32, #tpu.memory_space<vmem_shared>>)
        } else {
        }
        %mul3A_335 = arith.constant 64 : i32
        %mul3A_336 = arith.muli %add3A_298, %mul3A_335 : i32
        %dma_start3A_337 = tpu.memref_slice %arg4[%mul3A_336] : memref<160000xi32, #tpu.memory_space<hbm>> -> memref<64xi32, #tpu.memory_space<hbm>>
        %dma_start3A_338 = tpu.memref_slice %arg4[%mul3A_336] : memref<160000xi32, #tpu.memory_space<hbm>> -> memref<64xi32, #tpu.memory_space<hbm>>
        tpu.enqueue_dma source(%dma_start3A_338 : memref<64xi32, #tpu.memory_space<hbm>>) target(%arg13 : memref<64xi32, #tpu.memory_space<vmem>>) target_semaphore(%arg16 : memref<!tpu.dma_semaphore, #tpu.memory_space<semaphore_mem>>)
        %dma_wait3A_339 = arith.constant 0 : i32
        %dma_wait3A_340 = arith.constant 0 : i32
        %dma_wait3A_341 = tpu.memref_slice %arg2[%dma_wait3A_339, %dma_wait3A_340] : memref<40000x112xf32, #tpu.memory_space<hbm>> -> memref<40000x112xf32, #tpu.memory_space<hbm>>
        tpu.wait_indirect_dma semaphore(%arg18 : memref<!tpu.dma_semaphore, #tpu.memory_space<semaphore_mem>>) src(%dma_wait3A_341 : memref<40000x112xf32, #tpu.memory_space<hbm>>) dst(%arg9 : memref<64x112xf32, #tpu.memory_space<vmem>>)
        %dma_wait3A_342 = arith.constant 0 : i32
        %dma_wait3A_343 = arith.constant 0 : i32
        %dma_wait3A_344 = tpu.memref_slice %arg5[%dma_wait3A_342, %dma_wait3A_343] : memref<160000x384xf32, #tpu.memory_space<hbm>> -> memref<64x96xf32, #tpu.memory_space<hbm>>
        %dma_wait3A_345 = arith.constant 0 : i32
        %dma_wait3A_346 = arith.constant 0 : i32
        %dma_wait3A_347 = tpu.memref_slice %arg5[%dma_wait3A_345, %dma_wait3A_346] : memref<160000x384xf32, #tpu.memory_space<hbm>> -> memref<64x96xf32, #tpu.memory_space<hbm>>
        tpu.wait_dma2 semaphore(%arg15 : memref<!tpu.dma_semaphore, #tpu.memory_space<semaphore_mem>>) src(%dma_wait3A_347 : memref<64x96xf32, #tpu.memory_space<hbm>>) dst(%arg10 : memref<64x96xf32, #tpu.memory_space<vmem>>)
        %dma_wait3A_348 = arith.constant 0 : i32
        %dma_wait3A_349 = arith.constant 0 : i32
        %dma_wait3A_350 = tpu.memref_slice %arg6[%dma_wait3A_348, %dma_wait3A_349] : memref<160000x16xf32, #tpu.memory_space<hbm>> -> memref<64x16xf32, #tpu.memory_space<hbm>>
        %dma_wait3A_351 = arith.constant 0 : i32
        %dma_wait3A_352 = arith.constant 0 : i32
        %dma_wait3A_353 = tpu.memref_slice %arg6[%dma_wait3A_351, %dma_wait3A_352] : memref<160000x16xf32, #tpu.memory_space<hbm>> -> memref<64x16xf32, #tpu.memory_space<hbm>>
        tpu.wait_dma2 semaphore(%arg15 : memref<!tpu.dma_semaphore, #tpu.memory_space<semaphore_mem>>) src(%dma_wait3A_353 : memref<64x16xf32, #tpu.memory_space<hbm>>) dst(%arg11 : memref<64x16xf32, #tpu.memory_space<vmem>>)
        %add3A_354 = arith.constant 64 : i32
        %add3A_355 = arith.addi %add3A_298, %add3A_354 : i32
        %lt3A_356 = arith.constant 2500 : i32
        %lt3A_357 = arith.cmpi slt, %add3A_355, %lt3A_356 : i32
        %convert_element_type3A_358 = arith.extui %lt3A_357 : i1 to i32
        %cond3A_359 = arith.constant 0 : i32
        %cond3A_360 = arith.cmpi ne, %convert_element_type3A_358, %cond3A_359 : i32
        scf.if %cond3A_360 {
          %mul3A_375 = arith.constant 64 : i32
          %mul3A_376 = arith.muli %add3A_355, %mul3A_375 : i32
          %add3A_377 = arith.constant 480000 : i32
          %add3A_378 = arith.addi %add3A_377, %mul3A_376 : i32
          %dma_start3A_379 = tpu.memref_slice %arg3[%add3A_378] : memref<640000xi32, #tpu.memory_space<hbm>> -> memref<64xi32, #tpu.memory_space<hbm>>
          %dma_start3A_380 = tpu.memref_slice %arg3[%add3A_378] : memref<640000xi32, #tpu.memory_space<hbm>> -> memref<64xi32, #tpu.memory_space<hbm>>
          tpu.enqueue_dma source(%dma_start3A_380 : memref<64xi32, #tpu.memory_space<hbm>>) target(%arg12 : memref<64xi32, #tpu.memory_space<vmem>>) target_semaphore(%arg17 : memref<!tpu.dma_semaphore, #tpu.memory_space<semaphore_mem>>)
        } else {
        }
        %scan3A_361 = arith.constant 0 : i32
        %scan3A_362 = arith.constant 0 : i32
        %scan3A_363 = arith.constant 64 : i32
        %scan3A_364 = arith.addi %scan3A_362, %scan3A_363 : i32
        %scan3A_365 = arith.constant 1 : i32
        %scan3A_366 = scf.for %scan3A_375 = %scan3A_362 to %scan3A_364 step %scan3A_365 iter_args(%scan3A_376 = %scan3A_361) -> (i32)  : i32 {
          %get3A = arith.index_cast %scan3A_375 : i32 to index
          %get3A_377 = arith.constant 96 : index
          %get3A_378 = tpu.vector_load %arg9[%get3A, %get3A_377] {strides = array<i32>} : memref<64x112xf32, #tpu.memory_space<vmem>>, vector<1x16xf32>,
          %get3A_379 = vector.shape_cast %get3A_378 : vector<1x16xf32> to vector<16xf32>
          %slice3A = vector.extract_strided_slice %get3A_379 {offsets = [0], sizes = [1], strides = [1]} : vector<16xf32> to vector<1xf32>
          %squeeze3A = vector.extract %slice3A[0] : f32 from vector<1xf32>
          %slice3A_380 = vector.extract_strided_slice %get3A_379 {offsets = [1], sizes = [1], strides = [1]} : vector<16xf32> to vector<1xf32>
          %squeeze3A_381 = vector.extract %slice3A_380[0] : f32 from vector<1xf32>
          %slice3A_382 = vector.extract_strided_slice %get3A_379 {offsets = [2], sizes = [1], strides = [1]} : vector<16xf32> to vector<1xf32>
          %squeeze3A_383 = vector.extract %slice3A_382[0] : f32 from vector<1xf32>
          %get3A_384 = arith.index_cast %scan3A_375 : i32 to index
          %get3A_385 = arith.constant 0 : index
          %get3A_386 = tpu.vector_load %arg11[%get3A_384, %get3A_385] {strides = array<i32>} : memref<64x16xf32, #tpu.memory_space<vmem>>, vector<1x16xf32>,
          %get3A_387 = vector.shape_cast %get3A_386 : vector<1x16xf32> to vector<16xf32>
          %slice3A_388 = vector.extract_strided_slice %get3A_387 {offsets = [0], sizes = [1], strides = [1]} : vector<16xf32> to vector<1xf32>
          %squeeze3A_389 = vector.extract %slice3A_388[0] : f32 from vector<1xf32>
          %slice3A_390 = vector.extract_strided_slice %get3A_387 {offsets = [1], sizes = [1], strides = [1]} : vector<16xf32> to vector<1xf32>
          %squeeze3A_391 = vector.extract %slice3A_390[0] : f32 from vector<1xf32>
          %slice3A_392 = vector.extract_strided_slice %get3A_387 {offsets = [2], sizes = [1], strides = [1]} : vector<16xf32> to vector<1xf32>
          %squeeze3A_393 = vector.extract %slice3A_392[0] : f32 from vector<1xf32>
          %get3A_394 = arith.index_cast %scan3A_375 : i32 to index
          %get3A_395 = arith.constant 0 : index
          %get3A_396 = tpu.vector_load %arg9[%get3A_394, %get3A_395] {strides = array<i32>} : memref<64x112xf32, #tpu.memory_space<vmem>>, vector<1x16xf32>,
          %get3A_397 = vector.shape_cast %get3A_396 : vector<1x16xf32> to vector<16xf32>
          %get3A_398 = arith.index_cast %scan3A_375 : i32 to index
          %get3A_399 = arith.constant 32 : index
          %get3A_400 = tpu.vector_load %arg9[%get3A_398, %get3A_399] {strides = array<i32>} : memref<64x112xf32, #tpu.memory_space<vmem>>, vector<1x16xf32>,
          %get3A_401 = vector.shape_cast %get3A_400 : vector<1x16xf32> to vector<16xf32>
          %get3A_402 = arith.index_cast %scan3A_375 : i32 to index
          %get3A_403 = arith.constant 64 : index
          %get3A_404 = tpu.vector_load %arg9[%get3A_402, %get3A_403] {strides = array<i32>} : memref<64x112xf32, #tpu.memory_space<vmem>>, vector<1x16xf32>,
          %get3A_405 = vector.shape_cast %get3A_404 : vector<1x16xf32> to vector<16xf32>
          %get3A_406 = arith.index_cast %scan3A_375 : i32 to index
          %get3A_407 = arith.constant 0 : index
          %get3A_408 = tpu.vector_load %arg10[%get3A_406, %get3A_407] {strides = array<i32>} : memref<64x96xf32, #tpu.memory_space<vmem>>, vector<1x16xf32>,
          %get3A_409 = vector.shape_cast %get3A_408 : vector<1x16xf32> to vector<16xf32>
          %get3A_410 = arith.index_cast %scan3A_375 : i32 to index
          %get3A_411 = arith.constant 32 : index
          %get3A_412 = tpu.vector_load %arg10[%get3A_410, %get3A_411] {strides = array<i32>} : memref<64x96xf32, #tpu.memory_space<vmem>>, vector<1x16xf32>,
          %get3A_413 = vector.shape_cast %get3A_412 : vector<1x16xf32> to vector<16xf32>
          %get3A_414 = arith.index_cast %scan3A_375 : i32 to index
          %get3A_415 = arith.constant 64 : index
          %get3A_416 = tpu.vector_load %arg10[%get3A_414, %get3A_415] {strides = array<i32>} : memref<64x96xf32, #tpu.memory_space<vmem>>, vector<1x16xf32>,
          %get3A_417 = vector.shape_cast %get3A_416 : vector<1x16xf32> to vector<16xf32>
          %mul3A_418 = arith.mulf %get3A_413, %get3A_401 : vector<16xf32>
          %mul3A_419 = arith.mulf %get3A_417, %get3A_405 : vector<16xf32>
          %mul3A_420 = arith.mulf %get3A_409, %get3A_397 : vector<16xf32>
          %swap3A = arith.index_cast %scan3A_375 : i32 to index
          %swap3A_421 = arith.constant 0 : index
          %swap3A_422 = tpu.vector_load %arg14[%swap3A, %swap3A_421] {strides = array<i32>} : memref<64x128xf32, #tpu.memory_space<vmem>>, vector<1x16xf32>,
          %swap3A_423 = vector.shape_cast %swap3A_422 : vector<1x16xf32> to vector<16xf32>
          %swap3A_424 = vector.shape_cast %mul3A_420 : vector<16xf32> to vector<1x16xf32>
          tpu.vector_store %arg14[%swap3A, %swap3A_421], %swap3A_424 {strides = array<i32>} : memref<64x128xf32, #tpu.memory_space<vmem>>, vector<1x16xf32>,
          %mul3A_425 = vector.broadcast %squeeze3A_389 : f32 to vector<16xf32>
          %mul3A_426 = arith.mulf %mul3A_418, %mul3A_425 : vector<16xf32>
          %mul3A_427 = vector.broadcast %squeeze3A : f32 to vector<16xf32>
          %mul3A_428 = arith.mulf %mul3A_419, %mul3A_427 : vector<16xf32>
          %add3A_429 = arith.addf %mul3A_426, %mul3A_428 : vector<16xf32>
          %swap3A_430 = arith.index_cast %scan3A_375 : i32 to index
          %swap3A_431 = arith.constant 32 : index
          %swap3A_432 = tpu.vector_load %arg14[%swap3A_430, %swap3A_431] {strides = array<i32>} : memref<64x128xf32, #tpu.memory_space<vmem>>, vector<1x16xf32>,
          %swap3A_433 = vector.shape_cast %swap3A_432 : vector<1x16xf32> to vector<16xf32>
          %swap3A_434 = vector.shape_cast %add3A_429 : vector<16xf32> to vector<1x16xf32>
          tpu.vector_store %arg14[%swap3A_430, %swap3A_431], %swap3A_434 {strides = array<i32>} : memref<64x128xf32, #tpu.memory_space<vmem>>, vector<1x16xf32>,
          %mul3A_435 = vector.broadcast %squeeze3A_391 : f32 to vector<16xf32>
          %mul3A_436 = arith.mulf %mul3A_418, %mul3A_435 : vector<16xf32>
          %mul3A_437 = vector.broadcast %squeeze3A_381 : f32 to vector<16xf32>
          %mul3A_438 = arith.mulf %mul3A_419, %mul3A_437 : vector<16xf32>
          %add3A_439 = arith.addf %mul3A_436, %mul3A_438 : vector<16xf32>
          %swap3A_440 = arith.index_cast %scan3A_375 : i32 to index
          %swap3A_441 = arith.constant 64 : index
          %swap3A_442 = tpu.vector_load %arg14[%swap3A_440, %swap3A_441] {strides = array<i32>} : memref<64x128xf32, #tpu.memory_space<vmem>>, vector<1x16xf32>,
          %swap3A_443 = vector.shape_cast %swap3A_442 : vector<1x16xf32> to vector<16xf32>
          %swap3A_444 = vector.shape_cast %add3A_439 : vector<16xf32> to vector<1x16xf32>
          tpu.vector_store %arg14[%swap3A_440, %swap3A_441], %swap3A_444 {strides = array<i32>} : memref<64x128xf32, #tpu.memory_space<vmem>>, vector<1x16xf32>,
          %mul3A_445 = vector.broadcast %squeeze3A_393 : f32 to vector<16xf32>
          %mul3A_446 = arith.mulf %mul3A_418, %mul3A_445 : vector<16xf32>
          %mul3A_447 = vector.broadcast %squeeze3A_383 : f32 to vector<16xf32>
          %mul3A_448 = arith.mulf %mul3A_419, %mul3A_447 : vector<16xf32>
          %add3A_449 = arith.addf %mul3A_446, %mul3A_448 : vector<16xf32>
          %swap3A_450 = arith.index_cast %scan3A_375 : i32 to index
          %swap3A_451 = arith.constant 96 : index
          %swap3A_452 = tpu.vector_load %arg14[%swap3A_450, %swap3A_451] {strides = array<i32>} : memref<64x128xf32, #tpu.memory_space<vmem>>, vector<1x16xf32>,
          %swap3A_453 = vector.shape_cast %swap3A_452 : vector<1x16xf32> to vector<16xf32>
          %swap3A_454 = vector.shape_cast %add3A_449 : vector<16xf32> to vector<1x16xf32>
          tpu.vector_store %arg14[%swap3A_450, %swap3A_451], %swap3A_454 {strides = array<i32>} : memref<64x128xf32, #tpu.memory_space<vmem>>, vector<1x16xf32>,
          %get3A_455 = arith.index_cast %scan3A_375 : i32 to index
          %get3A_456 = arith.constant 16 : index
          %get3A_457 = tpu.vector_load %arg9[%get3A_455, %get3A_456] {strides = array<i32>} : memref<64x112xf32, #tpu.memory_space<vmem>>, vector<1x16xf32>,
          %get3A_458 = vector.shape_cast %get3A_457 : vector<1x16xf32> to vector<16xf32>
          %get3A_459 = arith.index_cast %scan3A_375 : i32 to index
          %get3A_460 = arith.constant 48 : index
          %get3A_461 = tpu.vector_load %arg9[%get3A_459, %get3A_460] {strides = array<i32>} : memref<64x112xf32, #tpu.memory_space<vmem>>, vector<1x16xf32>,
          %get3A_462 = vector.shape_cast %get3A_461 : vector<1x16xf32> to vector<16xf32>
          %get3A_463 = arith.index_cast %scan3A_375 : i32 to index
          %get3A_464 = arith.constant 80 : index
          %get3A_465 = tpu.vector_load %arg9[%get3A_463, %get3A_464] {strides = array<i32>} : memref<64x112xf32, #tpu.memory_space<vmem>>, vector<1x16xf32>,
          %get3A_466 = vector.shape_cast %get3A_465 : vector<1x16xf32> to vector<16xf32>
          %get3A_467 = arith.index_cast %scan3A_375 : i32 to index
          %get3A_468 = arith.constant 16 : index
          %get3A_469 = tpu.vector_load %arg10[%get3A_467, %get3A_468] {strides = array<i32>} : memref<64x96xf32, #tpu.memory_space<vmem>>, vector<1x16xf32>,
          %get3A_470 = vector.shape_cast %get3A_469 : vector<1x16xf32> to vector<16xf32>
          %get3A_471 = arith.index_cast %scan3A_375 : i32 to index
          %get3A_472 = arith.constant 48 : index
          %get3A_473 = tpu.vector_load %arg10[%get3A_471, %get3A_472] {strides = array<i32>} : memref<64x96xf32, #tpu.memory_space<vmem>>, vector<1x16xf32>,
          %get3A_474 = vector.shape_cast %get3A_473 : vector<1x16xf32> to vector<16xf32>
          %get3A_475 = arith.index_cast %scan3A_375 : i32 to index
          %get3A_476 = arith.constant 80 : index
          %get3A_477 = tpu.vector_load %arg10[%get3A_475, %get3A_476] {strides = array<i32>} : memref<64x96xf32, #tpu.memory_space<vmem>>, vector<1x16xf32>,
          %get3A_478 = vector.shape_cast %get3A_477 : vector<1x16xf32> to vector<16xf32>
          %mul3A_479 = arith.mulf %get3A_474, %get3A_462 : vector<16xf32>
          %mul3A_480 = arith.mulf %get3A_478, %get3A_466 : vector<16xf32>
          %mul3A_481 = arith.mulf %get3A_470, %get3A_458 : vector<16xf32>
          %swap3A_482 = arith.index_cast %scan3A_375 : i32 to index
          %swap3A_483 = arith.constant 16 : index
          %swap3A_484 = tpu.vector_load %arg14[%swap3A_482, %swap3A_483] {strides = array<i32>} : memref<64x128xf32, #tpu.memory_space<vmem>>, vector<1x16xf32>,
          %swap3A_485 = vector.shape_cast %swap3A_484 : vector<1x16xf32> to vector<16xf32>
          %swap3A_486 = vector.shape_cast %mul3A_481 : vector<16xf32> to vector<1x16xf32>
          tpu.vector_store %arg14[%swap3A_482, %swap3A_483], %swap3A_486 {strides = array<i32>} : memref<64x128xf32, #tpu.memory_space<vmem>>, vector<1x16xf32>,
          %mul3A_487 = vector.broadcast %squeeze3A_389 : f32 to vector<16xf32>
          %mul3A_488 = arith.mulf %mul3A_479, %mul3A_487 : vector<16xf32>
          %mul3A_489 = vector.broadcast %squeeze3A : f32 to vector<16xf32>
          %mul3A_490 = arith.mulf %mul3A_480, %mul3A_489 : vector<16xf32>
          %add3A_491 = arith.addf %mul3A_488, %mul3A_490 : vector<16xf32>
          %swap3A_492 = arith.index_cast %scan3A_375 : i32 to index
          %swap3A_493 = arith.constant 48 : index
          %swap3A_494 = tpu.vector_load %arg14[%swap3A_492, %swap3A_493] {strides = array<i32>} : memref<64x128xf32, #tpu.memory_space<vmem>>, vector<1x16xf32>,
          %swap3A_495 = vector.shape_cast %swap3A_494 : vector<1x16xf32> to vector<16xf32>
          %swap3A_496 = vector.shape_cast %add3A_491 : vector<16xf32> to vector<1x16xf32>
          tpu.vector_store %arg14[%swap3A_492, %swap3A_493], %swap3A_496 {strides = array<i32>} : memref<64x128xf32, #tpu.memory_space<vmem>>, vector<1x16xf32>,
          %mul3A_497 = vector.broadcast %squeeze3A_391 : f32 to vector<16xf32>
          %mul3A_498 = arith.mulf %mul3A_479, %mul3A_497 : vector<16xf32>
          %mul3A_499 = vector.broadcast %squeeze3A_381 : f32 to vector<16xf32>
          %mul3A_500 = arith.mulf %mul3A_480, %mul3A_499 : vector<16xf32>
          %add3A_501 = arith.addf %mul3A_498, %mul3A_500 : vector<16xf32>
          %swap3A_502 = arith.index_cast %scan3A_375 : i32 to index
          %swap3A_503 = arith.constant 80 : index
          %swap3A_504 = tpu.vector_load %arg14[%swap3A_502, %swap3A_503] {strides = array<i32>} : memref<64x128xf32, #tpu.memory_space<vmem>>, vector<1x16xf32>,
          %swap3A_505 = vector.shape_cast %swap3A_504 : vector<1x16xf32> to vector<16xf32>
          %swap3A_506 = vector.shape_cast %add3A_501 : vector<16xf32> to vector<1x16xf32>
          tpu.vector_store %arg14[%swap3A_502, %swap3A_503], %swap3A_506 {strides = array<i32>} : memref<64x128xf32, #tpu.memory_space<vmem>>, vector<1x16xf32>,
          %mul3A_507 = vector.broadcast %squeeze3A_393 : f32 to vector<16xf32>
          %mul3A_508 = arith.mulf %mul3A_479, %mul3A_507 : vector<16xf32>
          %mul3A_509 = vector.broadcast %squeeze3A_383 : f32 to vector<16xf32>
          %mul3A_510 = arith.mulf %mul3A_480, %mul3A_509 : vector<16xf32>
          %add3A_511 = arith.addf %mul3A_508, %mul3A_510 : vector<16xf32>
          %swap3A_512 = arith.index_cast %scan3A_375 : i32 to index
          %swap3A_513 = arith.constant 112 : index
          %swap3A_514 = tpu.vector_load %arg14[%swap3A_512, %swap3A_513] {strides = array<i32>} : memref<64x128xf32, #tpu.memory_space<vmem>>, vector<1x16xf32>,
          %swap3A_515 = vector.shape_cast %swap3A_514 : vector<1x16xf32> to vector<16xf32>
          %swap3A_516 = vector.shape_cast %add3A_511 : vector<16xf32> to vector<1x16xf32>
          tpu.vector_store %arg14[%swap3A_512, %swap3A_513], %swap3A_516 {strides = array<i32>} : memref<64x128xf32, #tpu.memory_space<vmem>>, vector<1x16xf32>,
          %scan3A_517 = arith.constant 0 : i32
          scf.yield %scan3A_517 : i32
        }
        %scan3A_367 = arith.constant 64 : i32
        %dma_wait3A_368 = arith.constant 0 : i32
        %dma_wait3A_369 = tpu.memref_slice %arg4[%dma_wait3A_368] : memref<160000xi32, #tpu.memory_space<hbm>> -> memref<64xi32, #tpu.memory_space<hbm>>
        %dma_wait3A_370 = arith.constant 0 : i32
        %dma_wait3A_371 = tpu.memref_slice %arg4[%dma_wait3A_370] : memref<160000xi32, #tpu.memory_space<hbm>> -> memref<64xi32, #tpu.memory_space<hbm>>
        tpu.wait_dma2 semaphore(%arg16 : memref<!tpu.dma_semaphore, #tpu.memory_space<semaphore_mem>>) src(%dma_wait3A_371 : memref<64xi32, #tpu.memory_space<hbm>>) dst(%arg13 : memref<64xi32, #tpu.memory_space<vmem>>)
        %dma_start3A_372 = arith.constant 0 : i32
        %dma_start3A_373 = arith.constant 0 : i32
        %dma_start3A_374 = tpu.memref_slice %arg29[%dma_start3A_372, %dma_start3A_373] : memref<10000x128xf32, #tpu.memory_space<vmem_shared>> -> memref<10000x128xf32, #tpu.memory_space<vmem_shared>>
        tpu.enqueue_indirect_dma source(%arg14 : memref<64x128xf32, #tpu.memory_space<vmem>>) target(%dma_start3A_374 : memref<10000x128xf32, #tpu.memory_space<vmem_shared>>) offsets(%arg13 : memref<64xi32, #tpu.memory_space<vmem>>) semaphore(%arg16 : memref<!tpu.dma_semaphore, #tpu.memory_space<semaphore_mem>>) {add = true}
      } else {
      }
      %lt3A_320 = arith.constant 2500 : i32
      %lt3A_321 = arith.cmpi slt, %add3A_312, %lt3A_320 : i32
      %convert_element_type3A_322 = arith.extui %lt3A_321 : i1 to i32
      %cond3A_323 = arith.constant 0 : i32
      %cond3A_324 = arith.cmpi ne, %convert_element_type3A_322, %cond3A_323 : i32
      scf.if %cond3A_324 {
        %dma_wait3A_331 = arith.constant 0 : i32
        %dma_wait3A_332 = tpu.memref_slice %arg3[%dma_wait3A_331] : memref<640000xi32, #tpu.memory_space<hbm>> -> memref<64xi32, #tpu.memory_space<hbm>>
        %dma_wait3A_333 = arith.constant 0 : i32
        %dma_wait3A_334 = tpu.memref_slice %arg3[%dma_wait3A_333] : memref<640000xi32, #tpu.memory_space<hbm>> -> memref<64xi32, #tpu.memory_space<hbm>>
        tpu.wait_dma2 semaphore(%arg17 : memref<!tpu.dma_semaphore, #tpu.memory_space<semaphore_mem>>) src(%dma_wait3A_334 : memref<64xi32, #tpu.memory_space<hbm>>) dst(%arg12 : memref<64xi32, #tpu.memory_space<vmem>>)
        %mul3A_335 = arith.constant 64 : i32
        %mul3A_336 = arith.muli %add3A_312, %mul3A_335 : i32
        %dma_start3A_337 = arith.constant 0 : i32
        %dma_start3A_338 = arith.constant 0 : i32
        %dma_start3A_339 = tpu.memref_slice %arg2[%dma_start3A_337, %dma_start3A_338] : memref<40000x112xf32, #tpu.memory_space<hbm>> -> memref<40000x112xf32, #tpu.memory_space<hbm>>
        tpu.enqueue_indirect_dma source(%dma_start3A_339 : memref<40000x112xf32, #tpu.memory_space<hbm>>) target(%arg9 : memref<64x112xf32, #tpu.memory_space<vmem>>) offsets(%arg12 : memref<64xi32, #tpu.memory_space<vmem>>) semaphore(%arg18 : memref<!tpu.dma_semaphore, #tpu.memory_space<semaphore_mem>>)
        %dma_start3A_340 = arith.constant 0 : i32
        %dma_start3A_341 = arith.constant 0 : i32
        %dma_start3A_342 = tpu.memref_slice %arg10[%dma_start3A_340, %dma_start3A_341] : memref<64x96xf32, #tpu.memory_space<vmem>> -> memref<64x32xf32, #tpu.memory_space<vmem>>
        %dma_start3A_343 = arith.constant 96 : i32
        %dma_start3A_344 = tpu.memref_slice %arg5[%mul3A_336, %dma_start3A_343] : memref<160000x384xf32, #tpu.memory_space<hbm>> -> memref<64x32xf32, #tpu.memory_space<hbm>>
        %dma_start3A_345 = arith.constant 0 : i32
        %dma_start3A_346 = arith.constant 0 : i32
        %dma_start3A_347 = tpu.memref_slice %arg10[%dma_start3A_345, %dma_start3A_346] : memref<64x96xf32, #tpu.memory_space<vmem>> -> memref<64x32xf32, #tpu.memory_space<vmem>>
        %dma_start3A_348 = arith.constant 96 : i32
        %dma_start3A_349 = tpu.memref_slice %arg5[%mul3A_336, %dma_start3A_348] : memref<160000x384xf32, #tpu.memory_space<hbm>> -> memref<64x32xf32, #tpu.memory_space<hbm>>
        tpu.enqueue_dma source(%dma_start3A_349 : memref<64x32xf32, #tpu.memory_space<hbm>>) target(%dma_start3A_347 : memref<64x32xf32, #tpu.memory_space<vmem>>) target_semaphore(%arg15 : memref<!tpu.dma_semaphore, #tpu.memory_space<semaphore_mem>>)
        %dma_start3A_350 = arith.constant 0 : i32
        %dma_start3A_351 = arith.constant 32 : i32
        %dma_start3A_352 = tpu.memref_slice %arg10[%dma_start3A_350, %dma_start3A_351] : memref<64x96xf32, #tpu.memory_space<vmem>> -> memref<64x32xf32, #tpu.memory_space<vmem>>
        %dma_start3A_353 = arith.constant 224 : i32
        %dma_start3A_354 = tpu.memref_slice %arg5[%mul3A_336, %dma_start3A_353] : memref<160000x384xf32, #tpu.memory_space<hbm>> -> memref<64x32xf32, #tpu.memory_space<hbm>>
        %dma_start3A_355 = arith.constant 0 : i32
        %dma_start3A_356 = arith.constant 32 : i32
        %dma_start3A_357 = tpu.memref_slice %arg10[%dma_start3A_355, %dma_start3A_356] : memref<64x96xf32, #tpu.memory_space<vmem>> -> memref<64x32xf32, #tpu.memory_space<vmem>>
        %dma_start3A_358 = arith.constant 224 : i32
        %dma_start3A_359 = tpu.memref_slice %arg5[%mul3A_336, %dma_start3A_358] : memref<160000x384xf32, #tpu.memory_space<hbm>> -> memref<64x32xf32, #tpu.memory_space<hbm>>
        tpu.enqueue_dma source(%dma_start3A_359 : memref<64x32xf32, #tpu.memory_space<hbm>>) target(%dma_start3A_357 : memref<64x32xf32, #tpu.memory_space<vmem>>) target_semaphore(%arg15 : memref<!tpu.dma_semaphore, #tpu.memory_space<semaphore_mem>>)
        %dma_start3A_360 = arith.constant 0 : i32
        %dma_start3A_361 = arith.constant 64 : i32
        %dma_start3A_362 = tpu.memref_slice %arg10[%dma_start3A_360, %dma_start3A_361] : memref<64x96xf32, #tpu.memory_space<vmem>> -> memref<64x32xf32, #tpu.memory_space<vmem>>
        %dma_start3A_363 = arith.constant 352 : i32
        %dma_start3A_364 = tpu.memref_slice %arg5[%mul3A_336, %dma_start3A_363] : memref<160000x384xf32, #tpu.memory_space<hbm>> -> memref<64x32xf32, #tpu.memory_space<hbm>>
        %dma_start3A_365 = arith.constant 0 : i32
        %dma_start3A_366 = arith.constant 64 : i32
        %dma_start3A_367 = tpu.memref_slice %arg10[%dma_start3A_365, %dma_start3A_366] : memref<64x96xf32, #tpu.memory_space<vmem>> -> memref<64x32xf32, #tpu.memory_space<vmem>>
        %dma_start3A_368 = arith.constant 352 : i32
        %dma_start3A_369 = tpu.memref_slice %arg5[%mul3A_336, %dma_start3A_368] : memref<160000x384xf32, #tpu.memory_space<hbm>> -> memref<64x32xf32, #tpu.memory_space<hbm>>
        tpu.enqueue_dma source(%dma_start3A_369 : memref<64x32xf32, #tpu.memory_space<hbm>>) target(%dma_start3A_367 : memref<64x32xf32, #tpu.memory_space<vmem>>) target_semaphore(%arg15 : memref<!tpu.dma_semaphore, #tpu.memory_space<semaphore_mem>>)
        %dma_start3A_370 = arith.constant 0 : i32
        %dma_start3A_371 = tpu.memref_slice %arg6[%mul3A_336, %dma_start3A_370] : memref<160000x16xf32, #tpu.memory_space<hbm>> -> memref<64x16xf32, #tpu.memory_space<hbm>>
        %dma_start3A_372 = arith.constant 0 : i32
        %dma_start3A_373 = tpu.memref_slice %arg6[%mul3A_336, %dma_start3A_372] : memref<160000x16xf32, #tpu.memory_space<hbm>> -> memref<64x16xf32, #tpu.memory_space<hbm>>
        tpu.enqueue_dma source(%dma_start3A_373 : memref<64x16xf32, #tpu.memory_space<hbm>>) target(%arg11 : memref<64x16xf32, #tpu.memory_space<vmem>>) target_semaphore(%arg15 : memref<!tpu.dma_semaphore, #tpu.memory_space<semaphore_mem>>)
      } else {
      }
      %lt3A_325 = arith.constant 2500 : i32
      %lt3A_326 = arith.cmpi slt, %add3A_305, %lt3A_325 : i32
      %convert_element_type3A_327 = arith.extui %lt3A_326 : i1 to i32
      %cond3A_328 = arith.constant 0 : i32
      %cond3A_329 = arith.cmpi ne, %convert_element_type3A_327, %cond3A_328 : i32
      scf.if %cond3A_329 {
        %gt3A = arith.constant 0 : i32
        %gt3A_331 = arith.cmpi sgt, %scan3A_292, %gt3A : i32
        %convert_element_type3A_332 = arith.extui %gt3A_331 : i1 to i32
        %cond3A_333 = arith.constant 0 : i32
        %cond3A_334 = arith.cmpi ne, %convert_element_type3A_332, %cond3A_333 : i32
        scf.if %cond3A_334 {
          %dma_wait3A_375 = arith.constant 0 : i32
          %dma_wait3A_376 = arith.constant 0 : i32
          %dma_wait3A_377 = tpu.memref_slice %arg29[%dma_wait3A_375, %dma_wait3A_376] : memref<10000x128xf32, #tpu.memory_space<vmem_shared>> -> memref<10000x128xf32, #tpu.memory_space<vmem_shared>>
          tpu.wait_indirect_dma semaphore(%arg26 : memref<!tpu.dma_semaphore, #tpu.memory_space<semaphore_mem>>) src(%arg24 : memref<64x128xf32, #tpu.memory_space<vmem>>) dst(%dma_wait3A_377 : memref<10000x128xf32, #tpu.memory_space<vmem_shared>>)
        } else {
        }
        %mul3A_335 = arith.constant 64 : i32
        %mul3A_336 = arith.muli %add3A_305, %mul3A_335 : i32
        %dma_start3A_337 = tpu.memref_slice %arg4[%mul3A_336] : memref<160000xi32, #tpu.memory_space<hbm>> -> memref<64xi32, #tpu.memory_space<hbm>>
        %dma_start3A_338 = tpu.memref_slice %arg4[%mul3A_336] : memref<160000xi32, #tpu.memory_space<hbm>> -> memref<64xi32, #tpu.memory_space<hbm>>
        tpu.enqueue_dma source(%dma_start3A_338 : memref<64xi32, #tpu.memory_space<hbm>>) target(%arg23 : memref<64xi32, #tpu.memory_space<vmem>>) target_semaphore(%arg26 : memref<!tpu.dma_semaphore, #tpu.memory_space<semaphore_mem>>)
        %dma_wait3A_339 = arith.constant 0 : i32
        %dma_wait3A_340 = arith.constant 0 : i32
        %dma_wait3A_341 = tpu.memref_slice %arg2[%dma_wait3A_339, %dma_wait3A_340] : memref<40000x112xf32, #tpu.memory_space<hbm>> -> memref<40000x112xf32, #tpu.memory_space<hbm>>
        tpu.wait_indirect_dma semaphore(%arg28 : memref<!tpu.dma_semaphore, #tpu.memory_space<semaphore_mem>>) src(%dma_wait3A_341 : memref<40000x112xf32, #tpu.memory_space<hbm>>) dst(%arg19 : memref<64x112xf32, #tpu.memory_space<vmem>>)
        %dma_wait3A_342 = arith.constant 0 : i32
        %dma_wait3A_343 = arith.constant 0 : i32
        %dma_wait3A_344 = tpu.memref_slice %arg5[%dma_wait3A_342, %dma_wait3A_343] : memref<160000x384xf32, #tpu.memory_space<hbm>> -> memref<64x96xf32, #tpu.memory_space<hbm>>
        %dma_wait3A_345 = arith.constant 0 : i32
        %dma_wait3A_346 = arith.constant 0 : i32
        %dma_wait3A_347 = tpu.memref_slice %arg5[%dma_wait3A_345, %dma_wait3A_346] : memref<160000x384xf32, #tpu.memory_space<hbm>> -> memref<64x96xf32, #tpu.memory_space<hbm>>
        tpu.wait_dma2 semaphore(%arg25 : memref<!tpu.dma_semaphore, #tpu.memory_space<semaphore_mem>>) src(%dma_wait3A_347 : memref<64x96xf32, #tpu.memory_space<hbm>>) dst(%arg20 : memref<64x96xf32, #tpu.memory_space<vmem>>)
        %dma_wait3A_348 = arith.constant 0 : i32
        %dma_wait3A_349 = arith.constant 0 : i32
        %dma_wait3A_350 = tpu.memref_slice %arg6[%dma_wait3A_348, %dma_wait3A_349] : memref<160000x16xf32, #tpu.memory_space<hbm>> -> memref<64x16xf32, #tpu.memory_space<hbm>>
        %dma_wait3A_351 = arith.constant 0 : i32
        %dma_wait3A_352 = arith.constant 0 : i32
        %dma_wait3A_353 = tpu.memref_slice %arg6[%dma_wait3A_351, %dma_wait3A_352] : memref<160000x16xf32, #tpu.memory_space<hbm>> -> memref<64x16xf32, #tpu.memory_space<hbm>>
        tpu.wait_dma2 semaphore(%arg25 : memref<!tpu.dma_semaphore, #tpu.memory_space<semaphore_mem>>) src(%dma_wait3A_353 : memref<64x16xf32, #tpu.memory_space<hbm>>) dst(%arg21 : memref<64x16xf32, #tpu.memory_space<vmem>>)
        %add3A_354 = arith.constant 64 : i32
        %add3A_355 = arith.addi %add3A_305, %add3A_354 : i32
        %lt3A_356 = arith.constant 2500 : i32
        %lt3A_357 = arith.cmpi slt, %add3A_355, %lt3A_356 : i32
        %convert_element_type3A_358 = arith.extui %lt3A_357 : i1 to i32
        %cond3A_359 = arith.constant 0 : i32
        %cond3A_360 = arith.cmpi ne, %convert_element_type3A_358, %cond3A_359 : i32
        scf.if %cond3A_360 {
          %mul3A_375 = arith.constant 64 : i32
          %mul3A_376 = arith.muli %add3A_355, %mul3A_375 : i32
          %add3A_377 = arith.constant 480000 : i32
          %add3A_378 = arith.addi %add3A_377, %mul3A_376 : i32
          %dma_start3A_379 = tpu.memref_slice %arg3[%add3A_378] : memref<640000xi32, #tpu.memory_space<hbm>> -> memref<64xi32, #tpu.memory_space<hbm>>
          %dma_start3A_380 = tpu.memref_slice %arg3[%add3A_378] : memref<640000xi32, #tpu.memory_space<hbm>> -> memref<64xi32, #tpu.memory_space<hbm>>
          tpu.enqueue_dma source(%dma_start3A_380 : memref<64xi32, #tpu.memory_space<hbm>>) target(%arg22 : memref<64xi32, #tpu.memory_space<vmem>>) target_semaphore(%arg27 : memref<!tpu.dma_semaphore, #tpu.memory_space<semaphore_mem>>)
        } else {
        }
        %scan3A_361 = arith.constant 0 : i32
        %scan3A_362 = arith.constant 0 : i32
        %scan3A_363 = arith.constant 64 : i32
        %scan3A_364 = arith.addi %scan3A_362, %scan3A_363 : i32
        %scan3A_365 = arith.constant 1 : i32
        %scan3A_366 = scf.for %scan3A_375 = %scan3A_362 to %scan3A_364 step %scan3A_365 iter_args(%scan3A_376 = %scan3A_361) -> (i32)  : i32 {
          %get3A = arith.index_cast %scan3A_375 : i32 to index
          %get3A_377 = arith.constant 96 : index
          %get3A_378 = tpu.vector_load %arg19[%get3A, %get3A_377] {strides = array<i32>} : memref<64x112xf32, #tpu.memory_space<vmem>>, vector<1x16xf32>,
          %get3A_379 = vector.shape_cast %get3A_378 : vector<1x16xf32> to vector<16xf32>
          %slice3A = vector.extract_strided_slice %get3A_379 {offsets = [0], sizes = [1], strides = [1]} : vector<16xf32> to vector<1xf32>
          %squeeze3A = vector.extract %slice3A[0] : f32 from vector<1xf32>
          %slice3A_380 = vector.extract_strided_slice %get3A_379 {offsets = [1], sizes = [1], strides = [1]} : vector<16xf32> to vector<1xf32>
          %squeeze3A_381 = vector.extract %slice3A_380[0] : f32 from vector<1xf32>
          %slice3A_382 = vector.extract_strided_slice %get3A_379 {offsets = [2], sizes = [1], strides = [1]} : vector<16xf32> to vector<1xf32>
          %squeeze3A_383 = vector.extract %slice3A_382[0] : f32 from vector<1xf32>
          %get3A_384 = arith.index_cast %scan3A_375 : i32 to index
          %get3A_385 = arith.constant 0 : index
          %get3A_386 = tpu.vector_load %arg21[%get3A_384, %get3A_385] {strides = array<i32>} : memref<64x16xf32, #tpu.memory_space<vmem>>, vector<1x16xf32>,
          %get3A_387 = vector.shape_cast %get3A_386 : vector<1x16xf32> to vector<16xf32>
          %slice3A_388 = vector.extract_strided_slice %get3A_387 {offsets = [0], sizes = [1], strides = [1]} : vector<16xf32> to vector<1xf32>
          %squeeze3A_389 = vector.extract %slice3A_388[0] : f32 from vector<1xf32>
          %slice3A_390 = vector.extract_strided_slice %get3A_387 {offsets = [1], sizes = [1], strides = [1]} : vector<16xf32> to vector<1xf32>
          %squeeze3A_391 = vector.extract %slice3A_390[0] : f32 from vector<1xf32>
          %slice3A_392 = vector.extract_strided_slice %get3A_387 {offsets = [2], sizes = [1], strides = [1]} : vector<16xf32> to vector<1xf32>
          %squeeze3A_393 = vector.extract %slice3A_392[0] : f32 from vector<1xf32>
          %get3A_394 = arith.index_cast %scan3A_375 : i32 to index
          %get3A_395 = arith.constant 0 : index
          %get3A_396 = tpu.vector_load %arg19[%get3A_394, %get3A_395] {strides = array<i32>} : memref<64x112xf32, #tpu.memory_space<vmem>>, vector<1x16xf32>,
          %get3A_397 = vector.shape_cast %get3A_396 : vector<1x16xf32> to vector<16xf32>
          %get3A_398 = arith.index_cast %scan3A_375 : i32 to index
          %get3A_399 = arith.constant 32 : index
          %get3A_400 = tpu.vector_load %arg19[%get3A_398, %get3A_399] {strides = array<i32>} : memref<64x112xf32, #tpu.memory_space<vmem>>, vector<1x16xf32>,
          %get3A_401 = vector.shape_cast %get3A_400 : vector<1x16xf32> to vector<16xf32>
          %get3A_402 = arith.index_cast %scan3A_375 : i32 to index
          %get3A_403 = arith.constant 64 : index
          %get3A_404 = tpu.vector_load %arg19[%get3A_402, %get3A_403] {strides = array<i32>} : memref<64x112xf32, #tpu.memory_space<vmem>>, vector<1x16xf32>,
          %get3A_405 = vector.shape_cast %get3A_404 : vector<1x16xf32> to vector<16xf32>
          %get3A_406 = arith.index_cast %scan3A_375 : i32 to index
          %get3A_407 = arith.constant 0 : index
          %get3A_408 = tpu.vector_load %arg20[%get3A_406, %get3A_407] {strides = array<i32>} : memref<64x96xf32, #tpu.memory_space<vmem>>, vector<1x16xf32>,
          %get3A_409 = vector.shape_cast %get3A_408 : vector<1x16xf32> to vector<16xf32>
          %get3A_410 = arith.index_cast %scan3A_375 : i32 to index
          %get3A_411 = arith.constant 32 : index
          %get3A_412 = tpu.vector_load %arg20[%get3A_410, %get3A_411] {strides = array<i32>} : memref<64x96xf32, #tpu.memory_space<vmem>>, vector<1x16xf32>,
          %get3A_413 = vector.shape_cast %get3A_412 : vector<1x16xf32> to vector<16xf32>
          %get3A_414 = arith.index_cast %scan3A_375 : i32 to index
          %get3A_415 = arith.constant 64 : index
          %get3A_416 = tpu.vector_load %arg20[%get3A_414, %get3A_415] {strides = array<i32>} : memref<64x96xf32, #tpu.memory_space<vmem>>, vector<1x16xf32>,
          %get3A_417 = vector.shape_cast %get3A_416 : vector<1x16xf32> to vector<16xf32>
          %mul3A_418 = arith.mulf %get3A_413, %get3A_401 : vector<16xf32>
          %mul3A_419 = arith.mulf %get3A_417, %get3A_405 : vector<16xf32>
          %mul3A_420 = arith.mulf %get3A_409, %get3A_397 : vector<16xf32>
          %swap3A = arith.index_cast %scan3A_375 : i32 to index
          %swap3A_421 = arith.constant 0 : index
          %swap3A_422 = tpu.vector_load %arg24[%swap3A, %swap3A_421] {strides = array<i32>} : memref<64x128xf32, #tpu.memory_space<vmem>>, vector<1x16xf32>,
          %swap3A_423 = vector.shape_cast %swap3A_422 : vector<1x16xf32> to vector<16xf32>
          %swap3A_424 = vector.shape_cast %mul3A_420 : vector<16xf32> to vector<1x16xf32>
          tpu.vector_store %arg24[%swap3A, %swap3A_421], %swap3A_424 {strides = array<i32>} : memref<64x128xf32, #tpu.memory_space<vmem>>, vector<1x16xf32>,
          %mul3A_425 = vector.broadcast %squeeze3A_389 : f32 to vector<16xf32>
          %mul3A_426 = arith.mulf %mul3A_418, %mul3A_425 : vector<16xf32>
          %mul3A_427 = vector.broadcast %squeeze3A : f32 to vector<16xf32>
          %mul3A_428 = arith.mulf %mul3A_419, %mul3A_427 : vector<16xf32>
          %add3A_429 = arith.addf %mul3A_426, %mul3A_428 : vector<16xf32>
          %swap3A_430 = arith.index_cast %scan3A_375 : i32 to index
          %swap3A_431 = arith.constant 32 : index
          %swap3A_432 = tpu.vector_load %arg24[%swap3A_430, %swap3A_431] {strides = array<i32>} : memref<64x128xf32, #tpu.memory_space<vmem>>, vector<1x16xf32>,
          %swap3A_433 = vector.shape_cast %swap3A_432 : vector<1x16xf32> to vector<16xf32>
          %swap3A_434 = vector.shape_cast %add3A_429 : vector<16xf32> to vector<1x16xf32>
          tpu.vector_store %arg24[%swap3A_430, %swap3A_431], %swap3A_434 {strides = array<i32>} : memref<64x128xf32, #tpu.memory_space<vmem>>, vector<1x16xf32>,
          %mul3A_435 = vector.broadcast %squeeze3A_391 : f32 to vector<16xf32>
          %mul3A_436 = arith.mulf %mul3A_418, %mul3A_435 : vector<16xf32>
          %mul3A_437 = vector.broadcast %squeeze3A_381 : f32 to vector<16xf32>
          %mul3A_438 = arith.mulf %mul3A_419, %mul3A_437 : vector<16xf32>
          %add3A_439 = arith.addf %mul3A_436, %mul3A_438 : vector<16xf32>
          %swap3A_440 = arith.index_cast %scan3A_375 : i32 to index
          %swap3A_441 = arith.constant 64 : index
          %swap3A_442 = tpu.vector_load %arg24[%swap3A_440, %swap3A_441] {strides = array<i32>} : memref<64x128xf32, #tpu.memory_space<vmem>>, vector<1x16xf32>,
          %swap3A_443 = vector.shape_cast %swap3A_442 : vector<1x16xf32> to vector<16xf32>
          %swap3A_444 = vector.shape_cast %add3A_439 : vector<16xf32> to vector<1x16xf32>
          tpu.vector_store %arg24[%swap3A_440, %swap3A_441], %swap3A_444 {strides = array<i32>} : memref<64x128xf32, #tpu.memory_space<vmem>>, vector<1x16xf32>,
          %mul3A_445 = vector.broadcast %squeeze3A_393 : f32 to vector<16xf32>
          %mul3A_446 = arith.mulf %mul3A_418, %mul3A_445 : vector<16xf32>
          %mul3A_447 = vector.broadcast %squeeze3A_383 : f32 to vector<16xf32>
          %mul3A_448 = arith.mulf %mul3A_419, %mul3A_447 : vector<16xf32>
          %add3A_449 = arith.addf %mul3A_446, %mul3A_448 : vector<16xf32>
          %swap3A_450 = arith.index_cast %scan3A_375 : i32 to index
          %swap3A_451 = arith.constant 96 : index
          %swap3A_452 = tpu.vector_load %arg24[%swap3A_450, %swap3A_451] {strides = array<i32>} : memref<64x128xf32, #tpu.memory_space<vmem>>, vector<1x16xf32>,
          %swap3A_453 = vector.shape_cast %swap3A_452 : vector<1x16xf32> to vector<16xf32>
          %swap3A_454 = vector.shape_cast %add3A_449 : vector<16xf32> to vector<1x16xf32>
          tpu.vector_store %arg24[%swap3A_450, %swap3A_451], %swap3A_454 {strides = array<i32>} : memref<64x128xf32, #tpu.memory_space<vmem>>, vector<1x16xf32>,
          %get3A_455 = arith.index_cast %scan3A_375 : i32 to index
          %get3A_456 = arith.constant 16 : index
          %get3A_457 = tpu.vector_load %arg19[%get3A_455, %get3A_456] {strides = array<i32>} : memref<64x112xf32, #tpu.memory_space<vmem>>, vector<1x16xf32>,
          %get3A_458 = vector.shape_cast %get3A_457 : vector<1x16xf32> to vector<16xf32>
          %get3A_459 = arith.index_cast %scan3A_375 : i32 to index
          %get3A_460 = arith.constant 48 : index
          %get3A_461 = tpu.vector_load %arg19[%get3A_459, %get3A_460] {strides = array<i32>} : memref<64x112xf32, #tpu.memory_space<vmem>>, vector<1x16xf32>,
          %get3A_462 = vector.shape_cast %get3A_461 : vector<1x16xf32> to vector<16xf32>
          %get3A_463 = arith.index_cast %scan3A_375 : i32 to index
          %get3A_464 = arith.constant 80 : index
          %get3A_465 = tpu.vector_load %arg19[%get3A_463, %get3A_464] {strides = array<i32>} : memref<64x112xf32, #tpu.memory_space<vmem>>, vector<1x16xf32>,
          %get3A_466 = vector.shape_cast %get3A_465 : vector<1x16xf32> to vector<16xf32>
          %get3A_467 = arith.index_cast %scan3A_375 : i32 to index
          %get3A_468 = arith.constant 16 : index
          %get3A_469 = tpu.vector_load %arg20[%get3A_467, %get3A_468] {strides = array<i32>} : memref<64x96xf32, #tpu.memory_space<vmem>>, vector<1x16xf32>,
          %get3A_470 = vector.shape_cast %get3A_469 : vector<1x16xf32> to vector<16xf32>
          %get3A_471 = arith.index_cast %scan3A_375 : i32 to index
          %get3A_472 = arith.constant 48 : index
          %get3A_473 = tpu.vector_load %arg20[%get3A_471, %get3A_472] {strides = array<i32>} : memref<64x96xf32, #tpu.memory_space<vmem>>, vector<1x16xf32>,
          %get3A_474 = vector.shape_cast %get3A_473 : vector<1x16xf32> to vector<16xf32>
          %get3A_475 = arith.index_cast %scan3A_375 : i32 to index
          %get3A_476 = arith.constant 80 : index
          %get3A_477 = tpu.vector_load %arg20[%get3A_475, %get3A_476] {strides = array<i32>} : memref<64x96xf32, #tpu.memory_space<vmem>>, vector<1x16xf32>,
          %get3A_478 = vector.shape_cast %get3A_477 : vector<1x16xf32> to vector<16xf32>
          %mul3A_479 = arith.mulf %get3A_474, %get3A_462 : vector<16xf32>
          %mul3A_480 = arith.mulf %get3A_478, %get3A_466 : vector<16xf32>
          %mul3A_481 = arith.mulf %get3A_470, %get3A_458 : vector<16xf32>
          %swap3A_482 = arith.index_cast %scan3A_375 : i32 to index
          %swap3A_483 = arith.constant 16 : index
          %swap3A_484 = tpu.vector_load %arg24[%swap3A_482, %swap3A_483] {strides = array<i32>} : memref<64x128xf32, #tpu.memory_space<vmem>>, vector<1x16xf32>,
          %swap3A_485 = vector.shape_cast %swap3A_484 : vector<1x16xf32> to vector<16xf32>
          %swap3A_486 = vector.shape_cast %mul3A_481 : vector<16xf32> to vector<1x16xf32>
          tpu.vector_store %arg24[%swap3A_482, %swap3A_483], %swap3A_486 {strides = array<i32>} : memref<64x128xf32, #tpu.memory_space<vmem>>, vector<1x16xf32>,
          %mul3A_487 = vector.broadcast %squeeze3A_389 : f32 to vector<16xf32>
          %mul3A_488 = arith.mulf %mul3A_479, %mul3A_487 : vector<16xf32>
          %mul3A_489 = vector.broadcast %squeeze3A : f32 to vector<16xf32>
          %mul3A_490 = arith.mulf %mul3A_480, %mul3A_489 : vector<16xf32>
          %add3A_491 = arith.addf %mul3A_488, %mul3A_490 : vector<16xf32>
          %swap3A_492 = arith.index_cast %scan3A_375 : i32 to index
          %swap3A_493 = arith.constant 48 : index
          %swap3A_494 = tpu.vector_load %arg24[%swap3A_492, %swap3A_493] {strides = array<i32>} : memref<64x128xf32, #tpu.memory_space<vmem>>, vector<1x16xf32>,
          %swap3A_495 = vector.shape_cast %swap3A_494 : vector<1x16xf32> to vector<16xf32>
          %swap3A_496 = vector.shape_cast %add3A_491 : vector<16xf32> to vector<1x16xf32>
          tpu.vector_store %arg24[%swap3A_492, %swap3A_493], %swap3A_496 {strides = array<i32>} : memref<64x128xf32, #tpu.memory_space<vmem>>, vector<1x16xf32>,
          %mul3A_497 = vector.broadcast %squeeze3A_391 : f32 to vector<16xf32>
          %mul3A_498 = arith.mulf %mul3A_479, %mul3A_497 : vector<16xf32>
          %mul3A_499 = vector.broadcast %squeeze3A_381 : f32 to vector<16xf32>
          %mul3A_500 = arith.mulf %mul3A_480, %mul3A_499 : vector<16xf32>
          %add3A_501 = arith.addf %mul3A_498, %mul3A_500 : vector<16xf32>
          %swap3A_502 = arith.index_cast %scan3A_375 : i32 to index
          %swap3A_503 = arith.constant 80 : index
          %swap3A_504 = tpu.vector_load %arg24[%swap3A_502, %swap3A_503] {strides = array<i32>} : memref<64x128xf32, #tpu.memory_space<vmem>>, vector<1x16xf32>,
          %swap3A_505 = vector.shape_cast %swap3A_504 : vector<1x16xf32> to vector<16xf32>
          %swap3A_506 = vector.shape_cast %add3A_501 : vector<16xf32> to vector<1x16xf32>
          tpu.vector_store %arg24[%swap3A_502, %swap3A_503], %swap3A_506 {strides = array<i32>} : memref<64x128xf32, #tpu.memory_space<vmem>>, vector<1x16xf32>,
          %mul3A_507 = vector.broadcast %squeeze3A_393 : f32 to vector<16xf32>
          %mul3A_508 = arith.mulf %mul3A_479, %mul3A_507 : vector<16xf32>
          %mul3A_509 = vector.broadcast %squeeze3A_383 : f32 to vector<16xf32>
          %mul3A_510 = arith.mulf %mul3A_480, %mul3A_509 : vector<16xf32>
          %add3A_511 = arith.addf %mul3A_508, %mul3A_510 : vector<16xf32>
          %swap3A_512 = arith.index_cast %scan3A_375 : i32 to index
          %swap3A_513 = arith.constant 112 : index
          %swap3A_514 = tpu.vector_load %arg24[%swap3A_512, %swap3A_513] {strides = array<i32>} : memref<64x128xf32, #tpu.memory_space<vmem>>, vector<1x16xf32>,
          %swap3A_515 = vector.shape_cast %swap3A_514 : vector<1x16xf32> to vector<16xf32>
          %swap3A_516 = vector.shape_cast %add3A_511 : vector<16xf32> to vector<1x16xf32>
          tpu.vector_store %arg24[%swap3A_512, %swap3A_513], %swap3A_516 {strides = array<i32>} : memref<64x128xf32, #tpu.memory_space<vmem>>, vector<1x16xf32>,
          %scan3A_517 = arith.constant 0 : i32
          scf.yield %scan3A_517 : i32
        }
        %scan3A_367 = arith.constant 64 : i32
        %dma_wait3A_368 = arith.constant 0 : i32
        %dma_wait3A_369 = tpu.memref_slice %arg4[%dma_wait3A_368] : memref<160000xi32, #tpu.memory_space<hbm>> -> memref<64xi32, #tpu.memory_space<hbm>>
        %dma_wait3A_370 = arith.constant 0 : i32
        %dma_wait3A_371 = tpu.memref_slice %arg4[%dma_wait3A_370] : memref<160000xi32, #tpu.memory_space<hbm>> -> memref<64xi32, #tpu.memory_space<hbm>>
        tpu.wait_dma2 semaphore(%arg26 : memref<!tpu.dma_semaphore, #tpu.memory_space<semaphore_mem>>) src(%dma_wait3A_371 : memref<64xi32, #tpu.memory_space<hbm>>) dst(%arg23 : memref<64xi32, #tpu.memory_space<vmem>>)
        %dma_start3A_372 = arith.constant 0 : i32
        %dma_start3A_373 = arith.constant 0 : i32
        %dma_start3A_374 = tpu.memref_slice %arg29[%dma_start3A_372, %dma_start3A_373] : memref<10000x128xf32, #tpu.memory_space<vmem_shared>> -> memref<10000x128xf32, #tpu.memory_space<vmem_shared>>
        tpu.enqueue_indirect_dma source(%arg24 : memref<64x128xf32, #tpu.memory_space<vmem>>) target(%dma_start3A_374 : memref<10000x128xf32, #tpu.memory_space<vmem_shared>>) offsets(%arg23 : memref<64xi32, #tpu.memory_space<vmem>>) semaphore(%arg26 : memref<!tpu.dma_semaphore, #tpu.memory_space<semaphore_mem>>) {add = true}
      } else {
      }
      %scan3A_330 = arith.constant 0 : i32
      scf.yield %scan3A_330 : i32
    }
    %scan3A_278 = arith.constant 40 : i32
    %dma_wait3A_279 = arith.constant 0 : i32
    %dma_wait3A_280 = arith.constant 0 : i32
    %dma_wait3A_281 = tpu.memref_slice %arg29[%dma_wait3A_279, %dma_wait3A_280] : memref<10000x128xf32, #tpu.memory_space<vmem_shared>> -> memref<10000x128xf32, #tpu.memory_space<vmem_shared>>
    tpu.wait_indirect_dma semaphore(%arg16 : memref<!tpu.dma_semaphore, #tpu.memory_space<semaphore_mem>>) src(%arg14 : memref<64x128xf32, #tpu.memory_space<vmem>>) dst(%dma_wait3A_281 : memref<10000x128xf32, #tpu.memory_space<vmem_shared>>)
    %dma_wait3A_282 = arith.constant 0 : i32
    %dma_wait3A_283 = arith.constant 0 : i32
    %dma_wait3A_284 = tpu.memref_slice %arg29[%dma_wait3A_282, %dma_wait3A_283] : memref<10000x128xf32, #tpu.memory_space<vmem_shared>> -> memref<10000x128xf32, #tpu.memory_space<vmem_shared>>
    tpu.wait_indirect_dma semaphore(%arg26 : memref<!tpu.dma_semaphore, #tpu.memory_space<semaphore_mem>>) src(%arg24 : memref<64x128xf32, #tpu.memory_space<vmem>>) dst(%dma_wait3A_284 : memref<10000x128xf32, #tpu.memory_space<vmem_shared>>)
    %barrier3A_285 = arith.constant 0 : index
    tpu.barrier barrier_id(%barrier3A_285)
    %mul3A_286 = arith.constant 625 : i32
    %mul3A_287 = arith.muli %arg1, %mul3A_286 : i32
    %mul3A_288 = arith.constant 625 : i32
    %mul3A_289 = arith.muli %arg1, %mul3A_288 : i32
    %run_scoped3A_290 = arith.constant 3 : i32
    "tpu.region"() ({
      %run_scoped3A_292 = tpu.sem_alloc : memref<!tpu.dma_semaphore, #tpu.memory_space<semaphore_mem>>
      %dma_start3A_293 = arith.constant 0 : i32
      %dma_start3A_294 = tpu.memref_slice %arg8[%arg0, %run_scoped3A_290, %mul3A_289, %dma_start3A_293] : memref<2x4x10000x128xf32, #tpu.memory_space<hbm>> -> memref<1x1x625x128xf32, #tpu.memory_space<hbm>>
      %dma_start3A_295 = tpu.memref_squeeze %dma_start3A_294 : memref<1x1x625x128xf32, #tpu.memory_space<hbm>> -> memref<625x128xf32, #tpu.memory_space<hbm>>
      %dma_start3A_296 = arith.constant 0 : i32
      %dma_start3A_297 = tpu.memref_slice %arg29[%mul3A_287, %dma_start3A_296] : memref<10000x128xf32, #tpu.memory_space<vmem_shared>> -> memref<625x128xf32, #tpu.memory_space<vmem_shared>>
      tpu.enqueue_dma source(%dma_start3A_297 : memref<625x128xf32, #tpu.memory_space<vmem_shared>>) target(%dma_start3A_295 : memref<625x128xf32, #tpu.memory_space<hbm>>) target_semaphore(%run_scoped3A_292 : memref<!tpu.dma_semaphore, #tpu.memory_space<semaphore_mem>>)
      %dma_wait3A_298 = arith.constant 0 : i32
      %dma_wait3A_299 = tpu.memref_slice %arg8[%arg0, %run_scoped3A_290, %mul3A_289, %dma_wait3A_298] : memref<2x4x10000x128xf32, #tpu.memory_space<hbm>> -> memref<1x1x625x128xf32, #tpu.memory_space<hbm>>
      %dma_wait3A_300 = tpu.memref_squeeze %dma_wait3A_299 : memref<1x1x625x128xf32, #tpu.memory_space<hbm>> -> memref<625x128xf32, #tpu.memory_space<hbm>>
      %dma_wait3A_301 = arith.constant 0 : i32
      %dma_wait3A_302 = tpu.memref_slice %arg29[%mul3A_287, %dma_wait3A_301] : memref<10000x128xf32, #tpu.memory_space<vmem_shared>> -> memref<625x128xf32, #tpu.memory_space<vmem_shared>>
      tpu.wait_dma2 semaphore(%run_scoped3A_292 : memref<!tpu.dma_semaphore, #tpu.memory_space<semaphore_mem>>) src(%dma_wait3A_302 : memref<625x128xf32, #tpu.memory_space<vmem_shared>>) dst(%dma_wait3A_300 : memref<625x128xf32, #tpu.memory_space<hbm>>)
      tpu.yield
    }) : () -> ()
    %barrier3A_291 = arith.constant 0 : index
    tpu.barrier barrier_id(%barrier3A_291)
    return
  }
}

module attributes {stable_mosaic.version = 14 : i64} {
  func.func @_stage1_body(%arg0: i32, %arg1: memref<400x1x128xf32, #tpu.memory_space<vmem>>, %arg2: memref<400x3x128xf32, #tpu.memory_space<vmem>>, %arg3: memref<128x128xf32, #tpu.memory_space<vmem>>, %arg4: memref<1x128xf32, #tpu.memory_space<vmem>>, %arg5: memref<128x384xf32, #tpu.memory_space<vmem>>, %arg6: memref<1x384xf32, #tpu.memory_space<vmem>>, %arg7: memref<128x32xf32, #tpu.memory_space<vmem>>, %arg8: memref<1x32xf32, #tpu.memory_space<vmem>>, %arg9: memref<32x128xf32, #tpu.memory_space<vmem>>, %arg10: memref<1x128xf32, #tpu.memory_space<vmem>>, %arg11: memref<400x384xf32, #tpu.memory_space<vmem>>, %arg12: memref<400x128xf32, #tpu.memory_space<vmem>>, %arg13: memref<400x3xf32, #tpu.memory_space<vmem>>) attributes {dimension_semantics = [#tpu.dimension_semantics<arbitrary>], iteration_bounds = array<i64: 25>, scalar_prefetch = 0 : i64, scratch_operands = 0 : i64, tpu.core_type = #tpu.core_type<tc>, window_params = [{transform_indices = @transform_0, window_bounds = array<i64: 400, 1, 128>}, {transform_indices = @transform_1, window_bounds = array<i64: 400, 3, 128>}, {pipeline_mode = #tpu.pipeline_mode<synchronous>, transform_indices = @transform_2, window_bounds = array<i64: 128, 128>}, {pipeline_mode = #tpu.pipeline_mode<synchronous>, transform_indices = @transform_3, window_bounds = array<i64: 1, 128>}, {pipeline_mode = #tpu.pipeline_mode<synchronous>, transform_indices = @transform_4, window_bounds = array<i64: 128, 384>}, {pipeline_mode = #tpu.pipeline_mode<synchronous>, transform_indices = @transform_5, window_bounds = array<i64: 1, 384>}, {pipeline_mode = #tpu.pipeline_mode<synchronous>, transform_indices = @transform_6, window_bounds = array<i64: 128, 32>}, {pipeline_mode = #tpu.pipeline_mode<synchronous>, transform_indices = @transform_7, window_bounds = array<i64: 1, 32>}, {pipeline_mode = #tpu.pipeline_mode<synchronous>, transform_indices = @transform_8, window_bounds = array<i64: 32, 128>}, {pipeline_mode = #tpu.pipeline_mode<synchronous>, transform_indices = @transform_9, window_bounds = array<i64: 1, 128>}, {transform_indices = @transform_10, window_bounds = array<i64: 400, 384>}, {transform_indices = @transform_11, window_bounds = array<i64: 400, 128>}, {transform_indices = @transform_12, window_bounds = array<i64: 400, 3>}]} {
    %get3A = arith.constant 0 : index
    %get3A_0 = arith.constant 0 : index
    %get3A_1 = arith.constant 0 : index
    %get3A_2 = vector.load %arg1[%get3A, %get3A_0, %get3A_1] : memref<400x1x128xf32, #tpu.memory_space<vmem>>, vector<400x1x128xf32>
    %get3A_3 = vector.shape_cast %get3A_2 : vector<400x1x128xf32> to vector<400x128xf32>
    %get3A_4 = arith.constant 0 : index
    %get3A_5 = arith.constant 0 : index
    %get3A_6 = vector.load %arg3[%get3A_4, %get3A_5] : memref<128x128xf32, #tpu.memory_space<vmem>>, vector<128x128xf32>
    %dot_general3A = arith.constant dense<0.000000e+00> : vector<400x128xf32>
    %dot_general3A_7 = tpu.matmul %get3A_3, %get3A_6, %dot_general3A {dimension_numbers = #tpu.dot_dimension_numbers<[1], [0], [0], [1], [0, 0, 1, 1], [], []>, transpose_lhs_hint = false} : vector<400x128xf32>, vector<128x128xf32>, vector<400x128xf32> -> vector<400x128xf32>
    %get3A_8 = arith.constant 0 : index
    %get3A_9 = arith.constant 0 : index
    %get3A_10 = vector.load %arg4[%get3A_8, %get3A_9] : memref<1x128xf32, #tpu.memory_space<vmem>>, vector<1x128xf32>
    %add3A = vector.broadcast %get3A_10 : vector<1x128xf32> to vector<400x128xf32>
    %add3A_11 = arith.addf %dot_general3A_7, %add3A : vector<400x128xf32>
    %logistic3A = arith.negf %add3A_11 : vector<400x128xf32>
    %logistic3A_12 = math.exp %logistic3A : vector<400x128xf32>
    %logistic3A_13 = arith.constant 1.000000e+00 : f32
    %logistic3A_14 = vector.broadcast %logistic3A_13 : f32 to vector<400x128xf32>
    %logistic3A_15 = arith.addf %logistic3A_14, %logistic3A_12 : vector<400x128xf32>
    %logistic3A_16 = arith.divf %logistic3A_14, %logistic3A_15 : vector<400x128xf32>
    %mul3A = arith.mulf %add3A_11, %logistic3A_16 : vector<400x128xf32>
    %get3A_17 = arith.constant 0 : index
    %get3A_18 = arith.constant 0 : index
    %get3A_19 = vector.load %arg5[%get3A_17, %get3A_18] : memref<128x384xf32, #tpu.memory_space<vmem>>, vector<128x384xf32>
    %dot_general3A_20 = arith.constant dense<0.000000e+00> : vector<400x384xf32>
    %dot_general3A_21 = tpu.matmul %mul3A, %get3A_19, %dot_general3A_20 {dimension_numbers = #tpu.dot_dimension_numbers<[1], [0], [0], [1], [0, 0, 1, 1], [], []>, transpose_lhs_hint = false} : vector<400x128xf32>, vector<128x384xf32>, vector<400x384xf32> -> vector<400x384xf32>
    %get3A_22 = arith.constant 0 : index
    %get3A_23 = arith.constant 0 : index
    %get3A_24 = vector.load %arg6[%get3A_22, %get3A_23] : memref<1x384xf32, #tpu.memory_space<vmem>>, vector<1x384xf32>
    %add3A_25 = vector.broadcast %get3A_24 : vector<1x384xf32> to vector<400x384xf32>
    %add3A_26 = arith.addf %dot_general3A_21, %add3A_25 : vector<400x384xf32>
    %get3A_27 = arith.constant 0 : index
    %get3A_28 = arith.constant 0 : index
    %get3A_29 = arith.constant 0 : index
    %get3A_30 = vector.load %arg2[%get3A_27, %get3A_28, %get3A_29] : memref<400x3x128xf32, #tpu.memory_space<vmem>>, vector<400x3x128xf32>
    %slice3A = vector.extract_strided_slice %get3A_30 {offsets = [0, 0, 0], sizes = [400, 1, 128], strides = [1, 1, 1]} : vector<400x3x128xf32> to vector<400x1x128xf32>
    %squeeze3A = vector.shape_cast %slice3A : vector<400x1x128xf32> to vector<400x128xf32>
    %integer_pow3A = arith.mulf %squeeze3A, %squeeze3A : vector<400x128xf32>
    %slice3A_31 = vector.extract_strided_slice %get3A_30 {offsets = [0, 1, 0], sizes = [400, 1, 128], strides = [1, 1, 1]} : vector<400x3x128xf32> to vector<400x1x128xf32>
    %squeeze3A_32 = vector.shape_cast %slice3A_31 : vector<400x1x128xf32> to vector<400x128xf32>
    %integer_pow3A_33 = arith.mulf %squeeze3A_32, %squeeze3A_32 : vector<400x128xf32>
    %add3A_34 = arith.addf %integer_pow3A, %integer_pow3A_33 : vector<400x128xf32>
    %slice3A_35 = vector.extract_strided_slice %get3A_30 {offsets = [0, 2, 0], sizes = [400, 1, 128], strides = [1, 1, 1]} : vector<400x3x128xf32> to vector<400x1x128xf32>
    %squeeze3A_36 = vector.shape_cast %slice3A_35 : vector<400x1x128xf32> to vector<400x128xf32>
    %integer_pow3A_37 = arith.mulf %squeeze3A_36, %squeeze3A_36 : vector<400x128xf32>
    %add3A_38 = arith.addf %add3A_34, %integer_pow3A_37 : vector<400x128xf32>
    %sqrt3A = math.sqrt %add3A_38 : vector<400x128xf32>
    %get3A_39 = arith.constant 0 : index
    %get3A_40 = arith.constant 0 : index
    %get3A_41 = vector.load %arg7[%get3A_39, %get3A_40] : memref<128x32xf32, #tpu.memory_space<vmem>>, vector<128x32xf32>
    %dot_general3A_42 = arith.constant dense<0.000000e+00> : vector<400x32xf32>
    %dot_general3A_43 = tpu.matmul %sqrt3A, %get3A_41, %dot_general3A_42 {dimension_numbers = #tpu.dot_dimension_numbers<[1], [0], [0], [1], [0, 0, 1, 1], [], []>, transpose_lhs_hint = false} : vector<400x128xf32>, vector<128x32xf32>, vector<400x32xf32> -> vector<400x32xf32>
    %get3A_44 = arith.constant 0 : index
    %get3A_45 = arith.constant 0 : index
    %get3A_46 = vector.load %arg8[%get3A_44, %get3A_45] : memref<1x32xf32, #tpu.memory_space<vmem>>, vector<1x32xf32>
    %add3A_47 = vector.broadcast %get3A_46 : vector<1x32xf32> to vector<400x32xf32>
    %add3A_48 = arith.addf %dot_general3A_43, %add3A_47 : vector<400x32xf32>
    %max3A = arith.constant 0.000000e+00 : f32
    %max3A_49 = vector.broadcast %max3A : f32 to vector<400x32xf32>
    %max3A_50 = arith.maximumf %add3A_48, %max3A_49 : vector<400x32xf32>
    %get3A_51 = arith.constant 0 : index
    %get3A_52 = arith.constant 0 : index
    %get3A_53 = vector.load %arg9[%get3A_51, %get3A_52] : memref<32x128xf32, #tpu.memory_space<vmem>>, vector<32x128xf32>
    %dot_general3A_54 = arith.constant dense<0.000000e+00> : vector<400x128xf32>
    %dot_general3A_55 = tpu.matmul %max3A_50, %get3A_53, %dot_general3A_54 {dimension_numbers = #tpu.dot_dimension_numbers<[1], [0], [0], [1], [0, 0, 1, 1], [], []>, transpose_lhs_hint = false} : vector<400x32xf32>, vector<32x128xf32>, vector<400x128xf32> -> vector<400x128xf32>
    %get3A_56 = arith.constant 0 : index
    %get3A_57 = arith.constant 0 : index
    %get3A_58 = vector.load %arg10[%get3A_56, %get3A_57] : memref<1x128xf32, #tpu.memory_space<vmem>>, vector<1x128xf32>
    %add3A_59 = vector.broadcast %get3A_58 : vector<1x128xf32> to vector<400x128xf32>
    %add3A_60 = arith.addf %dot_general3A_55, %add3A_59 : vector<400x128xf32>
    %reduce_max3A = arith.constant dense<0xFF800000> : vector<400xf32>
    %reduce_max3A_61 = vector.multi_reduction <maximumf>, %add3A_60, %reduce_max3A [1] : vector<400x128xf32> to vector<400xf32>
    %broadcast_in_dim3A = vector.shape_cast %reduce_max3A_61 : vector<400xf32> to vector<400x1xf32>
    %sub3A = vector.broadcast %broadcast_in_dim3A : vector<400x1xf32> to vector<400x128xf32>
    %sub3A_62 = arith.subf %add3A_60, %sub3A : vector<400x128xf32>
    %exp3A = math.exp %sub3A_62 : vector<400x128xf32>
    %reduce_sum3A = arith.constant dense<0.000000e+00> : vector<400xf32>
    %reduce_sum3A_63 = vector.multi_reduction <add>, %exp3A, %reduce_sum3A [1] : vector<400x128xf32> to vector<400xf32>
    %broadcast_in_dim3A_64 = vector.shape_cast %reduce_sum3A_63 : vector<400xf32> to vector<400x1xf32>
    %div3A = vector.broadcast %broadcast_in_dim3A_64 : vector<400x1xf32> to vector<400x128xf32>
    %div3A_65 = arith.divf %exp3A, %div3A : vector<400x128xf32>
    %swap3A = arith.constant 0 : index
    %swap3A_66 = arith.constant 0 : index
    %swap3A_67 = vector.load %arg12[%swap3A, %swap3A_66] : memref<400x128xf32, #tpu.memory_space<vmem>>, vector<400x128xf32>
    tpu.vector_store %arg12[%swap3A, %swap3A_66], %div3A_65 {strides = array<i32>} : memref<400x128xf32, #tpu.memory_space<vmem>>, vector<400x128xf32>,
    %slice3A_68 = vector.extract_strided_slice %add3A_26 {offsets = [0, 0], sizes = [400, 256], strides = [1, 1]} : vector<400x384xf32> to vector<400x256xf32>
    %slice3A_69 = vector.extract_strided_slice %add3A_26 {offsets = [0, 256], sizes = [400, 128], strides = [1, 1]} : vector<400x384xf32> to vector<400x128xf32>
    %mul3A_70 = arith.mulf %slice3A_69, %div3A_65 : vector<400x128xf32>
    %concatenate3A = tpu.concatenate %slice3A_68, %mul3A_70 in 1 : vector<400x256xf32>, vector<400x128xf32> -> vector<400x384xf32>
    %swap3A_71 = arith.constant 0 : index
    %swap3A_72 = arith.constant 0 : index
    %swap3A_73 = vector.load %arg11[%swap3A_71, %swap3A_72] : memref<400x384xf32, #tpu.memory_space<vmem>>, vector<400x384xf32>
    tpu.vector_store %arg11[%swap3A_71, %swap3A_72], %concatenate3A {strides = array<i32>} : memref<400x384xf32, #tpu.memory_space<vmem>>, vector<400x384xf32>,
    %reduce_sum3A_74 = arith.constant dense<0.000000e+00> : vector<400x3xf32>
    %reduce_sum3A_75 = vector.multi_reduction <add>, %get3A_30, %reduce_sum3A_74 [2] : vector<400x3x128xf32> to vector<400x3xf32>
    %swap3A_76 = arith.constant 0 : index
    %swap3A_77 = arith.constant 0 : index
    %swap3A_78 = vector.load %arg13[%swap3A_76, %swap3A_77] : memref<400x3xf32, #tpu.memory_space<vmem>>, vector<400x3xf32>
    tpu.vector_store %arg13[%swap3A_76, %swap3A_77], %reduce_sum3A_75 {strides = array<i32>} : memref<400x3xf32, #tpu.memory_space<vmem>>, vector<400x3xf32>,
    return
  }
  func.func @transform_0(%arg0: i32) -> (i32, i32, i32) {
    %c0_i32 = arith.constant 0 : i32
    %c0_i32_0 = arith.constant 0 : i32
    %c0_i32_1 = arith.constant 0 : i32
    return %arg0, %c0_i32, %c0_i32_0 : i32, i32, i32
  }
  func.func @transform_1(%arg0: i32) -> (i32, i32, i32) {
    %c0_i32 = arith.constant 0 : i32
    %c0_i32_0 = arith.constant 0 : i32
    %c0_i32_1 = arith.constant 0 : i32
    return %arg0, %c0_i32, %c0_i32_0 : i32, i32, i32
  }
  func.func @transform_2(%arg0: i32) -> (i32, i32) {
    %c0_i32 = arith.constant 0 : i32
    %c0_i32_0 = arith.constant 0 : i32
    %c0_i32_1 = arith.constant 0 : i32
    return %c0_i32, %c0_i32_0 : i32, i32
  }
  func.func @transform_3(%arg0: i32) -> (i32, i32) {
    %c0_i32 = arith.constant 0 : i32
    %c0_i32_0 = arith.constant 0 : i32
    %c0_i32_1 = arith.constant 0 : i32
    return %c0_i32, %c0_i32_0 : i32, i32
  }
  func.func @transform_4(%arg0: i32) -> (i32, i32) {
    %c0_i32 = arith.constant 0 : i32
    %c0_i32_0 = arith.constant 0 : i32
    %c0_i32_1 = arith.constant 0 : i32
    return %c0_i32, %c0_i32_0 : i32, i32
  }
  func.func @transform_5(%arg0: i32) -> (i32, i32) {
    %c0_i32 = arith.constant 0 : i32
    %c0_i32_0 = arith.constant 0 : i32
    %c0_i32_1 = arith.constant 0 : i32
    return %c0_i32, %c0_i32_0 : i32, i32
  }
  func.func @transform_6(%arg0: i32) -> (i32, i32) {
    %c0_i32 = arith.constant 0 : i32
    %c0_i32_0 = arith.constant 0 : i32
    %c0_i32_1 = arith.constant 0 : i32
    return %c0_i32, %c0_i32_0 : i32, i32
  }
  func.func @transform_7(%arg0: i32) -> (i32, i32) {
    %c0_i32 = arith.constant 0 : i32
    %c0_i32_0 = arith.constant 0 : i32
    %c0_i32_1 = arith.constant 0 : i32
    return %c0_i32, %c0_i32_0 : i32, i32
  }
  func.func @transform_8(%arg0: i32) -> (i32, i32) {
    %c0_i32 = arith.constant 0 : i32
    %c0_i32_0 = arith.constant 0 : i32
    %c0_i32_1 = arith.constant 0 : i32
    return %c0_i32, %c0_i32_0 : i32, i32
  }
  func.func @transform_9(%arg0: i32) -> (i32, i32) {
    %c0_i32 = arith.constant 0 : i32
    %c0_i32_0 = arith.constant 0 : i32
    %c0_i32_1 = arith.constant 0 : i32
    return %c0_i32, %c0_i32_0 : i32, i32
  }
  func.func @transform_10(%arg0: i32) -> (i32, i32) {
    %c0_i32 = arith.constant 0 : i32
    %c0_i32_0 = arith.constant 0 : i32
    return %arg0, %c0_i32 : i32, i32
  }
  func.func @transform_11(%arg0: i32) -> (i32, i32) {
    %c0_i32 = arith.constant 0 : i32
    %c0_i32_0 = arith.constant 0 : i32
    return %arg0, %c0_i32 : i32, i32
  }
  func.func @transform_12(%arg0: i32) -> (i32, i32) {
    %c0_i32 = arith.constant 0 : i32
    %c0_i32_0 = arith.constant 0 : i32
    return %arg0, %c0_i32 : i32, i32
  }
}

module attributes {stable_mosaic.version = 14 : i64} {
  func.func @_stage3_body(%arg0: i32, %arg1: memref<8x1x128xf32, #tpu.memory_space<vmem>>, %arg2: memref<8x128xf32, #tpu.memory_space<vmem>>, %arg3: memref<8x3x128xf32, #tpu.memory_space<vmem>>, %arg4: memref<8x128xf32, #tpu.memory_space<vmem>>, %arg5: memref<8x3xf32, #tpu.memory_space<vmem>>, %arg6: memref<128x32xf32, #tpu.memory_space<vmem>>, %arg7: memref<1x32xf32, #tpu.memory_space<vmem>>, %arg8: memref<32x16384xf32, #tpu.memory_space<vmem>>, %arg9: memref<1x16384xf32, #tpu.memory_space<vmem>>, %arg10: memref<8x1x128xf32, #tpu.memory_space<vmem>>, %arg11: memref<8x3x128xf32, #tpu.memory_space<vmem>>, %arg12: memref<8x9x128xf32, #tpu.memory_space<vmem>>) attributes {dimension_semantics = [#tpu.dimension_semantics<arbitrary>], iteration_bounds = array<i64: 1250>, scalar_prefetch = 0 : i64, scratch_operands = 0 : i64, tpu.core_type = #tpu.core_type<tc>, window_params = [{transform_indices = @transform_0, window_bounds = array<i64: 8, 1, 128>}, {transform_indices = @transform_1, window_bounds = array<i64: 8, 128>}, {transform_indices = @transform_2, window_bounds = array<i64: 8, 3, 128>}, {transform_indices = @transform_3, window_bounds = array<i64: 8, 128>}, {transform_indices = @transform_4, window_bounds = array<i64: 8, 3>}, {pipeline_mode = #tpu.pipeline_mode<synchronous>, transform_indices = @transform_5, window_bounds = array<i64: 128, 32>}, {pipeline_mode = #tpu.pipeline_mode<synchronous>, transform_indices = @transform_6, window_bounds = array<i64: 1, 32>}, {pipeline_mode = #tpu.pipeline_mode<synchronous>, transform_indices = @transform_7, window_bounds = array<i64: 32, 16384>}, {pipeline_mode = #tpu.pipeline_mode<synchronous>, transform_indices = @transform_8, window_bounds = array<i64: 1, 16384>}, {transform_indices = @transform_9, window_bounds = array<i64: 8, 1, 128>}, {transform_indices = @transform_10, window_bounds = array<i64: 8, 3, 128>}, {transform_indices = @transform_11, window_bounds = array<i64: 8, 9, 128>}]} {
    %get3A = arith.constant 0 : index
    %get3A_0 = arith.constant 0 : index
    %get3A_1 = vector.load %arg4[%get3A, %get3A_0] : memref<8x128xf32, #tpu.memory_space<vmem>>, vector<8x128xf32>
    %get3A_2 = arith.constant 0 : index
    %get3A_3 = arith.constant 0 : index
    %get3A_4 = vector.load %arg5[%get3A_2, %get3A_3] : memref<8x3xf32, #tpu.memory_space<vmem>>, vector<8x3xf32>
    %get3A_5 = arith.constant 0 : index
    %get3A_6 = arith.constant 0 : index
    %get3A_7 = arith.constant 0 : index
    %get3A_8 = vector.load %arg3[%get3A_5, %get3A_6, %get3A_7] : memref<8x3x128xf32, #tpu.memory_space<vmem>>, vector<8x3x128xf32>
    %broadcast_in_dim3A = vector.shape_cast %get3A_1 : vector<8x128xf32> to vector<8x1x128xf32>
    %broadcast_in_dim3A_9 = vector.shape_cast %get3A_4 : vector<8x3xf32> to vector<8x3x1xf32>
    %mul3A = vector.broadcast %broadcast_in_dim3A : vector<8x1x128xf32> to vector<8x3x128xf32>
    %mul3A_10 = vector.broadcast %broadcast_in_dim3A_9 : vector<8x3x1xf32> to vector<8x3x128xf32>
    %mul3A_11 = arith.mulf %mul3A, %mul3A_10 : vector<8x3x128xf32>
    %add3A = arith.addf %get3A_8, %mul3A_11 : vector<8x3x128xf32>
    %swap3A = arith.constant 0 : index
    %swap3A_12 = arith.constant 0 : index
    %swap3A_13 = arith.constant 0 : index
    %swap3A_14 = vector.load %arg11[%swap3A, %swap3A_12, %swap3A_13] : memref<8x3x128xf32, #tpu.memory_space<vmem>>, vector<8x3x128xf32>
    tpu.vector_store %arg11[%swap3A, %swap3A_12, %swap3A_13], %add3A {strides = array<i32>} : memref<8x3x128xf32, #tpu.memory_space<vmem>>, vector<8x3x128xf32>,
    %get3A_15 = arith.constant 0 : index
    %get3A_16 = arith.constant 0 : index
    %get3A_17 = arith.constant 0 : index
    %get3A_18 = vector.load %arg1[%get3A_15, %get3A_16, %get3A_17] : memref<8x1x128xf32, #tpu.memory_space<vmem>>, vector<8x1x128xf32>
    %get3A_19 = arith.constant 0 : index
    %get3A_20 = arith.constant 0 : index
    %get3A_21 = vector.load %arg2[%get3A_19, %get3A_20] : memref<8x128xf32, #tpu.memory_space<vmem>>, vector<8x128xf32>
    %broadcast_in_dim3A_22 = vector.shape_cast %get3A_21 : vector<8x128xf32> to vector<8x1x128xf32>
    %add3A_23 = arith.addf %get3A_18, %broadcast_in_dim3A_22 : vector<8x1x128xf32>
    %swap3A_24 = arith.constant 0 : index
    %swap3A_25 = arith.constant 0 : index
    %swap3A_26 = arith.constant 0 : index
    %swap3A_27 = vector.load %arg10[%swap3A_24, %swap3A_25, %swap3A_26] : memref<8x1x128xf32, #tpu.memory_space<vmem>>, vector<8x1x128xf32>
    tpu.vector_store %arg10[%swap3A_24, %swap3A_25, %swap3A_26], %add3A_23 {strides = array<i32>} : memref<8x1x128xf32, #tpu.memory_space<vmem>>, vector<8x1x128xf32>,
    %slice3A = vector.extract_strided_slice %add3A {offsets = [0, 0, 0], sizes = [8, 1, 128], strides = [1, 1, 1]} : vector<8x3x128xf32> to vector<8x1x128xf32>
    %squeeze3A = vector.shape_cast %slice3A : vector<8x1x128xf32> to vector<8x128xf32>
    %integer_pow3A = arith.mulf %squeeze3A, %squeeze3A : vector<8x128xf32>
    %slice3A_28 = vector.extract_strided_slice %add3A {offsets = [0, 1, 0], sizes = [8, 1, 128], strides = [1, 1, 1]} : vector<8x3x128xf32> to vector<8x1x128xf32>
    %squeeze3A_29 = vector.shape_cast %slice3A_28 : vector<8x1x128xf32> to vector<8x128xf32>
    %integer_pow3A_30 = arith.mulf %squeeze3A_29, %squeeze3A_29 : vector<8x128xf32>
    %add3A_31 = arith.addf %integer_pow3A, %integer_pow3A_30 : vector<8x128xf32>
    %slice3A_32 = vector.extract_strided_slice %add3A {offsets = [0, 2, 0], sizes = [8, 1, 128], strides = [1, 1, 1]} : vector<8x3x128xf32> to vector<8x1x128xf32>
    %squeeze3A_33 = vector.shape_cast %slice3A_32 : vector<8x1x128xf32> to vector<8x128xf32>
    %integer_pow3A_34 = arith.mulf %squeeze3A_33, %squeeze3A_33 : vector<8x128xf32>
    %add3A_35 = arith.addf %add3A_31, %integer_pow3A_34 : vector<8x128xf32>
    %sqrt3A = math.sqrt %add3A_35 : vector<8x128xf32>
    %get3A_36 = arith.constant 0 : index
    %get3A_37 = arith.constant 0 : index
    %get3A_38 = vector.load %arg6[%get3A_36, %get3A_37] : memref<128x32xf32, #tpu.memory_space<vmem>>, vector<128x32xf32>
    %dot_general3A = arith.constant dense<0.000000e+00> : vector<8x32xf32>
    %dot_general3A_39 = tpu.matmul %sqrt3A, %get3A_38, %dot_general3A {dimension_numbers = #tpu.dot_dimension_numbers<[1], [0], [0], [1], [0, 0, 1, 1], [], []>, transpose_lhs_hint = false} : vector<8x128xf32>, vector<128x32xf32>, vector<8x32xf32> -> vector<8x32xf32>
    %get3A_40 = arith.constant 0 : index
    %get3A_41 = arith.constant 0 : index
    %get3A_42 = vector.load %arg7[%get3A_40, %get3A_41] : memref<1x32xf32, #tpu.memory_space<vmem>>, vector<1x32xf32>
    %add3A_43 = vector.broadcast %get3A_42 : vector<1x32xf32> to vector<8x32xf32>
    %add3A_44 = arith.addf %dot_general3A_39, %add3A_43 : vector<8x32xf32>
    %max3A = arith.constant 0.000000e+00 : f32
    %max3A_45 = vector.broadcast %max3A : f32 to vector<8x32xf32>
    %max3A_46 = arith.maximumf %add3A_44, %max3A_45 : vector<8x32xf32>
    %get3A_47 = arith.constant 0 : index
    %get3A_48 = arith.constant 0 : index
    %get3A_49 = vector.load %arg8[%get3A_47, %get3A_48] : memref<32x16384xf32, #tpu.memory_space<vmem>>, vector<32x16384xf32>
    %dot_general3A_50 = arith.constant dense<0.000000e+00> : vector<8x16384xf32>
    %dot_general3A_51 = tpu.matmul %max3A_46, %get3A_49, %dot_general3A_50 {dimension_numbers = #tpu.dot_dimension_numbers<[1], [0], [0], [1], [0, 0, 1, 1], [], []>, transpose_lhs_hint = false} : vector<8x32xf32>, vector<32x16384xf32>, vector<8x16384xf32> -> vector<8x16384xf32>
    %get3A_52 = arith.constant 0 : index
    %get3A_53 = arith.constant 0 : index
    %get3A_54 = vector.load %arg9[%get3A_52, %get3A_53] : memref<1x16384xf32, #tpu.memory_space<vmem>>, vector<1x16384xf32>
    %add3A_55 = vector.broadcast %get3A_54 : vector<1x16384xf32> to vector<8x16384xf32>
    %add3A_56 = arith.addf %dot_general3A_51, %add3A_55 : vector<8x16384xf32>
    %broadcast_in_dim3A_57 = arith.constant 0.000000e+00 : f32
    %broadcast_in_dim3A_58 = vector.broadcast %broadcast_in_dim3A_57 : f32 to vector<7x128xf32>
    %slice3A_59 = vector.extract_strided_slice %add3A {offsets = [0, 0, 0], sizes = [1, 1, 128], strides = [1, 1, 1]} : vector<8x3x128xf32> to vector<1x1x128xf32>
    %squeeze3A_60 = vector.shape_cast %slice3A_59 : vector<1x1x128xf32> to vector<1x128xf32>
    %slice3A_61 = vector.extract_strided_slice %add3A {offsets = [0, 1, 0], sizes = [1, 1, 128], strides = [1, 1, 1]} : vector<8x3x128xf32> to vector<1x1x128xf32>
    %squeeze3A_62 = vector.shape_cast %slice3A_61 : vector<1x1x128xf32> to vector<1x128xf32>
    %slice3A_63 = vector.extract_strided_slice %add3A {offsets = [0, 2, 0], sizes = [1, 1, 128], strides = [1, 1, 1]} : vector<8x3x128xf32> to vector<1x1x128xf32>
    %squeeze3A_64 = vector.shape_cast %slice3A_63 : vector<1x1x128xf32> to vector<1x128xf32>
    %mul3A_65 = arith.mulf %squeeze3A_60, %squeeze3A_60 : vector<1x128xf32>
    %mul3A_66 = arith.mulf %squeeze3A_60, %squeeze3A_62 : vector<1x128xf32>
    %mul3A_67 = arith.mulf %squeeze3A_60, %squeeze3A_64 : vector<1x128xf32>
    %mul3A_68 = arith.mulf %squeeze3A_62, %squeeze3A_60 : vector<1x128xf32>
    %mul3A_69 = arith.mulf %squeeze3A_62, %squeeze3A_62 : vector<1x128xf32>
    %mul3A_70 = arith.mulf %squeeze3A_62, %squeeze3A_64 : vector<1x128xf32>
    %mul3A_71 = arith.mulf %squeeze3A_64, %squeeze3A_60 : vector<1x128xf32>
    %mul3A_72 = arith.mulf %squeeze3A_64, %squeeze3A_62 : vector<1x128xf32>
    %mul3A_73 = arith.mulf %squeeze3A_64, %squeeze3A_64 : vector<1x128xf32>
    %concatenate3A = tpu.concatenate %mul3A_65, %mul3A_66, %mul3A_67, %mul3A_68, %mul3A_69, %mul3A_70, %mul3A_71, %mul3A_72, %mul3A_73, %broadcast_in_dim3A_58 in 0 : vector<1x128xf32>, vector<1x128xf32>, vector<1x128xf32>, vector<1x128xf32>, vector<1x128xf32>, vector<1x128xf32>, vector<1x128xf32>, vector<1x128xf32>, vector<1x128xf32>, vector<7x128xf32> -> vector<16x128xf32>
    %slice3A_74 = vector.extract_strided_slice %add3A_56 {offsets = [0, 0], sizes = [1, 16384], strides = [1, 1]} : vector<8x16384xf32> to vector<1x16384xf32>
    %reshape3A = vector.shape_cast %slice3A_74 : vector<1x16384xf32> to vector<128x128xf32>
    %dot_general3A_75 = arith.constant dense<0.000000e+00> : vector<16x128xf32>
    %dot_general3A_76 = tpu.matmul %concatenate3A, %reshape3A, %dot_general3A_75 {dimension_numbers = #tpu.dot_dimension_numbers<[1], [0], [0], [1], [0, 0, 1, 1], [], []>, transpose_lhs_hint = false} : vector<16x128xf32>, vector<128x128xf32>, vector<16x128xf32> -> vector<16x128xf32>
    %slice3A_77 = vector.extract_strided_slice %dot_general3A_76 {offsets = [0, 0], sizes = [9, 128], strides = [1, 1]} : vector<16x128xf32> to vector<9x128xf32>
    %swap3A_78 = arith.constant 0 : index
    %swap3A_79 = arith.constant 0 : index
    %swap3A_80 = arith.constant 0 : index
    %swap3A_81 = vector.load %arg12[%swap3A_78, %swap3A_79, %swap3A_80] : memref<8x9x128xf32, #tpu.memory_space<vmem>>, vector<1x9x128xf32>
    %swap3A_82 = vector.shape_cast %swap3A_81 : vector<1x9x128xf32> to vector<9x128xf32>
    %swap3A_83 = vector.shape_cast %slice3A_77 : vector<9x128xf32> to vector<1x9x128xf32>
    tpu.vector_store %arg12[%swap3A_78, %swap3A_79, %swap3A_80], %swap3A_83 {strides = array<i32>} : memref<8x9x128xf32, #tpu.memory_space<vmem>>, vector<1x9x128xf32>,
    %slice3A_84 = vector.extract_strided_slice %add3A {offsets = [1, 0, 0], sizes = [1, 1, 128], strides = [1, 1, 1]} : vector<8x3x128xf32> to vector<1x1x128xf32>
    %squeeze3A_85 = vector.shape_cast %slice3A_84 : vector<1x1x128xf32> to vector<1x128xf32>
    %slice3A_86 = vector.extract_strided_slice %add3A {offsets = [1, 1, 0], sizes = [1, 1, 128], strides = [1, 1, 1]} : vector<8x3x128xf32> to vector<1x1x128xf32>
    %squeeze3A_87 = vector.shape_cast %slice3A_86 : vector<1x1x128xf32> to vector<1x128xf32>
    %slice3A_88 = vector.extract_strided_slice %add3A {offsets = [1, 2, 0], sizes = [1, 1, 128], strides = [1, 1, 1]} : vector<8x3x128xf32> to vector<1x1x128xf32>
    %squeeze3A_89 = vector.shape_cast %slice3A_88 : vector<1x1x128xf32> to vector<1x128xf32>
    %mul3A_90 = arith.mulf %squeeze3A_85, %squeeze3A_85 : vector<1x128xf32>
    %mul3A_91 = arith.mulf %squeeze3A_85, %squeeze3A_87 : vector<1x128xf32>
    %mul3A_92 = arith.mulf %squeeze3A_85, %squeeze3A_89 : vector<1x128xf32>
    %mul3A_93 = arith.mulf %squeeze3A_87, %squeeze3A_85 : vector<1x128xf32>
    %mul3A_94 = arith.mulf %squeeze3A_87, %squeeze3A_87 : vector<1x128xf32>
    %mul3A_95 = arith.mulf %squeeze3A_87, %squeeze3A_89 : vector<1x128xf32>
    %mul3A_96 = arith.mulf %squeeze3A_89, %squeeze3A_85 : vector<1x128xf32>
    %mul3A_97 = arith.mulf %squeeze3A_89, %squeeze3A_87 : vector<1x128xf32>
    %mul3A_98 = arith.mulf %squeeze3A_89, %squeeze3A_89 : vector<1x128xf32>
    %concatenate3A_99 = tpu.concatenate %mul3A_90, %mul3A_91, %mul3A_92, %mul3A_93, %mul3A_94, %mul3A_95, %mul3A_96, %mul3A_97, %mul3A_98, %broadcast_in_dim3A_58 in 0 : vector<1x128xf32>, vector<1x128xf32>, vector<1x128xf32>, vector<1x128xf32>, vector<1x128xf32>, vector<1x128xf32>, vector<1x128xf32>, vector<1x128xf32>, vector<1x128xf32>, vector<7x128xf32> -> vector<16x128xf32>
    %slice3A_100 = vector.extract_strided_slice %add3A_56 {offsets = [1, 0], sizes = [1, 16384], strides = [1, 1]} : vector<8x16384xf32> to vector<1x16384xf32>
    %reshape3A_101 = vector.shape_cast %slice3A_100 : vector<1x16384xf32> to vector<128x128xf32>
    %dot_general3A_102 = arith.constant dense<0.000000e+00> : vector<16x128xf32>
    %dot_general3A_103 = tpu.matmul %concatenate3A_99, %reshape3A_101, %dot_general3A_102 {dimension_numbers = #tpu.dot_dimension_numbers<[1], [0], [0], [1], [0, 0, 1, 1], [], []>, transpose_lhs_hint = false} : vector<16x128xf32>, vector<128x128xf32>, vector<16x128xf32> -> vector<16x128xf32>
    %slice3A_104 = vector.extract_strided_slice %dot_general3A_103 {offsets = [0, 0], sizes = [9, 128], strides = [1, 1]} : vector<16x128xf32> to vector<9x128xf32>
    %swap3A_105 = arith.constant 1 : index
    %swap3A_106 = arith.constant 0 : index
    %swap3A_107 = arith.constant 0 : index
    %swap3A_108 = vector.load %arg12[%swap3A_105, %swap3A_106, %swap3A_107] : memref<8x9x128xf32, #tpu.memory_space<vmem>>, vector<1x9x128xf32>
    %swap3A_109 = vector.shape_cast %swap3A_108 : vector<1x9x128xf32> to vector<9x128xf32>
    %swap3A_110 = vector.shape_cast %slice3A_104 : vector<9x128xf32> to vector<1x9x128xf32>
    tpu.vector_store %arg12[%swap3A_105, %swap3A_106, %swap3A_107], %swap3A_110 {strides = array<i32>} : memref<8x9x128xf32, #tpu.memory_space<vmem>>, vector<1x9x128xf32>,
    %slice3A_111 = vector.extract_strided_slice %add3A {offsets = [2, 0, 0], sizes = [1, 1, 128], strides = [1, 1, 1]} : vector<8x3x128xf32> to vector<1x1x128xf32>
    %squeeze3A_112 = vector.shape_cast %slice3A_111 : vector<1x1x128xf32> to vector<1x128xf32>
    %slice3A_113 = vector.extract_strided_slice %add3A {offsets = [2, 1, 0], sizes = [1, 1, 128], strides = [1, 1, 1]} : vector<8x3x128xf32> to vector<1x1x128xf32>
    %squeeze3A_114 = vector.shape_cast %slice3A_113 : vector<1x1x128xf32> to vector<1x128xf32>
    %slice3A_115 = vector.extract_strided_slice %add3A {offsets = [2, 2, 0], sizes = [1, 1, 128], strides = [1, 1, 1]} : vector<8x3x128xf32> to vector<1x1x128xf32>
    %squeeze3A_116 = vector.shape_cast %slice3A_115 : vector<1x1x128xf32> to vector<1x128xf32>
    %mul3A_117 = arith.mulf %squeeze3A_112, %squeeze3A_112 : vector<1x128xf32>
    %mul3A_118 = arith.mulf %squeeze3A_112, %squeeze3A_114 : vector<1x128xf32>
    %mul3A_119 = arith.mulf %squeeze3A_112, %squeeze3A_116 : vector<1x128xf32>
    %mul3A_120 = arith.mulf %squeeze3A_114, %squeeze3A_112 : vector<1x128xf32>
    %mul3A_121 = arith.mulf %squeeze3A_114, %squeeze3A_114 : vector<1x128xf32>
    %mul3A_122 = arith.mulf %squeeze3A_114, %squeeze3A_116 : vector<1x128xf32>
    %mul3A_123 = arith.mulf %squeeze3A_116, %squeeze3A_112 : vector<1x128xf32>
    %mul3A_124 = arith.mulf %squeeze3A_116, %squeeze3A_114 : vector<1x128xf32>
    %mul3A_125 = arith.mulf %squeeze3A_116, %squeeze3A_116 : vector<1x128xf32>
    %concatenate3A_126 = tpu.concatenate %mul3A_117, %mul3A_118, %mul3A_119, %mul3A_120, %mul3A_121, %mul3A_122, %mul3A_123, %mul3A_124, %mul3A_125, %broadcast_in_dim3A_58 in 0 : vector<1x128xf32>, vector<1x128xf32>, vector<1x128xf32>, vector<1x128xf32>, vector<1x128xf32>, vector<1x128xf32>, vector<1x128xf32>, vector<1x128xf32>, vector<1x128xf32>, vector<7x128xf32> -> vector<16x128xf32>
    %slice3A_127 = vector.extract_strided_slice %add3A_56 {offsets = [2, 0], sizes = [1, 16384], strides = [1, 1]} : vector<8x16384xf32> to vector<1x16384xf32>
    %reshape3A_128 = vector.shape_cast %slice3A_127 : vector<1x16384xf32> to vector<128x128xf32>
    %dot_general3A_129 = arith.constant dense<0.000000e+00> : vector<16x128xf32>
    %dot_general3A_130 = tpu.matmul %concatenate3A_126, %reshape3A_128, %dot_general3A_129 {dimension_numbers = #tpu.dot_dimension_numbers<[1], [0], [0], [1], [0, 0, 1, 1], [], []>, transpose_lhs_hint = false} : vector<16x128xf32>, vector<128x128xf32>, vector<16x128xf32> -> vector<16x128xf32>
    %slice3A_131 = vector.extract_strided_slice %dot_general3A_130 {offsets = [0, 0], sizes = [9, 128], strides = [1, 1]} : vector<16x128xf32> to vector<9x128xf32>
    %swap3A_132 = arith.constant 2 : index
    %swap3A_133 = arith.constant 0 : index
    %swap3A_134 = arith.constant 0 : index
    %swap3A_135 = vector.load %arg12[%swap3A_132, %swap3A_133, %swap3A_134] : memref<8x9x128xf32, #tpu.memory_space<vmem>>, vector<1x9x128xf32>
    %swap3A_136 = vector.shape_cast %swap3A_135 : vector<1x9x128xf32> to vector<9x128xf32>
    %swap3A_137 = vector.shape_cast %slice3A_131 : vector<9x128xf32> to vector<1x9x128xf32>
    tpu.vector_store %arg12[%swap3A_132, %swap3A_133, %swap3A_134], %swap3A_137 {strides = array<i32>} : memref<8x9x128xf32, #tpu.memory_space<vmem>>, vector<1x9x128xf32>,
    %slice3A_138 = vector.extract_strided_slice %add3A {offsets = [3, 0, 0], sizes = [1, 1, 128], strides = [1, 1, 1]} : vector<8x3x128xf32> to vector<1x1x128xf32>
    %squeeze3A_139 = vector.shape_cast %slice3A_138 : vector<1x1x128xf32> to vector<1x128xf32>
    %slice3A_140 = vector.extract_strided_slice %add3A {offsets = [3, 1, 0], sizes = [1, 1, 128], strides = [1, 1, 1]} : vector<8x3x128xf32> to vector<1x1x128xf32>
    %squeeze3A_141 = vector.shape_cast %slice3A_140 : vector<1x1x128xf32> to vector<1x128xf32>
    %slice3A_142 = vector.extract_strided_slice %add3A {offsets = [3, 2, 0], sizes = [1, 1, 128], strides = [1, 1, 1]} : vector<8x3x128xf32> to vector<1x1x128xf32>
    %squeeze3A_143 = vector.shape_cast %slice3A_142 : vector<1x1x128xf32> to vector<1x128xf32>
    %mul3A_144 = arith.mulf %squeeze3A_139, %squeeze3A_139 : vector<1x128xf32>
    %mul3A_145 = arith.mulf %squeeze3A_139, %squeeze3A_141 : vector<1x128xf32>
    %mul3A_146 = arith.mulf %squeeze3A_139, %squeeze3A_143 : vector<1x128xf32>
    %mul3A_147 = arith.mulf %squeeze3A_141, %squeeze3A_139 : vector<1x128xf32>
    %mul3A_148 = arith.mulf %squeeze3A_141, %squeeze3A_141 : vector<1x128xf32>
    %mul3A_149 = arith.mulf %squeeze3A_141, %squeeze3A_143 : vector<1x128xf32>
    %mul3A_150 = arith.mulf %squeeze3A_143, %squeeze3A_139 : vector<1x128xf32>
    %mul3A_151 = arith.mulf %squeeze3A_143, %squeeze3A_141 : vector<1x128xf32>
    %mul3A_152 = arith.mulf %squeeze3A_143, %squeeze3A_143 : vector<1x128xf32>
    %concatenate3A_153 = tpu.concatenate %mul3A_144, %mul3A_145, %mul3A_146, %mul3A_147, %mul3A_148, %mul3A_149, %mul3A_150, %mul3A_151, %mul3A_152, %broadcast_in_dim3A_58 in 0 : vector<1x128xf32>, vector<1x128xf32>, vector<1x128xf32>, vector<1x128xf32>, vector<1x128xf32>, vector<1x128xf32>, vector<1x128xf32>, vector<1x128xf32>, vector<1x128xf32>, vector<7x128xf32> -> vector<16x128xf32>
    %slice3A_154 = vector.extract_strided_slice %add3A_56 {offsets = [3, 0], sizes = [1, 16384], strides = [1, 1]} : vector<8x16384xf32> to vector<1x16384xf32>
    %reshape3A_155 = vector.shape_cast %slice3A_154 : vector<1x16384xf32> to vector<128x128xf32>
    %dot_general3A_156 = arith.constant dense<0.000000e+00> : vector<16x128xf32>
    %dot_general3A_157 = tpu.matmul %concatenate3A_153, %reshape3A_155, %dot_general3A_156 {dimension_numbers = #tpu.dot_dimension_numbers<[1], [0], [0], [1], [0, 0, 1, 1], [], []>, transpose_lhs_hint = false} : vector<16x128xf32>, vector<128x128xf32>, vector<16x128xf32> -> vector<16x128xf32>
    %slice3A_158 = vector.extract_strided_slice %dot_general3A_157 {offsets = [0, 0], sizes = [9, 128], strides = [1, 1]} : vector<16x128xf32> to vector<9x128xf32>
    %swap3A_159 = arith.constant 3 : index
    %swap3A_160 = arith.constant 0 : index
    %swap3A_161 = arith.constant 0 : index
    %swap3A_162 = vector.load %arg12[%swap3A_159, %swap3A_160, %swap3A_161] : memref<8x9x128xf32, #tpu.memory_space<vmem>>, vector<1x9x128xf32>
    %swap3A_163 = vector.shape_cast %swap3A_162 : vector<1x9x128xf32> to vector<9x128xf32>
    %swap3A_164 = vector.shape_cast %slice3A_158 : vector<9x128xf32> to vector<1x9x128xf32>
    tpu.vector_store %arg12[%swap3A_159, %swap3A_160, %swap3A_161], %swap3A_164 {strides = array<i32>} : memref<8x9x128xf32, #tpu.memory_space<vmem>>, vector<1x9x128xf32>,
    %slice3A_165 = vector.extract_strided_slice %add3A {offsets = [4, 0, 0], sizes = [1, 1, 128], strides = [1, 1, 1]} : vector<8x3x128xf32> to vector<1x1x128xf32>
    %squeeze3A_166 = vector.shape_cast %slice3A_165 : vector<1x1x128xf32> to vector<1x128xf32>
    %slice3A_167 = vector.extract_strided_slice %add3A {offsets = [4, 1, 0], sizes = [1, 1, 128], strides = [1, 1, 1]} : vector<8x3x128xf32> to vector<1x1x128xf32>
    %squeeze3A_168 = vector.shape_cast %slice3A_167 : vector<1x1x128xf32> to vector<1x128xf32>
    %slice3A_169 = vector.extract_strided_slice %add3A {offsets = [4, 2, 0], sizes = [1, 1, 128], strides = [1, 1, 1]} : vector<8x3x128xf32> to vector<1x1x128xf32>
    %squeeze3A_170 = vector.shape_cast %slice3A_169 : vector<1x1x128xf32> to vector<1x128xf32>
    %mul3A_171 = arith.mulf %squeeze3A_166, %squeeze3A_166 : vector<1x128xf32>
    %mul3A_172 = arith.mulf %squeeze3A_166, %squeeze3A_168 : vector<1x128xf32>
    %mul3A_173 = arith.mulf %squeeze3A_166, %squeeze3A_170 : vector<1x128xf32>
    %mul3A_174 = arith.mulf %squeeze3A_168, %squeeze3A_166 : vector<1x128xf32>
    %mul3A_175 = arith.mulf %squeeze3A_168, %squeeze3A_168 : vector<1x128xf32>
    %mul3A_176 = arith.mulf %squeeze3A_168, %squeeze3A_170 : vector<1x128xf32>
    %mul3A_177 = arith.mulf %squeeze3A_170, %squeeze3A_166 : vector<1x128xf32>
    %mul3A_178 = arith.mulf %squeeze3A_170, %squeeze3A_168 : vector<1x128xf32>
    %mul3A_179 = arith.mulf %squeeze3A_170, %squeeze3A_170 : vector<1x128xf32>
    %concatenate3A_180 = tpu.concatenate %mul3A_171, %mul3A_172, %mul3A_173, %mul3A_174, %mul3A_175, %mul3A_176, %mul3A_177, %mul3A_178, %mul3A_179, %broadcast_in_dim3A_58 in 0 : vector<1x128xf32>, vector<1x128xf32>, vector<1x128xf32>, vector<1x128xf32>, vector<1x128xf32>, vector<1x128xf32>, vector<1x128xf32>, vector<1x128xf32>, vector<1x128xf32>, vector<7x128xf32> -> vector<16x128xf32>
    %slice3A_181 = vector.extract_strided_slice %add3A_56 {offsets = [4, 0], sizes = [1, 16384], strides = [1, 1]} : vector<8x16384xf32> to vector<1x16384xf32>
    %reshape3A_182 = vector.shape_cast %slice3A_181 : vector<1x16384xf32> to vector<128x128xf32>
    %dot_general3A_183 = arith.constant dense<0.000000e+00> : vector<16x128xf32>
    %dot_general3A_184 = tpu.matmul %concatenate3A_180, %reshape3A_182, %dot_general3A_183 {dimension_numbers = #tpu.dot_dimension_numbers<[1], [0], [0], [1], [0, 0, 1, 1], [], []>, transpose_lhs_hint = false} : vector<16x128xf32>, vector<128x128xf32>, vector<16x128xf32> -> vector<16x128xf32>
    %slice3A_185 = vector.extract_strided_slice %dot_general3A_184 {offsets = [0, 0], sizes = [9, 128], strides = [1, 1]} : vector<16x128xf32> to vector<9x128xf32>
    %swap3A_186 = arith.constant 4 : index
    %swap3A_187 = arith.constant 0 : index
    %swap3A_188 = arith.constant 0 : index
    %swap3A_189 = vector.load %arg12[%swap3A_186, %swap3A_187, %swap3A_188] : memref<8x9x128xf32, #tpu.memory_space<vmem>>, vector<1x9x128xf32>
    %swap3A_190 = vector.shape_cast %swap3A_189 : vector<1x9x128xf32> to vector<9x128xf32>
    %swap3A_191 = vector.shape_cast %slice3A_185 : vector<9x128xf32> to vector<1x9x128xf32>
    tpu.vector_store %arg12[%swap3A_186, %swap3A_187, %swap3A_188], %swap3A_191 {strides = array<i32>} : memref<8x9x128xf32, #tpu.memory_space<vmem>>, vector<1x9x128xf32>,
    %slice3A_192 = vector.extract_strided_slice %add3A {offsets = [5, 0, 0], sizes = [1, 1, 128], strides = [1, 1, 1]} : vector<8x3x128xf32> to vector<1x1x128xf32>
    %squeeze3A_193 = vector.shape_cast %slice3A_192 : vector<1x1x128xf32> to vector<1x128xf32>
    %slice3A_194 = vector.extract_strided_slice %add3A {offsets = [5, 1, 0], sizes = [1, 1, 128], strides = [1, 1, 1]} : vector<8x3x128xf32> to vector<1x1x128xf32>
    %squeeze3A_195 = vector.shape_cast %slice3A_194 : vector<1x1x128xf32> to vector<1x128xf32>
    %slice3A_196 = vector.extract_strided_slice %add3A {offsets = [5, 2, 0], sizes = [1, 1, 128], strides = [1, 1, 1]} : vector<8x3x128xf32> to vector<1x1x128xf32>
    %squeeze3A_197 = vector.shape_cast %slice3A_196 : vector<1x1x128xf32> to vector<1x128xf32>
    %mul3A_198 = arith.mulf %squeeze3A_193, %squeeze3A_193 : vector<1x128xf32>
    %mul3A_199 = arith.mulf %squeeze3A_193, %squeeze3A_195 : vector<1x128xf32>
    %mul3A_200 = arith.mulf %squeeze3A_193, %squeeze3A_197 : vector<1x128xf32>
    %mul3A_201 = arith.mulf %squeeze3A_195, %squeeze3A_193 : vector<1x128xf32>
    %mul3A_202 = arith.mulf %squeeze3A_195, %squeeze3A_195 : vector<1x128xf32>
    %mul3A_203 = arith.mulf %squeeze3A_195, %squeeze3A_197 : vector<1x128xf32>
    %mul3A_204 = arith.mulf %squeeze3A_197, %squeeze3A_193 : vector<1x128xf32>
    %mul3A_205 = arith.mulf %squeeze3A_197, %squeeze3A_195 : vector<1x128xf32>
    %mul3A_206 = arith.mulf %squeeze3A_197, %squeeze3A_197 : vector<1x128xf32>
    %concatenate3A_207 = tpu.concatenate %mul3A_198, %mul3A_199, %mul3A_200, %mul3A_201, %mul3A_202, %mul3A_203, %mul3A_204, %mul3A_205, %mul3A_206, %broadcast_in_dim3A_58 in 0 : vector<1x128xf32>, vector<1x128xf32>, vector<1x128xf32>, vector<1x128xf32>, vector<1x128xf32>, vector<1x128xf32>, vector<1x128xf32>, vector<1x128xf32>, vector<1x128xf32>, vector<7x128xf32> -> vector<16x128xf32>
    %slice3A_208 = vector.extract_strided_slice %add3A_56 {offsets = [5, 0], sizes = [1, 16384], strides = [1, 1]} : vector<8x16384xf32> to vector<1x16384xf32>
    %reshape3A_209 = vector.shape_cast %slice3A_208 : vector<1x16384xf32> to vector<128x128xf32>
    %dot_general3A_210 = arith.constant dense<0.000000e+00> : vector<16x128xf32>
    %dot_general3A_211 = tpu.matmul %concatenate3A_207, %reshape3A_209, %dot_general3A_210 {dimension_numbers = #tpu.dot_dimension_numbers<[1], [0], [0], [1], [0, 0, 1, 1], [], []>, transpose_lhs_hint = false} : vector<16x128xf32>, vector<128x128xf32>, vector<16x128xf32> -> vector<16x128xf32>
    %slice3A_212 = vector.extract_strided_slice %dot_general3A_211 {offsets = [0, 0], sizes = [9, 128], strides = [1, 1]} : vector<16x128xf32> to vector<9x128xf32>
    %swap3A_213 = arith.constant 5 : index
    %swap3A_214 = arith.constant 0 : index
    %swap3A_215 = arith.constant 0 : index
    %swap3A_216 = vector.load %arg12[%swap3A_213, %swap3A_214, %swap3A_215] : memref<8x9x128xf32, #tpu.memory_space<vmem>>, vector<1x9x128xf32>
    %swap3A_217 = vector.shape_cast %swap3A_216 : vector<1x9x128xf32> to vector<9x128xf32>
    %swap3A_218 = vector.shape_cast %slice3A_212 : vector<9x128xf32> to vector<1x9x128xf32>
    tpu.vector_store %arg12[%swap3A_213, %swap3A_214, %swap3A_215], %swap3A_218 {strides = array<i32>} : memref<8x9x128xf32, #tpu.memory_space<vmem>>, vector<1x9x128xf32>,
    %slice3A_219 = vector.extract_strided_slice %add3A {offsets = [6, 0, 0], sizes = [1, 1, 128], strides = [1, 1, 1]} : vector<8x3x128xf32> to vector<1x1x128xf32>
    %squeeze3A_220 = vector.shape_cast %slice3A_219 : vector<1x1x128xf32> to vector<1x128xf32>
    %slice3A_221 = vector.extract_strided_slice %add3A {offsets = [6, 1, 0], sizes = [1, 1, 128], strides = [1, 1, 1]} : vector<8x3x128xf32> to vector<1x1x128xf32>
    %squeeze3A_222 = vector.shape_cast %slice3A_221 : vector<1x1x128xf32> to vector<1x128xf32>
    %slice3A_223 = vector.extract_strided_slice %add3A {offsets = [6, 2, 0], sizes = [1, 1, 128], strides = [1, 1, 1]} : vector<8x3x128xf32> to vector<1x1x128xf32>
    %squeeze3A_224 = vector.shape_cast %slice3A_223 : vector<1x1x128xf32> to vector<1x128xf32>
    %mul3A_225 = arith.mulf %squeeze3A_220, %squeeze3A_220 : vector<1x128xf32>
    %mul3A_226 = arith.mulf %squeeze3A_220, %squeeze3A_222 : vector<1x128xf32>
    %mul3A_227 = arith.mulf %squeeze3A_220, %squeeze3A_224 : vector<1x128xf32>
    %mul3A_228 = arith.mulf %squeeze3A_222, %squeeze3A_220 : vector<1x128xf32>
    %mul3A_229 = arith.mulf %squeeze3A_222, %squeeze3A_222 : vector<1x128xf32>
    %mul3A_230 = arith.mulf %squeeze3A_222, %squeeze3A_224 : vector<1x128xf32>
    %mul3A_231 = arith.mulf %squeeze3A_224, %squeeze3A_220 : vector<1x128xf32>
    %mul3A_232 = arith.mulf %squeeze3A_224, %squeeze3A_222 : vector<1x128xf32>
    %mul3A_233 = arith.mulf %squeeze3A_224, %squeeze3A_224 : vector<1x128xf32>
    %concatenate3A_234 = tpu.concatenate %mul3A_225, %mul3A_226, %mul3A_227, %mul3A_228, %mul3A_229, %mul3A_230, %mul3A_231, %mul3A_232, %mul3A_233, %broadcast_in_dim3A_58 in 0 : vector<1x128xf32>, vector<1x128xf32>, vector<1x128xf32>, vector<1x128xf32>, vector<1x128xf32>, vector<1x128xf32>, vector<1x128xf32>, vector<1x128xf32>, vector<1x128xf32>, vector<7x128xf32> -> vector<16x128xf32>
    %slice3A_235 = vector.extract_strided_slice %add3A_56 {offsets = [6, 0], sizes = [1, 16384], strides = [1, 1]} : vector<8x16384xf32> to vector<1x16384xf32>
    %reshape3A_236 = vector.shape_cast %slice3A_235 : vector<1x16384xf32> to vector<128x128xf32>
    %dot_general3A_237 = arith.constant dense<0.000000e+00> : vector<16x128xf32>
    %dot_general3A_238 = tpu.matmul %concatenate3A_234, %reshape3A_236, %dot_general3A_237 {dimension_numbers = #tpu.dot_dimension_numbers<[1], [0], [0], [1], [0, 0, 1, 1], [], []>, transpose_lhs_hint = false} : vector<16x128xf32>, vector<128x128xf32>, vector<16x128xf32> -> vector<16x128xf32>
    %slice3A_239 = vector.extract_strided_slice %dot_general3A_238 {offsets = [0, 0], sizes = [9, 128], strides = [1, 1]} : vector<16x128xf32> to vector<9x128xf32>
    %swap3A_240 = arith.constant 6 : index
    %swap3A_241 = arith.constant 0 : index
    %swap3A_242 = arith.constant 0 : index
    %swap3A_243 = vector.load %arg12[%swap3A_240, %swap3A_241, %swap3A_242] : memref<8x9x128xf32, #tpu.memory_space<vmem>>, vector<1x9x128xf32>
    %swap3A_244 = vector.shape_cast %swap3A_243 : vector<1x9x128xf32> to vector<9x128xf32>
    %swap3A_245 = vector.shape_cast %slice3A_239 : vector<9x128xf32> to vector<1x9x128xf32>
    tpu.vector_store %arg12[%swap3A_240, %swap3A_241, %swap3A_242], %swap3A_245 {strides = array<i32>} : memref<8x9x128xf32, #tpu.memory_space<vmem>>, vector<1x9x128xf32>,
    %slice3A_246 = vector.extract_strided_slice %add3A {offsets = [7, 0, 0], sizes = [1, 1, 128], strides = [1, 1, 1]} : vector<8x3x128xf32> to vector<1x1x128xf32>
    %squeeze3A_247 = vector.shape_cast %slice3A_246 : vector<1x1x128xf32> to vector<1x128xf32>
    %slice3A_248 = vector.extract_strided_slice %add3A {offsets = [7, 1, 0], sizes = [1, 1, 128], strides = [1, 1, 1]} : vector<8x3x128xf32> to vector<1x1x128xf32>
    %squeeze3A_249 = vector.shape_cast %slice3A_248 : vector<1x1x128xf32> to vector<1x128xf32>
    %slice3A_250 = vector.extract_strided_slice %add3A {offsets = [7, 2, 0], sizes = [1, 1, 128], strides = [1, 1, 1]} : vector<8x3x128xf32> to vector<1x1x128xf32>
    %squeeze3A_251 = vector.shape_cast %slice3A_250 : vector<1x1x128xf32> to vector<1x128xf32>
    %mul3A_252 = arith.mulf %squeeze3A_247, %squeeze3A_247 : vector<1x128xf32>
    %mul3A_253 = arith.mulf %squeeze3A_247, %squeeze3A_249 : vector<1x128xf32>
    %mul3A_254 = arith.mulf %squeeze3A_247, %squeeze3A_251 : vector<1x128xf32>
    %mul3A_255 = arith.mulf %squeeze3A_249, %squeeze3A_247 : vector<1x128xf32>
    %mul3A_256 = arith.mulf %squeeze3A_249, %squeeze3A_249 : vector<1x128xf32>
    %mul3A_257 = arith.mulf %squeeze3A_249, %squeeze3A_251 : vector<1x128xf32>
    %mul3A_258 = arith.mulf %squeeze3A_251, %squeeze3A_247 : vector<1x128xf32>
    %mul3A_259 = arith.mulf %squeeze3A_251, %squeeze3A_249 : vector<1x128xf32>
    %mul3A_260 = arith.mulf %squeeze3A_251, %squeeze3A_251 : vector<1x128xf32>
    %concatenate3A_261 = tpu.concatenate %mul3A_252, %mul3A_253, %mul3A_254, %mul3A_255, %mul3A_256, %mul3A_257, %mul3A_258, %mul3A_259, %mul3A_260, %broadcast_in_dim3A_58 in 0 : vector<1x128xf32>, vector<1x128xf32>, vector<1x128xf32>, vector<1x128xf32>, vector<1x128xf32>, vector<1x128xf32>, vector<1x128xf32>, vector<1x128xf32>, vector<1x128xf32>, vector<7x128xf32> -> vector<16x128xf32>
    %slice3A_262 = vector.extract_strided_slice %add3A_56 {offsets = [7, 0], sizes = [1, 16384], strides = [1, 1]} : vector<8x16384xf32> to vector<1x16384xf32>
    %reshape3A_263 = vector.shape_cast %slice3A_262 : vector<1x16384xf32> to vector<128x128xf32>
    %dot_general3A_264 = arith.constant dense<0.000000e+00> : vector<16x128xf32>
    %dot_general3A_265 = tpu.matmul %concatenate3A_261, %reshape3A_263, %dot_general3A_264 {dimension_numbers = #tpu.dot_dimension_numbers<[1], [0], [0], [1], [0, 0, 1, 1], [], []>, transpose_lhs_hint = false} : vector<16x128xf32>, vector<128x128xf32>, vector<16x128xf32> -> vector<16x128xf32>
    %slice3A_266 = vector.extract_strided_slice %dot_general3A_265 {offsets = [0, 0], sizes = [9, 128], strides = [1, 1]} : vector<16x128xf32> to vector<9x128xf32>
    %swap3A_267 = arith.constant 7 : index
    %swap3A_268 = arith.constant 0 : index
    %swap3A_269 = arith.constant 0 : index
    %swap3A_270 = vector.load %arg12[%swap3A_267, %swap3A_268, %swap3A_269] : memref<8x9x128xf32, #tpu.memory_space<vmem>>, vector<1x9x128xf32>
    %swap3A_271 = vector.shape_cast %swap3A_270 : vector<1x9x128xf32> to vector<9x128xf32>
    %swap3A_272 = vector.shape_cast %slice3A_266 : vector<9x128xf32> to vector<1x9x128xf32>
    tpu.vector_store %arg12[%swap3A_267, %swap3A_268, %swap3A_269], %swap3A_272 {strides = array<i32>} : memref<8x9x128xf32, #tpu.memory_space<vmem>>, vector<1x9x128xf32>,
    return
  }
  func.func @transform_0(%arg0: i32) -> (i32, i32, i32) {
    %c0_i32 = arith.constant 0 : i32
    %c0_i32_0 = arith.constant 0 : i32
    %c0_i32_1 = arith.constant 0 : i32
    return %arg0, %c0_i32, %c0_i32_0 : i32, i32, i32
  }
  func.func @transform_1(%arg0: i32) -> (i32, i32) {
    %c0_i32 = arith.constant 0 : i32
    %c0_i32_0 = arith.constant 0 : i32
    return %arg0, %c0_i32 : i32, i32
  }
  func.func @transform_2(%arg0: i32) -> (i32, i32, i32) {
    %c0_i32 = arith.constant 0 : i32
    %c0_i32_0 = arith.constant 0 : i32
    %c0_i32_1 = arith.constant 0 : i32
    return %arg0, %c0_i32, %c0_i32_0 : i32, i32, i32
  }
  func.func @transform_3(%arg0: i32) -> (i32, i32) {
    %c0_i32 = arith.constant 0 : i32
    %c0_i32_0 = arith.constant 0 : i32
    return %arg0, %c0_i32 : i32, i32
  }
  func.func @transform_4(%arg0: i32) -> (i32, i32) {
    %c0_i32 = arith.constant 0 : i32
    %c0_i32_0 = arith.constant 0 : i32
    return %arg0, %c0_i32 : i32, i32
  }
  func.func @transform_5(%arg0: i32) -> (i32, i32) {
    %c0_i32 = arith.constant 0 : i32
    %c0_i32_0 = arith.constant 0 : i32
    %c0_i32_1 = arith.constant 0 : i32
    return %c0_i32, %c0_i32_0 : i32, i32
  }
  func.func @transform_6(%arg0: i32) -> (i32, i32) {
    %c0_i32 = arith.constant 0 : i32
    %c0_i32_0 = arith.constant 0 : i32
    %c0_i32_1 = arith.constant 0 : i32
    return %c0_i32, %c0_i32_0 : i32, i32
  }
  func.func @transform_7(%arg0: i32) -> (i32, i32) {
    %c0_i32 = arith.constant 0 : i32
    %c0_i32_0 = arith.constant 0 : i32
    %c0_i32_1 = arith.constant 0 : i32
    return %c0_i32, %c0_i32_0 : i32, i32
  }
  func.func @transform_8(%arg0: i32) -> (i32, i32) {
    %c0_i32 = arith.constant 0 : i32
    %c0_i32_0 = arith.constant 0 : i32
    %c0_i32_1 = arith.constant 0 : i32
    return %c0_i32, %c0_i32_0 : i32, i32
  }
  func.func @transform_9(%arg0: i32) -> (i32, i32, i32) {
    %c0_i32 = arith.constant 0 : i32
    %c0_i32_0 = arith.constant 0 : i32
    %c0_i32_1 = arith.constant 0 : i32
    return %arg0, %c0_i32, %c0_i32_0 : i32, i32, i32
  }
  func.func @transform_10(%arg0: i32) -> (i32, i32, i32) {
    %c0_i32 = arith.constant 0 : i32
    %c0_i32_0 = arith.constant 0 : i32
    %c0_i32_1 = arith.constant 0 : i32
    return %arg0, %c0_i32, %c0_i32_0 : i32, i32, i32
  }
  func.func @transform_11(%arg0: i32) -> (i32, i32, i32) {
    %c0_i32 = arith.constant 0 : i32
    %c0_i32_0 = arith.constant 0 : i32
    %c0_i32_1 = arith.constant 0 : i32
    return %arg0, %c0_i32, %c0_i32_0 : i32, i32, i32
  }
}

</mosaic_0001>

<sc_bundles>
// kernel: kernel.5.cloned.1.call-start
scs
__scs_entry_jumppad:
0x0: {  	(pc) =	sbr.rel $0x88, $3  }
0x1: {  	(tag) =	ssettag $0x0;
	lr =	simm.s32 $0x1  }
0x2: {  	[smem:$0x3F8F] =	sst lr;
	_ =	strace $0xD0000000  }
0x3: {  	_ = 	snop  }
0x4: {  	_ = 	snop  }
0x5: {  	_ = 	snop  }
0x6: {  	_ = 	snop  }
0x7: {  	_ = 	snop  }
__scs_overlays_trampoline_lowered:
0x8: {  	[smem:$0x3F9E] =	sst s0  }
0x9: {  	[smem:$0x3F9F] =	sst s1  }
0xa: {  	[smem:$0x3FA0] =	sst s2  }
0xb: {  	[smem:$0x3FA1] =	sst s3  }
0xc: {  	[smem:$0x3FA2] =	sst s4  }
0xd: {  	[smem:$0x3FA3] =	sst s5  }
0xe: {  	[smem:$0x3FA4] =	sst s6  }
0xf: {  	[smem:$0x3FA5] =	sst s7  }
0x10: {  	[smem:$0x3FA6] =	sst s8  }
0x11: {  	[smem:$0x3FA7] =	sst s9;
	s0 =	simm.s32 @!p0 $0x0  }
0x12: {  	s1 =	sld [smem:$0x3F8D];
	s0 =	simm.s32 @p0 $0x1  }
0x13: {  	[smem:$0x3FA8] =	sst s0;
	s0 =	simm.s32 @!p1 $0x0  }
0x14: {  	s2 =	sld [smem:$0x3F8C];
	s0 =	simm.s32 @p1 $0x1  }
0x15: {  	[smem:$0x3FA9] =	sst s0;
	s0 =	simm.s32 @!p2 $0x0  }
0x16: {  	s3 =	sld [smem:$0x3FDB];
	s0 =	simm.s32 @p2 $0x1  }
0x17: {  	s4 =	simm.s32 $0x1BF5;
	[smem:$0x3FAB] =	sst s0  }
0x18: {  	s0 =	sld [smem:$0x3F8E];
	_ =	swait.ge [sflag:s4], $0x0  }
0x19: {  	s7 =	sld [smem:$0x3F8F]  }
0x1a: {  	s8 =	sadd.s32 $0xFFFFE003, lr  }
0x1b: {  	s9 =	sadd.s32 $0xFFFFFEF7, lr;
	s5 =	simm.s32 $0xFFFFFFFF;
	p2 =	slt.u32 s8, $0xFFFFF086  }
0x1c: {  	p1 =	slt.u32 s9, $0xF7A;
	s5 =	simm.s32 @!p2 $0x0  }
0x1d: {  	s5 =	simm.s32 @p1 $0x1;
	p0 =	seq.s32 s7, s2  }
0x1e: {  	s7 =	smul.u32 @!p0 $0xF7A, s2;
	p2 =	seq.s32 @!p0 s5, $0x0  }
0x1f: {  	s9 =	smul.u32 $0xF7A, s1;
	s8 =	simm.s32 @!p0 $0x1BF5;
	p2 =	por !p2, p0  }
0x20: {  	[sflag:s8] =	ssyncset.s32 @!p0 $0xFFFFF086;
	s6 =	sadd.s32 @!p0 s3, s7;
	s7 =	simm.s32 @!p0 $0x108  }
0x21: {  	s3 =	sadd.s32 s3, s9;
	s6 =	sadd.s32 @!p0 $0x88, s6;
	s7 =	simm.s32 @p2 $0x1082  }
0x22: {  	[simem:s7], [sflag:s8] =	dma.local @!p0 [hbm:s6], $0xF7A  }
0x23: {  	s9 =	sor.u32 $0xD0000000, s2;
	s6 =	simm.s32 $0x108;
	_ =	swait.ge @!p0 [sflag:s8], $0x0  }
0x24: {  	s3 =	sadd.s32 $0x88, s3;
	s6 =	simm.s32 @!p1 $0x1082;
	[sflag:s4] =	ssyncset.s32 $0xFFFFF086  }
0x25: {  	[simem:s6], [sflag:s4] =	dma.local [hbm:s3], $0xF7A  }
0x26: {  	[smem:$0x3F8F] =	sst s1;
	(tag) =	ssettag s2;
	_ =	strace s9  }
0x27: {  	s1 =	sld [smem:$0x3F9F]  }
0x28: {  	s2 =	sld [smem:$0x3FA0]  }
0x29: {  	s4 =	sld [smem:$0x3FA2]  }
0x2a: {  	p0 =	seq.s32 s5, $0x0;
	s5 =	sld [smem:$0x3FA3]  }
0x2b: {  	s6 =	sld [smem:$0x3FA4]  }
0x2c: {  	s7 =	sld [smem:$0x3FA5]  }
0x2d: {  	s3 =	simm.s32 $0x108;
	s8 =	sld [smem:$0x3FA6]  }
0x2e: {  	s3 =	simm.s32 @!p0 $0x1082;
	s9 =	sld [smem:$0x3FA7]  }
0x2f: {  	lr =	sadd.s32 s0, s3;
	s0 =	sld [smem:$0x3F9E]  }
0x30: {  	s3 =	sld [smem:$0x3FA1]  }
0x31: {  	[smem:$0x3FAA] =	sst s10  }
0x32: {  	s10 =	sld [smem:$0x3FA8];
	_ =	sdelay $0x3  }
0x33: {  	p0 =	seq.s32 s10, $0x1;
	s10 =	sld [smem:$0x3FAA];
	_ =	sdelay $0x3  }
0x34: {  	[smem:$0x3FAA] =	sst s10  }
0x35: {  	s10 =	sld [smem:$0x3FA9];
	_ =	sdelay $0x3  }
0x36: {  	p1 =	seq.s32 s10, $0x1;
	s10 =	sld [smem:$0x3FAA];
	_ =	sdelay $0x3  }
0x37: {  	[smem:$0x3FAA] =	sst s10  }
0x38: {  	s10 =	sld [smem:$0x3FAB]  }
0x39: {  	_ = 	snop;
	(pc) =	sbr.ind lr, $3  }
0x3a: {  	_ = 	snop  }
0x3b: {  	_ = 	snop  }
0x3c: {  	p2 =	seq.s32 s10, $0x1;
	s10 =	sld [smem:$0x3FAA]  }
0x3d: {  	_ =	shalt  }
0x3e: {  	_ =	shalt  }
0x3f: {  	_ =	shalt  }
0x40: {  	_ =	shalt  }
0x41: {  	_ =	shalt  }
0x42: {  	_ =	shalt  }
0x43: {  	_ =	shalt  }
0x44: {  	_ =	shalt  }
0x45: {  	_ =	shalt  }
0x46: {  	_ =	shalt  }
0x47: {  	_ =	shalt  }
0x48: {  	_ =	shalt  }
0x49: {  	_ =	shalt  }
0x4a: {  	_ =	shalt  }
0x4b: {  	_ =	shalt  }
0x4c: {  	_ =	shalt  }
0x4d: {  	_ =	shalt  }
0x4e: {  	_ =	shalt  }
0x4f: {  	_ =	shalt  }
0x50: {  	_ =	shalt  }
0x51: {  	_ =	shalt  }
0x52: {  	_ =	shalt  }
0x53: {  	_ =	shalt  }
0x54: {  	_ =	shalt  }
0x55: {  	_ =	shalt  }
0x56: {  	_ =	shalt  }
0x57: {  	_ =	shalt  }
0x58: {  	_ =	shalt  }
0x59: {  	_ =	shalt  }
0x5a: {  	_ =	shalt  }
0x5b: {  	_ =	shalt  }
0x5c: {  	_ =	shalt  }
0x5d: {  	_ =	shalt  }
0x5e: {  	_ =	shalt  }
0x5f: {  	_ =	shalt  }
0x60: {  	_ =	shalt  }
0x61: {  	_ =	shalt  }
0x62: {  	_ =	shalt  }
0x63: {  	_ =	shalt  }
0x64: {  	_ =	shalt  }
0x65: {  	_ =	shalt  }
0x66: {  	_ =	shalt  }
0x67: {  	_ =	shalt  }
0x68: {  	_ =	shalt  }
0x69: {  	_ =	shalt  }
0x6a: {  	_ =	shalt  }
0x6b: {  	_ =	shalt  }
0x6c: {  	_ =	shalt  }
0x6d: {  	_ =	shalt  }
0x6e: {  	_ =	shalt  }
0x6f: {  	_ =	shalt  }
0x70: {  	_ =	shalt  }
0x71: {  	_ =	shalt  }
0x72: {  	_ =	shalt  }
0x73: {  	_ =	shalt  }
0x74: {  	_ =	shalt  }
0x75: {  	_ =	shalt  }
0x76: {  	_ =	shalt  }
0x77: {  	_ =	shalt  }
0x78: {  	_ =	shalt  }
0x79: {  	_ =	shalt  }
0x7a: {  	_ =	shalt  }
0x7b: {  	_ =	shalt  }
0x7c: {  	_ =	shalt  }
0x7d: {  	_ =	shalt  }
0x7e: {  	_ =	shalt  }
0x7f: {  	_ =	shalt  }
0x80: {  	_ =	shalt  }
0x81: {  	_ =	shalt  }
0x82: {  	_ =	shalt  }
0x83: {  	_ =	shalt  }
0x84: {  	_ =	shalt  }
0x85: {  	_ =	shalt  }
0x86: {  	_ =	shalt  }
0x87: {  	_ =	shalt  }
.Lfunc_end0:
.L_simem_size_0:
called_computation.1_lowered:
.L_overlay_start_0:
0x88: {  	s2 =	sld [smem:$0x3FD9]  }
0x89: {  	s3 =	sld [smem:$0x3FFE];
	_ =	sdelay $0x1  }
0x8a: {  	s1 =	srdreg.scid  }
0x8b: {  	s0 =	sand.u32 $0x1, s1  }
0x8c: {  	s14 =	sshll.u32 s0, $0xA;
	s2 =	sadd.s32 s3, s2  }
0x8d: {  	s2 =	sadd.s32 s2, s14  }
0x8e: {  	[smem:$0x3FB6] =	sst s2  }
0x8f: {  	_ = 	snop  }
0x90: {  	s2 =	sld [smem:$0x3FD0];
	_ =	sdelay $0x1  }
0x91: {  	s15 =	sld [smem:$0x3FC7]  }
0x92: {  	s5 =	simm.s32 $0xA;
	s6 =	simm.s32 $0x10;
	s4 =	sld [smem:$0x3FC5]  }
0x93: {  	[smem:s6], [sflag:s5] =	dma.local [hbm:s2], $0x1  }
0x94: {  	_ =	swait.eq [sflag:s5], $0x1  }
0x95: {  	[sflag:s5] =	ssyncset.done $0x0  }
0x96: {  	s16 =	sld [smem:$0x11];
	[sflag:s5] =	ssyncadd.s32 $0xFFFFFFFF  }
0x97: {  	s17 =	sld [smem:$0x12];
	(tm) =	ssettm $0x1  }
0x98: {  	s18 =	sld [smem:$0x3FFB];
	_ =	sdelay $0x3  }
0x99: {  	_ =	strace s18  }
0x9a: {  	s6 =	sld [smem:$0x3FFC];
	_ =	sdelay $0x3  }
0x9b: {  	_ =	strace s6  }
0x9c: {  	s6 =	sld [smem:$0x3FFD];
	_ =	sdelay $0x3  }
0x9d: {  	_ =	strace s6  }
0x9e: {  	_ =	strace $0x8FFFFFFF  }
0x9f: {  	s19 =	sld [smem:$0x3FDB];
	_ =	sdelay $0x1  }
0xa0: {  	s7 =	simm.s32 $_scs_section_size  }
0xa1: {  	s8 =	simm.s32 $_size__tile_overlayer_lowered;
	s9 =	simm.s32 $_tile_overlayer_lowered  }
0xa2: {  	s22 =	simm.s32 $0x1BFF;
	s21 =	sshll.u32 s9, $0x1;
	s6 =	sadd.s32 s7, s19  }
0xa3: {  	s10 =	simm.s32 $0x0;
	s20 =	sshll.u32 s8, $0x1;
	s8 =	sadd.s32 s21, s6  }
0xa4: {  	[timem:s10], [sflag:s22] =	dma.local [hbm:s8], s20  }
0xa5: {  	_ =	swait.ge [sflag:s22], s20  }
0xa6: {  	s7 =	ssub.s32 $0x0, s20;
	[sflag:s22] =	ssyncset.done $0x0  }
0xa7: {  	[sflag:s22] =	ssyncadd.s32 s7;
	_ =	sdelay $0x1  }
0xa8: {  	s23 =	simm.s32 $0x1B8B  }
0xa9: {  	_ =	swait.ge [sflag:s23], $0x1  }
0xaa: {  	[sflag:s23] =	ssyncset.done $0x0  }
0xab: {  	s25 =	simm.s32 $0x1B8E;
	s24 =	sld [smem:$0x3FFE];
	[sflag:s23] =	ssyncadd.s32 $0xFFFFFFFF  }
0xac: {  	s26 =	simm.s32 $execute0_lowered;
	[smem:$0x3FD2] =	sst s25  }
0xad: {  	s8 =	sshll.u32 s26, $0x1;
	_ =	strace $0x80000046;
	[dreg:$0x1] =	wrdreg $0xFFFFFFFF  }
0xae: {  	s28 =	simm.s32 $_size_execute0_lowered;
	s6 =	sadd.s32 s6, s8;
	[dreg:$0x0] =	wrdreg $0x0  }
0xaf: {  	s8 =	sshll.u32 s28, $0x1;
	[dreg:$0x2] =	wrdreg s6  }
0xb0: {  	[dreg:$0x3] =	wrdreg s8  }
0xb1: {  	[dreg:$0x4] =	wrdreg $0xC0  }
0xb2: {  	_ =	task [dreg:s10], $0x5FFFF  }
0xb3: {  	[dreg:$0x1] =	wrdreg $0xFFFFFFFF  }
0xb4: {  	[dreg:$0x0] =	wrdreg $0x60  }
0xb5: {  	[dreg:$0x2] =	wrdreg s24  }
0xb6: {  	[dreg:$0x3] =	wrdreg s4  }
0xb7: {  	[dreg:$0x4] =	wrdreg s15  }
0xb8: {  	[dreg:$0x5] =	wrdreg s16  }
0xb9: {  	[dreg:$0x6] =	wrdreg s17  }
0xba: {  	[dreg:$0x7] =	wrdreg $0xB1000  }
0xbb: {  	[dreg:$0x8] =	wrdreg $0x9  }
0xbc: {  	_ =	task.clear_ibuf [dreg:s10], $0x9FFFF;
	_ =	strace $0x90000046  }
0xbd: {  	s29 =	simm.s32 $0x9;
	_ =	strace $0x80000048  }
0xbe: {  	_ =	swait.ge [sflag:s29], $0x1  }
0xbf: {  	[sflag:s29] =	ssyncadd.s32 $0xFFFFFFFF  }
0xc0: {  	_ =	strace $0x90000048  }
0xc1: {  	_ =	sfence  }
0xc2: {  	s30 =	sld [smem:$0x0];
	_ =	sdelay $0x2  }
0xc3: {  	s31 =	sshll.u32 s1, $0xD;
	s1 =	sshrl.u32 s1, $0x2  }
0xc4: {  	s3 =	sand.u32 $0x4000, s31;
	s1 =	sadd.s32 s1, s30  }
0xc5: {  	s0 =	sor.u32 s3, s0;
	s1 =	sshll.u32 s1, $0x11  }
0xc6: {  	s0 =	sor.u32 s1, s0  }
0xc7: {  	s0 =	sadd.s32 $0x8F2B, s0  }
0xc8: {  	[sflag:s0] =	ssyncadd.remote.s32 $0x1  }
0xc9: {  	_ =	sfence.sel $0xFFFF  }
0xca: {  	[dreg:$0x0] =	wrdreg $0xFFFFFFFF;
	(pc) =	sbr.abs _section_cstart, $3  }
0xcb: {  	[dreg:$0x1] =	wrdreg $0xFFFFFFFF  }
0xcc: {  	_ =	task.clear_ibuf [dreg:s10], $0x2FFFF;
	_ =	strace $0x9FFFFFFF  }
0xcd: {  	(tm) =	ssettm $0x7FFFFFFF  }
tec
execute0_lowered:
.L_overlay_start_1:
0x0: {  	(tag) =	ssettag $0x1  }
0x1: {  	s0 =	rddreg [dreg:$0x0]  }
0x2: {  	s30 =	rddreg [dreg:$0x1]  }
0x3: {  	s8 =	rddreg [dreg:$0x2]  }
0x4: {  	s31 =	rddreg [dreg:$0x3]  }
0x5: {  	s1 =	rddreg [dreg:$0x4]  }
0x6: {  	s11 =	rddreg [dreg:$0x5];
	s6 =	simm.s32 $0x0;
	s2 =	srdreg.scid  }
0x7: {  	s10 =	stileid.u32;
	[smem:$0x7FF] =	sst s6;
	s2 =	sand.u32 $0x1, s2  }
0x8: {  	s3 =	sshll.u32 s10, $0x1;
	s5 =	smul.u32 $0x13880, s10;
	s24 =	sadd.s32 $0x10, s8  }
0x9: {  	s25 =	sadd.s32 $0x20, s8;
	_ =	strace $0x80000047;
	[dreg:$0xa] =	wrdreg s24  }
0xa: {  	s22 =	sshll.u32 s10, $0x6;
	s15 =	sadd.s32 $0x4, s8;
	[dreg:$0xb] =	wrdreg s25  }
0xb: {  	s16 =	sadd.s32 $0x14, s8;
	s17 =	sadd.s32 $0x24, s8;
	[dreg:$0xe] =	wrdreg s15  }
0xc: {  	s18 =	sadd.s32 $0x8, s8;
	s19 =	sadd.s32 $0x18, s8;
	[dreg:$0xf] =	wrdreg s16  }
0xd: {  	s13 =	sor.u32 s2, s3;
	s4 =	ssub.s32 $0x2, s2;
	[dreg:$0x10] =	wrdreg s17  }
0xe: {  	s2 =	smul.u32 $0x4E2000, s2;
	s10 =	sor.u32 $0x1C09, s22;
	[dreg:$0x11] =	wrdreg s18  }
0xf: {  	[dreg:$0x12] =	wrdreg s19;
	s3 =	sshll.u32 s13, $0x3;
	s7 =	sshrl.u32 s4, $0x1  }
0x10: {  	s9 =	smul.u32 $0xC00, s13;
	s23 =	sadd.s32 s5, s11;
	[dreg:$0x7] =	wrdreg s13  }
0x11: {  	s26 =	sshll.u32 s13, $0x7;
	[dreg:$0x9] =	wrdreg s10;
	s3 =	sadd.s32 s3, s0  }
0x12: {  	s7 =	ssub.s32 s4, s7;
	[dreg:$0x8] =	wrdreg s23;
	s2 =	sadd.s32 s5, s2  }
0x13: {  	s4 =	sadd.s32 s31, s26;
	s23 =	sadd.s32 $0x28, s8;
	s5 =	sadd.s32 $0xB4C00, s0  }
0x14: {  	s11 =	sadd.s32 s8, s9;
	s12 =	sadd.s32 s9, s24;
	[dreg:$0xc] =	wrdreg s4  }
0x15: {  	s14 =	sadd.s32 s9, s25;
	s20 =	sadd.s32 s9, s15;
	[dreg:$0x13] =	wrdreg s23  }
0x16: {  	s21 =	sadd.s32 s9, s16;
	s24 =	sadd.s32 $0xC, s8;
	[smem:$0x7F5] =	sst s5  }
0x17: {  	s22 =	sadd.s32 s9, s17;
	s25 =	sadd.s32 $0x1C, s8;
	[dreg:$0x14] =	wrdreg s24  }
0x18: {  	s26 =	sadd.s32 s9, s18;
	s15 =	sadd.s32 $0x2C, s8;
	[dreg:$0x15] =	wrdreg s25  }
0x19: {  	s28 =	sadd.s32 s9, s19;
	s17 =	sadd.s32 $0xB9820, s3;
	[dreg:$0x16] =	wrdreg s15  }
0x1a: {  	s29 =	sadd.s32 s9, s23;
	s18 =	sadd.s32 $0xB9920, s3;
	[dreg:$0x19] =	wrdreg s17  }
0x1b: {  	s19 =	sadd.s32 $0xBE640, s3;
	s23 =	sadd.s32 $0xBE740, s3;
	[dreg:$0x1a] =	wrdreg s18  }
0x1c: {  	s4 =	sadd.s32 s9, s24;
	s8 =	sadd.s32 s9, s25;
	[dreg:$0x1b] =	wrdreg s19  }
0x1d: {  	s16 =	sadd.s32 s9, s15;
	s9 =	sadd.s32 $0xB4A00, s3;
	[dreg:$0x1c] =	wrdreg s23  }
0x1e: {  	s15 =	sadd.s32 $0xB4B00, s3;
	[dreg:$0x17] =	wrdreg s9  }
0x1f: {  	s24 =	sadd.s32 $0xC3460, s3;
	[dreg:$0x18] =	wrdreg s15  }
0x20: {  	s25 =	sadd.s32 $0xC3560, s3;
	[dreg:$0x1d] =	wrdreg s24  }
0x21: {  	s3 =	sadd.s32 $0xC8400, s0;
	[dreg:$0x1e] =	wrdreg s25  }
0x22: {  	s17 =	sadd.s32 $0xBE840, s0;
	[dreg:$0x1f] =	wrdreg s3  }
0x23: {  	s18 =	smax.u32 s7, $0x1;
	[smem:$0x7F7] =	sst s17  }
0x24: {  	s2 =	sshrl.u32 s2, $0x3;
	s19 =	sor.u32 $0x40, s13;
	[smem:$0x7F9] =	sst s18  }
0x25: {  	s1 =	sadd.s32 s1, s2;
	[smem:$0x7FA] =	sst s19  }
0x26: {  	s15 =	sadd.s32 $0x2BE00, s0;
	s9 =	sadd.s32 $0xB9A20, s0;
	[dreg:$0xd] =	wrdreg s1  }
.Ltmp0:
0x27: {  	s0 =	sadd.s32 $0xC3660, s0;
	[smem:$0x7F6] =	sst s9;
	(pc) =	sbr.rel .LBB2_1-.Ltmp0, $4  }
0x28: {  	s2 =	simm.s32 $0x1;
	s23 =	sadd.s32 $0x27100, s1;
	[smem:$0x7F8] =	sst s0  }
0x29: {  	s24 =	sadd.s32 $0x4E200, s1;
	s25 =	sadd.s32 $0x75300, s1;
	[smem:$0x7FB] =	sst s23  }
0x2a: {  	s1 =	simm.s32 $0x9;
	s19 =	simm.s32 $0x40;
	[smem:$0x7FC] =	sst s24  }
0x2b: {  	s3 =	simm.s32 $0x0;
	[smem:$0x7FD] =	sst s25;
	s23 =	simm.s32 $0x5  }
.LBB2_129:
0x2c: {  	s0 =	simm.s32 $0x2  }
0x2d: {  	_ =	swait.ge [sflag:s0], $0x2000  }
0x2e: {  	[sflag:s0] =	ssyncset.done $0x0  }
0x2f: {  	s18 =	simm.s32 $0x6;
	[sflag:s0] =	ssyncadd.s32 $0xFFFFE000  }
0x30: {  	_ =	swait.ge [sflag:s18], $0x2000  }
0x31: {  	[sflag:s18] =	ssyncset.done $0x0  }
0x32: {  	[sflag:s18] =	ssyncadd.s32 $0xFFFFE000  }
0x33: {  	[bflag:$0x0] =	sbarrier.arrive $0xFFFF  }
0x34: {  	s24 =	sld [smem:$0x7FD]  }
0x35: {  	s1 =	sld [smem:$0x7F4];
	_ =	sdelay $0x1  }
0x36: {  	s10 =	rddreg [dreg:$0x9]  }
0x37: {  	[hbm:s24], [sflag:s10] =	dma.local [spmem:s1], $0x2710  }
0x38: {  	s1 =	simm.s32 $0x9  }
0x39: {  	_ =	swait.ge [sflag:s1], $0x2710  }
0x3a: {  	s3 =	sld [smem:$0x7F3]  }
0x3b: {  	s25 =	sld [smem:$0x7F9];
	_ =	sdelay $0x1  }
0x3c: {  	s3 =	sadd.s32 $0x1, s3  }
0x3d: {  	p0 =	sne.s32 s3, s25  }
.Ltmp1:
0x3e: {  	_ = 	snop;
	(pc) =	sbr.rel @!p0 .LBB2_130-.Ltmp1, $3  }
0x3f: {  	[sflag:s1] =	ssyncset.done $0x0  }
0x40: {  	[sflag:s1] =	ssyncadd.s32 $0xFFFFD8F0  }
0x41: {  	[bflag:$0x0] =	sbarrier.arrive $0xFFFF;
	_ =	sdelay $0x1  }
.LBB2_1:
0x42: {  	[smem:$0x7F3] =	sst s3  }
0x43: {  	s0 =	rddreg [dreg:$0x8]  }
0x44: {  	s18 =	rddreg [dreg:$0x1f];
	s17 =	sshrl.u32 s0, $0x3  }
0x45: {  	[smem:$0x7F4] =	sst s17  }
0x46: {  	[spmem:s17], [sflag:s10] =	dma.local [hbm:s18], $0x2710  }
0x47: {  	_ =	swait.ge [sflag:s1], $0x2710  }
0x48: {  	[sflag:s1] =	ssyncset.done $0x0  }
0x49: {  	[sflag:s1] =	ssyncadd.s32 $0xFFFFD8F0  }
0x4a: {  	[bflag:$0x0] =	sbarrier.arrive $0xFFFF  }
0x4b: {  	s25 =	simm.s32 $0x3800;
	s24 =	rddreg [dreg:$0x17]  }
0x4c: {  	[tilespmem:s25], [sflag:$0x9] =	stream.linear.gather [hbm4b:s24+s6], $0x40, $0x38;
	[tilespmem:$0x1E980] =	vst v63  }
0x4d: {  	_ =	swait.ge [sflag:s1], $0x40  }
0x4e: {  	s5 =	sadd.s32 $0x0, s11;
	s3 =	simm.s32 $0x1C60;
	[sflag:s1] =	ssyncset.done $0x0  }
0x4f: {  	s0 =	simm.s32 $0x1C00;
	[sflag:s1] =	ssyncadd.s32 $0xFFFFFFC0;
	s1 =	simm.s32 $0x30  }
0x50: {  	[tilespmem:s6], [sflag:$0x4] =	stream.indirect.gather [hbm4b:s15+s19], $0x70, s25, s19, $0xb8;
	[tilespmem:$0x1E980] =	vst v63  }
.LBB2_2:
0x51: {  	[tilespmem:s0], [sflag:$0x1] =	stream.linear.gather [hbm4b:s5+s6], $0x20, $0x38;
	[tilespmem:$0x1E980] =	vst v63  }
0x52: {  	s5 =	smov.u32 s1;
	s0 =	smov.u32 s3;
	p0 =	sne.s32 s1, $0xBD0  }
.Ltmp2:
0x53: {  	s1 =	sadd.s32 $0x30, s1;
	(pc) =	sbr.rel @p0 .LBB2_2-.Ltmp2, $2  }
0x54: {  	_ =	sdelay $0x2  }
0x55: {  	s3 =	sadd.s32 $0x60, s3;
	s5 =	sadd.s32 s5, s11  }
0x56: {  	[tilespmem:s0], [sflag:$0x1] =	stream.linear.gather [hbm4b:s5+s6], $0x20, $0x38;
	[tilespmem:$0x1E980] =	vst v63  }
0x57: {  	s0 =	simm.s32 $0x1C20  }
0x58: {  	s1 =	simm.s32 $0x30;
	s5 =	sadd.s32 $0x0, s12;
	s3 =	simm.s32 $0x1C80  }
.LBB2_4:
0x59: {  	[tilespmem:s0], [sflag:$0x1] =	stream.linear.gather [hbm4b:s5+s6], $0x20, $0x38;
	[tilespmem:$0x1E980] =	vst v63  }
0x5a: {  	s5 =	smov.u32 s1;
	s0 =	smov.u32 s3;
	p0 =	sne.s32 s1, $0xBD0  }
.Ltmp3:
0x5b: {  	s1 =	sadd.s32 $0x30, s1;
	(pc) =	sbr.rel @p0 .LBB2_4-.Ltmp3, $2  }
0x5c: {  	_ =	sdelay $0x2  }
0x5d: {  	s3 =	sadd.s32 $0x60, s3;
	s5 =	sadd.s32 s5, s12  }
0x5e: {  	[tilespmem:s0], [sflag:$0x1] =	stream.linear.gather [hbm4b:s5+s6], $0x20, $0x38;
	[tilespmem:$0x1E980] =	vst v63  }
0x5f: {  	s0 =	simm.s32 $0x1C40  }
0x60: {  	s1 =	simm.s32 $0x30;
	s5 =	sadd.s32 $0x0, s14;
	s3 =	simm.s32 $0x1CA0  }
.LBB2_6:
0x61: {  	[tilespmem:s0], [sflag:$0x1] =	stream.linear.gather [hbm4b:s5+s6], $0x20, $0x38;
	[tilespmem:$0x1E980] =	vst v63  }
0x62: {  	s5 =	smov.u32 s1;
	s0 =	smov.u32 s3;
	p0 =	sne.s32 s1, $0xBD0  }
.Ltmp4:
0x63: {  	s1 =	sadd.s32 $0x30, s1;
	(pc) =	sbr.rel @p0 .LBB2_6-.Ltmp4, $2  }
0x64: {  	_ =	sdelay $0x2  }
0x65: {  	s3 =	sadd.s32 $0x60, s3;
	s5 =	sadd.s32 s5, s14  }
0x66: {  	[tilespmem:s0], [sflag:$0x1] =	stream.linear.gather [hbm4b:s5+s6], $0x20, $0x38;
	[tilespmem:$0x1E980] =	vst v63  }
.Ltmp5:
0x67: {  	_ = 	snop;
	(pc) =	sbr.rel .LBB2_8-.Ltmp5, $4  }
0x68: {  	s18 =	simm.s32 $0x0;
	s17 =	rddreg [dreg:$0xc];
	s1 =	simm.s32 $0x3400  }
0x69: {  	[tilespmem:s1], [sflag:$0x1] =	stream.linear.gather [hbm4b:s17+s18], $0x400, $0x38;
	[tilespmem:$0x1E980] =	vst v63  }
0x6a: {  	s24 =	rddreg [dreg:$0x18];
	s25 =	simm.s32 $0x9080  }
0x6b: {  	[tilespmem:s25], [sflag:$0x7] =	stream.linear.gather [hbm4b:s24+s18], $0x40, $0x38;
	[tilespmem:$0x1E980] =	vst v63  }
.LBB2_32:
0x6c: {  	s18 =	sadd.s32 $0x1, s18  }
0x6d: {  	p0 =	sne.s32 s18, $0x28  }
.Ltmp6:
0x6e: {  	_ = 	snop;
	(pc) =	sbr.rel @!p0 .LBB2_33-.Ltmp6, $1  }
0x6f: {  	_ =	sdelay $0x3  }
.LBB2_8:
0x70: {  	s3 =	sshll.u32 s18, $0x6;
	s0 =	rddreg [dreg:$0x7]  }
0x71: {  	s0 =	sor.u32 s0, s3  }
0x72: {  	s1 =	sor.u32 $0x20, s0  }
0x73: {  	p0 =	sgt.u32 s1, $0x9C3  }
.Ltmp7:
0x74: {  	_ = 	snop;
	(pc) =	sbr.rel @p0 .LBB2_16-.Ltmp7, $1  }
0x75: {  	_ =	sdelay $0x3  }
0x76: {  	s5 =	simm.s32 $0x7  }
0x77: {  	_ =	swait.ge [sflag:s5], $0x40  }
0x78: {  	s7 =	simm.s32 $0x9080;
	[sflag:s5] =	ssyncset.done $0x0  }
0x79: {  	s9 =	simm.s32 $0x5880;
	[sflag:s5] =	ssyncadd.s32 $0xFFFFFFC0;
	s5 =	smul.u32 $0xC00, s1  }
0x7a: {  	[tilespmem:s9], [sflag:$0x8] =	stream.indirect.gather [hbm4b:s15+s19], $0x70, s7, s19, $0xb8;
	[tilespmem:$0x1E980] =	vst v63  }
0x7b: {  	s25 =	rddreg [dreg:$0x2]  }
0x7c: {  	s10 =	simm.s32 $0x30;
	s7 =	sadd.s32 s25, s5  }
0x7d: {  	s13 =	simm.s32 $0x74E0;
	s9 =	simm.s32 $0x7480;
	s24 =	sadd.s32 $0x0, s7  }
.LBB2_10:
0x7e: {  	[tilespmem:s9], [sflag:$0x5] =	stream.linear.gather [hbm4b:s24+s6], $0x20, $0x38;
	[tilespmem:$0x1E980] =	vst v63  }
0x7f: {  	s24 =	smov.u32 s10;
	s9 =	smov.u32 s13;
	p1 =	sne.s32 s10, $0xBD0  }
.Ltmp8:
0x80: {  	s10 =	sadd.s32 $0x30, s10;
	(pc) =	sbr.rel @p1 .LBB2_10-.Ltmp8, $2  }
0x81: {  	_ =	sdelay $0x2  }
0x82: {  	s13 =	sadd.s32 $0x60, s13;
	s24 =	sadd.s32 s24, s7  }
0x83: {  	[tilespmem:s9], [sflag:$0x5] =	stream.linear.gather [hbm4b:s24+s6], $0x20, $0x38;
	[tilespmem:$0x1E980] =	vst v63  }
0x84: {  	s7 =	rddreg [dreg:$0xa]  }
0x85: {  	s9 =	simm.s32 $0x74A0;
	s7 =	sadd.s32 s5, s7  }
0x86: {  	s10 =	simm.s32 $0x30;
	s13 =	simm.s32 $0x7500;
	s24 =	sadd.s32 $0x0, s7  }
.LBB2_12:
0x87: {  	[tilespmem:s9], [sflag:$0x5] =	stream.linear.gather [hbm4b:s24+s6], $0x20, $0x38;
	[tilespmem:$0x1E980] =	vst v63  }
0x88: {  	s24 =	smov.u32 s10;
	s9 =	smov.u32 s13;
	p1 =	sne.s32 s10, $0xBD0  }
.Ltmp9:
0x89: {  	s10 =	sadd.s32 $0x30, s10;
	(pc) =	sbr.rel @p1 .LBB2_12-.Ltmp9, $2  }
0x8a: {  	_ =	sdelay $0x2  }
0x8b: {  	s13 =	sadd.s32 $0x60, s13;
	s24 =	sadd.s32 s24, s7  }
0x8c: {  	[tilespmem:s9], [sflag:$0x5] =	stream.linear.gather [hbm4b:s24+s6], $0x20, $0x38;
	[tilespmem:$0x1E980] =	vst v63  }
0x8d: {  	s7 =	rddreg [dreg:$0xb]  }
0x8e: {  	s9 =	simm.s32 $0x30;
	s5 =	sadd.s32 s5, s7  }
0x8f: {  	s10 =	simm.s32 $0x7520;
	s7 =	simm.s32 $0x74C0;
	s13 =	sadd.s32 $0x0, s5  }
.LBB2_14:
0x90: {  	[tilespmem:s7], [sflag:$0x5] =	stream.linear.gather [hbm4b:s13+s6], $0x20, $0x38;
	[tilespmem:$0x1E980] =	vst v63  }
0x91: {  	s13 =	smov.u32 s9;
	s7 =	smov.u32 s10;
	p1 =	sne.s32 s9, $0xBD0  }
.Ltmp10:
0x92: {  	s9 =	sadd.s32 $0x30, s9;
	(pc) =	sbr.rel @p1 .LBB2_14-.Ltmp10, $2  }
0x93: {  	_ =	sdelay $0x2  }
0x94: {  	s10 =	sadd.s32 $0x60, s10;
	s13 =	sadd.s32 s13, s5  }
0x95: {  	[tilespmem:s7], [sflag:$0x5] =	stream.linear.gather [hbm4b:s13+s6], $0x20, $0x38;
	[tilespmem:$0x1E980] =	vst v63  }
0x96: {  	s5 =	sshll.u32 s1, $0x7  }
0x97: {  	s25 =	simm.s32 $0x8C80;
	s5 =	sadd.s32 s31, s5  }
0x98: {  	[tilespmem:s25], [sflag:$0x5] =	stream.linear.gather [hbm4b:s5+s6], $0x400, $0x38;
	[tilespmem:$0x1E980] =	vst v63  }
.LBB2_16:
0x99: {  	p2 =	sgt.u32 s0, $0x9C3  }
.Ltmp11:
0x9a: {  	_ = 	snop;
	(pc) =	sbr.rel @p2 .LBB2_20-.Ltmp11, $2  }
0x9b: {  	_ =	sdelay $0x2  }
0x9c: {  	p1 =	seq.s32 s18, $0x0  }
0x9d: {  	s5 =	simm.s32 @!p1 $0x2  }
0x9e: {  	_ =	swait.ge @!p1 [sflag:s5], $0x2000  }
0x9f: {  	s7 =	sshll.u32 s0, $0x3;
	s9 =	simm.s32 $0x3840;
	[sflag:s5] =	ssyncset.done @!p1 $0x0  }
0xa0: {  	s10 =	simm.s32 $0x4;
	s25 =	sadd.s32 s30, s7;
	[sflag:s5] =	ssyncadd.s32 @!p1 $0xFFFFE000  }
0xa1: {  	[tilespmem:s9], [sflag:$0x2] =	stream.linear.gather [hbm4b:s25+s6], $0x40, $0x38;
	[tilespmem:$0x1E980] =	vst v63  }
0xa2: {  	_ =	swait.ge [sflag:s10], $0x1C00  }
0xa3: {  	[sflag:s10] =	ssyncset.done $0x0  }
0xa4: {  	[sflag:s10] =	ssyncadd.s32 $0xFFFFE400  }
0xa5: {  	_ =	swait.ge [sflag:s2], $0x1800  }
0xa6: {  	[sflag:s2] =	ssyncset.done $0x0  }
0xa7: {  	[sflag:s2] =	ssyncadd.s32 $0xFFFFE800  }
0xa8: {  	_ =	swait.ge [sflag:s2], $0x400  }
0xa9: {  	p2 =	sgt.u32 s0, $0x983;
	s0 =	sld [smem:$0x7F5];
	_ =	sdelay $0x1  }
0xaa: {  	s5 =	simm.s32 @!p2 $0x0;
	s25 =	simm.s32 $0x1C30;
	[sflag:s2] =	ssyncset.done $0x0  }
0xab: {  	[sflag:s2] =	ssyncadd.s32 $0xFFFFFC00;
	s0 =	sadd.s32 @!p2 s7, s0;
	s7 =	simm.s32 @!p2 $0x3800  }
0xac: {  	[tilespmem:s7], [sflag:$0x3] =	stream.linear.gather @!p2 [hbm4b:s0+s5], $0x40, $0x38;
	[tilespmem:$0x1E980] =	vst v63  }
0xad: {  	v3 =	vld [tilespmem:s25+$0xFFFFFFF0]  }
0xae: {  	s13 =	simm.s32 $0x0;
	v0 =	vld [tilespmem:s25+$0x10]  }
0xaf: {  	s17 =	simm.s32 $0x30;
	v5 =	vld [tilespmem:s13+$0x3400]  }
0xb0: {  	v1 =	vld [tilespmem:s17+$0x10]  }
0xb1: {  	v6 =	vld [tilespmem:s17+$0x30]  }
0xb2: {  	v4 =	vld [tilespmem:s17+$0xFFFFFFF0]  }
0xb3: {  	v7 =	vld [tilespmem:s17+$0xFFFFFFD0]  }
0xb4: {  	v9 =	vld [tilespmem:s25+$0xFFFFFFD0]  }
0xb5: {  	v8 =	vmul.f32 v0, v1  }
0xb6: {  	v1 =	vbroadcast v5, $0x0;
	v2 =	vbroadcast v5, $0x1  }
0xb7: {  	v0 =	vbroadcast v6, $0x2;
	v10 =	vmul.f32 v3, v4  }
0xb8: {  	v4 =	vbroadcast v6, $0x0;
	v3 =	vbroadcast v6, $0x1  }
0xb9: {  	v5 =	vbroadcast v5, $0x2;
	v7 =	vmul.f32 v9, v7  }
0xba: {  	v6 =	vmul.f32 v10, v2;
	v12 =	vmul.f32 v8, v3  }
0xbb: {  	v11 =	vmul.f32 v8, v0;
	v13 =	vmul.f32 v10, v5  }
0xbc: {  	s9 =	simm.s32 $0x38C0;
	v9 =	vmul.f32 v10, v1;
	v8 =	vmul.f32 v8, v4;
	v6 =	vadd.f32 v12, v6  }
0xbd: {  	[tilespmem:s9+$0xFFFFFFC0] =	vst v7;
	v10 =	vadd.f32 v11, v13  }
0xbe: {  	v7 =	vadd.f32 v8, v9;
	[tilespmem:s9+$0x0] =	vst v6  }
0xbf: {  	[tilespmem:s9+$0x20] =	vst v10  }
0xc0: {  	[tilespmem:s9+$0xFFFFFFE0] =	vst v7  }
0xc1: {  	v7 =	vld [tilespmem:s17+$0x0]  }
0xc2: {  	v9 =	vld [tilespmem:s25+$0x0]  }
0xc3: {  	s24 =	simm.s32 $0xA0;
	s31 =	simm.s32 $0xA0;
	v8 =	vld [tilespmem:s25+$0x20]  }
0xc4: {  	s30 =	simm.s32 $0x10;
	s10 =	simm.s32 $0x1C90;
	s7 =	simm.s32 $0x80;
	v10 =	vld [tilespmem:s17+$0x20]  }
0xc5: {  	s0 =	simm.s32 $0x1C90;
	s5 =	simm.s32 $0x3940;
	s13 =	simm.s32 $0x3940;
	v6 =	vld [tilespmem:s17+$0xFFFFFFE0]  }
.LBB2_18:
0xc6: {  	s13 =	sadd.s32 $0x80, s13  }
0xc7: {  	s10 =	sadd.s32 $0x60, s10;
	s24 =	sadd.s32 $0x70, s24;
	s17 =	smov.u32 s7  }
0xc8: {  	p2 =	sne.s32 s7, $0xFC0;
	s7 =	sadd.s32 $0x40, s7;
	v11 =	vld [tilespmem:s25+$0xFFFFFFE0];
	v7 =	vmul.f32 v9, v7;
	s25 =	smov.u32 s0  }
0xc9: {  	s0 =	smov.u32 s10  }
0xca: {  	v8 =	vmul.f32 v8, v10;
	v5 =	vmul.f32 v7, v5  }
0xcb: {  	v1 =	vmul.f32 v7, v1;
	v2 =	vmul.f32 v7, v2  }
0xcc: {  	v4 =	vmul.f32 v8, v4;
	v3 =	vmul.f32 v8, v3  }
0xcd: {  	v0 =	vmul.f32 v8, v0;
	v6 =	vmul.f32 v11, v6  }
0xce: {  	v1 =	vadd.f32 v4, v1;
	v2 =	vadd.f32 v3, v2  }
0xcf: {  	v0 =	vadd.f32 v0, v5;
	[tilespmem:s9+$0xFFFFFFD0] =	vst v6  }
0xd0: {  	[tilespmem:s9+$0xFFFFFFF0] =	vst v1  }
0xd1: {  	[tilespmem:s9+$0x30] =	vst v0  }
0xd2: {  	[tilespmem:s9+$0x10] =	vst v2;
	s9 =	smov.u32 s5;
	s5 =	smov.u32 s13;
	_ =	sdelay $0x1  }
0xd3: {  	v3 =	vld [tilespmem:s25+$0xFFFFFFF0]  }
0xd4: {  	s17 =	sshra.s32 s17, $0x2;
	v0 =	vld [tilespmem:s25+$0x10]  }
0xd5: {  	v5 =	vld [tilespmem:s30+$0x3400];
	s30 =	smov.u32 s17  }
0xd6: {  	v1 =	vld [tilespmem:s31+$0x10]  }
0xd7: {  	v6 =	vld [tilespmem:s31+$0x30]  }
0xd8: {  	v4 =	vld [tilespmem:s31+$0xFFFFFFF0];
	_ =	sdelay $0x2  }
0xd9: {  	v7 =	vld [tilespmem:s31+$0xFFFFFFD0];
	v8 =	vmul.f32 v0, v1;
	v1 =	vbroadcast v5, $0x0  }
0xda: {  	v2 =	vbroadcast v5, $0x1;
	v9 =	vld [tilespmem:s25+$0xFFFFFFD0];
	v0 =	vbroadcast v6, $0x2  }
0xdb: {  	v10 =	vmul.f32 v3, v4;
	v4 =	vbroadcast v6, $0x0  }
0xdc: {  	v5 =	vbroadcast v5, $0x2;
	v3 =	vbroadcast v6, $0x1  }
0xdd: {  	v11 =	vmul.f32 v8, v0;
	v6 =	vmul.f32 v10, v2  }
0xde: {  	v12 =	vmul.f32 v8, v3;
	v13 =	vmul.f32 v10, v5  }
0xdf: {  	v7 =	vmul.f32 v9, v7;
	v9 =	vmul.f32 v10, v1  }
0xe0: {  	v8 =	vmul.f32 v8, v4;
	v6 =	vadd.f32 v12, v6;
	v10 =	vadd.f32 v11, v13  }
0xe1: {  	[tilespmem:s9+$0xFFFFFFC0] =	vst v7  }
0xe2: {  	v7 =	vadd.f32 v8, v9;
	[tilespmem:s9+$0x0] =	vst v6  }
0xe3: {  	[tilespmem:s9+$0x20] =	vst v10  }
0xe4: {  	[tilespmem:s9+$0xFFFFFFE0] =	vst v7  }
.Ltmp12:
0xe5: {  	v7 =	vld [tilespmem:s31+$0x0];
	(pc) =	sbr.rel @p2 .LBB2_18-.Ltmp12, $4  }
0xe6: {  	v9 =	vld [tilespmem:s25+$0x0]  }
0xe7: {  	v8 =	vld [tilespmem:s25+$0x20]  }
0xe8: {  	v10 =	vld [tilespmem:s31+$0x20]  }
0xe9: {  	v6 =	vld [tilespmem:s31+$0xFFFFFFE0];
	s31 =	smov.u32 s24  }
0xea: {  	_ = 	snop  }
0xeb: {  	v11 =	vld [tilespmem:s25+$0xFFFFFFE0]  }
0xec: {  	v7 =	vmul.f32 v9, v7  }
0xed: {  	v8 =	vmul.f32 v8, v10  }
0xee: {  	v5 =	vmul.f32 v7, v5  }
0xef: {  	v1 =	vmul.f32 v7, v1;
	v4 =	vmul.f32 v8, v4  }
0xf0: {  	v6 =	vmul.f32 v11, v6;
	v0 =	vmul.f32 v8, v0  }
0xf1: {  	v2 =	vmul.f32 v7, v2;
	v3 =	vmul.f32 v8, v3;
	v1 =	vadd.f32 v4, v1  }
0xf2: {  	[tilespmem:s9+$0xFFFFFFD0] =	vst v6;
	v0 =	vadd.f32 v0, v5  }
0xf3: {  	v2 =	vadd.f32 v3, v2;
	[tilespmem:s9+$0xFFFFFFF0] =	vst v1  }
0xf4: {  	[tilespmem:s9+$0x30] =	vst v0  }
0xf5: {  	[tilespmem:s9+$0x10] =	vst v2  }
0xf6: {  	v0 =	vld [tilespmem:s0+$0xFFFFFFF0]  }
0xf7: {  	v1 =	vld [tilespmem:s0+$0x10]  }
0xf8: {  	v2 =	vld [tilespmem:s30+$0x3400]  }
0xf9: {  	v48 =	vld [tilespmem:s31+$0x10]  }
0xfa: {  	v49 =	vld [tilespmem:s31+$0x30]  }
0xfb: {  	v50 =	vld [tilespmem:s31+$0xFFFFFFF0]  }
0xfc: {  	v6 =	vld [tilespmem:s31+$0xFFFFFFD0]  }
0xfd: {  	v52 =	vld [tilespmem:s0+$0xFFFFFFD0]  }
0xfe: {  	v1 =	vmul.f32 v1, v48  }
0xff: {  	v51 =	vbroadcast v2, $0x0;
	v53 =	vbroadcast v2, $0x1  }
0x100: {  	v54 =	vbroadcast v49, $0x2;
	v0 =	vmul.f32 v0, v50  }
0x101: {  	v55 =	vbroadcast v49, $0x0;
	v4 =	vbroadcast v49, $0x1  }
0x102: {  	v2 =	vbroadcast v2, $0x2;
	v6 =	vmul.f32 v52, v6  }
0x103: {  	v56 =	vmul.f32 v0, v53;
	v12 =	vmul.f32 v1, v4  }
0x104: {  	v57 =	vmul.f32 v1, v54;
	v13 =	vmul.f32 v0, v2  }
0x105: {  	v0 =	vmul.f32 v0, v51;
	v1 =	vmul.f32 v1, v55;
	v58 =	vadd.f32 v12, v56  }
0x106: {  	[tilespmem:s5+$0xFFFFFFC0] =	vst v6;
	v59 =	vadd.f32 v57, v13  }
0x107: {  	v0 =	vadd.f32 v1, v0;
	[tilespmem:s5+$0x0] =	vst v58  }
0x108: {  	[tilespmem:s5+$0x20] =	vst v59  }
0x109: {  	[tilespmem:s5+$0xFFFFFFE0] =	vst v0  }
0x10a: {  	v0 =	vld [tilespmem:s31+$0x0]  }
0x10b: {  	v60 =	vld [tilespmem:s0+$0x0]  }
0x10c: {  	v6 =	vld [tilespmem:s0+$0x20]  }
0x10d: {  	v7 =	vld [tilespmem:s31+$0x20]  }
0x10e: {  	v10 =	vld [tilespmem:s31+$0xFFFFFFE0]  }
0x10f: {  	v61 =	vld [tilespmem:s0+$0xFFFFFFE0];
	_ =	sdelay $0x3  }
0x110: {  	v0 =	vmul.f32 v60, v0;
	v62 =	vmul.f32 v6, v7  }
0x111: {  	v63 =	vmul.f32 v61, v10  }
0x112: {  	v3 =	vmul.f32 v0, v51;
	v5 =	vmul.f32 v62, v55  }
0x113: {  	v2 =	vmul.f32 v0, v2;
	v7 =	vmul.f32 v62, v54  }
0x114: {  	v0 =	vmul.f32 v0, v53;
	v1 =	vmul.f32 v62, v4;
	v3 =	vadd.f32 v5, v3  }
0x115: {  	[tilespmem:s5+$0xFFFFFFD0] =	vst v63;
	v2 =	vadd.f32 v7, v2  }
0x116: {  	v0 =	vadd.f32 v1, v0;
	[tilespmem:s5+$0xFFFFFFF0] =	vst v3  }
0x117: {  	[tilespmem:s5+$0x30] =	vst v2  }
0x118: {  	s24 =	simm.s32 $0x2;
	[tilespmem:s5+$0x10] =	vst v0  }
0x119: {  	_ =	swait.ge [sflag:s24], $0x40  }
0x11a: {  	[sflag:s24] =	ssyncset.done $0x0  }
0x11b: {  	[sflag:s24] =	ssyncadd.s32 $0xFFFFFFC0  }
0x11c: {  	s0 =	rddreg [dreg:$0x5]  }
0x11d: {  	s30 =	rddreg [dreg:$0x1]  }
0x11e: {  	s25 =	simm.s32 $0x3840;
	s7 =	simm.s32 $0x3880;
	s31 =	rddreg [dreg:$0x3]  }
0x11f: {  	[spmem:s0] =	stream.indirect.scatter.add.f32 [tilespmem:s7], [sflag:$0x2], $0x80, s25, s19, $0xb8;
	[tilespmem:$0x1E980] =	vst v63  }
.LBB2_20:
0x120: {  	s0 =	sld [smem:$0x7FA];
	_ =	sdelay $0x2  }
0x121: {  	s0 =	sadd.s32 s0, s3  }
0x122: {  	p2 =	sgt.u32 s0, $0x9C3  }
.Ltmp13:
0x123: {  	_ = 	snop;
	(pc) =	sbr.rel @p2 .LBB2_28-.Ltmp13, $1  }
0x124: {  	_ =	sdelay $0x3  }
0x125: {  	s3 =	simm.s32 $0x3  }
0x126: {  	_ =	swait.ge [sflag:s3], $0x40  }
0x127: {  	s5 =	simm.s32 $0x0;
	[sflag:s3] =	ssyncset.done $0x0  }
0x128: {  	s7 =	simm.s32 $0x3800;
	[sflag:s3] =	ssyncadd.s32 $0xFFFFFFC0;
	s3 =	smul.u32 $0xC00, s0  }
0x129: {  	[tilespmem:s5], [sflag:$0x4] =	stream.indirect.gather [hbm4b:s15+s19], $0x70, s7, s19, $0xb8;
	[tilespmem:$0x1E980] =	vst v63  }
0x12a: {  	s25 =	rddreg [dreg:$0x2]  }
0x12b: {  	s9 =	simm.s32 $0x30;
	s5 =	sadd.s32 s25, s3  }
0x12c: {  	s10 =	simm.s32 $0x1C60;
	s7 =	simm.s32 $0x1C00;
	s13 =	sadd.s32 $0x0, s5  }
.LBB2_22:
0x12d: {  	[tilespmem:s7], [sflag:$0x1] =	stream.linear.gather [hbm4b:s13+s6], $0x20, $0x38;
	[tilespmem:$0x1E980] =	vst v63  }
0x12e: {  	s13 =	smov.u32 s9;
	s7 =	smov.u32 s10;
	p2 =	sne.s32 s9, $0xBD0  }
.Ltmp14:
0x12f: {  	s9 =	sadd.s32 $0x30, s9;
	(pc) =	sbr.rel @p2 .LBB2_22-.Ltmp14, $2  }
0x130: {  	_ =	sdelay $0x2  }
0x131: {  	s10 =	sadd.s32 $0x60, s10;
	s13 =	sadd.s32 s13, s5  }
0x132: {  	[tilespmem:s7], [sflag:$0x1] =	stream.linear.gather [hbm4b:s13+s6], $0x20, $0x38;
	[tilespmem:$0x1E980] =	vst v63  }
0x133: {  	s5 =	rddreg [dreg:$0xa]  }
0x134: {  	s7 =	simm.s32 $0x1C20;
	s5 =	sadd.s32 s3, s5  }
0x135: {  	s9 =	simm.s32 $0x30;
	s10 =	simm.s32 $0x1C80;
	s13 =	sadd.s32 $0x0, s5  }
.LBB2_24:
0x136: {  	[tilespmem:s7], [sflag:$0x1] =	stream.linear.gather [hbm4b:s13+s6], $0x20, $0x38;
	[tilespmem:$0x1E980] =	vst v63  }
0x137: {  	s13 =	smov.u32 s9;
	s7 =	smov.u32 s10;
	p2 =	sne.s32 s9, $0xBD0  }
.Ltmp15:
0x138: {  	s9 =	sadd.s32 $0x30, s9;
	(pc) =	sbr.rel @p2 .LBB2_24-.Ltmp15, $2  }
0x139: {  	_ =	sdelay $0x2  }
0x13a: {  	s10 =	sadd.s32 $0x60, s10;
	s13 =	sadd.s32 s13, s5  }
0x13b: {  	[tilespmem:s7], [sflag:$0x1] =	stream.linear.gather [hbm4b:s13+s6], $0x20, $0x38;
	[tilespmem:$0x1E980] =	vst v63  }
0x13c: {  	s5 =	rddreg [dreg:$0xb]  }
0x13d: {  	s7 =	simm.s32 $0x30;
	s3 =	sadd.s32 s3, s5  }
0x13e: {  	s9 =	simm.s32 $0x1CA0;
	s5 =	simm.s32 $0x1C40;
	s10 =	sadd.s32 $0x0, s3  }
.LBB2_26:
0x13f: {  	[tilespmem:s5], [sflag:$0x1] =	stream.linear.gather [hbm4b:s10+s6], $0x20, $0x38;
	[tilespmem:$0x1E980] =	vst v63  }
0x140: {  	s10 =	smov.u32 s7;
	s5 =	smov.u32 s9;
	p2 =	sne.s32 s7, $0xBD0  }
.Ltmp16:
0x141: {  	s7 =	sadd.s32 $0x30, s7;
	(pc) =	sbr.rel @p2 .LBB2_26-.Ltmp16, $2  }
0x142: {  	_ =	sdelay $0x2  }
0x143: {  	s9 =	sadd.s32 $0x60, s9;
	s10 =	sadd.s32 s10, s3  }
0x144: {  	[tilespmem:s5], [sflag:$0x1] =	stream.linear.gather [hbm4b:s10+s6], $0x20, $0x38;
	[tilespmem:$0x1E980] =	vst v63  }
0x145: {  	s0 =	sshll.u32 s0, $0x7  }
0x146: {  	s3 =	simm.s32 $0x3400;
	s0 =	sadd.s32 s31, s0  }
0x147: {  	[tilespmem:s3], [sflag:$0x1] =	stream.linear.gather [hbm4b:s0+s6], $0x400, $0x38;
	[tilespmem:$0x1E980] =	vst v63  }
.LBB2_28:
.Ltmp17:
0x148: {  	(pc) =	sbr.rel @p0 .LBB2_32-.Ltmp17, $1  }
0x149: {  	_ =	sdelay $0x3  }
0x14a: {  	s0 =	simm.s32 @!p1 $0x6  }
0x14b: {  	_ =	swait.ge @!p1 [sflag:s0], $0x2000  }
0x14c: {  	s3 =	sshll.u32 s1, $0x3;
	s5 =	simm.s32 $0x90C0;
	[sflag:s0] =	ssyncset.done @!p1 $0x0  }
0x14d: {  	s10 =	simm.s32 $0x8;
	s9 =	sadd.s32 s30, s3;
	[sflag:s0] =	ssyncadd.s32 @!p1 $0xFFFFE000  }
0x14e: {  	[tilespmem:s5], [sflag:$0x6] =	stream.linear.gather [hbm4b:s9+s6], $0x40, $0x38;
	[tilespmem:$0x1E980] =	vst v63  }
0x14f: {  	_ =	swait.ge [sflag:s10], $0x1C00  }
0x150: {  	[sflag:s10] =	ssyncset.done $0x0  }
0x151: {  	[sflag:s10] =	ssyncadd.s32 $0xFFFFE400  }
0x152: {  	_ =	swait.ge [sflag:s23], $0x1800  }
0x153: {  	[sflag:s23] =	ssyncset.done $0x0  }
0x154: {  	[sflag:s23] =	ssyncadd.s32 $0xFFFFE800  }
0x155: {  	_ =	swait.ge [sflag:s23], $0x400  }
0x156: {  	s0 =	sld [smem:$0x7F5]  }
0x157: {  	p0 =	sgt.u32 s1, $0x983  }
0x158: {  	s1 =	simm.s32 @!p0 $0x0;
	s5 =	simm.s32 $0x74B0;
	[sflag:s23] =	ssyncset.done $0x0  }
0x159: {  	[sflag:s23] =	ssyncadd.s32 $0xFFFFFC00;
	s0 =	sadd.s32 @!p0 s3, s0;
	s3 =	simm.s32 @!p0 $0x9080  }
0x15a: {  	[tilespmem:s3], [sflag:$0x7] =	stream.linear.gather @!p0 [hbm4b:s0+s1], $0x40, $0x38;
	[tilespmem:$0x1E980] =	vst v63  }
0x15b: {  	v3 =	vld [tilespmem:s5+$0xFFFFFFF0]  }
0x15c: {  	s13 =	simm.s32 $0x0;
	v0 =	vld [tilespmem:s5+$0x10]  }
0x15d: {  	s17 =	simm.s32 $0x58B0;
	v5 =	vld [tilespmem:s13+$0x8C80]  }
0x15e: {  	v1 =	vld [tilespmem:s17+$0x10]  }
0x15f: {  	v6 =	vld [tilespmem:s17+$0x30]  }
0x160: {  	v4 =	vld [tilespmem:s17+$0xFFFFFFF0]  }
0x161: {  	v7 =	vld [tilespmem:s17+$0xFFFFFFD0]  }
0x162: {  	v9 =	vld [tilespmem:s5+$0xFFFFFFD0]  }
0x163: {  	v8 =	vmul.f32 v0, v1  }
0x164: {  	v1 =	vbroadcast v5, $0x0;
	v2 =	vbroadcast v5, $0x1  }
0x165: {  	v0 =	vbroadcast v6, $0x2;
	v10 =	vmul.f32 v3, v4  }
0x166: {  	v4 =	vbroadcast v6, $0x0;
	v3 =	vbroadcast v6, $0x1  }
0x167: {  	v5 =	vbroadcast v5, $0x2;
	v7 =	vmul.f32 v9, v7  }
0x168: {  	v6 =	vmul.f32 v10, v2;
	v12 =	vmul.f32 v8, v3  }
0x169: {  	v11 =	vmul.f32 v8, v0;
	v13 =	vmul.f32 v10, v5  }
0x16a: {  	s9 =	simm.s32 $0x9140;
	v9 =	vmul.f32 v10, v1;
	v8 =	vmul.f32 v8, v4;
	v6 =	vadd.f32 v12, v6  }
0x16b: {  	[tilespmem:s9+$0xFFFFFFC0] =	vst v7;
	v10 =	vadd.f32 v11, v13  }
0x16c: {  	v7 =	vadd.f32 v8, v9;
	[tilespmem:s9+$0x0] =	vst v6  }
0x16d: {  	[tilespmem:s9+$0x20] =	vst v10  }
0x16e: {  	[tilespmem:s9+$0xFFFFFFE0] =	vst v7  }
0x16f: {  	v7 =	vld [tilespmem:s17+$0x0]  }
0x170: {  	v9 =	vld [tilespmem:s5+$0x0]  }
0x171: {  	s24 =	simm.s32 $0x5920;
	s7 =	simm.s32 $0x80;
	v8 =	vld [tilespmem:s5+$0x20]  }
0x172: {  	s25 =	simm.s32 $0x10;
	s10 =	simm.s32 $0x7510;
	s0 =	simm.s32 $0x7510;
	v10 =	vld [tilespmem:s17+$0x20]  }
0x173: {  	s1 =	simm.s32 $0x91C0;
	s3 =	simm.s32 $0x5920;
	s13 =	simm.s32 $0x91C0;
	v6 =	vld [tilespmem:s17+$0xFFFFFFE0]  }
.LBB2_30:
0x174: {  	s13 =	sadd.s32 $0x80, s13  }
0x175: {  	s10 =	sadd.s32 $0x60, s10;
	s24 =	sadd.s32 $0x70, s24;
	s17 =	smov.u32 s7  }
0x176: {  	p0 =	sne.s32 s7, $0xFC0;
	s7 =	sadd.s32 $0x40, s7;
	v11 =	vld [tilespmem:s5+$0xFFFFFFE0];
	v7 =	vmul.f32 v9, v7;
	s5 =	smov.u32 s0  }
0x177: {  	s0 =	smov.u32 s10  }
0x178: {  	v8 =	vmul.f32 v8, v10;
	v5 =	vmul.f32 v7, v5  }
0x179: {  	v1 =	vmul.f32 v7, v1;
	v2 =	vmul.f32 v7, v2  }
0x17a: {  	v4 =	vmul.f32 v8, v4;
	v3 =	vmul.f32 v8, v3  }
0x17b: {  	v0 =	vmul.f32 v8, v0;
	v6 =	vmul.f32 v11, v6  }
0x17c: {  	v1 =	vadd.f32 v4, v1;
	v2 =	vadd.f32 v3, v2  }
0x17d: {  	v0 =	vadd.f32 v0, v5;
	[tilespmem:s9+$0xFFFFFFD0] =	vst v6  }
0x17e: {  	[tilespmem:s9+$0xFFFFFFF0] =	vst v1  }
0x17f: {  	[tilespmem:s9+$0x30] =	vst v0  }
0x180: {  	[tilespmem:s9+$0x10] =	vst v2;
	s9 =	smov.u32 s1;
	s1 =	smov.u32 s13;
	_ =	sdelay $0x1  }
0x181: {  	v3 =	vld [tilespmem:s5+$0xFFFFFFF0]  }
0x182: {  	s17 =	sshra.s32 s17, $0x2;
	v0 =	vld [tilespmem:s5+$0x10]  }
0x183: {  	v5 =	vld [tilespmem:s25+$0x8C80];
	s25 =	smov.u32 s17  }
0x184: {  	v1 =	vld [tilespmem:s3+$0x10]  }
0x185: {  	v6 =	vld [tilespmem:s3+$0x30]  }
0x186: {  	v4 =	vld [tilespmem:s3+$0xFFFFFFF0];
	_ =	sdelay $0x2  }
0x187: {  	v7 =	vld [tilespmem:s3+$0xFFFFFFD0];
	v8 =	vmul.f32 v0, v1;
	v1 =	vbroadcast v5, $0x0  }
0x188: {  	v2 =	vbroadcast v5, $0x1;
	v9 =	vld [tilespmem:s5+$0xFFFFFFD0];
	v0 =	vbroadcast v6, $0x2  }
0x189: {  	v10 =	vmul.f32 v3, v4;
	v4 =	vbroadcast v6, $0x0  }
0x18a: {  	v5 =	vbroadcast v5, $0x2;
	v3 =	vbroadcast v6, $0x1  }
0x18b: {  	v11 =	vmul.f32 v8, v0;
	v6 =	vmul.f32 v10, v2  }
0x18c: {  	v12 =	vmul.f32 v8, v3;
	v13 =	vmul.f32 v10, v5  }
0x18d: {  	v7 =	vmul.f32 v9, v7;
	v9 =	vmul.f32 v10, v1  }
0x18e: {  	v8 =	vmul.f32 v8, v4;
	v6 =	vadd.f32 v12, v6;
	v10 =	vadd.f32 v11, v13  }
0x18f: {  	[tilespmem:s9+$0xFFFFFFC0] =	vst v7  }
0x190: {  	v7 =	vadd.f32 v8, v9;
	[tilespmem:s9+$0x0] =	vst v6  }
0x191: {  	[tilespmem:s9+$0x20] =	vst v10  }
0x192: {  	[tilespmem:s9+$0xFFFFFFE0] =	vst v7  }
.Ltmp18:
0x193: {  	v7 =	vld [tilespmem:s3+$0x0];
	(pc) =	sbr.rel @p0 .LBB2_30-.Ltmp18, $4  }
0x194: {  	v9 =	vld [tilespmem:s5+$0x0]  }
0x195: {  	v8 =	vld [tilespmem:s5+$0x20]  }
0x196: {  	v10 =	vld [tilespmem:s3+$0x20]  }
0x197: {  	v6 =	vld [tilespmem:s3+$0xFFFFFFE0];
	s3 =	smov.u32 s24  }
0x198: {  	_ = 	snop  }
0x199: {  	v11 =	vld [tilespmem:s5+$0xFFFFFFE0]  }
0x19a: {  	v7 =	vmul.f32 v9, v7  }
0x19b: {  	v8 =	vmul.f32 v8, v10  }
0x19c: {  	v5 =	vmul.f32 v7, v5  }
0x19d: {  	v1 =	vmul.f32 v7, v1;
	v4 =	vmul.f32 v8, v4  }
0x19e: {  	v6 =	vmul.f32 v11, v6;
	v0 =	vmul.f32 v8, v0  }
0x19f: {  	v2 =	vmul.f32 v7, v2;
	v3 =	vmul.f32 v8, v3;
	v1 =	vadd.f32 v4, v1  }
0x1a0: {  	[tilespmem:s9+$0xFFFFFFD0] =	vst v6;
	v0 =	vadd.f32 v0, v5  }
0x1a1: {  	v2 =	vadd.f32 v3, v2;
	[tilespmem:s9+$0xFFFFFFF0] =	vst v1  }
0x1a2: {  	[tilespmem:s9+$0x30] =	vst v0  }
0x1a3: {  	[tilespmem:s9+$0x10] =	vst v2  }
0x1a4: {  	v0 =	vld [tilespmem:s0+$0xFFFFFFF0]  }
0x1a5: {  	v1 =	vld [tilespmem:s0+$0x10]  }
0x1a6: {  	v2 =	vld [tilespmem:s25+$0x8C80]  }
0x1a7: {  	v48 =	vld [tilespmem:s3+$0x10]  }
0x1a8: {  	v49 =	vld [tilespmem:s3+$0x30]  }
0x1a9: {  	v50 =	vld [tilespmem:s3+$0xFFFFFFF0]  }
0x1aa: {  	v6 =	vld [tilespmem:s3+$0xFFFFFFD0]  }
0x1ab: {  	v52 =	vld [tilespmem:s0+$0xFFFFFFD0]  }
0x1ac: {  	v1 =	vmul.f32 v1, v48  }
0x1ad: {  	v51 =	vbroadcast v2, $0x0;
	v53 =	vbroadcast v2, $0x1  }
0x1ae: {  	v54 =	vbroadcast v49, $0x2;
	v0 =	vmul.f32 v0, v50  }
0x1af: {  	v55 =	vbroadcast v49, $0x0;
	v4 =	vbroadcast v49, $0x1  }
0x1b0: {  	v2 =	vbroadcast v2, $0x2;
	v6 =	vmul.f32 v52, v6  }
0x1b1: {  	v56 =	vmul.f32 v0, v53;
	v12 =	vmul.f32 v1, v4  }
0x1b2: {  	v57 =	vmul.f32 v1, v54;
	v13 =	vmul.f32 v0, v2  }
0x1b3: {  	v0 =	vmul.f32 v0, v51;
	v1 =	vmul.f32 v1, v55;
	v58 =	vadd.f32 v12, v56  }
0x1b4: {  	[tilespmem:s1+$0xFFFFFFC0] =	vst v6;
	v59 =	vadd.f32 v57, v13  }
0x1b5: {  	v0 =	vadd.f32 v1, v0;
	[tilespmem:s1+$0x0] =	vst v58  }
0x1b6: {  	[tilespmem:s1+$0x20] =	vst v59  }
0x1b7: {  	[tilespmem:s1+$0xFFFFFFE0] =	vst v0  }
0x1b8: {  	v0 =	vld [tilespmem:s3+$0x0]  }
0x1b9: {  	v60 =	vld [tilespmem:s0+$0x0]  }
0x1ba: {  	v6 =	vld [tilespmem:s0+$0x20]  }
0x1bb: {  	v7 =	vld [tilespmem:s3+$0x20]  }
0x1bc: {  	v10 =	vld [tilespmem:s3+$0xFFFFFFE0]  }
0x1bd: {  	v61 =	vld [tilespmem:s0+$0xFFFFFFE0];
	_ =	sdelay $0x3  }
0x1be: {  	v0 =	vmul.f32 v60, v0;
	v62 =	vmul.f32 v6, v7  }
0x1bf: {  	v63 =	vmul.f32 v61, v10  }
0x1c0: {  	v3 =	vmul.f32 v0, v51;
	v5 =	vmul.f32 v62, v55  }
0x1c1: {  	v2 =	vmul.f32 v0, v2;
	v7 =	vmul.f32 v62, v54  }
0x1c2: {  	v0 =	vmul.f32 v0, v53;
	v1 =	vmul.f32 v62, v4;
	v3 =	vadd.f32 v5, v3  }
0x1c3: {  	[tilespmem:s1+$0xFFFFFFD0] =	vst v63;
	v2 =	vadd.f32 v7, v2  }
0x1c4: {  	v0 =	vadd.f32 v1, v0;
	[tilespmem:s1+$0xFFFFFFF0] =	vst v3  }
0x1c5: {  	[tilespmem:s1+$0x30] =	vst v2  }
0x1c6: {  	s17 =	simm.s32 $0x6;
	[tilespmem:s1+$0x10] =	vst v0  }
.Ltmp19:
0x1c7: {  	_ =	swait.ge [sflag:s17], $0x40;
	(pc) =	sbr.rel .LBB2_32-.Ltmp19, $4  }
0x1c8: {  	[sflag:s17] =	ssyncset.done $0x0  }
0x1c9: {  	[sflag:s17] =	ssyncadd.s32 $0xFFFFFFC0  }
0x1ca: {  	s24 =	simm.s32 $0x90C0;
	s25 =	simm.s32 $0x9100;
	s0 =	rddreg [dreg:$0x5]  }
0x1cb: {  	[spmem:s0] =	stream.indirect.scatter.add.f32 [tilespmem:s25], [sflag:$0x6], $0x80, s24, s19, $0xb8;
	[tilespmem:$0x1E980] =	vst v63  }
.LBB2_33:
0x1cc: {  	s0 =	simm.s32 $0x2  }
0x1cd: {  	_ =	swait.ge [sflag:s0], $0x2000  }
0x1ce: {  	[sflag:s0] =	ssyncset.done $0x0  }
0x1cf: {  	s10 =	simm.s32 $0x6;
	[sflag:s0] =	ssyncadd.s32 $0xFFFFE000  }
0x1d0: {  	_ =	swait.ge [sflag:s10], $0x2000  }
0x1d1: {  	[sflag:s10] =	ssyncset.done $0x0  }
0x1d2: {  	[sflag:s10] =	ssyncadd.s32 $0xFFFFE000  }
0x1d3: {  	[bflag:$0x0] =	sbarrier.arrive $0xFFFF  }
0x1d4: {  	s5 =	sld [smem:$0x7F4]  }
0x1d5: {  	s13 =	rddreg [dreg:$0x9]  }
0x1d6: {  	s3 =	simm.s32 $0x9;
	s1 =	rddreg [dreg:$0xd]  }
0x1d7: {  	[hbm:s1], [sflag:s13] =	dma.local [spmem:s5], $0x2710  }
0x1d8: {  	_ =	swait.ge [sflag:s3], $0x2710  }
0x1d9: {  	[sflag:s3] =	ssyncset.done $0x0  }
0x1da: {  	[sflag:s3] =	ssyncadd.s32 $0xFFFFD8F0  }
0x1db: {  	[bflag:$0x0] =	sbarrier.arrive $0xFFFF  }
0x1dc: {  	s17 =	rddreg [dreg:$0x1f]  }
0x1dd: {  	[spmem:s5], [sflag:s13] =	dma.local [hbm:s17], $0x2710  }
0x1de: {  	_ =	swait.ge [sflag:s3], $0x2710  }
0x1df: {  	[sflag:s3] =	ssyncset.done $0x0  }
0x1e0: {  	[sflag:s3] =	ssyncadd.s32 $0xFFFFD8F0  }
0x1e1: {  	[bflag:$0x0] =	sbarrier.arrive $0xFFFF  }
0x1e2: {  	s18 =	simm.s32 $0x0;
	s25 =	simm.s32 $0x3800;
	s24 =	rddreg [dreg:$0x19]  }
0x1e3: {  	[tilespmem:s25], [sflag:$0x9] =	stream.linear.gather [hbm4b:s24+s18], $0x40, $0x38;
	[tilespmem:$0x1E980] =	vst v63  }
0x1e4: {  	_ =	swait.ge [sflag:s3], $0x40  }
0x1e5: {  	s0 =	simm.s32 $0x1C00;
	s1 =	simm.s32 $0x30;
	[sflag:s3] =	ssyncset.done $0x0  }
0x1e6: {  	s5 =	sadd.s32 $0x0, s20;
	[sflag:s3] =	ssyncadd.s32 $0xFFFFFFC0;
	s3 =	simm.s32 $0x1C60  }
0x1e7: {  	[tilespmem:s18], [sflag:$0x4] =	stream.indirect.gather [hbm4b:s15+s19], $0x70, s25, s19, $0xb8;
	[tilespmem:$0x1E980] =	vst v63  }
.LBB2_34:
0x1e8: {  	[tilespmem:s0], [sflag:$0x1] =	stream.linear.gather [hbm4b:s5+s6], $0x20, $0x38;
	[tilespmem:$0x1E980] =	vst v63  }
0x1e9: {  	s5 =	smov.u32 s1;
	s0 =	smov.u32 s3;
	p0 =	sne.s32 s1, $0xBD0  }
.Ltmp20:
0x1ea: {  	s1 =	sadd.s32 $0x30, s1;
	(pc) =	sbr.rel @p0 .LBB2_34-.Ltmp20, $2  }
0x1eb: {  	_ =	sdelay $0x2  }
0x1ec: {  	s3 =	sadd.s32 $0x60, s3;
	s5 =	sadd.s32 s5, s20  }
0x1ed: {  	[tilespmem:s0], [sflag:$0x1] =	stream.linear.gather [hbm4b:s5+s6], $0x20, $0x38;
	[tilespmem:$0x1E980] =	vst v63  }
0x1ee: {  	s0 =	simm.s32 $0x1C20  }
0x1ef: {  	s1 =	simm.s32 $0x30;
	s5 =	sadd.s32 $0x0, s21;
	s3 =	simm.s32 $0x1C80  }
.LBB2_36:
0x1f0: {  	[tilespmem:s0], [sflag:$0x1] =	stream.linear.gather [hbm4b:s5+s6], $0x20, $0x38;
	[tilespmem:$0x1E980] =	vst v63  }
0x1f1: {  	s5 =	smov.u32 s1;
	s0 =	smov.u32 s3;
	p0 =	sne.s32 s1, $0xBD0  }
.Ltmp21:
0x1f2: {  	s1 =	sadd.s32 $0x30, s1;
	(pc) =	sbr.rel @p0 .LBB2_36-.Ltmp21, $2  }
0x1f3: {  	_ =	sdelay $0x2  }
0x1f4: {  	s3 =	sadd.s32 $0x60, s3;
	s5 =	sadd.s32 s5, s21  }
0x1f5: {  	[tilespmem:s0], [sflag:$0x1] =	stream.linear.gather [hbm4b:s5+s6], $0x20, $0x38;
	[tilespmem:$0x1E980] =	vst v63  }
0x1f6: {  	s0 =	simm.s32 $0x1C40  }
0x1f7: {  	s1 =	simm.s32 $0x30;
	s5 =	sadd.s32 $0x0, s22;
	s3 =	simm.s32 $0x1CA0  }
.LBB2_38:
0x1f8: {  	[tilespmem:s0], [sflag:$0x1] =	stream.linear.gather [hbm4b:s5+s6], $0x20, $0x38;
	[tilespmem:$0x1E980] =	vst v63  }
0x1f9: {  	s5 =	smov.u32 s1;
	s0 =	smov.u32 s3;
	p0 =	sne.s32 s1, $0xBD0  }
.Ltmp22:
0x1fa: {  	s1 =	sadd.s32 $0x30, s1;
	(pc) =	sbr.rel @p0 .LBB2_38-.Ltmp22, $2  }
0x1fb: {  	_ =	sdelay $0x2  }
0x1fc: {  	s3 =	sadd.s32 $0x60, s3;
	s5 =	sadd.s32 s5, s22  }
0x1fd: {  	[tilespmem:s0], [sflag:$0x1] =	stream.linear.gather [hbm4b:s5+s6], $0x20, $0x38;
	[tilespmem:$0x1E980] =	vst v63  }
.Ltmp23:
0x1fe: {  	_ = 	snop;
	(pc) =	sbr.rel .LBB2_40-.Ltmp23, $4  }
0x1ff: {  	s18 =	simm.s32 $0x0;
	s17 =	rddreg [dreg:$0xc];
	s1 =	simm.s32 $0x3400  }
0x200: {  	[tilespmem:s1], [sflag:$0x1] =	stream.linear.gather [hbm4b:s17+s18], $0x400, $0x38;
	[tilespmem:$0x1E980] =	vst v63  }
0x201: {  	s24 =	rddreg [dreg:$0x1a];
	s25 =	simm.s32 $0x9080  }
0x202: {  	[tilespmem:s25], [sflag:$0x7] =	stream.linear.gather [hbm4b:s24+s18], $0x40, $0x38;
	[tilespmem:$0x1E980] =	vst v63  }
.LBB2_64:
0x203: {  	s18 =	sadd.s32 $0x1, s18  }
0x204: {  	p0 =	sne.s32 s18, $0x28  }
.Ltmp24:
0x205: {  	_ = 	snop;
	(pc) =	sbr.rel @!p0 .LBB2_65-.Ltmp24, $1  }
0x206: {  	_ =	sdelay $0x3  }
.LBB2_40:
0x207: {  	s3 =	sshll.u32 s18, $0x6;
	s0 =	rddreg [dreg:$0x7]  }
0x208: {  	s0 =	sor.u32 s0, s3  }
0x209: {  	s1 =	sor.u32 $0x20, s0  }
0x20a: {  	p0 =	sgt.u32 s1, $0x9C3  }
.Ltmp25:
0x20b: {  	_ = 	snop;
	(pc) =	sbr.rel @p0 .LBB2_48-.Ltmp25, $1  }
0x20c: {  	_ =	sdelay $0x3  }
0x20d: {  	s5 =	simm.s32 $0x7  }
0x20e: {  	_ =	swait.ge [sflag:s5], $0x40  }
0x20f: {  	s7 =	simm.s32 $0x9080;
	s9 =	simm.s32 $0x5880;
	[sflag:s5] =	ssyncset.done $0x0  }
0x210: {  	s25 =	rddreg [dreg:$0xe];
	[sflag:s5] =	ssyncadd.s32 $0xFFFFFFC0;
	s5 =	smul.u32 $0xC00, s1  }
0x211: {  	[tilespmem:s9], [sflag:$0x8] =	stream.indirect.gather [hbm4b:s15+s19], $0x70, s7, s19, $0xb8;
	[tilespmem:$0x1E980] =	vst v63  }
0x212: {  	s10 =	simm.s32 $0x30;
	s7 =	sadd.s32 s5, s25  }
0x213: {  	s13 =	simm.s32 $0x74E0;
	s9 =	simm.s32 $0x7480;
	s24 =	sadd.s32 $0x0, s7  }
.LBB2_42:
0x214: {  	[tilespmem:s9], [sflag:$0x5] =	stream.linear.gather [hbm4b:s24+s6], $0x20, $0x38;
	[tilespmem:$0x1E980] =	vst v63  }
0x215: {  	s17 =	smov.u32 s10;
	s9 =	smov.u32 s13;
	p1 =	sne.s32 s10, $0xBD0  }
.Ltmp26:
0x216: {  	s10 =	sadd.s32 $0x30, s10;
	(pc) =	sbr.rel @p1 .LBB2_42-.Ltmp26, $2  }
0x217: {  	_ =	sdelay $0x2  }
0x218: {  	s13 =	sadd.s32 $0x60, s13;
	s24 =	sadd.s32 s17, s7  }
0x219: {  	[tilespmem:s9], [sflag:$0x5] =	stream.linear.gather [hbm4b:s24+s6], $0x20, $0x38;
	[tilespmem:$0x1E980] =	vst v63  }
0x21a: {  	s7 =	rddreg [dreg:$0xf]  }
0x21b: {  	s9 =	simm.s32 $0x74A0;
	s7 =	sadd.s32 s5, s7  }
0x21c: {  	s10 =	simm.s32 $0x30;
	s13 =	simm.s32 $0x7500;
	s24 =	sadd.s32 $0x0, s7  }
.LBB2_44:
0x21d: {  	[tilespmem:s9], [sflag:$0x5] =	stream.linear.gather [hbm4b:s24+s6], $0x20, $0x38;
	[tilespmem:$0x1E980] =	vst v63  }
0x21e: {  	s17 =	smov.u32 s10;
	s9 =	smov.u32 s13;
	p1 =	sne.s32 s10, $0xBD0  }
.Ltmp27:
0x21f: {  	s10 =	sadd.s32 $0x30, s10;
	(pc) =	sbr.rel @p1 .LBB2_44-.Ltmp27, $2  }
0x220: {  	_ =	sdelay $0x2  }
0x221: {  	s13 =	sadd.s32 $0x60, s13;
	s24 =	sadd.s32 s17, s7  }
0x222: {  	[tilespmem:s9], [sflag:$0x5] =	stream.linear.gather [hbm4b:s24+s6], $0x20, $0x38;
	[tilespmem:$0x1E980] =	vst v63  }
0x223: {  	s7 =	rddreg [dreg:$0x10]  }
0x224: {  	s9 =	simm.s32 $0x30;
	s5 =	sadd.s32 s5, s7  }
0x225: {  	s10 =	simm.s32 $0x7520;
	s7 =	simm.s32 $0x74C0;
	s13 =	sadd.s32 $0x0, s5  }
.LBB2_46:
0x226: {  	[tilespmem:s7], [sflag:$0x5] =	stream.linear.gather [hbm4b:s13+s6], $0x20, $0x38;
	[tilespmem:$0x1E980] =	vst v63  }
0x227: {  	s13 =	smov.u32 s9;
	s7 =	smov.u32 s10;
	p1 =	sne.s32 s9, $0xBD0  }
.Ltmp28:
0x228: {  	s9 =	sadd.s32 $0x30, s9;
	(pc) =	sbr.rel @p1 .LBB2_46-.Ltmp28, $2  }
0x229: {  	_ =	sdelay $0x2  }
0x22a: {  	s10 =	sadd.s32 $0x60, s10;
	s13 =	sadd.s32 s13, s5  }
0x22b: {  	[tilespmem:s7], [sflag:$0x5] =	stream.linear.gather [hbm4b:s13+s6], $0x20, $0x38;
	[tilespmem:$0x1E980] =	vst v63  }
0x22c: {  	s5 =	sshll.u32 s1, $0x7  }
0x22d: {  	s25 =	simm.s32 $0x8C80;
	s5 =	sadd.s32 s31, s5  }
0x22e: {  	[tilespmem:s25], [sflag:$0x5] =	stream.linear.gather [hbm4b:s5+s6], $0x400, $0x38;
	[tilespmem:$0x1E980] =	vst v63  }
.LBB2_48:
0x22f: {  	p2 =	sgt.u32 s0, $0x9C3  }
.Ltmp29:
0x230: {  	_ = 	snop;
	(pc) =	sbr.rel @p2 .LBB2_52-.Ltmp29, $2  }
0x231: {  	_ =	sdelay $0x2  }
0x232: {  	p1 =	seq.s32 s18, $0x0  }
0x233: {  	s5 =	simm.s32 @!p1 $0x2  }
0x234: {  	_ =	swait.ge @!p1 [sflag:s5], $0x2000  }
0x235: {  	s7 =	sshll.u32 s0, $0x3;
	s9 =	simm.s32 $0x3840;
	[sflag:s5] =	ssyncset.done @!p1 $0x0  }
0x236: {  	s10 =	simm.s32 $0x4;
	s25 =	sadd.s32 s30, s7;
	[sflag:s5] =	ssyncadd.s32 @!p1 $0xFFFFE000  }
0x237: {  	[tilespmem:s9], [sflag:$0x2] =	stream.linear.gather [hbm4b:s25+s6], $0x40, $0x38;
	[tilespmem:$0x1E980] =	vst v63  }
0x238: {  	_ =	swait.ge [sflag:s10], $0x1C00  }
0x239: {  	[sflag:s10] =	ssyncset.done $0x0  }
0x23a: {  	[sflag:s10] =	ssyncadd.s32 $0xFFFFE400  }
0x23b: {  	_ =	swait.ge [sflag:s2], $0x1800  }
0x23c: {  	[sflag:s2] =	ssyncset.done $0x0  }
0x23d: {  	[sflag:s2] =	ssyncadd.s32 $0xFFFFE800  }
0x23e: {  	_ =	swait.ge [sflag:s2], $0x400  }
0x23f: {  	p2 =	sgt.u32 s0, $0x983;
	s0 =	sld [smem:$0x7F6];
	_ =	sdelay $0x1  }
0x240: {  	s5 =	simm.s32 @!p2 $0x0;
	s25 =	simm.s32 $0x1C30;
	[sflag:s2] =	ssyncset.done $0x0  }
0x241: {  	[sflag:s2] =	ssyncadd.s32 $0xFFFFFC00;
	s0 =	sadd.s32 @!p2 s7, s0;
	s7 =	simm.s32 @!p2 $0x3800  }
0x242: {  	[tilespmem:s7], [sflag:$0x3] =	stream.linear.gather @!p2 [hbm4b:s0+s5], $0x40, $0x38;
	[tilespmem:$0x1E980] =	vst v63  }
0x243: {  	v3 =	vld [tilespmem:s25+$0xFFFFFFF0]  }
0x244: {  	s13 =	simm.s32 $0x0;
	v0 =	vld [tilespmem:s25+$0x10]  }
0x245: {  	s17 =	simm.s32 $0x30;
	v5 =	vld [tilespmem:s13+$0x3400]  }
0x246: {  	v1 =	vld [tilespmem:s17+$0x10]  }
0x247: {  	v6 =	vld [tilespmem:s17+$0x30]  }
0x248: {  	v4 =	vld [tilespmem:s17+$0xFFFFFFF0]  }
0x249: {  	v7 =	vld [tilespmem:s17+$0xFFFFFFD0]  }
0x24a: {  	v9 =	vld [tilespmem:s25+$0xFFFFFFD0]  }
0x24b: {  	v8 =	vmul.f32 v0, v1  }
0x24c: {  	v1 =	vbroadcast v5, $0x0;
	v2 =	vbroadcast v5, $0x1  }
0x24d: {  	v0 =	vbroadcast v6, $0x2;
	v10 =	vmul.f32 v3, v4  }
0x24e: {  	v4 =	vbroadcast v6, $0x0;
	v3 =	vbroadcast v6, $0x1  }
0x24f: {  	v5 =	vbroadcast v5, $0x2;
	v7 =	vmul.f32 v9, v7  }
0x250: {  	v6 =	vmul.f32 v10, v2;
	v12 =	vmul.f32 v8, v3  }
0x251: {  	v11 =	vmul.f32 v8, v0;
	v13 =	vmul.f32 v10, v5  }
0x252: {  	s9 =	simm.s32 $0x38C0;
	v9 =	vmul.f32 v10, v1;
	v8 =	vmul.f32 v8, v4;
	v6 =	vadd.f32 v12, v6  }
0x253: {  	[tilespmem:s9+$0xFFFFFFC0] =	vst v7;
	v10 =	vadd.f32 v11, v13  }
0x254: {  	v7 =	vadd.f32 v8, v9;
	[tilespmem:s9+$0x0] =	vst v6  }
0x255: {  	[tilespmem:s9+$0x20] =	vst v10  }
0x256: {  	[tilespmem:s9+$0xFFFFFFE0] =	vst v7  }
0x257: {  	v7 =	vld [tilespmem:s17+$0x0]  }
0x258: {  	v9 =	vld [tilespmem:s25+$0x0]  }
0x259: {  	s24 =	simm.s32 $0xA0;
	s31 =	simm.s32 $0xA0;
	v8 =	vld [tilespmem:s25+$0x20]  }
0x25a: {  	s30 =	simm.s32 $0x10;
	s10 =	simm.s32 $0x1C90;
	s7 =	simm.s32 $0x80;
	v10 =	vld [tilespmem:s17+$0x20]  }
0x25b: {  	s0 =	simm.s32 $0x1C90;
	s5 =	simm.s32 $0x3940;
	s13 =	simm.s32 $0x3940;
	v6 =	vld [tilespmem:s17+$0xFFFFFFE0]  }
.LBB2_50:
0x25c: {  	s13 =	sadd.s32 $0x80, s13  }
0x25d: {  	s10 =	sadd.s32 $0x60, s10;
	s24 =	sadd.s32 $0x70, s24;
	s17 =	smov.u32 s7  }
0x25e: {  	p2 =	sne.s32 s7, $0xFC0;
	s7 =	sadd.s32 $0x40, s7;
	v11 =	vld [tilespmem:s25+$0xFFFFFFE0];
	v7 =	vmul.f32 v9, v7;
	s25 =	smov.u32 s0  }
0x25f: {  	s0 =	smov.u32 s10  }
0x260: {  	v8 =	vmul.f32 v8, v10;
	v5 =	vmul.f32 v7, v5  }
0x261: {  	v1 =	vmul.f32 v7, v1;
	v2 =	vmul.f32 v7, v2  }
0x262: {  	v4 =	vmul.f32 v8, v4;
	v3 =	vmul.f32 v8, v3  }
0x263: {  	v0 =	vmul.f32 v8, v0;
	v6 =	vmul.f32 v11, v6  }
0x264: {  	v1 =	vadd.f32 v4, v1;
	v2 =	vadd.f32 v3, v2  }
0x265: {  	v0 =	vadd.f32 v0, v5;
	[tilespmem:s9+$0xFFFFFFD0] =	vst v6  }
0x266: {  	[tilespmem:s9+$0xFFFFFFF0] =	vst v1  }
0x267: {  	[tilespmem:s9+$0x30] =	vst v0  }
0x268: {  	[tilespmem:s9+$0x10] =	vst v2;
	s9 =	smov.u32 s5;
	s5 =	smov.u32 s13;
	_ =	sdelay $0x1  }
0x269: {  	v3 =	vld [tilespmem:s25+$0xFFFFFFF0]  }
0x26a: {  	s17 =	sshra.s32 s17, $0x2;
	v0 =	vld [tilespmem:s25+$0x10]  }
0x26b: {  	v5 =	vld [tilespmem:s30+$0x3400];
	s30 =	smov.u32 s17  }
0x26c: {  	v1 =	vld [tilespmem:s31+$0x10]  }
0x26d: {  	v6 =	vld [tilespmem:s31+$0x30]  }
0x26e: {  	v4 =	vld [tilespmem:s31+$0xFFFFFFF0];
	_ =	sdelay $0x2  }
0x26f: {  	v7 =	vld [tilespmem:s31+$0xFFFFFFD0];
	v8 =	vmul.f32 v0, v1;
	v1 =	vbroadcast v5, $0x0  }
0x270: {  	v2 =	vbroadcast v5, $0x1;
	v9 =	vld [tilespmem:s25+$0xFFFFFFD0];
	v0 =	vbroadcast v6, $0x2  }
0x271: {  	v10 =	vmul.f32 v3, v4;
	v4 =	vbroadcast v6, $0x0  }
0x272: {  	v5 =	vbroadcast v5, $0x2;
	v3 =	vbroadcast v6, $0x1  }
0x273: {  	v11 =	vmul.f32 v8, v0;
	v6 =	vmul.f32 v10, v2  }
0x274: {  	v12 =	vmul.f32 v8, v3;
	v13 =	vmul.f32 v10, v5  }
0x275: {  	v7 =	vmul.f32 v9, v7;
	v9 =	vmul.f32 v10, v1  }
0x276: {  	v8 =	vmul.f32 v8, v4;
	v6 =	vadd.f32 v12, v6;
	v10 =	vadd.f32 v11, v13  }
0x277: {  	[tilespmem:s9+$0xFFFFFFC0] =	vst v7  }
0x278: {  	v7 =	vadd.f32 v8, v9;
	[tilespmem:s9+$0x0] =	vst v6  }
0x279: {  	[tilespmem:s9+$0x20] =	vst v10  }
0x27a: {  	[tilespmem:s9+$0xFFFFFFE0] =	vst v7  }
.Ltmp30:
0x27b: {  	v7 =	vld [tilespmem:s31+$0x0];
	(pc) =	sbr.rel @p2 .LBB2_50-.Ltmp30, $4  }
0x27c: {  	v9 =	vld [tilespmem:s25+$0x0]  }
0x27d: {  	v8 =	vld [tilespmem:s25+$0x20]  }
0x27e: {  	v10 =	vld [tilespmem:s31+$0x20]  }
0x27f: {  	v6 =	vld [tilespmem:s31+$0xFFFFFFE0];
	s31 =	smov.u32 s24  }
0x280: {  	_ = 	snop  }
0x281: {  	v11 =	vld [tilespmem:s25+$0xFFFFFFE0]  }
0x282: {  	v7 =	vmul.f32 v9, v7  }
0x283: {  	v8 =	vmul.f32 v8, v10  }
0x284: {  	v5 =	vmul.f32 v7, v5  }
0x285: {  	v1 =	vmul.f32 v7, v1;
	v4 =	vmul.f32 v8, v4  }
0x286: {  	v6 =	vmul.f32 v11, v6;
	v0 =	vmul.f32 v8, v0  }
0x287: {  	v2 =	vmul.f32 v7, v2;
	v3 =	vmul.f32 v8, v3;
	v1 =	vadd.f32 v4, v1  }
0x288: {  	[tilespmem:s9+$0xFFFFFFD0] =	vst v6;
	v0 =	vadd.f32 v0, v5  }
0x289: {  	v2 =	vadd.f32 v3, v2;
	[tilespmem:s9+$0xFFFFFFF0] =	vst v1  }
0x28a: {  	[tilespmem:s9+$0x30] =	vst v0  }
0x28b: {  	[tilespmem:s9+$0x10] =	vst v2  }
0x28c: {  	v0 =	vld [tilespmem:s0+$0xFFFFFFF0]  }
0x28d: {  	v1 =	vld [tilespmem:s0+$0x10]  }
0x28e: {  	v2 =	vld [tilespmem:s30+$0x3400]  }
0x28f: {  	v48 =	vld [tilespmem:s31+$0x10]  }
0x290: {  	v49 =	vld [tilespmem:s31+$0x30]  }
0x291: {  	v50 =	vld [tilespmem:s31+$0xFFFFFFF0]  }
0x292: {  	v6 =	vld [tilespmem:s31+$0xFFFFFFD0]  }
0x293: {  	v52 =	vld [tilespmem:s0+$0xFFFFFFD0]  }
0x294: {  	v1 =	vmul.f32 v1, v48  }
0x295: {  	v51 =	vbroadcast v2, $0x0;
	v53 =	vbroadcast v2, $0x1  }
0x296: {  	v54 =	vbroadcast v49, $0x2;
	v0 =	vmul.f32 v0, v50  }
0x297: {  	v55 =	vbroadcast v49, $0x0;
	v4 =	vbroadcast v49, $0x1  }
0x298: {  	v2 =	vbroadcast v2, $0x2;
	v6 =	vmul.f32 v52, v6  }
0x299: {  	v56 =	vmul.f32 v0, v53;
	v12 =	vmul.f32 v1, v4  }
0x29a: {  	v57 =	vmul.f32 v1, v54;
	v13 =	vmul.f32 v0, v2  }
0x29b: {  	v0 =	vmul.f32 v0, v51;
	v1 =	vmul.f32 v1, v55;
	v58 =	vadd.f32 v12, v56  }
0x29c: {  	[tilespmem:s5+$0xFFFFFFC0] =	vst v6;
	v59 =	vadd.f32 v57, v13  }
0x29d: {  	v0 =	vadd.f32 v1, v0;
	[tilespmem:s5+$0x0] =	vst v58  }
0x29e: {  	[tilespmem:s5+$0x20] =	vst v59  }
0x29f: {  	[tilespmem:s5+$0xFFFFFFE0] =	vst v0  }
0x2a0: {  	v0 =	vld [tilespmem:s31+$0x0]  }
0x2a1: {  	v60 =	vld [tilespmem:s0+$0x0]  }
0x2a2: {  	v6 =	vld [tilespmem:s0+$0x20]  }
0x2a3: {  	v7 =	vld [tilespmem:s31+$0x20]  }
0x2a4: {  	v10 =	vld [tilespmem:s31+$0xFFFFFFE0]  }
0x2a5: {  	v61 =	vld [tilespmem:s0+$0xFFFFFFE0];
	_ =	sdelay $0x3  }
0x2a6: {  	v0 =	vmul.f32 v60, v0;
	v62 =	vmul.f32 v6, v7  }
0x2a7: {  	v63 =	vmul.f32 v61, v10  }
0x2a8: {  	v3 =	vmul.f32 v0, v51;
	v5 =	vmul.f32 v62, v55  }
0x2a9: {  	v2 =	vmul.f32 v0, v2;
	v7 =	vmul.f32 v62, v54  }
0x2aa: {  	v0 =	vmul.f32 v0, v53;
	v1 =	vmul.f32 v62, v4;
	v3 =	vadd.f32 v5, v3  }
0x2ab: {  	[tilespmem:s5+$0xFFFFFFD0] =	vst v63;
	v2 =	vadd.f32 v7, v2  }
0x2ac: {  	v0 =	vadd.f32 v1, v0;
	[tilespmem:s5+$0xFFFFFFF0] =	vst v3  }
0x2ad: {  	[tilespmem:s5+$0x30] =	vst v2  }
0x2ae: {  	s24 =	simm.s32 $0x2;
	[tilespmem:s5+$0x10] =	vst v0  }
0x2af: {  	_ =	swait.ge [sflag:s24], $0x40  }
0x2b0: {  	[sflag:s24] =	ssyncset.done $0x0  }
0x2b1: {  	[sflag:s24] =	ssyncadd.s32 $0xFFFFFFC0  }
0x2b2: {  	s0 =	rddreg [dreg:$0x5]  }
0x2b3: {  	s30 =	rddreg [dreg:$0x1]  }
0x2b4: {  	s25 =	simm.s32 $0x3840;
	s7 =	simm.s32 $0x3880;
	s31 =	rddreg [dreg:$0x3]  }
0x2b5: {  	[spmem:s0] =	stream.indirect.scatter.add.f32 [tilespmem:s7], [sflag:$0x2], $0x80, s25, s19, $0xb8;
	[tilespmem:$0x1E980] =	vst v63  }
.LBB2_52:
0x2b6: {  	s0 =	sld [smem:$0x7FA];
	_ =	sdelay $0x2  }
0x2b7: {  	s0 =	sadd.s32 s0, s3  }
0x2b8: {  	p2 =	sgt.u32 s0, $0x9C3  }
.Ltmp31:
0x2b9: {  	_ = 	snop;
	(pc) =	sbr.rel @p2 .LBB2_60-.Ltmp31, $1  }
0x2ba: {  	_ =	sdelay $0x3  }
0x2bb: {  	s3 =	simm.s32 $0x3  }
0x2bc: {  	_ =	swait.ge [sflag:s3], $0x40  }
0x2bd: {  	s5 =	simm.s32 $0x0;
	s7 =	simm.s32 $0x3800;
	[sflag:s3] =	ssyncset.done $0x0  }
0x2be: {  	s25 =	rddreg [dreg:$0xe];
	[sflag:s3] =	ssyncadd.s32 $0xFFFFFFC0;
	s3 =	smul.u32 $0xC00, s0  }
0x2bf: {  	[tilespmem:s5], [sflag:$0x4] =	stream.indirect.gather [hbm4b:s15+s19], $0x70, s7, s19, $0xb8;
	[tilespmem:$0x1E980] =	vst v63  }
0x2c0: {  	s9 =	simm.s32 $0x30;
	s5 =	sadd.s32 s3, s25  }
0x2c1: {  	s10 =	simm.s32 $0x1C60;
	s7 =	simm.s32 $0x1C00;
	s13 =	sadd.s32 $0x0, s5  }
.LBB2_54:
0x2c2: {  	[tilespmem:s7], [sflag:$0x1] =	stream.linear.gather [hbm4b:s13+s6], $0x20, $0x38;
	[tilespmem:$0x1E980] =	vst v63  }
0x2c3: {  	s13 =	smov.u32 s9;
	s7 =	smov.u32 s10;
	p2 =	sne.s32 s9, $0xBD0  }
.Ltmp32:
0x2c4: {  	s9 =	sadd.s32 $0x30, s9;
	(pc) =	sbr.rel @p2 .LBB2_54-.Ltmp32, $2  }
0x2c5: {  	_ =	sdelay $0x2  }
0x2c6: {  	s10 =	sadd.s32 $0x60, s10;
	s13 =	sadd.s32 s13, s5  }
0x2c7: {  	[tilespmem:s7], [sflag:$0x1] =	stream.linear.gather [hbm4b:s13+s6], $0x20, $0x38;
	[tilespmem:$0x1E980] =	vst v63  }
0x2c8: {  	s5 =	rddreg [dreg:$0xf]  }
0x2c9: {  	s7 =	simm.s32 $0x1C20;
	s5 =	sadd.s32 s3, s5  }
0x2ca: {  	s9 =	simm.s32 $0x30;
	s10 =	simm.s32 $0x1C80;
	s13 =	sadd.s32 $0x0, s5  }
.LBB2_56:
0x2cb: {  	[tilespmem:s7], [sflag:$0x1] =	stream.linear.gather [hbm4b:s13+s6], $0x20, $0x38;
	[tilespmem:$0x1E980] =	vst v63  }
0x2cc: {  	s13 =	smov.u32 s9;
	s7 =	smov.u32 s10;
	p2 =	sne.s32 s9, $0xBD0  }
.Ltmp33:
0x2cd: {  	s9 =	sadd.s32 $0x30, s9;
	(pc) =	sbr.rel @p2 .LBB2_56-.Ltmp33, $2  }
0x2ce: {  	_ =	sdelay $0x2  }
0x2cf: {  	s10 =	sadd.s32 $0x60, s10;
	s13 =	sadd.s32 s13, s5  }
0x2d0: {  	[tilespmem:s7], [sflag:$0x1] =	stream.linear.gather [hbm4b:s13+s6], $0x20, $0x38;
	[tilespmem:$0x1E980] =	vst v63  }
0x2d1: {  	s5 =	rddreg [dreg:$0x10]  }
0x2d2: {  	s7 =	simm.s32 $0x30;
	s3 =	sadd.s32 s3, s5  }
0x2d3: {  	s9 =	simm.s32 $0x1CA0;
	s5 =	simm.s32 $0x1C40;
	s10 =	sadd.s32 $0x0, s3  }
.LBB2_58:
0x2d4: {  	[tilespmem:s5], [sflag:$0x1] =	stream.linear.gather [hbm4b:s10+s6], $0x20, $0x38;
	[tilespmem:$0x1E980] =	vst v63  }
0x2d5: {  	s10 =	smov.u32 s7;
	s5 =	smov.u32 s9;
	p2 =	sne.s32 s7, $0xBD0  }
.Ltmp34:
0x2d6: {  	s7 =	sadd.s32 $0x30, s7;
	(pc) =	sbr.rel @p2 .LBB2_58-.Ltmp34, $2  }
0x2d7: {  	_ =	sdelay $0x2  }
0x2d8: {  	s9 =	sadd.s32 $0x60, s9;
	s10 =	sadd.s32 s10, s3  }
0x2d9: {  	[tilespmem:s5], [sflag:$0x1] =	stream.linear.gather [hbm4b:s10+s6], $0x20, $0x38;
	[tilespmem:$0x1E980] =	vst v63  }
0x2da: {  	s0 =	sshll.u32 s0, $0x7  }
0x2db: {  	s3 =	simm.s32 $0x3400;
	s0 =	sadd.s32 s31, s0  }
0x2dc: {  	[tilespmem:s3], [sflag:$0x1] =	stream.linear.gather [hbm4b:s0+s6], $0x400, $0x38;
	[tilespmem:$0x1E980] =	vst v63  }
.LBB2_60:
.Ltmp35:
0x2dd: {  	(pc) =	sbr.rel @p0 .LBB2_64-.Ltmp35, $1  }
0x2de: {  	_ =	sdelay $0x3  }
0x2df: {  	s0 =	simm.s32 @!p1 $0x6  }
0x2e0: {  	_ =	swait.ge @!p1 [sflag:s0], $0x2000  }
0x2e1: {  	s3 =	sshll.u32 s1, $0x3;
	s5 =	simm.s32 $0x90C0;
	[sflag:s0] =	ssyncset.done @!p1 $0x0  }
0x2e2: {  	s10 =	simm.s32 $0x8;
	s9 =	sadd.s32 s30, s3;
	[sflag:s0] =	ssyncadd.s32 @!p1 $0xFFFFE000  }
0x2e3: {  	[tilespmem:s5], [sflag:$0x6] =	stream.linear.gather [hbm4b:s9+s6], $0x40, $0x38;
	[tilespmem:$0x1E980] =	vst v63  }
0x2e4: {  	_ =	swait.ge [sflag:s10], $0x1C00  }
0x2e5: {  	[sflag:s10] =	ssyncset.done $0x0  }
0x2e6: {  	[sflag:s10] =	ssyncadd.s32 $0xFFFFE400  }
0x2e7: {  	_ =	swait.ge [sflag:s23], $0x1800  }
0x2e8: {  	[sflag:s23] =	ssyncset.done $0x0  }
0x2e9: {  	[sflag:s23] =	ssyncadd.s32 $0xFFFFE800  }
0x2ea: {  	_ =	swait.ge [sflag:s23], $0x400  }
0x2eb: {  	s0 =	sld [smem:$0x7F6]  }
0x2ec: {  	p0 =	sgt.u32 s1, $0x983  }
0x2ed: {  	s1 =	simm.s32 @!p0 $0x0;
	s5 =	simm.s32 $0x74B0;
	[sflag:s23] =	ssyncset.done $0x0  }
0x2ee: {  	[sflag:s23] =	ssyncadd.s32 $0xFFFFFC00;
	s0 =	sadd.s32 @!p0 s3, s0;
	s3 =	simm.s32 @!p0 $0x9080  }
0x2ef: {  	[tilespmem:s3], [sflag:$0x7] =	stream.linear.gather @!p0 [hbm4b:s0+s1], $0x40, $0x38;
	[tilespmem:$0x1E980] =	vst v63  }
0x2f0: {  	v3 =	vld [tilespmem:s5+$0xFFFFFFF0]  }
0x2f1: {  	s13 =	simm.s32 $0x0;
	v0 =	vld [tilespmem:s5+$0x10]  }
0x2f2: {  	s17 =	simm.s32 $0x58B0;
	v5 =	vld [tilespmem:s13+$0x8C80]  }
0x2f3: {  	v1 =	vld [tilespmem:s17+$0x10]  }
0x2f4: {  	v6 =	vld [tilespmem:s17+$0x30]  }
0x2f5: {  	v4 =	vld [tilespmem:s17+$0xFFFFFFF0]  }
0x2f6: {  	v7 =	vld [tilespmem:s17+$0xFFFFFFD0]  }
0x2f7: {  	v9 =	vld [tilespmem:s5+$0xFFFFFFD0]  }
0x2f8: {  	v8 =	vmul.f32 v0, v1  }
0x2f9: {  	v1 =	vbroadcast v5, $0x0;
	v2 =	vbroadcast v5, $0x1  }
0x2fa: {  	v0 =	vbroadcast v6, $0x2;
	v10 =	vmul.f32 v3, v4  }
0x2fb: {  	v4 =	vbroadcast v6, $0x0;
	v3 =	vbroadcast v6, $0x1  }
0x2fc: {  	v5 =	vbroadcast v5, $0x2;
	v7 =	vmul.f32 v9, v7  }
0x2fd: {  	v6 =	vmul.f32 v10, v2;
	v12 =	vmul.f32 v8, v3  }
0x2fe: {  	v11 =	vmul.f32 v8, v0;
	v13 =	vmul.f32 v10, v5  }
0x2ff: {  	s9 =	simm.s32 $0x9140;
	v9 =	vmul.f32 v10, v1;
	v8 =	vmul.f32 v8, v4;
	v6 =	vadd.f32 v12, v6  }
0x300: {  	[tilespmem:s9+$0xFFFFFFC0] =	vst v7;
	v10 =	vadd.f32 v11, v13  }
0x301: {  	v7 =	vadd.f32 v8, v9;
	[tilespmem:s9+$0x0] =	vst v6  }
0x302: {  	[tilespmem:s9+$0x20] =	vst v10  }
0x303: {  	[tilespmem:s9+$0xFFFFFFE0] =	vst v7  }
0x304: {  	v7 =	vld [tilespmem:s17+$0x0]  }
0x305: {  	v9 =	vld [tilespmem:s5+$0x0]  }
0x306: {  	s24 =	simm.s32 $0x5920;
	s7 =	simm.s32 $0x80;
	v8 =	vld [tilespmem:s5+$0x20]  }
0x307: {  	s25 =	simm.s32 $0x10;
	s10 =	simm.s32 $0x7510;
	s0 =	simm.s32 $0x7510;
	v10 =	vld [tilespmem:s17+$0x20]  }
0x308: {  	s1 =	simm.s32 $0x91C0;
	s3 =	simm.s32 $0x5920;
	s13 =	simm.s32 $0x91C0;
	v6 =	vld [tilespmem:s17+$0xFFFFFFE0]  }
.LBB2_62:
0x309: {  	s13 =	sadd.s32 $0x80, s13  }
0x30a: {  	s10 =	sadd.s32 $0x60, s10;
	s24 =	sadd.s32 $0x70, s24;
	s17 =	smov.u32 s7  }
0x30b: {  	p0 =	sne.s32 s7, $0xFC0;
	s7 =	sadd.s32 $0x40, s7;
	v11 =	vld [tilespmem:s5+$0xFFFFFFE0];
	v7 =	vmul.f32 v9, v7;
	s5 =	smov.u32 s0  }
0x30c: {  	s0 =	smov.u32 s10  }
0x30d: {  	v8 =	vmul.f32 v8, v10;
	v5 =	vmul.f32 v7, v5  }
0x30e: {  	v1 =	vmul.f32 v7, v1;
	v2 =	vmul.f32 v7, v2  }
0x30f: {  	v4 =	vmul.f32 v8, v4;
	v3 =	vmul.f32 v8, v3  }
0x310: {  	v0 =	vmul.f32 v8, v0;
	v6 =	vmul.f32 v11, v6  }
0x311: {  	v1 =	vadd.f32 v4, v1;
	v2 =	vadd.f32 v3, v2  }
0x312: {  	v0 =	vadd.f32 v0, v5;
	[tilespmem:s9+$0xFFFFFFD0] =	vst v6  }
0x313: {  	[tilespmem:s9+$0xFFFFFFF0] =	vst v1  }
0x314: {  	[tilespmem:s9+$0x30] =	vst v0  }
0x315: {  	[tilespmem:s9+$0x10] =	vst v2;
	s9 =	smov.u32 s1;
	s1 =	smov.u32 s13;
	_ =	sdelay $0x1  }
0x316: {  	v3 =	vld [tilespmem:s5+$0xFFFFFFF0]  }
0x317: {  	s17 =	sshra.s32 s17, $0x2;
	v0 =	vld [tilespmem:s5+$0x10]  }
0x318: {  	v5 =	vld [tilespmem:s25+$0x8C80];
	s25 =	smov.u32 s17  }
0x319: {  	v1 =	vld [tilespmem:s3+$0x10]  }
0x31a: {  	v6 =	vld [tilespmem:s3+$0x30]  }
0x31b: {  	v4 =	vld [tilespmem:s3+$0xFFFFFFF0];
	_ =	sdelay $0x2  }
0x31c: {  	v7 =	vld [tilespmem:s3+$0xFFFFFFD0];
	v8 =	vmul.f32 v0, v1;
	v1 =	vbroadcast v5, $0x0  }
0x31d: {  	v2 =	vbroadcast v5, $0x1;
	v9 =	vld [tilespmem:s5+$0xFFFFFFD0];
	v0 =	vbroadcast v6, $0x2  }
0x31e: {  	v10 =	vmul.f32 v3, v4;
	v4 =	vbroadcast v6, $0x0  }
0x31f: {  	v5 =	vbroadcast v5, $0x2;
	v3 =	vbroadcast v6, $0x1  }
0x320: {  	v11 =	vmul.f32 v8, v0;
	v6 =	vmul.f32 v10, v2  }
0x321: {  	v12 =	vmul.f32 v8, v3;
	v13 =	vmul.f32 v10, v5  }
0x322: {  	v7 =	vmul.f32 v9, v7;
	v9 =	vmul.f32 v10, v1  }
0x323: {  	v8 =	vmul.f32 v8, v4;
	v6 =	vadd.f32 v12, v6;
	v10 =	vadd.f32 v11, v13  }
0x324: {  	[tilespmem:s9+$0xFFFFFFC0] =	vst v7  }
0x325: {  	v7 =	vadd.f32 v8, v9;
	[tilespmem:s9+$0x0] =	vst v6  }
0x326: {  	[tilespmem:s9+$0x20] =	vst v10  }
0x327: {  	[tilespmem:s9+$0xFFFFFFE0] =	vst v7  }
.Ltmp36:
0x328: {  	v7 =	vld [tilespmem:s3+$0x0];
	(pc) =	sbr.rel @p0 .LBB2_62-.Ltmp36, $4  }
0x329: {  	v9 =	vld [tilespmem:s5+$0x0]  }
0x32a: {  	v8 =	vld [tilespmem:s5+$0x20]  }
0x32b: {  	v10 =	vld [tilespmem:s3+$0x20]  }
0x32c: {  	v6 =	vld [tilespmem:s3+$0xFFFFFFE0];
	s3 =	smov.u32 s24  }
0x32d: {  	_ = 	snop  }
0x32e: {  	v11 =	vld [tilespmem:s5+$0xFFFFFFE0]  }
0x32f: {  	v7 =	vmul.f32 v9, v7  }
0x330: {  	v8 =	vmul.f32 v8, v10  }
0x331: {  	v5 =	vmul.f32 v7, v5  }
0x332: {  	v1 =	vmul.f32 v7, v1;
	v4 =	vmul.f32 v8, v4  }
0x333: {  	v6 =	vmul.f32 v11, v6;
	v0 =	vmul.f32 v8, v0  }
0x334: {  	v2 =	vmul.f32 v7, v2;
	v3 =	vmul.f32 v8, v3;
	v1 =	vadd.f32 v4, v1  }
0x335: {  	[tilespmem:s9+$0xFFFFFFD0] =	vst v6;
	v0 =	vadd.f32 v0, v5  }
0x336: {  	v2 =	vadd.f32 v3, v2;
	[tilespmem:s9+$0xFFFFFFF0] =	vst v1  }
0x337: {  	[tilespmem:s9+$0x30] =	vst v0  }
0x338: {  	[tilespmem:s9+$0x10] =	vst v2  }
0x339: {  	v0 =	vld [tilespmem:s0+$0xFFFFFFF0]  }
0x33a: {  	v1 =	vld [tilespmem:s0+$0x10]  }
0x33b: {  	v2 =	vld [tilespmem:s25+$0x8C80]  }
0x33c: {  	v48 =	vld [tilespmem:s3+$0x10]  }
0x33d: {  	v49 =	vld [tilespmem:s3+$0x30]  }
0x33e: {  	v50 =	vld [tilespmem:s3+$0xFFFFFFF0]  }
0x33f: {  	v6 =	vld [tilespmem:s3+$0xFFFFFFD0]  }
0x340: {  	v52 =	vld [tilespmem:s0+$0xFFFFFFD0]  }
0x341: {  	v1 =	vmul.f32 v1, v48  }
0x342: {  	v51 =	vbroadcast v2, $0x0;
	v53 =	vbroadcast v2, $0x1  }
0x343: {  	v54 =	vbroadcast v49, $0x2;
	v0 =	vmul.f32 v0, v50  }
0x344: {  	v55 =	vbroadcast v49, $0x0;
	v4 =	vbroadcast v49, $0x1  }
0x345: {  	v2 =	vbroadcast v2, $0x2;
	v6 =	vmul.f32 v52, v6  }
0x346: {  	v56 =	vmul.f32 v0, v53;
	v12 =	vmul.f32 v1, v4  }
0x347: {  	v57 =	vmul.f32 v1, v54;
	v13 =	vmul.f32 v0, v2  }
0x348: {  	v0 =	vmul.f32 v0, v51;
	v1 =	vmul.f32 v1, v55;
	v58 =	vadd.f32 v12, v56  }
0x349: {  	[tilespmem:s1+$0xFFFFFFC0] =	vst v6;
	v59 =	vadd.f32 v57, v13  }
0x34a: {  	v0 =	vadd.f32 v1, v0;
	[tilespmem:s1+$0x0] =	vst v58  }
0x34b: {  	[tilespmem:s1+$0x20] =	vst v59  }
0x34c: {  	[tilespmem:s1+$0xFFFFFFE0] =	vst v0  }
0x34d: {  	v0 =	vld [tilespmem:s3+$0x0]  }
0x34e: {  	v60 =	vld [tilespmem:s0+$0x0]  }
0x34f: {  	v6 =	vld [tilespmem:s0+$0x20]  }
0x350: {  	v7 =	vld [tilespmem:s3+$0x20]  }
0x351: {  	v10 =	vld [tilespmem:s3+$0xFFFFFFE0]  }
0x352: {  	v61 =	vld [tilespmem:s0+$0xFFFFFFE0];
	_ =	sdelay $0x3  }
0x353: {  	v0 =	vmul.f32 v60, v0;
	v62 =	vmul.f32 v6, v7  }
0x354: {  	v63 =	vmul.f32 v61, v10  }
0x355: {  	v3 =	vmul.f32 v0, v51;
	v5 =	vmul.f32 v62, v55  }
0x356: {  	v2 =	vmul.f32 v0, v2;
	v7 =	vmul.f32 v62, v54  }
0x357: {  	v0 =	vmul.f32 v0, v53;
	v1 =	vmul.f32 v62, v4;
	v3 =	vadd.f32 v5, v3  }
0x358: {  	[tilespmem:s1+$0xFFFFFFD0] =	vst v63;
	v2 =	vadd.f32 v7, v2  }
0x359: {  	v0 =	vadd.f32 v1, v0;
	[tilespmem:s1+$0xFFFFFFF0] =	vst v3  }
0x35a: {  	[tilespmem:s1+$0x30] =	vst v2  }
0x35b: {  	s17 =	simm.s32 $0x6;
	[tilespmem:s1+$0x10] =	vst v0  }
.Ltmp37:
0x35c: {  	_ =	swait.ge [sflag:s17], $0x40;
	(pc) =	sbr.rel .LBB2_64-.Ltmp37, $4  }
0x35d: {  	[sflag:s17] =	ssyncset.done $0x0  }
0x35e: {  	[sflag:s17] =	ssyncadd.s32 $0xFFFFFFC0  }
0x35f: {  	s24 =	simm.s32 $0x90C0;
	s25 =	simm.s32 $0x9100;
	s0 =	rddreg [dreg:$0x5]  }
0x360: {  	[spmem:s0] =	stream.indirect.scatter.add.f32 [tilespmem:s25], [sflag:$0x6], $0x80, s24, s19, $0xb8;
	[tilespmem:$0x1E980] =	vst v63  }
.LBB2_65:
0x361: {  	s0 =	simm.s32 $0x2  }
0x362: {  	_ =	swait.ge [sflag:s0], $0x2000  }
0x363: {  	[sflag:s0] =	ssyncset.done $0x0  }
0x364: {  	s10 =	simm.s32 $0x6;
	[sflag:s0] =	ssyncadd.s32 $0xFFFFE000  }
0x365: {  	_ =	swait.ge [sflag:s10], $0x2000  }
0x366: {  	[sflag:s10] =	ssyncset.done $0x0  }
0x367: {  	[sflag:s10] =	ssyncadd.s32 $0xFFFFE000  }
0x368: {  	[bflag:$0x0] =	sbarrier.arrive $0xFFFF  }
0x369: {  	s1 =	sld [smem:$0x7FB]  }
0x36a: {  	s5 =	sld [smem:$0x7F4];
	_ =	sdelay $0x1  }
0x36b: {  	s3 =	simm.s32 $0x9;
	s13 =	rddreg [dreg:$0x9]  }
0x36c: {  	[hbm:s1], [sflag:s13] =	dma.local [spmem:s5], $0x2710  }
0x36d: {  	_ =	swait.ge [sflag:s3], $0x2710  }
0x36e: {  	[sflag:s3] =	ssyncset.done $0x0  }
0x36f: {  	[sflag:s3] =	ssyncadd.s32 $0xFFFFD8F0  }
0x370: {  	[bflag:$0x0] =	sbarrier.arrive $0xFFFF  }
0x371: {  	s17 =	rddreg [dreg:$0x1f]  }
0x372: {  	[spmem:s5], [sflag:s13] =	dma.local [hbm:s17], $0x2710  }
0x373: {  	_ =	swait.ge [sflag:s3], $0x2710  }
0x374: {  	[sflag:s3] =	ssyncset.done $0x0  }
0x375: {  	[sflag:s3] =	ssyncadd.s32 $0xFFFFD8F0  }
0x376: {  	[bflag:$0x0] =	sbarrier.arrive $0xFFFF  }
0x377: {  	s18 =	simm.s32 $0x0;
	s25 =	simm.s32 $0x3800;
	s24 =	rddreg [dreg:$0x1b]  }
0x378: {  	[tilespmem:s25], [sflag:$0x9] =	stream.linear.gather [hbm4b:s24+s18], $0x40, $0x38;
	[tilespmem:$0x1E980] =	vst v63  }
0x379: {  	_ =	swait.ge [sflag:s3], $0x40  }
0x37a: {  	s0 =	simm.s32 $0x1C00;
	s1 =	simm.s32 $0x30;
	[sflag:s3] =	ssyncset.done $0x0  }
0x37b: {  	s5 =	sadd.s32 $0x0, s26;
	[sflag:s3] =	ssyncadd.s32 $0xFFFFFFC0;
	s3 =	simm.s32 $0x1C60  }
0x37c: {  	[tilespmem:s18], [sflag:$0x4] =	stream.indirect.gather [hbm4b:s15+s19], $0x70, s25, s19, $0xb8;
	[tilespmem:$0x1E980] =	vst v63  }
.LBB2_66:
0x37d: {  	[tilespmem:s0], [sflag:$0x1] =	stream.linear.gather [hbm4b:s5+s6], $0x20, $0x38;
	[tilespmem:$0x1E980] =	vst v63  }
0x37e: {  	s5 =	smov.u32 s1;
	s0 =	smov.u32 s3;
	p0 =	sne.s32 s1, $0xBD0  }
.Ltmp38:
0x37f: {  	s1 =	sadd.s32 $0x30, s1;
	(pc) =	sbr.rel @p0 .LBB2_66-.Ltmp38, $2  }
0x380: {  	_ =	sdelay $0x2  }
0x381: {  	s3 =	sadd.s32 $0x60, s3;
	s5 =	sadd.s32 s5, s26  }
0x382: {  	[tilespmem:s0], [sflag:$0x1] =	stream.linear.gather [hbm4b:s5+s6], $0x20, $0x38;
	[tilespmem:$0x1E980] =	vst v63  }
0x383: {  	s0 =	simm.s32 $0x1C20  }
0x384: {  	s1 =	simm.s32 $0x30;
	s5 =	sadd.s32 $0x0, s28;
	s3 =	simm.s32 $0x1C80  }
.LBB2_68:
0x385: {  	[tilespmem:s0], [sflag:$0x1] =	stream.linear.gather [hbm4b:s5+s6], $0x20, $0x38;
	[tilespmem:$0x1E980] =	vst v63  }
0x386: {  	s5 =	smov.u32 s1;
	s0 =	smov.u32 s3;
	p0 =	sne.s32 s1, $0xBD0  }
.Ltmp39:
0x387: {  	s1 =	sadd.s32 $0x30, s1;
	(pc) =	sbr.rel @p0 .LBB2_68-.Ltmp39, $2  }
0x388: {  	_ =	sdelay $0x2  }
0x389: {  	s3 =	sadd.s32 $0x60, s3;
	s5 =	sadd.s32 s5, s28  }
0x38a: {  	[tilespmem:s0], [sflag:$0x1] =	stream.linear.gather [hbm4b:s5+s6], $0x20, $0x38;
	[tilespmem:$0x1E980] =	vst v63  }
0x38b: {  	s0 =	simm.s32 $0x1C40  }
0x38c: {  	s1 =	simm.s32 $0x30;
	s5 =	sadd.s32 $0x0, s29;
	s3 =	simm.s32 $0x1CA0  }
.LBB2_70:
0x38d: {  	[tilespmem:s0], [sflag:$0x1] =	stream.linear.gather [hbm4b:s5+s6], $0x20, $0x38;
	[tilespmem:$0x1E980] =	vst v63  }
0x38e: {  	s5 =	smov.u32 s1;
	s0 =	smov.u32 s3;
	p0 =	sne.s32 s1, $0xBD0  }
.Ltmp40:
0x38f: {  	s1 =	sadd.s32 $0x30, s1;
	(pc) =	sbr.rel @p0 .LBB2_70-.Ltmp40, $2  }
0x390: {  	_ =	sdelay $0x2  }
0x391: {  	s3 =	sadd.s32 $0x60, s3;
	s5 =	sadd.s32 s5, s29  }
0x392: {  	[tilespmem:s0], [sflag:$0x1] =	stream.linear.gather [hbm4b:s5+s6], $0x20, $0x38;
	[tilespmem:$0x1E980] =	vst v63  }
.Ltmp41:
0x393: {  	_ = 	snop;
	(pc) =	sbr.rel .LBB2_72-.Ltmp41, $4  }
0x394: {  	s18 =	simm.s32 $0x0;
	s17 =	rddreg [dreg:$0xc];
	s1 =	simm.s32 $0x3400  }
0x395: {  	[tilespmem:s1], [sflag:$0x1] =	stream.linear.gather [hbm4b:s17+s18], $0x400, $0x38;
	[tilespmem:$0x1E980] =	vst v63  }
0x396: {  	s24 =	rddreg [dreg:$0x1c];
	s25 =	simm.s32 $0x9080  }
0x397: {  	[tilespmem:s25], [sflag:$0x7] =	stream.linear.gather [hbm4b:s24+s18], $0x40, $0x38;
	[tilespmem:$0x1E980] =	vst v63  }
.LBB2_96:
0x398: {  	s18 =	sadd.s32 $0x1, s18  }
0x399: {  	p0 =	sne.s32 s18, $0x28  }
.Ltmp42:
0x39a: {  	_ = 	snop;
	(pc) =	sbr.rel @!p0 .LBB2_97-.Ltmp42, $1  }
0x39b: {  	_ =	sdelay $0x3  }
.LBB2_72:
0x39c: {  	s3 =	sshll.u32 s18, $0x6;
	s0 =	rddreg [dreg:$0x7]  }
0x39d: {  	s0 =	sor.u32 s0, s3  }
0x39e: {  	s1 =	sor.u32 $0x20, s0  }
0x39f: {  	p0 =	sgt.u32 s1, $0x9C3  }
.Ltmp43:
0x3a0: {  	_ = 	snop;
	(pc) =	sbr.rel @p0 .LBB2_80-.Ltmp43, $1  }
0x3a1: {  	_ =	sdelay $0x3  }
0x3a2: {  	s5 =	simm.s32 $0x7  }
0x3a3: {  	_ =	swait.ge [sflag:s5], $0x40  }
0x3a4: {  	s7 =	simm.s32 $0x9080;
	s9 =	simm.s32 $0x5880;
	[sflag:s5] =	ssyncset.done $0x0  }
0x3a5: {  	s25 =	rddreg [dreg:$0x11];
	[sflag:s5] =	ssyncadd.s32 $0xFFFFFFC0;
	s5 =	smul.u32 $0xC00, s1  }
0x3a6: {  	[tilespmem:s9], [sflag:$0x8] =	stream.indirect.gather [hbm4b:s15+s19], $0x70, s7, s19, $0xb8;
	[tilespmem:$0x1E980] =	vst v63  }
0x3a7: {  	s10 =	simm.s32 $0x30;
	s7 =	sadd.s32 s5, s25  }
0x3a8: {  	s13 =	simm.s32 $0x74E0;
	s9 =	simm.s32 $0x7480;
	s24 =	sadd.s32 $0x0, s7  }
.LBB2_74:
0x3a9: {  	[tilespmem:s9], [sflag:$0x5] =	stream.linear.gather [hbm4b:s24+s6], $0x20, $0x38;
	[tilespmem:$0x1E980] =	vst v63  }
0x3aa: {  	s17 =	smov.u32 s10;
	s9 =	smov.u32 s13;
	p1 =	sne.s32 s10, $0xBD0  }
.Ltmp44:
0x3ab: {  	s10 =	sadd.s32 $0x30, s10;
	(pc) =	sbr.rel @p1 .LBB2_74-.Ltmp44, $2  }
0x3ac: {  	_ =	sdelay $0x2  }
0x3ad: {  	s13 =	sadd.s32 $0x60, s13;
	s24 =	sadd.s32 s17, s7  }
0x3ae: {  	[tilespmem:s9], [sflag:$0x5] =	stream.linear.gather [hbm4b:s24+s6], $0x20, $0x38;
	[tilespmem:$0x1E980] =	vst v63  }
0x3af: {  	s7 =	rddreg [dreg:$0x12]  }
0x3b0: {  	s9 =	simm.s32 $0x74A0;
	s7 =	sadd.s32 s5, s7  }
0x3b1: {  	s10 =	simm.s32 $0x30;
	s13 =	simm.s32 $0x7500;
	s24 =	sadd.s32 $0x0, s7  }
.LBB2_76:
0x3b2: {  	[tilespmem:s9], [sflag:$0x5] =	stream.linear.gather [hbm4b:s24+s6], $0x20, $0x38;
	[tilespmem:$0x1E980] =	vst v63  }
0x3b3: {  	s17 =	smov.u32 s10;
	s9 =	smov.u32 s13;
	p1 =	sne.s32 s10, $0xBD0  }
.Ltmp45:
0x3b4: {  	s10 =	sadd.s32 $0x30, s10;
	(pc) =	sbr.rel @p1 .LBB2_76-.Ltmp45, $2  }
0x3b5: {  	_ =	sdelay $0x2  }
0x3b6: {  	s13 =	sadd.s32 $0x60, s13;
	s24 =	sadd.s32 s17, s7  }
0x3b7: {  	[tilespmem:s9], [sflag:$0x5] =	stream.linear.gather [hbm4b:s24+s6], $0x20, $0x38;
	[tilespmem:$0x1E980] =	vst v63  }
0x3b8: {  	s7 =	rddreg [dreg:$0x13]  }
0x3b9: {  	s9 =	simm.s32 $0x30;
	s5 =	sadd.s32 s5, s7  }
0x3ba: {  	s10 =	simm.s32 $0x7520;
	s7 =	simm.s32 $0x74C0;
	s13 =	sadd.s32 $0x0, s5  }
.LBB2_78:
0x3bb: {  	[tilespmem:s7], [sflag:$0x5] =	stream.linear.gather [hbm4b:s13+s6], $0x20, $0x38;
	[tilespmem:$0x1E980] =	vst v63  }
0x3bc: {  	s13 =	smov.u32 s9;
	s7 =	smov.u32 s10;
	p1 =	sne.s32 s9, $0xBD0  }
.Ltmp46:
0x3bd: {  	s9 =	sadd.s32 $0x30, s9;
	(pc) =	sbr.rel @p1 .LBB2_78-.Ltmp46, $2  }
0x3be: {  	_ =	sdelay $0x2  }
0x3bf: {  	s10 =	sadd.s32 $0x60, s10;
	s13 =	sadd.s32 s13, s5  }
0x3c0: {  	[tilespmem:s7], [sflag:$0x5] =	stream.linear.gather [hbm4b:s13+s6], $0x20, $0x38;
	[tilespmem:$0x1E980] =	vst v63  }
0x3c1: {  	s5 =	sshll.u32 s1, $0x7  }
0x3c2: {  	s25 =	simm.s32 $0x8C80;
	s5 =	sadd.s32 s31, s5  }
0x3c3: {  	[tilespmem:s25], [sflag:$0x5] =	stream.linear.gather [hbm4b:s5+s6], $0x400, $0x38;
	[tilespmem:$0x1E980] =	vst v63  }
.LBB2_80:
0x3c4: {  	p2 =	sgt.u32 s0, $0x9C3  }
.Ltmp47:
0x3c5: {  	_ = 	snop;
	(pc) =	sbr.rel @p2 .LBB2_84-.Ltmp47, $2  }
0x3c6: {  	_ =	sdelay $0x2  }
0x3c7: {  	p1 =	seq.s32 s18, $0x0  }
0x3c8: {  	s5 =	simm.s32 @!p1 $0x2  }
0x3c9: {  	_ =	swait.ge @!p1 [sflag:s5], $0x2000  }
0x3ca: {  	s7 =	sshll.u32 s0, $0x3;
	s9 =	simm.s32 $0x3840;
	[sflag:s5] =	ssyncset.done @!p1 $0x0  }
0x3cb: {  	s10 =	simm.s32 $0x4;
	s25 =	sadd.s32 s30, s7;
	[sflag:s5] =	ssyncadd.s32 @!p1 $0xFFFFE000  }
0x3cc: {  	[tilespmem:s9], [sflag:$0x2] =	stream.linear.gather [hbm4b:s25+s6], $0x40, $0x38;
	[tilespmem:$0x1E980] =	vst v63  }
0x3cd: {  	_ =	swait.ge [sflag:s10], $0x1C00  }
0x3ce: {  	[sflag:s10] =	ssyncset.done $0x0  }
0x3cf: {  	[sflag:s10] =	ssyncadd.s32 $0xFFFFE400  }
0x3d0: {  	_ =	swait.ge [sflag:s2], $0x1800  }
0x3d1: {  	[sflag:s2] =	ssyncset.done $0x0  }
0x3d2: {  	[sflag:s2] =	ssyncadd.s32 $0xFFFFE800  }
0x3d3: {  	_ =	swait.ge [sflag:s2], $0x400  }
0x3d4: {  	p2 =	sgt.u32 s0, $0x983;
	s0 =	sld [smem:$0x7F7];
	_ =	sdelay $0x1  }
0x3d5: {  	s5 =	simm.s32 @!p2 $0x0;
	s25 =	simm.s32 $0x1C30;
	[sflag:s2] =	ssyncset.done $0x0  }
0x3d6: {  	[sflag:s2] =	ssyncadd.s32 $0xFFFFFC00;
	s0 =	sadd.s32 @!p2 s7, s0;
	s7 =	simm.s32 @!p2 $0x3800  }
0x3d7: {  	[tilespmem:s7], [sflag:$0x3] =	stream.linear.gather @!p2 [hbm4b:s0+s5], $0x40, $0x38;
	[tilespmem:$0x1E980] =	vst v63  }
0x3d8: {  	v3 =	vld [tilespmem:s25+$0xFFFFFFF0]  }
0x3d9: {  	s13 =	simm.s32 $0x0;
	v0 =	vld [tilespmem:s25+$0x10]  }
0x3da: {  	s17 =	simm.s32 $0x30;
	v5 =	vld [tilespmem:s13+$0x3400]  }
0x3db: {  	v1 =	vld [tilespmem:s17+$0x10]  }
0x3dc: {  	v6 =	vld [tilespmem:s17+$0x30]  }
0x3dd: {  	v4 =	vld [tilespmem:s17+$0xFFFFFFF0]  }
0x3de: {  	v7 =	vld [tilespmem:s17+$0xFFFFFFD0]  }
0x3df: {  	v9 =	vld [tilespmem:s25+$0xFFFFFFD0]  }
0x3e0: {  	v8 =	vmul.f32 v0, v1  }
0x3e1: {  	v1 =	vbroadcast v5, $0x0;
	v2 =	vbroadcast v5, $0x1  }
0x3e2: {  	v0 =	vbroadcast v6, $0x2;
	v10 =	vmul.f32 v3, v4  }
0x3e3: {  	v4 =	vbroadcast v6, $0x0;
	v3 =	vbroadcast v6, $0x1  }
0x3e4: {  	v5 =	vbroadcast v5, $0x2;
	v7 =	vmul.f32 v9, v7  }
0x3e5: {  	v6 =	vmul.f32 v10, v2;
	v12 =	vmul.f32 v8, v3  }
0x3e6: {  	v11 =	vmul.f32 v8, v0;
	v13 =	vmul.f32 v10, v5  }
0x3e7: {  	s9 =	simm.s32 $0x38C0;
	v9 =	vmul.f32 v10, v1;
	v8 =	vmul.f32 v8, v4;
	v6 =	vadd.f32 v12, v6  }
0x3e8: {  	[tilespmem:s9+$0xFFFFFFC0] =	vst v7;
	v10 =	vadd.f32 v11, v13  }
0x3e9: {  	v7 =	vadd.f32 v8, v9;
	[tilespmem:s9+$0x0] =	vst v6  }
0x3ea: {  	[tilespmem:s9+$0x20] =	vst v10  }
0x3eb: {  	[tilespmem:s9+$0xFFFFFFE0] =	vst v7  }
0x3ec: {  	v7 =	vld [tilespmem:s17+$0x0]  }
0x3ed: {  	v9 =	vld [tilespmem:s25+$0x0]  }
0x3ee: {  	s24 =	simm.s32 $0xA0;
	s31 =	simm.s32 $0xA0;
	v8 =	vld [tilespmem:s25+$0x20]  }
0x3ef: {  	s30 =	simm.s32 $0x10;
	s10 =	simm.s32 $0x1C90;
	s7 =	simm.s32 $0x80;
	v10 =	vld [tilespmem:s17+$0x20]  }
0x3f0: {  	s0 =	simm.s32 $0x1C90;
	s5 =	simm.s32 $0x3940;
	s13 =	simm.s32 $0x3940;
	v6 =	vld [tilespmem:s17+$0xFFFFFFE0]  }
.LBB2_82:
0x3f1: {  	s13 =	sadd.s32 $0x80, s13  }
0x3f2: {  	s10 =	sadd.s32 $0x60, s10;
	s24 =	sadd.s32 $0x70, s24;
	s17 =	smov.u32 s7  }
0x3f3: {  	p2 =	sne.s32 s7, $0xFC0;
	s7 =	sadd.s32 $0x40, s7;
	v11 =	vld [tilespmem:s25+$0xFFFFFFE0];
	v7 =	vmul.f32 v9, v7;
	s25 =	smov.u32 s0  }
0x3f4: {  	s0 =	smov.u32 s10  }
0x3f5: {  	v8 =	vmul.f32 v8, v10;
	v5 =	vmul.f32 v7, v5  }
0x3f6: {  	v1 =	vmul.f32 v7, v1;
	v2 =	vmul.f32 v7, v2  }
0x3f7: {  	v4 =	vmul.f32 v8, v4;
	v3 =	vmul.f32 v8, v3  }
0x3f8: {  	v0 =	vmul.f32 v8, v0;
	v6 =	vmul.f32 v11, v6  }
0x3f9: {  	v1 =	vadd.f32 v4, v1;
	v2 =	vadd.f32 v3, v2  }
0x3fa: {  	v0 =	vadd.f32 v0, v5;
	[tilespmem:s9+$0xFFFFFFD0] =	vst v6  }
0x3fb: {  	[tilespmem:s9+$0xFFFFFFF0] =	vst v1  }
0x3fc: {  	[tilespmem:s9+$0x30] =	vst v0  }
0x3fd: {  	[tilespmem:s9+$0x10] =	vst v2;
	s9 =	smov.u32 s5;
	s5 =	smov.u32 s13;
	_ =	sdelay $0x1  }
0x3fe: {  	v3 =	vld [tilespmem:s25+$0xFFFFFFF0]  }
0x3ff: {  	s17 =	sshra.s32 s17, $0x2;
	v0 =	vld [tilespmem:s25+$0x10]  }
0x400: {  	v5 =	vld [tilespmem:s30+$0x3400];
	s30 =	smov.u32 s17  }
0x401: {  	v1 =	vld [tilespmem:s31+$0x10]  }
0x402: {  	v6 =	vld [tilespmem:s31+$0x30]  }
0x403: {  	v4 =	vld [tilespmem:s31+$0xFFFFFFF0];
	_ =	sdelay $0x2  }
0x404: {  	v7 =	vld [tilespmem:s31+$0xFFFFFFD0];
	v8 =	vmul.f32 v0, v1;
	v1 =	vbroadcast v5, $0x0  }
0x405: {  	v2 =	vbroadcast v5, $0x1;
	v9 =	vld [tilespmem:s25+$0xFFFFFFD0];
	v0 =	vbroadcast v6, $0x2  }
0x406: {  	v10 =	vmul.f32 v3, v4;
	v4 =	vbroadcast v6, $0x0  }
0x407: {  	v5 =	vbroadcast v5, $0x2;
	v3 =	vbroadcast v6, $0x1  }
0x408: {  	v11 =	vmul.f32 v8, v0;
	v6 =	vmul.f32 v10, v2  }
0x409: {  	v12 =	vmul.f32 v8, v3;
	v13 =	vmul.f32 v10, v5  }
0x40a: {  	v7 =	vmul.f32 v9, v7;
	v9 =	vmul.f32 v10, v1  }
0x40b: {  	v8 =	vmul.f32 v8, v4;
	v6 =	vadd.f32 v12, v6;
	v10 =	vadd.f32 v11, v13  }
0x40c: {  	[tilespmem:s9+$0xFFFFFFC0] =	vst v7  }
0x40d: {  	v7 =	vadd.f32 v8, v9;
	[tilespmem:s9+$0x0] =	vst v6  }
0x40e: {  	[tilespmem:s9+$0x20] =	vst v10  }
0x40f: {  	[tilespmem:s9+$0xFFFFFFE0] =	vst v7  }
.Ltmp48:
0x410: {  	v7 =	vld [tilespmem:s31+$0x0];
	(pc) =	sbr.rel @p2 .LBB2_82-.Ltmp48, $4  }
0x411: {  	v9 =	vld [tilespmem:s25+$0x0]  }
0x412: {  	v8 =	vld [tilespmem:s25+$0x20]  }
0x413: {  	v10 =	vld [tilespmem:s31+$0x20]  }
0x414: {  	v6 =	vld [tilespmem:s31+$0xFFFFFFE0];
	s31 =	smov.u32 s24  }
0x415: {  	_ = 	snop  }
0x416: {  	v11 =	vld [tilespmem:s25+$0xFFFFFFE0]  }
0x417: {  	v7 =	vmul.f32 v9, v7  }
0x418: {  	v8 =	vmul.f32 v8, v10  }
0x419: {  	v5 =	vmul.f32 v7, v5  }
0x41a: {  	v1 =	vmul.f32 v7, v1;
	v4 =	vmul.f32 v8, v4  }
0x41b: {  	v6 =	vmul.f32 v11, v6;
	v0 =	vmul.f32 v8, v0  }
0x41c: {  	v2 =	vmul.f32 v7, v2;
	v3 =	vmul.f32 v8, v3;
	v1 =	vadd.f32 v4, v1  }
0x41d: {  	[tilespmem:s9+$0xFFFFFFD0] =	vst v6;
	v0 =	vadd.f32 v0, v5  }
0x41e: {  	v2 =	vadd.f32 v3, v2;
	[tilespmem:s9+$0xFFFFFFF0] =	vst v1  }
0x41f: {  	[tilespmem:s9+$0x30] =	vst v0  }
0x420: {  	[tilespmem:s9+$0x10] =	vst v2  }
0x421: {  	v0 =	vld [tilespmem:s0+$0xFFFFFFF0]  }
0x422: {  	v1 =	vld [tilespmem:s0+$0x10]  }
0x423: {  	v2 =	vld [tilespmem:s30+$0x3400]  }
0x424: {  	v48 =	vld [tilespmem:s31+$0x10]  }
0x425: {  	v49 =	vld [tilespmem:s31+$0x30]  }
0x426: {  	v50 =	vld [tilespmem:s31+$0xFFFFFFF0]  }
0x427: {  	v6 =	vld [tilespmem:s31+$0xFFFFFFD0]  }
0x428: {  	v52 =	vld [tilespmem:s0+$0xFFFFFFD0]  }
0x429: {  	v1 =	vmul.f32 v1, v48  }
0x42a: {  	v51 =	vbroadcast v2, $0x0;
	v53 =	vbroadcast v2, $0x1  }
0x42b: {  	v54 =	vbroadcast v49, $0x2;
	v0 =	vmul.f32 v0, v50  }
0x42c: {  	v55 =	vbroadcast v49, $0x0;
	v4 =	vbroadcast v49, $0x1  }
0x42d: {  	v2 =	vbroadcast v2, $0x2;
	v6 =	vmul.f32 v52, v6  }
0x42e: {  	v56 =	vmul.f32 v0, v53;
	v12 =	vmul.f32 v1, v4  }
0x42f: {  	v57 =	vmul.f32 v1, v54;
	v13 =	vmul.f32 v0, v2  }
0x430: {  	v0 =	vmul.f32 v0, v51;
	v1 =	vmul.f32 v1, v55;
	v58 =	vadd.f32 v12, v56  }
0x431: {  	[tilespmem:s5+$0xFFFFFFC0] =	vst v6;
	v59 =	vadd.f32 v57, v13  }
0x432: {  	v0 =	vadd.f32 v1, v0;
	[tilespmem:s5+$0x0] =	vst v58  }
0x433: {  	[tilespmem:s5+$0x20] =	vst v59  }
0x434: {  	[tilespmem:s5+$0xFFFFFFE0] =	vst v0  }
0x435: {  	v0 =	vld [tilespmem:s31+$0x0]  }
0x436: {  	v60 =	vld [tilespmem:s0+$0x0]  }
0x437: {  	v6 =	vld [tilespmem:s0+$0x20]  }
0x438: {  	v7 =	vld [tilespmem:s31+$0x20]  }
0x439: {  	v10 =	vld [tilespmem:s31+$0xFFFFFFE0]  }
0x43a: {  	v61 =	vld [tilespmem:s0+$0xFFFFFFE0];
	_ =	sdelay $0x3  }
0x43b: {  	v0 =	vmul.f32 v60, v0;
	v62 =	vmul.f32 v6, v7  }
0x43c: {  	v63 =	vmul.f32 v61, v10  }
0x43d: {  	v3 =	vmul.f32 v0, v51;
	v5 =	vmul.f32 v62, v55  }
0x43e: {  	v2 =	vmul.f32 v0, v2;
	v7 =	vmul.f32 v62, v54  }
0x43f: {  	v0 =	vmul.f32 v0, v53;
	v1 =	vmul.f32 v62, v4;
	v3 =	vadd.f32 v5, v3  }
0x440: {  	[tilespmem:s5+$0xFFFFFFD0] =	vst v63;
	v2 =	vadd.f32 v7, v2  }
0x441: {  	v0 =	vadd.f32 v1, v0;
	[tilespmem:s5+$0xFFFFFFF0] =	vst v3  }
0x442: {  	[tilespmem:s5+$0x30] =	vst v2  }
0x443: {  	s24 =	simm.s32 $0x2;
	[tilespmem:s5+$0x10] =	vst v0  }
0x444: {  	_ =	swait.ge [sflag:s24], $0x40  }
0x445: {  	[sflag:s24] =	ssyncset.done $0x0  }
0x446: {  	[sflag:s24] =	ssyncadd.s32 $0xFFFFFFC0  }
0x447: {  	s0 =	rddreg [dreg:$0x5]  }
0x448: {  	s30 =	rddreg [dreg:$0x1]  }
0x449: {  	s25 =	simm.s32 $0x3840;
	s7 =	simm.s32 $0x3880;
	s31 =	rddreg [dreg:$0x3]  }
0x44a: {  	[spmem:s0] =	stream.indirect.scatter.add.f32 [tilespmem:s7], [sflag:$0x2], $0x80, s25, s19, $0xb8;
	[tilespmem:$0x1E980] =	vst v63  }
.LBB2_84:
0x44b: {  	s0 =	sld [smem:$0x7FA];
	_ =	sdelay $0x2  }
0x44c: {  	s0 =	sadd.s32 s0, s3  }
0x44d: {  	p2 =	sgt.u32 s0, $0x9C3  }
.Ltmp49:
0x44e: {  	_ = 	snop;
	(pc) =	sbr.rel @p2 .LBB2_92-.Ltmp49, $1  }
0x44f: {  	_ =	sdelay $0x3  }
0x450: {  	s3 =	simm.s32 $0x3  }
0x451: {  	_ =	swait.ge [sflag:s3], $0x40  }
0x452: {  	s5 =	simm.s32 $0x0;
	s7 =	simm.s32 $0x3800;
	[sflag:s3] =	ssyncset.done $0x0  }
0x453: {  	s25 =	rddreg [dreg:$0x11];
	[sflag:s3] =	ssyncadd.s32 $0xFFFFFFC0;
	s3 =	smul.u32 $0xC00, s0  }
0x454: {  	[tilespmem:s5], [sflag:$0x4] =	stream.indirect.gather [hbm4b:s15+s19], $0x70, s7, s19, $0xb8;
	[tilespmem:$0x1E980] =	vst v63  }
0x455: {  	s9 =	simm.s32 $0x30;
	s5 =	sadd.s32 s3, s25  }
0x456: {  	s10 =	simm.s32 $0x1C60;
	s7 =	simm.s32 $0x1C00;
	s13 =	sadd.s32 $0x0, s5  }
.LBB2_86:
0x457: {  	[tilespmem:s7], [sflag:$0x1] =	stream.linear.gather [hbm4b:s13+s6], $0x20, $0x38;
	[tilespmem:$0x1E980] =	vst v63  }
0x458: {  	s13 =	smov.u32 s9;
	s7 =	smov.u32 s10;
	p2 =	sne.s32 s9, $0xBD0  }
.Ltmp50:
0x459: {  	s9 =	sadd.s32 $0x30, s9;
	(pc) =	sbr.rel @p2 .LBB2_86-.Ltmp50, $2  }
0x45a: {  	_ =	sdelay $0x2  }
0x45b: {  	s10 =	sadd.s32 $0x60, s10;
	s13 =	sadd.s32 s13, s5  }
0x45c: {  	[tilespmem:s7], [sflag:$0x1] =	stream.linear.gather [hbm4b:s13+s6], $0x20, $0x38;
	[tilespmem:$0x1E980] =	vst v63  }
0x45d: {  	s5 =	rddreg [dreg:$0x12]  }
0x45e: {  	s7 =	simm.s32 $0x1C20;
	s5 =	sadd.s32 s3, s5  }
0x45f: {  	s9 =	simm.s32 $0x30;
	s10 =	simm.s32 $0x1C80;
	s13 =	sadd.s32 $0x0, s5  }
.LBB2_88:
0x460: {  	[tilespmem:s7], [sflag:$0x1] =	stream.linear.gather [hbm4b:s13+s6], $0x20, $0x38;
	[tilespmem:$0x1E980] =	vst v63  }
0x461: {  	s13 =	smov.u32 s9;
	s7 =	smov.u32 s10;
	p2 =	sne.s32 s9, $0xBD0  }
.Ltmp51:
0x462: {  	s9 =	sadd.s32 $0x30, s9;
	(pc) =	sbr.rel @p2 .LBB2_88-.Ltmp51, $2  }
0x463: {  	_ =	sdelay $0x2  }
0x464: {  	s10 =	sadd.s32 $0x60, s10;
	s13 =	sadd.s32 s13, s5  }
0x465: {  	[tilespmem:s7], [sflag:$0x1] =	stream.linear.gather [hbm4b:s13+s6], $0x20, $0x38;
	[tilespmem:$0x1E980] =	vst v63  }
0x466: {  	s5 =	rddreg [dreg:$0x13]  }
0x467: {  	s7 =	simm.s32 $0x30;
	s3 =	sadd.s32 s3, s5  }
0x468: {  	s9 =	simm.s32 $0x1CA0;
	s5 =	simm.s32 $0x1C40;
	s10 =	sadd.s32 $0x0, s3  }
.LBB2_90:
0x469: {  	[tilespmem:s5], [sflag:$0x1] =	stream.linear.gather [hbm4b:s10+s6], $0x20, $0x38;
	[tilespmem:$0x1E980] =	vst v63  }
0x46a: {  	s10 =	smov.u32 s7;
	s5 =	smov.u32 s9;
	p2 =	sne.s32 s7, $0xBD0  }
.Ltmp52:
0x46b: {  	s7 =	sadd.s32 $0x30, s7;
	(pc) =	sbr.rel @p2 .LBB2_90-.Ltmp52, $2  }
0x46c: {  	_ =	sdelay $0x2  }
0x46d: {  	s9 =	sadd.s32 $0x60, s9;
	s10 =	sadd.s32 s10, s3  }
0x46e: {  	[tilespmem:s5], [sflag:$0x1] =	stream.linear.gather [hbm4b:s10+s6], $0x20, $0x38;
	[tilespmem:$0x1E980] =	vst v63  }
0x46f: {  	s0 =	sshll.u32 s0, $0x7  }
0x470: {  	s3 =	simm.s32 $0x3400;
	s0 =	sadd.s32 s31, s0  }
0x471: {  	[tilespmem:s3], [sflag:$0x1] =	stream.linear.gather [hbm4b:s0+s6], $0x400, $0x38;
	[tilespmem:$0x1E980] =	vst v63  }
.LBB2_92:
.Ltmp53:
0x472: {  	(pc) =	sbr.rel @p0 .LBB2_96-.Ltmp53, $1  }
0x473: {  	_ =	sdelay $0x3  }
0x474: {  	s0 =	simm.s32 @!p1 $0x6  }
0x475: {  	_ =	swait.ge @!p1 [sflag:s0], $0x2000  }
0x476: {  	s3 =	sshll.u32 s1, $0x3;
	s5 =	simm.s32 $0x90C0;
	[sflag:s0] =	ssyncset.done @!p1 $0x0  }
0x477: {  	s10 =	simm.s32 $0x8;
	s9 =	sadd.s32 s30, s3;
	[sflag:s0] =	ssyncadd.s32 @!p1 $0xFFFFE000  }
0x478: {  	[tilespmem:s5], [sflag:$0x6] =	stream.linear.gather [hbm4b:s9+s6], $0x40, $0x38;
	[tilespmem:$0x1E980] =	vst v63  }
0x479: {  	_ =	swait.ge [sflag:s10], $0x1C00  }
0x47a: {  	[sflag:s10] =	ssyncset.done $0x0  }
0x47b: {  	[sflag:s10] =	ssyncadd.s32 $0xFFFFE400  }
0x47c: {  	_ =	swait.ge [sflag:s23], $0x1800  }
0x47d: {  	[sflag:s23] =	ssyncset.done $0x0  }
0x47e: {  	[sflag:s23] =	ssyncadd.s32 $0xFFFFE800  }
0x47f: {  	_ =	swait.ge [sflag:s23], $0x400  }
0x480: {  	s0 =	sld [smem:$0x7F7]  }
0x481: {  	p0 =	sgt.u32 s1, $0x983  }
0x482: {  	s1 =	simm.s32 @!p0 $0x0;
	s5 =	simm.s32 $0x74B0;
	[sflag:s23] =	ssyncset.done $0x0  }
0x483: {  	[sflag:s23] =	ssyncadd.s32 $0xFFFFFC00;
	s0 =	sadd.s32 @!p0 s3, s0;
	s3 =	simm.s32 @!p0 $0x9080  }
0x484: {  	[tilespmem:s3], [sflag:$0x7] =	stream.linear.gather @!p0 [hbm4b:s0+s1], $0x40, $0x38;
	[tilespmem:$0x1E980] =	vst v63  }
0x485: {  	v3 =	vld [tilespmem:s5+$0xFFFFFFF0]  }
0x486: {  	s13 =	simm.s32 $0x0;
	v0 =	vld [tilespmem:s5+$0x10]  }
0x487: {  	s17 =	simm.s32 $0x58B0;
	v5 =	vld [tilespmem:s13+$0x8C80]  }
0x488: {  	v1 =	vld [tilespmem:s17+$0x10]  }
0x489: {  	v6 =	vld [tilespmem:s17+$0x30]  }
0x48a: {  	v4 =	vld [tilespmem:s17+$0xFFFFFFF0]  }
0x48b: {  	v7 =	vld [tilespmem:s17+$0xFFFFFFD0]  }
0x48c: {  	v9 =	vld [tilespmem:s5+$0xFFFFFFD0]  }
0x48d: {  	v8 =	vmul.f32 v0, v1  }
0x48e: {  	v1 =	vbroadcast v5, $0x0;
	v2 =	vbroadcast v5, $0x1  }
0x48f: {  	v0 =	vbroadcast v6, $0x2;
	v10 =	vmul.f32 v3, v4  }
0x490: {  	v4 =	vbroadcast v6, $0x0;
	v3 =	vbroadcast v6, $0x1  }
0x491: {  	v5 =	vbroadcast v5, $0x2;
	v7 =	vmul.f32 v9, v7  }
0x492: {  	v6 =	vmul.f32 v10, v2;
	v12 =	vmul.f32 v8, v3  }
0x493: {  	v11 =	vmul.f32 v8, v0;
	v13 =	vmul.f32 v10, v5  }
0x494: {  	s9 =	simm.s32 $0x9140;
	v9 =	vmul.f32 v10, v1;
	v8 =	vmul.f32 v8, v4;
	v6 =	vadd.f32 v12, v6  }
0x495: {  	[tilespmem:s9+$0xFFFFFFC0] =	vst v7;
	v10 =	vadd.f32 v11, v13  }
0x496: {  	v7 =	vadd.f32 v8, v9;
	[tilespmem:s9+$0x0] =	vst v6  }
0x497: {  	[tilespmem:s9+$0x20] =	vst v10  }
0x498: {  	[tilespmem:s9+$0xFFFFFFE0] =	vst v7  }
0x499: {  	v7 =	vld [tilespmem:s17+$0x0]  }
0x49a: {  	v9 =	vld [tilespmem:s5+$0x0]  }
0x49b: {  	s24 =	simm.s32 $0x5920;
	s7 =	simm.s32 $0x80;
	v8 =	vld [tilespmem:s5+$0x20]  }
0x49c: {  	s25 =	simm.s32 $0x10;
	s10 =	simm.s32 $0x7510;
	s0 =	simm.s32 $0x7510;
	v10 =	vld [tilespmem:s17+$0x20]  }
0x49d: {  	s1 =	simm.s32 $0x91C0;
	s3 =	simm.s32 $0x5920;
	s13 =	simm.s32 $0x91C0;
	v6 =	vld [tilespmem:s17+$0xFFFFFFE0]  }
.LBB2_94:
0x49e: {  	s13 =	sadd.s32 $0x80, s13  }
0x49f: {  	s10 =	sadd.s32 $0x60, s10;
	s24 =	sadd.s32 $0x70, s24;
	s17 =	smov.u32 s7  }
0x4a0: {  	p0 =	sne.s32 s7, $0xFC0;
	s7 =	sadd.s32 $0x40, s7;
	v11 =	vld [tilespmem:s5+$0xFFFFFFE0];
	v7 =	vmul.f32 v9, v7;
	s5 =	smov.u32 s0  }
0x4a1: {  	s0 =	smov.u32 s10  }
0x4a2: {  	v8 =	vmul.f32 v8, v10;
	v5 =	vmul.f32 v7, v5  }
0x4a3: {  	v1 =	vmul.f32 v7, v1;
	v2 =	vmul.f32 v7, v2  }
0x4a4: {  	v4 =	vmul.f32 v8, v4;
	v3 =	vmul.f32 v8, v3  }
0x4a5: {  	v0 =	vmul.f32 v8, v0;
	v6 =	vmul.f32 v11, v6  }
0x4a6: {  	v1 =	vadd.f32 v4, v1;
	v2 =	vadd.f32 v3, v2  }
0x4a7: {  	v0 =	vadd.f32 v0, v5;
	[tilespmem:s9+$0xFFFFFFD0] =	vst v6  }
0x4a8: {  	[tilespmem:s9+$0xFFFFFFF0] =	vst v1  }
0x4a9: {  	[tilespmem:s9+$0x30] =	vst v0  }
0x4aa: {  	[tilespmem:s9+$0x10] =	vst v2;
	s9 =	smov.u32 s1;
	s1 =	smov.u32 s13;
	_ =	sdelay $0x1  }
0x4ab: {  	v3 =	vld [tilespmem:s5+$0xFFFFFFF0]  }
0x4ac: {  	s17 =	sshra.s32 s17, $0x2;
	v0 =	vld [tilespmem:s5+$0x10]  }
0x4ad: {  	v5 =	vld [tilespmem:s25+$0x8C80];
	s25 =	smov.u32 s17  }
0x4ae: {  	v1 =	vld [tilespmem:s3+$0x10]  }
0x4af: {  	v6 =	vld [tilespmem:s3+$0x30]  }
0x4b0: {  	v4 =	vld [tilespmem:s3+$0xFFFFFFF0];
	_ =	sdelay $0x2  }
0x4b1: {  	v7 =	vld [tilespmem:s3+$0xFFFFFFD0];
	v8 =	vmul.f32 v0, v1;
	v1 =	vbroadcast v5, $0x0  }
0x4b2: {  	v2 =	vbroadcast v5, $0x1;
	v9 =	vld [tilespmem:s5+$0xFFFFFFD0];
	v0 =	vbroadcast v6, $0x2  }
0x4b3: {  	v10 =	vmul.f32 v3, v4;
	v4 =	vbroadcast v6, $0x0  }
0x4b4: {  	v5 =	vbroadcast v5, $0x2;
	v3 =	vbroadcast v6, $0x1  }
0x4b5: {  	v11 =	vmul.f32 v8, v0;
	v6 =	vmul.f32 v10, v2  }
0x4b6: {  	v12 =	vmul.f32 v8, v3;
	v13 =	vmul.f32 v10, v5  }
0x4b7: {  	v7 =	vmul.f32 v9, v7;
	v9 =	vmul.f32 v10, v1  }
0x4b8: {  	v8 =	vmul.f32 v8, v4;
	v6 =	vadd.f32 v12, v6;
	v10 =	vadd.f32 v11, v13  }
0x4b9: {  	[tilespmem:s9+$0xFFFFFFC0] =	vst v7  }
0x4ba: {  	v7 =	vadd.f32 v8, v9;
	[tilespmem:s9+$0x0] =	vst v6  }
0x4bb: {  	[tilespmem:s9+$0x20] =	vst v10  }
0x4bc: {  	[tilespmem:s9+$0xFFFFFFE0] =	vst v7  }
.Ltmp54:
0x4bd: {  	v7 =	vld [tilespmem:s3+$0x0];
	(pc) =	sbr.rel @p0 .LBB2_94-.Ltmp54, $4  }
0x4be: {  	v9 =	vld [tilespmem:s5+$0x0]  }
0x4bf: {  	v8 =	vld [tilespmem:s5+$0x20]  }
0x4c0: {  	v10 =	vld [tilespmem:s3+$0x20]  }
0x4c1: {  	v6 =	vld [tilespmem:s3+$0xFFFFFFE0];
	s3 =	smov.u32 s24  }
0x4c2: {  	_ = 	snop  }
0x4c3: {  	v11 =	vld [tilespmem:s5+$0xFFFFFFE0]  }
0x4c4: {  	v7 =	vmul.f32 v9, v7  }
0x4c5: {  	v8 =	vmul.f32 v8, v10  }
0x4c6: {  	v5 =	vmul.f32 v7, v5  }
0x4c7: {  	v1 =	vmul.f32 v7, v1;
	v4 =	vmul.f32 v8, v4  }
0x4c8: {  	v6 =	vmul.f32 v11, v6;
	v0 =	vmul.f32 v8, v0  }
0x4c9: {  	v2 =	vmul.f32 v7, v2;
	v3 =	vmul.f32 v8, v3;
	v1 =	vadd.f32 v4, v1  }
0x4ca: {  	[tilespmem:s9+$0xFFFFFFD0] =	vst v6;
	v0 =	vadd.f32 v0, v5  }
0x4cb: {  	v2 =	vadd.f32 v3, v2;
	[tilespmem:s9+$0xFFFFFFF0] =	vst v1  }
0x4cc: {  	[tilespmem:s9+$0x30] =	vst v0  }
0x4cd: {  	[tilespmem:s9+$0x10] =	vst v2  }
0x4ce: {  	v0 =	vld [tilespmem:s0+$0xFFFFFFF0]  }
0x4cf: {  	v1 =	vld [tilespmem:s0+$0x10]  }
0x4d0: {  	v2 =	vld [tilespmem:s25+$0x8C80]  }
0x4d1: {  	v48 =	vld [tilespmem:s3+$0x10]  }
0x4d2: {  	v49 =	vld [tilespmem:s3+$0x30]  }
0x4d3: {  	v50 =	vld [tilespmem:s3+$0xFFFFFFF0]  }
0x4d4: {  	v6 =	vld [tilespmem:s3+$0xFFFFFFD0]  }
0x4d5: {  	v52 =	vld [tilespmem:s0+$0xFFFFFFD0]  }
0x4d6: {  	v1 =	vmul.f32 v1, v48  }
0x4d7: {  	v51 =	vbroadcast v2, $0x0;
	v53 =	vbroadcast v2, $0x1  }
0x4d8: {  	v54 =	vbroadcast v49, $0x2;
	v0 =	vmul.f32 v0, v50  }
0x4d9: {  	v55 =	vbroadcast v49, $0x0;
	v4 =	vbroadcast v49, $0x1  }
0x4da: {  	v2 =	vbroadcast v2, $0x2;
	v6 =	vmul.f32 v52, v6  }
0x4db: {  	v56 =	vmul.f32 v0, v53;
	v12 =	vmul.f32 v1, v4  }
0x4dc: {  	v57 =	vmul.f32 v1, v54;
	v13 =	vmul.f32 v0, v2  }
0x4dd: {  	v0 =	vmul.f32 v0, v51;
	v1 =	vmul.f32 v1, v55;
	v58 =	vadd.f32 v12, v56  }
0x4de: {  	[tilespmem:s1+$0xFFFFFFC0] =	vst v6;
	v59 =	vadd.f32 v57, v13  }
0x4df: {  	v0 =	vadd.f32 v1, v0;
	[tilespmem:s1+$0x0] =	vst v58  }
0x4e0: {  	[tilespmem:s1+$0x20] =	vst v59  }
0x4e1: {  	[tilespmem:s1+$0xFFFFFFE0] =	vst v0  }
0x4e2: {  	v0 =	vld [tilespmem:s3+$0x0]  }
0x4e3: {  	v60 =	vld [tilespmem:s0+$0x0]  }
0x4e4: {  	v6 =	vld [tilespmem:s0+$0x20]  }
0x4e5: {  	v7 =	vld [tilespmem:s3+$0x20]  }
0x4e6: {  	v10 =	vld [tilespmem:s3+$0xFFFFFFE0]  }
0x4e7: {  	v61 =	vld [tilespmem:s0+$0xFFFFFFE0];
	_ =	sdelay $0x3  }
0x4e8: {  	v0 =	vmul.f32 v60, v0;
	v62 =	vmul.f32 v6, v7  }
0x4e9: {  	v63 =	vmul.f32 v61, v10  }
0x4ea: {  	v3 =	vmul.f32 v0, v51;
	v5 =	vmul.f32 v62, v55  }
0x4eb: {  	v2 =	vmul.f32 v0, v2;
	v7 =	vmul.f32 v62, v54  }
0x4ec: {  	v0 =	vmul.f32 v0, v53;
	v1 =	vmul.f32 v62, v4;
	v3 =	vadd.f32 v5, v3  }
0x4ed: {  	[tilespmem:s1+$0xFFFFFFD0] =	vst v63;
	v2 =	vadd.f32 v7, v2  }
0x4ee: {  	v0 =	vadd.f32 v1, v0;
	[tilespmem:s1+$0xFFFFFFF0] =	vst v3  }
0x4ef: {  	[tilespmem:s1+$0x30] =	vst v2  }
0x4f0: {  	s17 =	simm.s32 $0x6;
	[tilespmem:s1+$0x10] =	vst v0  }
.Ltmp55:
0x4f1: {  	_ =	swait.ge [sflag:s17], $0x40;
	(pc) =	sbr.rel .LBB2_96-.Ltmp55, $4  }
0x4f2: {  	[sflag:s17] =	ssyncset.done $0x0  }
0x4f3: {  	[sflag:s17] =	ssyncadd.s32 $0xFFFFFFC0  }
0x4f4: {  	s24 =	simm.s32 $0x90C0;
	s25 =	simm.s32 $0x9100;
	s0 =	rddreg [dreg:$0x5]  }
0x4f5: {  	[spmem:s0] =	stream.indirect.scatter.add.f32 [tilespmem:s25], [sflag:$0x6], $0x80, s24, s19, $0xb8;
	[tilespmem:$0x1E980] =	vst v63  }
.LBB2_97:
0x4f6: {  	s0 =	simm.s32 $0x2  }
0x4f7: {  	_ =	swait.ge [sflag:s0], $0x2000  }
0x4f8: {  	[sflag:s0] =	ssyncset.done $0x0  }
0x4f9: {  	s10 =	simm.s32 $0x6;
	[sflag:s0] =	ssyncadd.s32 $0xFFFFE000  }
0x4fa: {  	_ =	swait.ge [sflag:s10], $0x2000  }
0x4fb: {  	[sflag:s10] =	ssyncset.done $0x0  }
0x4fc: {  	[sflag:s10] =	ssyncadd.s32 $0xFFFFE000  }
0x4fd: {  	[bflag:$0x0] =	sbarrier.arrive $0xFFFF  }
0x4fe: {  	s1 =	sld [smem:$0x7FC]  }
0x4ff: {  	s5 =	sld [smem:$0x7F4];
	_ =	sdelay $0x1  }
0x500: {  	s3 =	simm.s32 $0x9;
	s13 =	rddreg [dreg:$0x9]  }
0x501: {  	[hbm:s1], [sflag:s13] =	dma.local [spmem:s5], $0x2710  }
0x502: {  	_ =	swait.ge [sflag:s3], $0x2710  }
0x503: {  	[sflag:s3] =	ssyncset.done $0x0  }
0x504: {  	[sflag:s3] =	ssyncadd.s32 $0xFFFFD8F0  }
0x505: {  	[bflag:$0x0] =	sbarrier.arrive $0xFFFF  }
0x506: {  	s17 =	rddreg [dreg:$0x1f]  }
0x507: {  	[spmem:s5], [sflag:s13] =	dma.local [hbm:s17], $0x2710  }
0x508: {  	_ =	swait.ge [sflag:s3], $0x2710  }
0x509: {  	[sflag:s3] =	ssyncset.done $0x0  }
0x50a: {  	[sflag:s3] =	ssyncadd.s32 $0xFFFFD8F0  }
0x50b: {  	[bflag:$0x0] =	sbarrier.arrive $0xFFFF  }
0x50c: {  	s18 =	simm.s32 $0x0;
	s25 =	simm.s32 $0x3800;
	s24 =	rddreg [dreg:$0x1d]  }
0x50d: {  	[tilespmem:s25], [sflag:$0x9] =	stream.linear.gather [hbm4b:s24+s18], $0x40, $0x38;
	[tilespmem:$0x1E980] =	vst v63  }
0x50e: {  	_ =	swait.ge [sflag:s3], $0x40  }
0x50f: {  	s0 =	simm.s32 $0x1C00;
	s1 =	simm.s32 $0x30;
	[sflag:s3] =	ssyncset.done $0x0  }
0x510: {  	s5 =	sadd.s32 $0x0, s4;
	[sflag:s3] =	ssyncadd.s32 $0xFFFFFFC0;
	s3 =	simm.s32 $0x1C60  }
0x511: {  	[tilespmem:s18], [sflag:$0x4] =	stream.indirect.gather [hbm4b:s15+s19], $0x70, s25, s19, $0xb8;
	[tilespmem:$0x1E980] =	vst v63  }
.LBB2_98:
0x512: {  	[tilespmem:s0], [sflag:$0x1] =	stream.linear.gather [hbm4b:s5+s6], $0x20, $0x38;
	[tilespmem:$0x1E980] =	vst v63  }
0x513: {  	s5 =	smov.u32 s1;
	s0 =	smov.u32 s3;
	p0 =	sne.s32 s1, $0xBD0  }
.Ltmp56:
0x514: {  	s1 =	sadd.s32 $0x30, s1;
	(pc) =	sbr.rel @p0 .LBB2_98-.Ltmp56, $2  }
0x515: {  	_ =	sdelay $0x2  }
0x516: {  	s3 =	sadd.s32 $0x60, s3;
	s5 =	sadd.s32 s5, s4  }
0x517: {  	[tilespmem:s0], [sflag:$0x1] =	stream.linear.gather [hbm4b:s5+s6], $0x20, $0x38;
	[tilespmem:$0x1E980] =	vst v63  }
0x518: {  	s0 =	simm.s32 $0x1C20  }
0x519: {  	s1 =	simm.s32 $0x30;
	s5 =	sadd.s32 $0x0, s8;
	s3 =	simm.s32 $0x1C80  }
.LBB2_100:
0x51a: {  	[tilespmem:s0], [sflag:$0x1] =	stream.linear.gather [hbm4b:s5+s6], $0x20, $0x38;
	[tilespmem:$0x1E980] =	vst v63  }
0x51b: {  	s5 =	smov.u32 s1;
	s0 =	smov.u32 s3;
	p0 =	sne.s32 s1, $0xBD0  }
.Ltmp57:
0x51c: {  	s1 =	sadd.s32 $0x30, s1;
	(pc) =	sbr.rel @p0 .LBB2_100-.Ltmp57, $2  }
0x51d: {  	_ =	sdelay $0x2  }
0x51e: {  	s3 =	sadd.s32 $0x60, s3;
	s5 =	sadd.s32 s5, s8  }
0x51f: {  	[tilespmem:s0], [sflag:$0x1] =	stream.linear.gather [hbm4b:s5+s6], $0x20, $0x38;
	[tilespmem:$0x1E980] =	vst v63  }
0x520: {  	s0 =	simm.s32 $0x1C40  }
0x521: {  	s1 =	simm.s32 $0x30;
	s5 =	sadd.s32 $0x0, s16;
	s3 =	simm.s32 $0x1CA0  }
.LBB2_102:
0x522: {  	[tilespmem:s0], [sflag:$0x1] =	stream.linear.gather [hbm4b:s5+s6], $0x20, $0x38;
	[tilespmem:$0x1E980] =	vst v63  }
0x523: {  	s5 =	smov.u32 s1;
	s0 =	smov.u32 s3;
	p0 =	sne.s32 s1, $0xBD0  }
.Ltmp58:
0x524: {  	s1 =	sadd.s32 $0x30, s1;
	(pc) =	sbr.rel @p0 .LBB2_102-.Ltmp58, $2  }
0x525: {  	_ =	sdelay $0x2  }
0x526: {  	s3 =	sadd.s32 $0x60, s3;
	s5 =	sadd.s32 s5, s16  }
0x527: {  	[tilespmem:s0], [sflag:$0x1] =	stream.linear.gather [hbm4b:s5+s6], $0x20, $0x38;
	[tilespmem:$0x1E980] =	vst v63  }
.Ltmp59:
0x528: {  	_ = 	snop;
	(pc) =	sbr.rel .LBB2_104-.Ltmp59, $4  }
0x529: {  	s18 =	simm.s32 $0x0;
	s17 =	rddreg [dreg:$0xc];
	s1 =	simm.s32 $0x3400  }
0x52a: {  	[tilespmem:s1], [sflag:$0x1] =	stream.linear.gather [hbm4b:s17+s18], $0x400, $0x38;
	[tilespmem:$0x1E980] =	vst v63  }
0x52b: {  	s24 =	rddreg [dreg:$0x1e];
	s25 =	simm.s32 $0x9080  }
0x52c: {  	[tilespmem:s25], [sflag:$0x7] =	stream.linear.gather [hbm4b:s24+s18], $0x40, $0x38;
	[tilespmem:$0x1E980] =	vst v63  }
.LBB2_128:
0x52d: {  	s18 =	sadd.s32 $0x1, s18  }
0x52e: {  	p0 =	sne.s32 s18, $0x28  }
.Ltmp60:
0x52f: {  	_ = 	snop;
	(pc) =	sbr.rel @!p0 .LBB2_129-.Ltmp60, $1  }
0x530: {  	_ =	sdelay $0x3  }
.LBB2_104:
0x531: {  	s3 =	sshll.u32 s18, $0x6;
	s0 =	rddreg [dreg:$0x7]  }
0x532: {  	s0 =	sor.u32 s0, s3  }
0x533: {  	s1 =	sor.u32 $0x20, s0  }
0x534: {  	p0 =	sgt.u32 s1, $0x9C3  }
.Ltmp61:
0x535: {  	_ = 	snop;
	(pc) =	sbr.rel @p0 .LBB2_112-.Ltmp61, $1  }
0x536: {  	_ =	sdelay $0x3  }
0x537: {  	s5 =	simm.s32 $0x7  }
0x538: {  	_ =	swait.ge [sflag:s5], $0x40  }
0x539: {  	s7 =	simm.s32 $0x9080;
	s9 =	simm.s32 $0x5880;
	[sflag:s5] =	ssyncset.done $0x0  }
0x53a: {  	s25 =	rddreg [dreg:$0x14];
	[sflag:s5] =	ssyncadd.s32 $0xFFFFFFC0;
	s5 =	smul.u32 $0xC00, s1  }
0x53b: {  	[tilespmem:s9], [sflag:$0x8] =	stream.indirect.gather [hbm4b:s15+s19], $0x70, s7, s19, $0xb8;
	[tilespmem:$0x1E980] =	vst v63  }
0x53c: {  	s10 =	simm.s32 $0x30;
	s7 =	sadd.s32 s5, s25  }
0x53d: {  	s13 =	simm.s32 $0x74E0;
	s9 =	simm.s32 $0x7480;
	s24 =	sadd.s32 $0x0, s7  }
.LBB2_106:
0x53e: {  	[tilespmem:s9], [sflag:$0x5] =	stream.linear.gather [hbm4b:s24+s6], $0x20, $0x38;
	[tilespmem:$0x1E980] =	vst v63  }
0x53f: {  	s17 =	smov.u32 s10;
	s9 =	smov.u32 s13;
	p1 =	sne.s32 s10, $0xBD0  }
.Ltmp62:
0x540: {  	s10 =	sadd.s32 $0x30, s10;
	(pc) =	sbr.rel @p1 .LBB2_106-.Ltmp62, $2  }
0x541: {  	_ =	sdelay $0x2  }
0x542: {  	s13 =	sadd.s32 $0x60, s13;
	s24 =	sadd.s32 s17, s7  }
0x543: {  	[tilespmem:s9], [sflag:$0x5] =	stream.linear.gather [hbm4b:s24+s6], $0x20, $0x38;
	[tilespmem:$0x1E980] =	vst v63  }
0x544: {  	s7 =	rddreg [dreg:$0x15]  }
0x545: {  	s9 =	simm.s32 $0x74A0;
	s7 =	sadd.s32 s5, s7  }
0x546: {  	s10 =	simm.s32 $0x30;
	s13 =	simm.s32 $0x7500;
	s24 =	sadd.s32 $0x0, s7  }
.LBB2_108:
0x547: {  	[tilespmem:s9], [sflag:$0x5] =	stream.linear.gather [hbm4b:s24+s6], $0x20, $0x38;
	[tilespmem:$0x1E980] =	vst v63  }
0x548: {  	s17 =	smov.u32 s10;
	s9 =	smov.u32 s13;
	p1 =	sne.s32 s10, $0xBD0  }
.Ltmp63:
0x549: {  	s10 =	sadd.s32 $0x30, s10;
	(pc) =	sbr.rel @p1 .LBB2_108-.Ltmp63, $2  }
0x54a: {  	_ =	sdelay $0x2  }
0x54b: {  	s13 =	sadd.s32 $0x60, s13;
	s24 =	sadd.s32 s17, s7  }
0x54c: {  	[tilespmem:s9], [sflag:$0x5] =	stream.linear.gather [hbm4b:s24+s6], $0x20, $0x38;
	[tilespmem:$0x1E980] =	vst v63  }
0x54d: {  	s7 =	rddreg [dreg:$0x16]  }
0x54e: {  	s9 =	simm.s32 $0x30;
	s5 =	sadd.s32 s5, s7  }
0x54f: {  	s10 =	simm.s32 $0x7520;
	s7 =	simm.s32 $0x74C0;
	s13 =	sadd.s32 $0x0, s5  }
.LBB2_110:
0x550: {  	[tilespmem:s7], [sflag:$0x5] =	stream.linear.gather [hbm4b:s13+s6], $0x20, $0x38;
	[tilespmem:$0x1E980] =	vst v63  }
0x551: {  	s13 =	smov.u32 s9;
	s7 =	smov.u32 s10;
	p1 =	sne.s32 s9, $0xBD0  }
.Ltmp64:
0x552: {  	s9 =	sadd.s32 $0x30, s9;
	(pc) =	sbr.rel @p1 .LBB2_110-.Ltmp64, $2  }
0x553: {  	_ =	sdelay $0x2  }
0x554: {  	s10 =	sadd.s32 $0x60, s10;
	s13 =	sadd.s32 s13, s5  }
0x555: {  	[tilespmem:s7], [sflag:$0x5] =	stream.linear.gather [hbm4b:s13+s6], $0x20, $0x38;
	[tilespmem:$0x1E980] =	vst v63  }
0x556: {  	s5 =	sshll.u32 s1, $0x7  }
0x557: {  	s25 =	simm.s32 $0x8C80;
	s5 =	sadd.s32 s31, s5  }
0x558: {  	[tilespmem:s25], [sflag:$0x5] =	stream.linear.gather [hbm4b:s5+s6], $0x400, $0x38;
	[tilespmem:$0x1E980] =	vst v63  }
.LBB2_112:
0x559: {  	p2 =	sgt.u32 s0, $0x9C3  }
.Ltmp65:
0x55a: {  	_ = 	snop;
	(pc) =	sbr.rel @p2 .LBB2_116-.Ltmp65, $2  }
0x55b: {  	_ =	sdelay $0x2  }
0x55c: {  	p1 =	seq.s32 s18, $0x0  }
0x55d: {  	s5 =	simm.s32 @!p1 $0x2  }
0x55e: {  	_ =	swait.ge @!p1 [sflag:s5], $0x2000  }
0x55f: {  	s7 =	sshll.u32 s0, $0x3;
	s9 =	simm.s32 $0x3840;
	[sflag:s5] =	ssyncset.done @!p1 $0x0  }
0x560: {  	s10 =	simm.s32 $0x4;
	s25 =	sadd.s32 s30, s7;
	[sflag:s5] =	ssyncadd.s32 @!p1 $0xFFFFE000  }
0x561: {  	[tilespmem:s9], [sflag:$0x2] =	stream.linear.gather [hbm4b:s25+s6], $0x40, $0x38;
	[tilespmem:$0x1E980] =	vst v63  }
0x562: {  	_ =	swait.ge [sflag:s10], $0x1C00  }
0x563: {  	[sflag:s10] =	ssyncset.done $0x0  }
0x564: {  	[sflag:s10] =	ssyncadd.s32 $0xFFFFE400  }
0x565: {  	_ =	swait.ge [sflag:s2], $0x1800  }
0x566: {  	[sflag:s2] =	ssyncset.done $0x0  }
0x567: {  	[sflag:s2] =	ssyncadd.s32 $0xFFFFE800  }
0x568: {  	_ =	swait.ge [sflag:s2], $0x400  }
0x569: {  	p2 =	sgt.u32 s0, $0x983;
	s0 =	sld [smem:$0x7F8];
	_ =	sdelay $0x1  }
0x56a: {  	s5 =	simm.s32 @!p2 $0x0;
	s25 =	simm.s32 $0x1C30;
	[sflag:s2] =	ssyncset.done $0x0  }
0x56b: {  	[sflag:s2] =	ssyncadd.s32 $0xFFFFFC00;
	s0 =	sadd.s32 @!p2 s7, s0;
	s7 =	simm.s32 @!p2 $0x3800  }
0x56c: {  	[tilespmem:s7], [sflag:$0x3] =	stream.linear.gather @!p2 [hbm4b:s0+s5], $0x40, $0x38;
	[tilespmem:$0x1E980] =	vst v63  }
0x56d: {  	v3 =	vld [tilespmem:s25+$0xFFFFFFF0]  }
0x56e: {  	s13 =	simm.s32 $0x0;
	v0 =	vld [tilespmem:s25+$0x10]  }
0x56f: {  	s17 =	simm.s32 $0x30;
	v5 =	vld [tilespmem:s13+$0x3400]  }
0x570: {  	v1 =	vld [tilespmem:s17+$0x10]  }
0x571: {  	v6 =	vld [tilespmem:s17+$0x30]  }
0x572: {  	v4 =	vld [tilespmem:s17+$0xFFFFFFF0]  }
0x573: {  	v7 =	vld [tilespmem:s17+$0xFFFFFFD0]  }
0x574: {  	v9 =	vld [tilespmem:s25+$0xFFFFFFD0]  }
0x575: {  	v8 =	vmul.f32 v0, v1  }
0x576: {  	v1 =	vbroadcast v5, $0x0;
	v2 =	vbroadcast v5, $0x1  }
0x577: {  	v0 =	vbroadcast v6, $0x2;
	v10 =	vmul.f32 v3, v4  }
0x578: {  	v4 =	vbroadcast v6, $0x0;
	v3 =	vbroadcast v6, $0x1  }
0x579: {  	v5 =	vbroadcast v5, $0x2;
	v7 =	vmul.f32 v9, v7  }
0x57a: {  	v6 =	vmul.f32 v10, v2;
	v12 =	vmul.f32 v8, v3  }
0x57b: {  	v11 =	vmul.f32 v8, v0;
	v13 =	vmul.f32 v10, v5  }
0x57c: {  	s9 =	simm.s32 $0x38C0;
	v9 =	vmul.f32 v10, v1;
	v8 =	vmul.f32 v8, v4;
	v6 =	vadd.f32 v12, v6  }
0x57d: {  	[tilespmem:s9+$0xFFFFFFC0] =	vst v7;
	v10 =	vadd.f32 v11, v13  }
0x57e: {  	v7 =	vadd.f32 v8, v9;
	[tilespmem:s9+$0x0] =	vst v6  }
0x57f: {  	[tilespmem:s9+$0x20] =	vst v10  }
0x580: {  	[tilespmem:s9+$0xFFFFFFE0] =	vst v7  }
0x581: {  	v7 =	vld [tilespmem:s17+$0x0]  }
0x582: {  	v9 =	vld [tilespmem:s25+$0x0]  }
0x583: {  	s24 =	simm.s32 $0xA0;
	s31 =	simm.s32 $0xA0;
	v8 =	vld [tilespmem:s25+$0x20]  }
0x584: {  	s30 =	simm.s32 $0x10;
	s10 =	simm.s32 $0x1C90;
	s7 =	simm.s32 $0x80;
	v10 =	vld [tilespmem:s17+$0x20]  }
0x585: {  	s0 =	simm.s32 $0x1C90;
	s5 =	simm.s32 $0x3940;
	s13 =	simm.s32 $0x3940;
	v6 =	vld [tilespmem:s17+$0xFFFFFFE0]  }
.LBB2_114:
0x586: {  	s13 =	sadd.s32 $0x80, s13  }
0x587: {  	s10 =	sadd.s32 $0x60, s10;
	s24 =	sadd.s32 $0x70, s24;
	s17 =	smov.u32 s7  }
0x588: {  	p2 =	sne.s32 s7, $0xFC0;
	s7 =	sadd.s32 $0x40, s7;
	v11 =	vld [tilespmem:s25+$0xFFFFFFE0];
	v7 =	vmul.f32 v9, v7;
	s25 =	smov.u32 s0  }
0x589: {  	s0 =	smov.u32 s10  }
0x58a: {  	v8 =	vmul.f32 v8, v10;
	v5 =	vmul.f32 v7, v5  }
0x58b: {  	v1 =	vmul.f32 v7, v1;
	v2 =	vmul.f32 v7, v2  }
0x58c: {  	v4 =	vmul.f32 v8, v4;
	v3 =	vmul.f32 v8, v3  }
0x58d: {  	v0 =	vmul.f32 v8, v0;
	v6 =	vmul.f32 v11, v6  }
0x58e: {  	v1 =	vadd.f32 v4, v1;
	v2 =	vadd.f32 v3, v2  }
0x58f: {  	v0 =	vadd.f32 v0, v5;
	[tilespmem:s9+$0xFFFFFFD0] =	vst v6  }
0x590: {  	[tilespmem:s9+$0xFFFFFFF0] =	vst v1  }
0x591: {  	[tilespmem:s9+$0x30] =	vst v0  }
0x592: {  	[tilespmem:s9+$0x10] =	vst v2;
	s9 =	smov.u32 s5;
	s5 =	smov.u32 s13;
	_ =	sdelay $0x1  }
0x593: {  	v3 =	vld [tilespmem:s25+$0xFFFFFFF0]  }
0x594: {  	s17 =	sshra.s32 s17, $0x2;
	v0 =	vld [tilespmem:s25+$0x10]  }
0x595: {  	v5 =	vld [tilespmem:s30+$0x3400];
	s30 =	smov.u32 s17  }
0x596: {  	v1 =	vld [tilespmem:s31+$0x10]  }
0x597: {  	v6 =	vld [tilespmem:s31+$0x30]  }
0x598: {  	v4 =	vld [tilespmem:s31+$0xFFFFFFF0];
	_ =	sdelay $0x2  }
0x599: {  	v7 =	vld [tilespmem:s31+$0xFFFFFFD0];
	v8 =	vmul.f32 v0, v1;
	v1 =	vbroadcast v5, $0x0  }
0x59a: {  	v2 =	vbroadcast v5, $0x1;
	v9 =	vld [tilespmem:s25+$0xFFFFFFD0];
	v0 =	vbroadcast v6, $0x2  }
0x59b: {  	v10 =	vmul.f32 v3, v4;
	v4 =	vbroadcast v6, $0x0  }
0x59c: {  	v5 =	vbroadcast v5, $0x2;
	v3 =	vbroadcast v6, $0x1  }
0x59d: {  	v11 =	vmul.f32 v8, v0;
	v6 =	vmul.f32 v10, v2  }
0x59e: {  	v12 =	vmul.f32 v8, v3;
	v13 =	vmul.f32 v10, v5  }
0x59f: {  	v7 =	vmul.f32 v9, v7;
	v9 =	vmul.f32 v10, v1  }
0x5a0: {  	v8 =	vmul.f32 v8, v4;
	v6 =	vadd.f32 v12, v6;
	v10 =	vadd.f32 v11, v13  }
0x5a1: {  	[tilespmem:s9+$0xFFFFFFC0] =	vst v7  }
0x5a2: {  	v7 =	vadd.f32 v8, v9;
	[tilespmem:s9+$0x0] =	vst v6  }
0x5a3: {  	[tilespmem:s9+$0x20] =	vst v10  }
0x5a4: {  	[tilespmem:s9+$0xFFFFFFE0] =	vst v7  }
.Ltmp66:
0x5a5: {  	v7 =	vld [tilespmem:s31+$0x0];
	(pc) =	sbr.rel @p2 .LBB2_114-.Ltmp66, $4  }
0x5a6: {  	v9 =	vld [tilespmem:s25+$0x0]  }
0x5a7: {  	v8 =	vld [tilespmem:s25+$0x20]  }
0x5a8: {  	v10 =	vld [tilespmem:s31+$0x20]  }
0x5a9: {  	v6 =	vld [tilespmem:s31+$0xFFFFFFE0];
	s31 =	smov.u32 s24  }
0x5aa: {  	_ = 	snop  }
0x5ab: {  	v11 =	vld [tilespmem:s25+$0xFFFFFFE0]  }
0x5ac: {  	v7 =	vmul.f32 v9, v7  }
0x5ad: {  	v8 =	vmul.f32 v8, v10  }
0x5ae: {  	v5 =	vmul.f32 v7, v5  }
0x5af: {  	v1 =	vmul.f32 v7, v1;
	v4 =	vmul.f32 v8, v4  }
0x5b0: {  	v6 =	vmul.f32 v11, v6;
	v0 =	vmul.f32 v8, v0  }
0x5b1: {  	v2 =	vmul.f32 v7, v2;
	v3 =	vmul.f32 v8, v3;
	v1 =	vadd.f32 v4, v1  }
0x5b2: {  	[tilespmem:s9+$0xFFFFFFD0] =	vst v6;
	v0 =	vadd.f32 v0, v5  }
0x5b3: {  	v2 =	vadd.f32 v3, v2;
	[tilespmem:s9+$0xFFFFFFF0] =	vst v1  }
0x5b4: {  	[tilespmem:s9+$0x30] =	vst v0  }
0x5b5: {  	[tilespmem:s9+$0x10] =	vst v2  }
0x5b6: {  	v0 =	vld [tilespmem:s0+$0xFFFFFFF0]  }
0x5b7: {  	v1 =	vld [tilespmem:s0+$0x10]  }
0x5b8: {  	v2 =	vld [tilespmem:s30+$0x3400]  }
0x5b9: {  	v48 =	vld [tilespmem:s31+$0x10]  }
0x5ba: {  	v49 =	vld [tilespmem:s31+$0x30]  }
0x5bb: {  	v50 =	vld [tilespmem:s31+$0xFFFFFFF0]  }
0x5bc: {  	v6 =	vld [tilespmem:s31+$0xFFFFFFD0]  }
0x5bd: {  	v52 =	vld [tilespmem:s0+$0xFFFFFFD0]  }
0x5be: {  	v1 =	vmul.f32 v1, v48  }
0x5bf: {  	v51 =	vbroadcast v2, $0x0;
	v53 =	vbroadcast v2, $0x1  }
0x5c0: {  	v54 =	vbroadcast v49, $0x2;
	v0 =	vmul.f32 v0, v50  }
0x5c1: {  	v55 =	vbroadcast v49, $0x0;
	v4 =	vbroadcast v49, $0x1  }
0x5c2: {  	v2 =	vbroadcast v2, $0x2;
	v6 =	vmul.f32 v52, v6  }
0x5c3: {  	v56 =	vmul.f32 v0, v53;
	v12 =	vmul.f32 v1, v4  }
0x5c4: {  	v57 =	vmul.f32 v1, v54;
	v13 =	vmul.f32 v0, v2  }
0x5c5: {  	v0 =	vmul.f32 v0, v51;
	v1 =	vmul.f32 v1, v55;
	v58 =	vadd.f32 v12, v56  }
0x5c6: {  	[tilespmem:s5+$0xFFFFFFC0] =	vst v6;
	v59 =	vadd.f32 v57, v13  }
0x5c7: {  	v0 =	vadd.f32 v1, v0;
	[tilespmem:s5+$0x0] =	vst v58  }
0x5c8: {  	[tilespmem:s5+$0x20] =	vst v59  }
0x5c9: {  	[tilespmem:s5+$0xFFFFFFE0] =	vst v0  }
0x5ca: {  	v0 =	vld [tilespmem:s31+$0x0]  }
0x5cb: {  	v60 =	vld [tilespmem:s0+$0x0]  }
0x5cc: {  	v6 =	vld [tilespmem:s0+$0x20]  }
0x5cd: {  	v7 =	vld [tilespmem:s31+$0x20]  }
0x5ce: {  	v10 =	vld [tilespmem:s31+$0xFFFFFFE0]  }
0x5cf: {  	v61 =	vld [tilespmem:s0+$0xFFFFFFE0];
	_ =	sdelay $0x3  }
0x5d0: {  	v0 =	vmul.f32 v60, v0;
	v62 =	vmul.f32 v6, v7  }
0x5d1: {  	v63 =	vmul.f32 v61, v10  }
0x5d2: {  	v3 =	vmul.f32 v0, v51;
	v5 =	vmul.f32 v62, v55  }
0x5d3: {  	v2 =	vmul.f32 v0, v2;
	v7 =	vmul.f32 v62, v54  }
0x5d4: {  	v0 =	vmul.f32 v0, v53;
	v1 =	vmul.f32 v62, v4;
	v3 =	vadd.f32 v5, v3  }
0x5d5: {  	[tilespmem:s5+$0xFFFFFFD0] =	vst v63;
	v2 =	vadd.f32 v7, v2  }
0x5d6: {  	v0 =	vadd.f32 v1, v0;
	[tilespmem:s5+$0xFFFFFFF0] =	vst v3  }
0x5d7: {  	[tilespmem:s5+$0x30] =	vst v2  }
0x5d8: {  	s24 =	simm.s32 $0x2;
	[tilespmem:s5+$0x10] =	vst v0  }
0x5d9: {  	_ =	swait.ge [sflag:s24], $0x40  }
0x5da: {  	[sflag:s24] =	ssyncset.done $0x0  }
0x5db: {  	[sflag:s24] =	ssyncadd.s32 $0xFFFFFFC0  }
0x5dc: {  	s0 =	rddreg [dreg:$0x5]  }
0x5dd: {  	s30 =	rddreg [dreg:$0x1]  }
0x5de: {  	s25 =	simm.s32 $0x3840;
	s7 =	simm.s32 $0x3880;
	s31 =	rddreg [dreg:$0x3]  }
0x5df: {  	[spmem:s0] =	stream.indirect.scatter.add.f32 [tilespmem:s7], [sflag:$0x2], $0x80, s25, s19, $0xb8;
	[tilespmem:$0x1E980] =	vst v63  }
.LBB2_116:
0x5e0: {  	s0 =	sld [smem:$0x7FA];
	_ =	sdelay $0x2  }
0x5e1: {  	s0 =	sadd.s32 s0, s3  }
0x5e2: {  	p2 =	sgt.u32 s0, $0x9C3  }
.Ltmp67:
0x5e3: {  	_ = 	snop;
	(pc) =	sbr.rel @p2 .LBB2_124-.Ltmp67, $1  }
0x5e4: {  	_ =	sdelay $0x3  }
0x5e5: {  	s3 =	simm.s32 $0x3  }
0x5e6: {  	_ =	swait.ge [sflag:s3], $0x40  }
0x5e7: {  	s5 =	simm.s32 $0x0;
	s7 =	simm.s32 $0x3800;
	[sflag:s3] =	ssyncset.done $0x0  }
0x5e8: {  	s25 =	rddreg [dreg:$0x14];
	[sflag:s3] =	ssyncadd.s32 $0xFFFFFFC0;
	s3 =	smul.u32 $0xC00, s0  }
0x5e9: {  	[tilespmem:s5], [sflag:$0x4] =	stream.indirect.gather [hbm4b:s15+s19], $0x70, s7, s19, $0xb8;
	[tilespmem:$0x1E980] =	vst v63  }
0x5ea: {  	s9 =	simm.s32 $0x30;
	s5 =	sadd.s32 s3, s25  }
0x5eb: {  	s10 =	simm.s32 $0x1C60;
	s7 =	simm.s32 $0x1C00;
	s13 =	sadd.s32 $0x0, s5  }
.LBB2_118:
0x5ec: {  	[tilespmem:s7], [sflag:$0x1] =	stream.linear.gather [hbm4b:s13+s6], $0x20, $0x38;
	[tilespmem:$0x1E980] =	vst v63  }
0x5ed: {  	s13 =	smov.u32 s9;
	s7 =	smov.u32 s10;
	p2 =	sne.s32 s9, $0xBD0  }
.Ltmp68:
0x5ee: {  	s9 =	sadd.s32 $0x30, s9;
	(pc) =	sbr.rel @p2 .LBB2_118-.Ltmp68, $2  }
0x5ef: {  	_ =	sdelay $0x2  }
0x5f0: {  	s10 =	sadd.s32 $0x60, s10;
	s13 =	sadd.s32 s13, s5  }
0x5f1: {  	[tilespmem:s7], [sflag:$0x1] =	stream.linear.gather [hbm4b:s13+s6], $0x20, $0x38;
	[tilespmem:$0x1E980] =	vst v63  }
0x5f2: {  	s5 =	rddreg [dreg:$0x15]  }
0x5f3: {  	s7 =	simm.s32 $0x1C20;
	s5 =	sadd.s32 s3, s5  }
0x5f4: {  	s9 =	simm.s32 $0x30;
	s10 =	simm.s32 $0x1C80;
	s13 =	sadd.s32 $0x0, s5  }
.LBB2_120:
0x5f5: {  	[tilespmem:s7], [sflag:$0x1] =	stream.linear.gather [hbm4b:s13+s6], $0x20, $0x38;
	[tilespmem:$0x1E980] =	vst v63  }
0x5f6: {  	s13 =	smov.u32 s9;
	s7 =	smov.u32 s10;
	p2 =	sne.s32 s9, $0xBD0  }
.Ltmp69:
0x5f7: {  	s9 =	sadd.s32 $0x30, s9;
	(pc) =	sbr.rel @p2 .LBB2_120-.Ltmp69, $2  }
0x5f8: {  	_ =	sdelay $0x2  }
0x5f9: {  	s10 =	sadd.s32 $0x60, s10;
	s13 =	sadd.s32 s13, s5  }
0x5fa: {  	[tilespmem:s7], [sflag:$0x1] =	stream.linear.gather [hbm4b:s13+s6], $0x20, $0x38;
	[tilespmem:$0x1E980] =	vst v63  }
0x5fb: {  	s5 =	rddreg [dreg:$0x16]  }
0x5fc: {  	s7 =	simm.s32 $0x30;
	s3 =	sadd.s32 s3, s5  }
0x5fd: {  	s9 =	simm.s32 $0x1CA0;
	s5 =	simm.s32 $0x1C40;
	s10 =	sadd.s32 $0x0, s3  }
.LBB2_122:
0x5fe: {  	[tilespmem:s5], [sflag:$0x1] =	stream.linear.gather [hbm4b:s10+s6], $0x20, $0x38;
	[tilespmem:$0x1E980] =	vst v63  }
0x5ff: {  	s10 =	smov.u32 s7;
	s5 =	smov.u32 s9;
	p2 =	sne.s32 s7, $0xBD0  }
.Ltmp70:
0x600: {  	s7 =	sadd.s32 $0x30, s7;
	(pc) =	sbr.rel @p2 .LBB2_122-.Ltmp70, $2  }
0x601: {  	_ =	sdelay $0x2  }
0x602: {  	s9 =	sadd.s32 $0x60, s9;
	s10 =	sadd.s32 s10, s3  }
0x603: {  	[tilespmem:s5], [sflag:$0x1] =	stream.linear.gather [hbm4b:s10+s6], $0x20, $0x38;
	[tilespmem:$0x1E980] =	vst v63  }
0x604: {  	s0 =	sshll.u32 s0, $0x7  }
0x605: {  	s3 =	simm.s32 $0x3400;
	s0 =	sadd.s32 s31, s0  }
0x606: {  	[tilespmem:s3], [sflag:$0x1] =	stream.linear.gather [hbm4b:s0+s6], $0x400, $0x38;
	[tilespmem:$0x1E980] =	vst v63  }
.LBB2_124:
.Ltmp71:
0x607: {  	(pc) =	sbr.rel @p0 .LBB2_128-.Ltmp71, $1  }
0x608: {  	_ =	sdelay $0x3  }
0x609: {  	s0 =	simm.s32 @!p1 $0x6  }
0x60a: {  	_ =	swait.ge @!p1 [sflag:s0], $0x2000  }
0x60b: {  	s3 =	sshll.u32 s1, $0x3;
	s5 =	simm.s32 $0x90C0;
	[sflag:s0] =	ssyncset.done @!p1 $0x0  }
0x60c: {  	s10 =	simm.s32 $0x8;
	s9 =	sadd.s32 s30, s3;
	[sflag:s0] =	ssyncadd.s32 @!p1 $0xFFFFE000  }
0x60d: {  	[tilespmem:s5], [sflag:$0x6] =	stream.linear.gather [hbm4b:s9+s6], $0x40, $0x38;
	[tilespmem:$0x1E980] =	vst v63  }
0x60e: {  	_ =	swait.ge [sflag:s10], $0x1C00  }
0x60f: {  	[sflag:s10] =	ssyncset.done $0x0  }
0x610: {  	[sflag:s10] =	ssyncadd.s32 $0xFFFFE400  }
0x611: {  	_ =	swait.ge [sflag:s23], $0x1800  }
0x612: {  	[sflag:s23] =	ssyncset.done $0x0  }
0x613: {  	[sflag:s23] =	ssyncadd.s32 $0xFFFFE800  }
0x614: {  	_ =	swait.ge [sflag:s23], $0x400  }
0x615: {  	s0 =	sld [smem:$0x7F8]  }
0x616: {  	p0 =	sgt.u32 s1, $0x983  }
0x617: {  	s1 =	simm.s32 @!p0 $0x0;
	s5 =	simm.s32 $0x74B0;
	[sflag:s23] =	ssyncset.done $0x0  }
0x618: {  	[sflag:s23] =	ssyncadd.s32 $0xFFFFFC00;
	s0 =	sadd.s32 @!p0 s3, s0;
	s3 =	simm.s32 @!p0 $0x9080  }
0x619: {  	[tilespmem:s3], [sflag:$0x7] =	stream.linear.gather @!p0 [hbm4b:s0+s1], $0x40, $0x38;
	[tilespmem:$0x1E980] =	vst v63  }
0x61a: {  	v3 =	vld [tilespmem:s5+$0xFFFFFFF0]  }
0x61b: {  	s13 =	simm.s32 $0x0;
	v0 =	vld [tilespmem:s5+$0x10]  }
0x61c: {  	s17 =	simm.s32 $0x58B0;
	v5 =	vld [tilespmem:s13+$0x8C80]  }
0x61d: {  	v1 =	vld [tilespmem:s17+$0x10]  }
0x61e: {  	v6 =	vld [tilespmem:s17+$0x30]  }
0x61f: {  	v4 =	vld [tilespmem:s17+$0xFFFFFFF0]  }
0x620: {  	v7 =	vld [tilespmem:s17+$0xFFFFFFD0]  }
0x621: {  	v9 =	vld [tilespmem:s5+$0xFFFFFFD0]  }
0x622: {  	v8 =	vmul.f32 v0, v1  }
0x623: {  	v1 =	vbroadcast v5, $0x0;
	v2 =	vbroadcast v5, $0x1  }
0x624: {  	v0 =	vbroadcast v6, $0x2;
	v10 =	vmul.f32 v3, v4  }
0x625: {  	v4 =	vbroadcast v6, $0x0;
	v3 =	vbroadcast v6, $0x1  }
0x626: {  	v5 =	vbroadcast v5, $0x2;
	v7 =	vmul.f32 v9, v7  }
0x627: {  	v6 =	vmul.f32 v10, v2;
	v12 =	vmul.f32 v8, v3  }
0x628: {  	v11 =	vmul.f32 v8, v0;
	v13 =	vmul.f32 v10, v5  }
0x629: {  	s9 =	simm.s32 $0x9140;
	v9 =	vmul.f32 v10, v1;
	v8 =	vmul.f32 v8, v4;
	v6 =	vadd.f32 v12, v6  }
0x62a: {  	[tilespmem:s9+$0xFFFFFFC0] =	vst v7;
	v10 =	vadd.f32 v11, v13  }
0x62b: {  	v7 =	vadd.f32 v8, v9;
	[tilespmem:s9+$0x0] =	vst v6  }
0x62c: {  	[tilespmem:s9+$0x20] =	vst v10  }
0x62d: {  	[tilespmem:s9+$0xFFFFFFE0] =	vst v7  }
0x62e: {  	v7 =	vld [tilespmem:s17+$0x0]  }
0x62f: {  	v9 =	vld [tilespmem:s5+$0x0]  }
0x630: {  	s24 =	simm.s32 $0x5920;
	s7 =	simm.s32 $0x80;
	v8 =	vld [tilespmem:s5+$0x20]  }
0x631: {  	s25 =	simm.s32 $0x10;
	s10 =	simm.s32 $0x7510;
	s0 =	simm.s32 $0x7510;
	v10 =	vld [tilespmem:s17+$0x20]  }
0x632: {  	s1 =	simm.s32 $0x91C0;
	s3 =	simm.s32 $0x5920;
	s13 =	simm.s32 $0x91C0;
	v6 =	vld [tilespmem:s17+$0xFFFFFFE0]  }
.LBB2_126:
0x633: {  	s13 =	sadd.s32 $0x80, s13  }
0x634: {  	s10 =	sadd.s32 $0x60, s10;
	s24 =	sadd.s32 $0x70, s24;
	s17 =	smov.u32 s7  }
0x635: {  	p0 =	sne.s32 s7, $0xFC0;
	s7 =	sadd.s32 $0x40, s7;
	v11 =	vld [tilespmem:s5+$0xFFFFFFE0];
	v7 =	vmul.f32 v9, v7;
	s5 =	smov.u32 s0  }
0x636: {  	s0 =	smov.u32 s10  }
0x637: {  	v8 =	vmul.f32 v8, v10;
	v5 =	vmul.f32 v7, v5  }
0x638: {  	v1 =	vmul.f32 v7, v1;
	v2 =	vmul.f32 v7, v2  }
0x639: {  	v4 =	vmul.f32 v8, v4;
	v3 =	vmul.f32 v8, v3  }
0x63a: {  	v0 =	vmul.f32 v8, v0;
	v6 =	vmul.f32 v11, v6  }
0x63b: {  	v1 =	vadd.f32 v4, v1;
	v2 =	vadd.f32 v3, v2  }
0x63c: {  	v0 =	vadd.f32 v0, v5;
	[tilespmem:s9+$0xFFFFFFD0] =	vst v6  }
0x63d: {  	[tilespmem:s9+$0xFFFFFFF0] =	vst v1  }
0x63e: {  	[tilespmem:s9+$0x30] =	vst v0  }
0x63f: {  	[tilespmem:s9+$0x10] =	vst v2;
	s9 =	smov.u32 s1;
	s1 =	smov.u32 s13;
	_ =	sdelay $0x1  }
0x640: {  	v3 =	vld [tilespmem:s5+$0xFFFFFFF0]  }
0x641: {  	s17 =	sshra.s32 s17, $0x2;
	v0 =	vld [tilespmem:s5+$0x10]  }
0x642: {  	v5 =	vld [tilespmem:s25+$0x8C80];
	s25 =	smov.u32 s17  }
0x643: {  	v1 =	vld [tilespmem:s3+$0x10]  }
0x644: {  	v6 =	vld [tilespmem:s3+$0x30]  }
0x645: {  	v4 =	vld [tilespmem:s3+$0xFFFFFFF0];
	_ =	sdelay $0x2  }
0x646: {  	v7 =	vld [tilespmem:s3+$0xFFFFFFD0];
	v8 =	vmul.f32 v0, v1;
	v1 =	vbroadcast v5, $0x0  }
0x647: {  	v2 =	vbroadcast v5, $0x1;
	v9 =	vld [tilespmem:s5+$0xFFFFFFD0];
	v0 =	vbroadcast v6, $0x2  }
0x648: {  	v10 =	vmul.f32 v3, v4;
	v4 =	vbroadcast v6, $0x0  }
0x649: {  	v5 =	vbroadcast v5, $0x2;
	v3 =	vbroadcast v6, $0x1  }
0x64a: {  	v11 =	vmul.f32 v8, v0;
	v6 =	vmul.f32 v10, v2  }
0x64b: {  	v12 =	vmul.f32 v8, v3;
	v13 =	vmul.f32 v10, v5  }
0x64c: {  	v7 =	vmul.f32 v9, v7;
	v9 =	vmul.f32 v10, v1  }
0x64d: {  	v8 =	vmul.f32 v8, v4;
	v6 =	vadd.f32 v12, v6;
	v10 =	vadd.f32 v11, v13  }
0x64e: {  	[tilespmem:s9+$0xFFFFFFC0] =	vst v7  }
0x64f: {  	v7 =	vadd.f32 v8, v9;
	[tilespmem:s9+$0x0] =	vst v6  }
0x650: {  	[tilespmem:s9+$0x20] =	vst v10  }
0x651: {  	[tilespmem:s9+$0xFFFFFFE0] =	vst v7  }
.Ltmp72:
0x652: {  	v7 =	vld [tilespmem:s3+$0x0];
	(pc) =	sbr.rel @p0 .LBB2_126-.Ltmp72, $4  }
0x653: {  	v9 =	vld [tilespmem:s5+$0x0]  }
0x654: {  	v8 =	vld [tilespmem:s5+$0x20]  }
0x655: {  	v10 =	vld [tilespmem:s3+$0x20]  }
0x656: {  	v6 =	vld [tilespmem:s3+$0xFFFFFFE0];
	s3 =	smov.u32 s24  }
0x657: {  	_ = 	snop  }
0x658: {  	v11 =	vld [tilespmem:s5+$0xFFFFFFE0]  }
0x659: {  	v7 =	vmul.f32 v9, v7  }
0x65a: {  	v8 =	vmul.f32 v8, v10  }
0x65b: {  	v5 =	vmul.f32 v7, v5  }
0x65c: {  	v1 =	vmul.f32 v7, v1;
	v4 =	vmul.f32 v8, v4  }
0x65d: {  	v6 =	vmul.f32 v11, v6;
	v0 =	vmul.f32 v8, v0  }
0x65e: {  	v2 =	vmul.f32 v7, v2;
	v3 =	vmul.f32 v8, v3;
	v1 =	vadd.f32 v4, v1  }
0x65f: {  	[tilespmem:s9+$0xFFFFFFD0] =	vst v6;
	v0 =	vadd.f32 v0, v5  }
0x660: {  	v2 =	vadd.f32 v3, v2;
	[tilespmem:s9+$0xFFFFFFF0] =	vst v1  }
0x661: {  	[tilespmem:s9+$0x30] =	vst v0  }
0x662: {  	[tilespmem:s9+$0x10] =	vst v2  }
0x663: {  	v0 =	vld [tilespmem:s0+$0xFFFFFFF0]  }
0x664: {  	v1 =	vld [tilespmem:s0+$0x10]  }
0x665: {  	v2 =	vld [tilespmem:s25+$0x8C80]  }
0x666: {  	v48 =	vld [tilespmem:s3+$0x10]  }
0x667: {  	v49 =	vld [tilespmem:s3+$0x30]  }
0x668: {  	v50 =	vld [tilespmem:s3+$0xFFFFFFF0]  }
0x669: {  	v6 =	vld [tilespmem:s3+$0xFFFFFFD0]  }
0x66a: {  	v52 =	vld [tilespmem:s0+$0xFFFFFFD0]  }
0x66b: {  	v1 =	vmul.f32 v1, v48  }
0x66c: {  	v51 =	vbroadcast v2, $0x0;
	v53 =	vbroadcast v2, $0x1  }
0x66d: {  	v54 =	vbroadcast v49, $0x2;
	v0 =	vmul.f32 v0, v50  }
0x66e: {  	v55 =	vbroadcast v49, $0x0;
	v4 =	vbroadcast v49, $0x1  }
0x66f: {  	v2 =	vbroadcast v2, $0x2;
	v6 =	vmul.f32 v52, v6  }
0x670: {  	v56 =	vmul.f32 v0, v53;
	v12 =	vmul.f32 v1, v4  }
0x671: {  	v57 =	vmul.f32 v1, v54;
	v13 =	vmul.f32 v0, v2  }
0x672: {  	v0 =	vmul.f32 v0, v51;
	v1 =	vmul.f32 v1, v55;
	v58 =	vadd.f32 v12, v56  }
0x673: {  	[tilespmem:s1+$0xFFFFFFC0] =	vst v6;
	v59 =	vadd.f32 v57, v13  }
0x674: {  	v0 =	vadd.f32 v1, v0;
	[tilespmem:s1+$0x0] =	vst v58  }
0x675: {  	[tilespmem:s1+$0x20] =	vst v59  }
0x676: {  	[tilespmem:s1+$0xFFFFFFE0] =	vst v0  }
0x677: {  	v0 =	vld [tilespmem:s3+$0x0]  }
0x678: {  	v60 =	vld [tilespmem:s0+$0x0]  }
0x679: {  	v6 =	vld [tilespmem:s0+$0x20]  }
0x67a: {  	v7 =	vld [tilespmem:s3+$0x20]  }
0x67b: {  	v10 =	vld [tilespmem:s3+$0xFFFFFFE0]  }
0x67c: {  	v61 =	vld [tilespmem:s0+$0xFFFFFFE0];
	_ =	sdelay $0x3  }
0x67d: {  	v0 =	vmul.f32 v60, v0;
	v62 =	vmul.f32 v6, v7  }
0x67e: {  	v63 =	vmul.f32 v61, v10  }
0x67f: {  	v3 =	vmul.f32 v0, v51;
	v5 =	vmul.f32 v62, v55  }
0x680: {  	v2 =	vmul.f32 v0, v2;
	v7 =	vmul.f32 v62, v54  }
0x681: {  	v0 =	vmul.f32 v0, v53;
	v1 =	vmul.f32 v62, v4;
	v3 =	vadd.f32 v5, v3  }
0x682: {  	[tilespmem:s1+$0xFFFFFFD0] =	vst v63;
	v2 =	vadd.f32 v7, v2  }
0x683: {  	v0 =	vadd.f32 v1, v0;
	[tilespmem:s1+$0xFFFFFFF0] =	vst v3  }
0x684: {  	[tilespmem:s1+$0x30] =	vst v2  }
0x685: {  	s17 =	simm.s32 $0x6;
	[tilespmem:s1+$0x10] =	vst v0  }
.Ltmp73:
0x686: {  	_ =	swait.ge [sflag:s17], $0x40;
	(pc) =	sbr.rel .LBB2_128-.Ltmp73, $4  }
0x687: {  	[sflag:s17] =	ssyncset.done $0x0  }
0x688: {  	[sflag:s17] =	ssyncadd.s32 $0xFFFFFFC0  }
0x689: {  	s24 =	simm.s32 $0x90C0;
	s25 =	simm.s32 $0x9100;
	s0 =	rddreg [dreg:$0x5]  }
0x68a: {  	[spmem:s0] =	stream.indirect.scatter.add.f32 [tilespmem:s25], [sflag:$0x6], $0x80, s24, s19, $0xb8;
	[tilespmem:$0x1E980] =	vst v63  }
.LBB2_130:
0x68b: {  	_ =	sfence.sel $0x180000  }
0x68c: {  	[bflag:$0x0] =	sbarrier.arrive $0xFFFF  }
0x68d: {  	_ =	strace $0x90000047  }
0x68e: {  	s0 =	stileid.u32;
	[bflag:$0x2] =	sbarrier.arrive $0xFFFF  }
0x68f: {  	p0 =	sne.s32 s0, $0x0;
	s0 =	rddreg [dreg:$0x6]  }
0x690: {  	s0 =	sadd.s32 @!p0 $0x100000, s0  }
0x691: {  	[sflag:s0] =	ssyncadd.tile.s32 @!p0 $0x1;
	_ =	shalt  }
.Lfunc_end2:
_tile_overlayer_lowered:
.L_overlay_start_2:
0x692: {  	(tag) =	ssettag $0x2  }
0x693: {  	s0 =	rddreg [dreg:$0x0];
	s2 =	stileid.u32  }
0x694: {  	s1 =	rddreg [dreg:$0x1];
	p0 =	sne.s32 s2, $0x0  }
0x695: {  	s3 =	rddreg [dreg:$0x2];
	[bflag:$0x3] =	sbarrier.arrive $0xFFFF;
	s2 =	simm.s32 @!p0 $0x1C09  }
0x696: {  	[timem:s3], [sflag:s2] =	dma.local @!p0 [hbm:s0], s1  }
0x697: {  	s0 =	simm.s32 @!p0 $0x9  }
0x698: {  	_ =	swait.ge @!p0 [sflag:s0], s1  }
0x699: {  	s1 =	ssub.s32 @!p0 $0x0, s1;
	[sflag:s0] =	ssyncset.done @!p0 $0x0  }
0x69a: {  	[sflag:s0] =	ssyncadd.s32 @!p0 s1  }
0x69b: {  	[bflag:$0x3] =	sbarrier.arrive $0xFFFF  }
0x69c: {  	_ =	shalt  }

// kernel: sparse-core-data-format-call.cloned.1.call-start
scs
called_computation_lowered:
.L_overlay_start_0:
0x0: {  	s2 =	sld [smem:$0x3FD9]  }
0x1: {  	s3 =	sld [smem:$0x3FFE];
	_ =	sdelay $0x1  }
0x2: {  	s1 =	srdreg.scid  }
0x3: {  	s0 =	sand.u32 $0x1, s1  }
0x4: {  	s15 =	sshll.u32 s0, $0xA;
	s2 =	sadd.s32 s3, s2  }
0x5: {  	s2 =	sadd.s32 s2, s15  }
0x6: {  	[smem:$0x3FB6] =	sst s2  }
0x7: {  	_ = 	snop  }
0x8: {  	s2 =	sld [smem:$0x3FD0];
	_ =	sdelay $0x2  }
0x9: {  	s16 =	simm.s32 $0xA;
	s4 =	simm.s32 $0x10  }
0xa: {  	[smem:s4], [sflag:s16] =	dma.local [hbm:s2], $0x1  }
0xb: {  	_ =	swait.eq [sflag:s16], $0x1  }
0xc: {  	[sflag:s16] =	ssyncset.done $0x0  }
0xd: {  	[sflag:s16] =	ssyncadd.s32 $0xFFFFFFFF  }
0xe: {  	s17 =	sld [smem:$0x12];
	(tm) =	ssettm $0x1  }
0xf: {  	s18 =	sld [smem:$0x3FFB];
	_ =	sdelay $0x3  }
0x10: {  	_ =	strace s18  }
0x11: {  	s3 =	sld [smem:$0x3FFC];
	_ =	sdelay $0x3  }
0x12: {  	_ =	strace s3  }
0x13: {  	s3 =	sld [smem:$0x3FFD];
	_ =	sdelay $0x3  }
0x14: {  	_ =	strace s3  }
0x15: {  	_ =	strace $0x8FFFFFFF  }
0x16: {  	s19 =	sld [smem:$0x3FDB];
	_ =	sdelay $0x1  }
0x17: {  	s20 =	simm.s32 $_scs_section_size  }
0x18: {  	s5 =	simm.s32 $_size__tile_overlayer_lowered;
	s6 =	simm.s32 $_tile_overlayer_lowered  }
0x19: {  	s23 =	simm.s32 $0x1BFF;
	s22 =	sshll.u32 s6, $0x1;
	s3 =	sadd.s32 s20, s19  }
0x1a: {  	s7 =	simm.s32 $0x0;
	s21 =	sshll.u32 s5, $0x1;
	s5 =	sadd.s32 s22, s3  }
0x1b: {  	[timem:s7], [sflag:s23] =	dma.local [hbm:s5], s21  }
0x1c: {  	_ =	swait.ge [sflag:s23], s21  }
0x1d: {  	s4 =	ssub.s32 $0x0, s21;
	[sflag:s23] =	ssyncset.done $0x0  }
0x1e: {  	[sflag:s23] =	ssyncadd.s32 s4;
	_ =	sdelay $0x1  }
0x1f: {  	s24 =	simm.s32 $0x1B8B  }
0x20: {  	_ =	swait.ge [sflag:s24], $0x1  }
0x21: {  	[sflag:s24] =	ssyncset.done $0x0  }
0x22: {  	s26 =	simm.s32 $0x1B8E;
	s25 =	sld [smem:$0x3FFE];
	[sflag:s24] =	ssyncadd.s32 $0xFFFFFFFF  }
0x23: {  	s27 =	simm.s32 $execute0_lowered;
	[smem:$0x3FD2] =	sst s26  }
0x24: {  	s5 =	sshll.u32 s27, $0x1;
	_ =	strace $0x80000049;
	[dreg:$0x1] =	wrdreg $0xFFFFFFFF  }
0x25: {  	s28 =	simm.s32 $_size_execute0_lowered;
	s3 =	sadd.s32 s3, s5;
	[dreg:$0x0] =	wrdreg $0x0  }
0x26: {  	s5 =	sshll.u32 s28, $0x1;
	[dreg:$0x2] =	wrdreg s3  }
0x27: {  	[dreg:$0x3] =	wrdreg s5  }
0x28: {  	[dreg:$0x4] =	wrdreg $0xC0  }
0x29: {  	_ =	task [dreg:s7], $0x5FFFF  }
0x2a: {  	[dreg:$0x1] =	wrdreg $0xFFFFFFFF  }
0x2b: {  	[dreg:$0x0] =	wrdreg $0x60  }
0x2c: {  	[dreg:$0x2] =	wrdreg s25  }
0x2d: {  	[dreg:$0x3] =	wrdreg s17  }
0x2e: {  	[dreg:$0x4] =	wrdreg $0x9  }
0x2f: {  	_ =	task.clear_ibuf [dreg:s7], $0x5FFFF;
	_ =	strace $0x90000049  }
0x30: {  	s29 =	simm.s32 $0x9;
	_ =	strace $0x8000004B  }
0x31: {  	_ =	swait.ge [sflag:s29], $0x1  }
0x32: {  	[sflag:s29] =	ssyncadd.s32 $0xFFFFFFFF  }
0x33: {  	_ =	strace $0x9000004B  }
0x34: {  	_ =	sfence  }
0x35: {  	s30 =	sld [smem:$0x0];
	_ =	sdelay $0x2  }
0x36: {  	s31 =	sshll.u32 s1, $0xD;
	s1 =	sshrl.u32 s1, $0x2  }
0x37: {  	s3 =	sand.u32 $0x4000, s31;
	s1 =	sadd.s32 s1, s30  }
0x38: {  	s0 =	sor.u32 s3, s0;
	s1 =	sshll.u32 s1, $0x11  }
0x39: {  	s0 =	sor.u32 s1, s0  }
0x3a: {  	s0 =	sadd.s32 $0x8F2B, s0  }
0x3b: {  	[sflag:s0] =	ssyncadd.remote.s32 $0x1  }
0x3c: {  	_ =	sfence.sel $0xFFFF  }
0x3d: {  	[dreg:$0x0] =	wrdreg $0xFFFFFFFF;
	(pc) =	sbr.abs _section_cstart, $3  }
0x3e: {  	[dreg:$0x1] =	wrdreg $0xFFFFFFFF  }
0x3f: {  	_ =	task.clear_ibuf [dreg:s7], $0x2FFFF;
	_ =	strace $0x9FFFFFFF  }
0x40: {  	(tm) =	ssettm $0x7FFFFFFF  }
0x41: {  	_ =	shalt  }
tec
execute0_lowered:
.L_overlay_start_1:
0x0: {  	(tag) =	ssettag $0x1  }
0x1: {  	s5 =	rddreg [dreg:$0x0]  }
0x2: {  	s0 =	srdreg.scid;
	s3 =	rddreg [dreg:$0x1];
	s31 =	simm.s32 $0x2  }
0x3: {  	s8 =	simm.s32 $0x0;
	s9 =	simm.s32 $0x0;
	s1 =	sshll.u32 s0, $0x4  }
0x4: {  	s16 =	simm.s32 $0x0;
	s0 =	stileid.u32;
	s1 =	sand.u32 $0x10, s1  }
0x5: {  	s15 =	simm.s32 $0x0;
	s10 =	simm.s32 $0x0;
	s1 =	sor.u32 s0, s1  }
0x6: {  	s11 =	simm.s32 $0x0;
	s12 =	simm.s32 $0x0;
	s2 =	sshll.u32 s1, $0x7  }
.Ltmp0:
0x7: {  	s14 =	simm.s32 $0x0;
	s4 =	ssub.s32 $0x2700, s2;
	(pc) =	sbr.rel .LBB1_1-.Ltmp0, $4  }
0x8: {  	s23 =	simm.s32 $0x0;
	s1 =	rddreg [dreg:$0x2];
	s6 =	sshrl.u32 s4, $0xC  }
0x9: {  	_ =	strace $0x8000004A;
	s4 =	simm.s32 $0x1;
	s7 =	smul.u32 $0x9, s6  }
0xa: {  	s5 =	sadd.s32 $0xA0E00, s5;
	s13 =	smov.u32 s2;
	[sflag:s4] =	ssyncpa.u1 $0x0  }
0xb: {  	[sflag:s31] =	ssyncpa.u1 $0x0;
	s6 =	sadd.s32 $0x9, s7;
	s7 =	sadd.s32 $0xA, s7  }
.LBB1_11:
0xc: {  	s20 =	sand.u32 $0x1FFFFFF, s11;
	p0 =	sgt.s32 s10, $0x8;
	s21 =	smov.u32 s10  }
0xd: {  	s22 =	smulhi.u32 $0x1A36E2F, s20;
	s21 =	simm.s32 @!p0 $0x8  }
0xe: {  	s17 =	sadd.s32 s17, s21  }
0xf: {  	s27 =	sshrl.u32 s22, $0x6;
	s28 =	sadd.s32 $0xFFFFFFF8, s17  }
0x10: {  	s17 =	ssub.s32 $0x9, s17;
	s21 =	smul.u32 $0x2710, s27;
	p0 =	sgt.s32 s28, $0x0  }
0x11: {  	s29 =	smul.u32 $0x27100, s10;
	s17 =	simm.s32 @p0 $0x0  }
0x12: {  	s20 =	ssub.s32 s20, s21;
	s17 =	smul.u32 s17, s18  }
0x13: {  	s31 =	sadd.s32 s3, s29;
	s30 =	sshll.u32 s20, $0x4  }
0x14: {  	s19 =	sor.u32 $0x8000, s19;
	s17 =	sand.u32 $0x3FFFFF80, s17;
	s18 =	sadd.s32 s30, s31  }
0x15: {  	[hbm4b:s18+s8] =	stream.linear.scatter [tilespmem:s19], [sflag:$0x2], s17, $0x38;
	[tilespmem:$0x10000] =	vst v63  }
.LBB1_12:
0x16: {  	p0 =	slt.u32 s14, $0x2  }
0x17: {  	p1 =	sgt.s32 @!p0 s16, $0x8  }
0x18: {  	s17 =	smov.u32 s16;
	s18 =	sshra.s32 @!p0 s16, $0x1F;
	p1 =	por !p1, p0  }
0x19: {  	s19 =	sshra.s32 @!p0 s15, $0x1F;
	s17 =	simm.s32 @p1 $0x8;
	p1 =	sgt.s32 @!p0 s15, $0x2690  }
0x1a: {  	s16 =	sand.u32 @!p0 s18, s16;
	s18 =	smov.u32 s15;
	p1 =	por !p1, p0  }
0x1b: {  	s15 =	sand.u32 @!p0 s19, s15;
	s18 =	simm.s32 @p1 $0x2690  }
0x1c: {  	s19 =	smov.u32 s13;
	s16 =	ssub.s32 @!p0 s17, s16;
	s15 =	ssub.s32 @!p0 s18, s15  }
0x1d: {  	s17 =	sadd.s32 @!p0 $0xFFFFFFF8, s16;
	s16 =	ssub.s32 @!p0 $0x9, s16;
	s15 =	sadd.s32 @!p0 $0xFFFFD970, s15  }
0x1e: {  	p1 =	sgt.s32 @!p0 s17, $0x0;
	p2 =	sgt.s32 @!p0 s15, $0x7F;
	s15 =	sshll.u32 @!p0 s15, $0x7  }
0x1f: {  	p1 =	por !p1, p0;
	s15 =	ssub.s32 @!p0 $0x4000, s15;
	p2 =	por !p2, p0  }
0x20: {  	s17 =	sadd.s32 $0x1, s12;
	s16 =	simm.s32 @!p1 $0x0;
	s15 =	simm.s32 @!p2 $0x0  }
0x21: {  	p1 =	sgt.s32 s17, $0x8;
	s15 =	smul.u32 @!p0 s16, s15;
	s16 =	sadd.s32 $0x1000, s13  }
0x22: {  	s19 =	smov.u32 @p1 s16  }
0x23: {  	s17 =	simm.s32 @p1 $0x0;
	p1 =	sgt.s32 s19, $0x270F  }
0x24: {  	s19 =	smov.u32 @p1 s2;
	p1 =	sne.s32 s14, s7  }
.Ltmp1:
0x25: {  	s9 =	sadd.s32 $0x4000, s9;
	s18 =	simm.s32 @!p0 $0x2;
	(pc) =	sbr.rel @!p1 .LBB1_13-.Ltmp1, $4  }
0x26: {  	s16 =	smov.u32 s10;
	s10 =	smov.u32 s12;
	s15 =	sand.u32 @!p0 $0x3FFFFF80, s15  }
0x27: {  	s12 =	smov.u32 s17;
	_ =	swait.ge @!p0 [sflag:s18], s15;
	s20 =	ssub.s32 @!p0 $0x0, s15  }
0x28: {  	s15 =	smov.u32 s11;
	s14 =	sadd.s32 $0x1, s14;
	[sflag:s18] =	ssyncset.done @!p0 $0x0  }
0x29: {  	s11 =	smov.u32 s13;
	s13 =	smov.u32 s19;
	[sflag:s18] =	ssyncadd.s32 @!p0 s20  }
.LBB1_1:
0x2a: {  	p0 =	sge.u32 s14, s6  }
0x2b: {  	p1 =	sgt.s32 @!p0 s13, $0x2690  }
0x2c: {  	s17 =	smov.u32 s13;
	s19 =	smov.u32 s12;
	p1 =	por !p1, p0  }
0x2d: {  	s18 =	sshra.s32 @!p0 s13, $0x1F;
	s17 =	simm.s32 @p1 $0x2690;
	p1 =	sgt.s32 @!p0 s12, $0xF  }
0x2e: {  	s20 =	sshra.s32 @!p0 s12, $0x1F;
	s18 =	sand.u32 @!p0 s18, s13;
	p1 =	por !p1, p0  }
0x2f: {  	s17 =	ssub.s32 @!p0 s17, s18;
	s18 =	sand.u32 @!p0 s20, s12;
	s19 =	simm.s32 @p1 $0xF  }
0x30: {  	s20 =	sshll.u32 @!p0 s12, $0x4;
	s17 =	sadd.s32 @!p0 $0xFFFFD970, s17;
	s18 =	ssub.s32 @!p0 s19, s18  }
0x31: {  	p1 =	sgt.s32 @!p0 s17, $0x7F;
	s17 =	sshll.u32 @!p0 s17, $0x7;
	s19 =	sadd.s32 @!p0 $0xFFFFFFF1, s18  }
0x32: {  	s18 =	ssub.s32 @!p0 $0x10, s18;
	s17 =	ssub.s32 @!p0 $0x4000, s17;
	p2 =	sgt.s32 @!p0 s19, $0x0  }
0x33: {  	p1 =	por !p1, p0;
	s19 =	sxor.u32 @!p0 $0xFFFFFFFF, s14;
	p2 =	por !p2, p0  }
0x34: {  	s17 =	simm.s32 @!p1 $0x0;
	s19 =	sshll.u32 @!p0 s19, $0xE;
	s18 =	simm.s32 @!p2 $0x0  }
0x35: {  	s17 =	smul.u32 @!p0 s18, s17;
	s18 =	sand.u32 @!p0 $0x4000, s19;
	s19 =	sshll.u32 @!p0 s13, $0x8  }
0x36: {  	s21 =	simm.s32 @!p0 $0x800;
	s20 =	sand.u32 @!p0 $0xF0, s20;
	s19 =	sadd.s32 @!p0 s5, s19  }
0x37: {  	s17 =	sand.u32 @!p0 $0x3FFFFF80, s17;
	s19 =	sadd.s32 @!p0 s20, s19;
	s20 =	simm.s32 @!p0 $0x80  }
0x38: {  	[tilespmem:s18], [sflag:$0x1] =	stream.strided.gather @!p0 [hbm4b:s19+s20], s17, s21, s20, $0x38;
	[tilespmem:$0x10000] =	vst v63  }
0x39: {  	p0 =	seq.s32 s14, $0x0  }
0x3a: {  	p1 =	sge.u32 @!p0 s14, s7  }
0x3b: {  	p0 =	por p0, p1  }
.Ltmp2:
0x3c: {  	_ = 	snop;
	(pc) =	sbr.rel @p0 .LBB1_12-.Ltmp2, $1  }
0x3d: {  	_ =	sdelay $0x3  }
0x3e: {  	p0 =	sgt.s32 s11, $0x2690;
	s17 =	smov.u32 s11;
	s18 =	sshra.s32 s11, $0x1F  }
0x3f: {  	s19 =	ssub.s32 $0x0, s10;
	s17 =	simm.s32 @!p0 $0x2690;
	s18 =	sand.u32 s18, s11  }
0x40: {  	s20 =	sshra.s32 s10, $0x1F;
	s21 =	smov.u32 s10;
	s18 =	ssub.s32 s17, s18  }
0x41: {  	p0 =	sgt.s32 s10, $0xF;
	s17 =	sand.u32 s19, s20;
	s18 =	sadd.s32 $0xFFFFD970, s18  }
0x42: {  	s21 =	simm.s32 @!p0 $0xF;
	p0 =	sgt.s32 s18, $0x7F;
	s18 =	sshll.u32 s18, $0x7  }
0x43: {  	s20 =	sadd.s32 $0x80, s11;
	s19 =	sadd.s32 s17, s21;
	s18 =	ssub.s32 $0x4000, s18  }
0x44: {  	s21 =	sadd.s32 $0x1, s10;
	s18 =	simm.s32 @p0 $0x0;
	p0 =	slt.s32 s20, $0x2710  }
0x45: {  	s30 =	sadd.s32 $0xFFFFFFF1, s19;
	s20 =	simm.s32 @!p0 $0x2710;
	p0 =	slt.s32 s21, $0x9  }
0x46: {  	s19 =	ssub.s32 $0x10, s19;
	s20 =	ssub.s32 s20, s11;
	s21 =	simm.s32 @!p0 $0x9  }
0x47: {  	p1 =	sgt.s32 s30, $0x0;
	s21 =	ssub.s32 s21, s10;
	p0 =	slt.s32 s20, $0x1  }
0x48: {  	s19 =	simm.s32 @p1 $0x0;
	p1 =	slt.s32 @!p0 s21, $0x1  }
0x49: {  	s19 =	smul.u32 s19, s18;
	p0 =	por p0, p1  }
.Ltmp3:
0x4a: {  	_ = 	snop;
	(pc) =	sbr.rel @p0 .LBB1_11-.Ltmp3, $4  }
0x4b: {  	s19 =	sand.u32 $0x3FFFFF80, s19  }
0x4c: {  	_ =	swait.ge [sflag:s4], s19  }
0x4d: {  	s31 =	sshll.u32 s14, $0xE;
	s22 =	ssub.s32 $0x0, s19;
	[sflag:s4] =	ssyncset.done $0x0  }
0x4e: {  	s19 =	sand.u32 $0x4000, s31;
	[sflag:s4] =	ssyncadd.s32 s22  }
0x4f: {  	s22 =	sshll.u32 s9, $0x2  }
0x50: {  	s22 =	sand.u32 $0x10000, s22  }
0x51: {  	s22 =	sshrl.u32 s22, $0x2  }
0x52: {  	s24 =	simm.s32 $0x0;
	s25 =	simm.s32 $0x0;
	s22 =	sadd.s32 $0x8040, s22  }
.LBB1_4:
0x53: {  	s27 =	sshll.u32 s25, $0x7  }
0x54: {  	p1 =	sne.s32 s21, $0x1;
	s27 =	sadd.s32 s27, s19  }
.Ltmp4:
0x55: {  	v0 =	vmov s27;
	(pc) =	sbr.rel @!p1 .LBB1_5-.Ltmp4, $3  }
0x56: {  	_ =	sdelay $0x1  }
0x57: {  	s26 =	sand.u32 $0x3F80, s24;
	s28 =	sand.u32 $0x380, s23  }
0x58: {  	p0 =	por $0x0, $0x0;
	s26 =	sadd.s32 s26, s22;
	s27 =	sadd.s32 $0xFFFFFFFF, s21  }
0x59: {  	_ =	sdelay $0x3  }
0x5a: {  	v6 =	vld.idx.msk [tilespmem:v0+s28+$0x70 ss:$0x1], $0xffff  }
0x5b: {  	v7 =	vld.idx.msk [tilespmem:v0+s28+$0x0 ss:$0x1], $0xffff  }
0x5c: {  	v1 =	vld.idx.msk [tilespmem:v0+s28+$0x10 ss:$0x1], $0xffff;
	p1 =	sne.s32 s27, $0x1  }
.Ltmp5:
0x5d: {  	v2 =	vld.idx.msk [tilespmem:v0+s28+$0x20 ss:$0x1], $0xffff;
	(pc) =	sbr.rel @!p1 .LBB1_7-.Ltmp5, $4  }
0x5e: {  	v3 =	vld.idx.msk [tilespmem:v0+s28+$0x30 ss:$0x1], $0xffff  }
0x5f: {  	v4 =	vld.idx.msk [tilespmem:v0+s28+$0x40 ss:$0x1], $0xffff  }
0x60: {  	v5 =	vld.idx.msk [tilespmem:v0+s28+$0x50 ss:$0x1], $0xffff;
	s30 =	simm.s32 $0x80;
	s31 =	sadd.s32 $0xFFFFFFFF, s27;
	[tilespmem:s26+$0x30] =	vst v6  }
0x61: {  	p0 =	por $0x1, $0x1;
	s27 =	smov.u32 s26;
	s29 =	sand.u32 $0x380, s30;
	[tilespmem:s26+$0xFFFFFFC0] =	vst v7;
	v6 =	vld.idx.msk [tilespmem:v0+s28+$0x60 ss:$0x1], $0xffff  }
.LBB1_8:
0x62: {  	p1 =	sne.s32 s31, $0x1;
	v7 =	vld.idx.msk [tilespmem:v0+s29+$0x70 ss:$0x1], $0xffff;
	[tilespmem:s27+$0xFFFFFFD0] =	vst v1  }
0x63: {  	v8 =	vld.idx.msk [tilespmem:v0+s29+$0x0 ss:$0x1], $0xffff;
	[tilespmem:s27+$0xFFFFFFE0] =	vst v2  }
0x64: {  	v1 =	vld.idx.msk [tilespmem:v0+s29+$0x10 ss:$0x1], $0xffff;
	[tilespmem:s27+$0xFFFFFFF0] =	vst v3  }
.Ltmp6:
0x65: {  	v2 =	vld.idx.msk [tilespmem:v0+s29+$0x20 ss:$0x1], $0xffff;
	[tilespmem:s27+$0x0] =	vst v4;
	(pc) =	sbr.rel @p1 .LBB1_8-.Ltmp6, $4  }
0x66: {  	v3 =	vld.idx.msk [tilespmem:v0+s29+$0x30 ss:$0x1], $0xffff;
	[tilespmem:s27+$0x10] =	vst v5  }
0x67: {  	v4 =	vld.idx.msk [tilespmem:v0+s29+$0x40 ss:$0x1], $0xffff;
	[tilespmem:s27+$0x20] =	vst v6;
	s27 =	sadd.s32 $0x4000, s27  }
0x68: {  	s30 =	sadd.s32 $0x80, s30;
	v5 =	vld.idx.msk [tilespmem:v0+s29+$0x50 ss:$0x1], $0xffff;
	[tilespmem:s27+$0x30] =	vst v7  }
0x69: {  	s31 =	sadd.s32 $0xFFFFFFFF, s31;
	[tilespmem:s27+$0xFFFFFFC0] =	vst v8;
	v6 =	vld.idx.msk [tilespmem:v0+s29+$0x60 ss:$0x1], $0xffff;
	s29 =	sand.u32 $0x380, s30  }
0x6a: {  	s28 =	smov.u32 s29  }
.LBB1_10:
0x6b: {  	_ =	sdelay $0x2  }
0x6c: {  	[tilespmem:s27+$0xFFFFFFD0] =	vst @p0 v1  }
0x6d: {  	v56 =	vld.idx.msk [tilespmem:v0+s28+$0x70 ss:$0x1], $0xffff;
	[tilespmem:s27+$0xFFFFFFE0] =	vst @p0 v2  }
0x6e: {  	v57 =	vld.idx.msk [tilespmem:v0+s28+$0x0 ss:$0x1], $0xffff;
	[tilespmem:s27+$0xFFFFFFF0] =	vst @p0 v3  }
0x6f: {  	v58 =	vld.idx.msk [tilespmem:v0+s28+$0x10 ss:$0x1], $0xffff;
	[tilespmem:s27+$0x0] =	vst @p0 v4  }
0x70: {  	v59 =	vld.idx.msk [tilespmem:v0+s28+$0x20 ss:$0x1], $0xffff;
	s29 =	sadd.s32 @p0 $0x4000, s27;
	[tilespmem:s27+$0x10] =	vst @p0 v5  }
0x71: {  	v60 =	vld.idx.msk [tilespmem:v0+s28+$0x30 ss:$0x1], $0xffff;
	s26 =	smov.u32 @p0 s29;
	[tilespmem:s27+$0x20] =	vst @p0 v6  }
0x72: {  	v61 =	vld.idx.msk [tilespmem:v0+s28+$0x40 ss:$0x1], $0xffff;
	[tilespmem:s26+$0x30] =	vst v56  }
0x73: {  	v62 =	vld.idx.msk [tilespmem:v0+s28+$0x50 ss:$0x1], $0xffff;
	s25 =	sadd.s32 $0x1, s25;
	[tilespmem:s26+$0xFFFFFFC0] =	vst v57  }
0x74: {  	v63 =	vld.idx.msk [tilespmem:v0+s28+$0x60 ss:$0x1], $0xffff;
	p0 =	sne.s32 s25, s20;
	[tilespmem:s26+$0xFFFFFFD0] =	vst v58  }
.Ltmp7:
0x75: {  	[tilespmem:s26+$0xFFFFFFE0] =	vst v59;
	(pc) =	sbr.rel @p0 .LBB1_4-.Ltmp7, $4  }
.Ltmp8:
0x76: {  	[tilespmem:s26+$0xFFFFFFF0] =	vst v60;
	(pc) =	sbr.rel @!p0 .LBB1_11-.Ltmp8, $4  }
0x77: {  	[tilespmem:s26+$0x0] =	vst v61  }
0x78: {  	[tilespmem:s26+$0x10] =	vst v62  }
0x79: {  	s24 =	sadd.s32 $0x80, s24;
	[tilespmem:s26+$0x20] =	vst v63  }
0x7a: {  	_ = 	snop  }
.LBB1_5:
.Ltmp9:
0x7b: {  	(pc) =	sbr.rel .LBB1_10-.Ltmp9, $2  }
0x7c: {  	_ =	sdelay $0x2  }
0x7d: {  	s27 =	smov.u32 s26  }
.LBB1_7:
.Ltmp10:
0x7e: {  	(pc) =	sbr.rel .LBB1_10-.Ltmp10, $2  }
0x7f: {  	_ =	sdelay $0x2  }
0x80: {  	s28 =	smov.u32 s29;
	s27 =	smov.u32 s26  }
.LBB1_13:
0x81: {  	_ =	sfence.sel $0x180000  }
0x82: {  	s2 =	simm.s32 $0x1;
	[bflag:$0x0] =	sbarrier.arrive $0xFFFF  }
0x83: {  	s31 =	simm.s32 $0x2;
	[sflag:s2] =	ssyncpa.u1 $0x1  }
0x84: {  	[sflag:s31] =	ssyncpa.u1 $0x1  }
0x85: {  	p0 =	sne.s32 s0, $0x0;
	_ =	strace $0x9000004A  }
0x86: {  	s0 =	sadd.s32 @!p0 $0x100000, s1;
	[bflag:$0x2] =	sbarrier.arrive $0xFFFF  }
0x87: {  	[sflag:s0] =	ssyncadd.tile.s32 @!p0 $0x1;
	_ =	shalt  }
.Lfunc_end1:
_tile_overlayer_lowered:
.L_overlay_start_2:
0x88: {  	(tag) =	ssettag $0x2  }
0x89: {  	s0 =	rddreg [dreg:$0x0];
	s2 =	stileid.u32  }
0x8a: {  	s1 =	rddreg [dreg:$0x1];
	p0 =	sne.s32 s2, $0x0  }
0x8b: {  	s3 =	rddreg [dreg:$0x2];
	[bflag:$0x3] =	sbarrier.arrive $0xFFFF;
	s2 =	simm.s32 @!p0 $0x1C01  }
0x8c: {  	[timem:s3], [sflag:s2] =	dma.local @!p0 [hbm:s0], s1  }
0x8d: {  	s0 =	simm.s32 @!p0 $0x1  }
0x8e: {  	_ =	swait.ge @!p0 [sflag:s0], s1  }
0x8f: {  	s1 =	ssub.s32 @!p0 $0x0, s1;
	[sflag:s0] =	ssyncset.done @!p0 $0x0  }
0x90: {  	[sflag:s0] =	ssyncadd.s32 @!p0 s1  }
0x91: {  	[bflag:$0x3] =	sbarrier.arrive $0xFFFF  }
0x92: {  	_ =	shalt  }

</sc_bundles>
